<compile_context>
chip_gen: v7x
topology: tpu7x:2x2x1
jax: 0.10.2.dev20260603
libtpu: 0.0.44.dev20260713+nightly
codegen_flags: <defaults>
</compile_context>

<pallas_src>
import functools

import jax
import jax.numpy as jnp
from jax import lax
from jax.experimental import pallas as pl
from jax.experimental.pallas import tpu as pltpu
from jax.experimental.pallas import tpu_sc as plsc

_N = 10000
_E = 320000
_D = 128
_DH = 256

_NC = 2
_NS = 16
_NW = _NC * _NS
_C = 128
_CH = -(-_E // (_NW * _C))
_GC = _CH * _NW
_EPAD = _GC * _C
_CH0 = 140
_CH1 = 2 * _CH - _CH0
_NACC = 10112
_ZR = _NACC // _NS
_XR = 632
_XR_LAST = _N - 15 * _XR


def _segsum_body(table, sd, zeros, out, acc, sd_v, rows_v,
                 idx_sem, g_sem, s_sem):
    c = lax.axis_index("c")
    s = lax.axis_index("s")
    start = lax.select(c == 0, s * _CH0, _NS * _CH0 + s * _CH1)
    nck = lax.select(c == 0, jnp.int32(_CH0), jnp.int32(_CH1))

    def idx_start(i, r):
        pltpu.async_copy(sd.at[start + i], sd_v.at[r], idx_sem.at[r])

    def idx_wait(i, r):
        pltpu.make_async_copy(sd.at[start + i], sd_v.at[r],
                              idx_sem.at[r]).wait()

    def gather_start(i, b):
        pltpu.async_copy(table.at[sd_v.at[lax.rem(i, 4), 0]], rows_v.at[b],
                         g_sem.at[b])

    def gather_wait(i, b):
        pltpu.make_async_copy(table.at[sd_v.at[lax.rem(i, 4), 0]],
                              rows_v.at[b], g_sem.at[b]).wait()

    def scat_start(i, b):
        pltpu.async_copy(rows_v.at[b], acc.at[sd_v.at[lax.rem(i, 4), 1]],
                         s_sem.at[b], add=True)

    def scat_wait(i, b):
        pltpu.make_async_copy(rows_v.at[b], acc.at[sd_v.at[lax.rem(i, 4), 1]],
                              s_sem.at[b]).wait()

    idx_start(0, 0)
    pltpu.sync_copy(zeros.at[pl.ds(s * _ZR, _ZR)], acc.at[pl.ds(s * _ZR, _ZR)])
    idx_start(1, 1)
    idx_wait(0, 0)
    gather_start(0, 0)
    plsc.subcore_barrier()

    def chunk(i, carry):
        b = lax.rem(i, 2)
        nb = 1 - b

        @pl.when(i + 1 < nck)
        def _():
            idx_wait(i + 1, lax.rem(i + 1, 4))

            @pl.when(i >= 1)
            def _():
                scat_wait(i - 1, nb)

            gather_start(i + 1, nb)

        @pl.when(i + 2 < nck)
        def _():
            idx_start(i + 2, lax.rem(i + 2, 4))

        gather_wait(i, b)
        scat_start(i, b)
        return carry

    lax.fori_loop(0, nck, chunk, 0)
    scat_wait(nck - 2, lax.rem(nck - 2, 2))
    scat_wait(nck - 1, lax.rem(nck - 1, 2))
    plsc.subcore_barrier()

    @pl.when(s < _NS - 1)
    def _():
        pltpu.sync_copy(acc.at[pl.ds(s * _XR, _XR)], out.at[c, pl.ds(s * _XR, _XR)])

    @pl.when(s == _NS - 1)
    def _():
        pltpu.sync_copy(acc.at[pl.ds(15 * _XR, _XR_LAST)],
                        out.at[c, pl.ds(15 * _XR, _XR_LAST)])


@functools.cache
def _get_segsum():
    return pl.kernel(
        _segsum_body,
        out_type=jax.ShapeDtypeStruct((_NC, _N, _D), jnp.float32),
        mesh=plsc.VectorSubcoreMesh(core_axis_name="c", subcore_axis_name="s",
                                    num_cores=_NC, num_subcores=_NS),
        scratch_types=[
            pltpu.VMEM_SHARED((_NACC, _D), jnp.float32),
            pltpu.VMEM((4, 2, _C), jnp.int32),
            pltpu.VMEM((2, _C, _D), jnp.float32),
            pltpu.SemaphoreType.DMA((4,)),
            pltpu.SemaphoreType.DMA((2,)),
            pltpu.SemaphoreType.DMA((2,)),
        ],
    )


def _segsum(table, sd, zeros):
    return _get_segsum()(table, sd, zeros)


_RB = 1000
_G = _N // _RB


def _enc_body(a0, a1, x, Wr, b, Wo, W2, h_ref, p_ref):
    agg = a0[...] + a1[...]
    h = jnp.dot(agg, Wr[...], preferred_element_type=jnp.float32)
    h = h + jnp.dot(x[...], Wo[...], preferred_element_type=jnp.float32)
    h = jnp.maximum(h + b[...], 0.0)
    h_ref[...] = h
    p_ref[...] = jnp.dot(h, W2[...], preferred_element_type=jnp.float32)


def _tc_fused(a0, a1, x, Wr, b, Wo, W2):
    return pl.pallas_call(
        _enc_body,
        grid=(_G,),
        in_specs=[
            pl.BlockSpec((_RB, _D), lambda i: (i, 0)),
            pl.BlockSpec((_RB, _D), lambda i: (i, 0)),
            pl.BlockSpec((_RB, _D), lambda i: (i, 0)),
            pl.BlockSpec((_D, _DH), lambda i: (0, 0)),
            pl.BlockSpec((1, _DH), lambda i: (0, 0)),
            pl.BlockSpec((_D, _DH), lambda i: (0, 0)),
            pl.BlockSpec((_DH, _D), lambda i: (0, 0)),
        ],
        out_specs=[
            pl.BlockSpec((_RB, _DH), lambda i: (i, 0)),
            pl.BlockSpec((_RB, _D), lambda i: (i, 0)),
        ],
        out_shape=[
            jax.ShapeDtypeStruct((_N, _DH), jnp.float32),
            jax.ShapeDtypeStruct((_N, _D), jnp.float32),
        ],
    )(a0, a1, x, Wr, b.reshape(1, _DH), Wo, W2)


def _post_body(a0, a1, h, Wo, b, o_ref):
    o_ref[...] = (a0[...] + a1[...] + b[...]
                  + jnp.dot(h[...], Wo[...], preferred_element_type=jnp.float32))


def _tc_post(a0, a1, h, Wo, b):
    return pl.pallas_call(
        _post_body,
        grid=(_G,),
        in_specs=[
            pl.BlockSpec((_RB, _D), lambda i: (i, 0)),
            pl.BlockSpec((_RB, _D), lambda i: (i, 0)),
            pl.BlockSpec((_RB, _DH), lambda i: (i, 0)),
            pl.BlockSpec((_DH, _D), lambda i: (0, 0)),
            pl.BlockSpec((1, _D), lambda i: (0, 0)),
        ],
        out_specs=pl.BlockSpec((_RB, _D), lambda i: (i, 0)),
        out_shape=jax.ShapeDtypeStruct((_N, _D), jnp.float32),
    )(a0, a1, h, Wo, b.reshape(1, _D))


def kernel(x, edge_index, We1r, be1, We1o, We2r, be2, We2o,
           Wd1r, bd1, Wd1o, Wd2r, bd2, Wd2o):
    ei = edge_index.astype(jnp.int32)
    pad = _EPAD - _E
    srcs = jnp.concatenate([ei[0], jnp.zeros((pad,), jnp.int32)]).reshape(_GC, _C)
    dsts = jnp.concatenate([ei[1], jnp.full((pad,), _N, jnp.int32)]).reshape(_GC, _C)
    sd = jnp.stack([srcs, dsts], axis=1)
    zeros = jnp.zeros((_NACC, _D), jnp.float32)

    def seg(table):
        return _segsum(table, sd, zeros)

    a = seg(x)
    h, p2 = _tc_fused(a[0], a[1], x, We1r, be1, We1o, We2r)
    a = seg(p2)
    z = _tc_post(a[0], a[1], h, We2o, be2)
    a = seg(z)
    h2, p4 = _tc_fused(a[0], a[1], z, Wd1r, bd1, Wd1o, Wd2r)
    a = seg(p4)
    x_hat = _tc_post(a[0], a[1], h2, Wd2o, bd2)
    return (x_hat, z)

# --- scband reference (transcript-rebuilt; emitter-appended) ---
"""Pipeline reference for scband-graph-autoencoder-34067680592103 (READ-ONLY COPY).

The authoritative reference and input builder live on the scoring server;
editing this copy changes nothing except your own understanding.
"""

import jax, jax.numpy as jnp
import numpy as np

N = 10000
E = 320000
D_IN = 128
D_HID = 256
D_LAT = 128


def _init_lin(key, fan_in, fan_out, bias=True):
    k1, k2 = jax.random.split(key)
    bound = 1.0 / np.sqrt(fan_in)
    W = jax.random.uniform(k1, (fan_in, fan_out), jnp.float32, -bound, bound)
    if bias:
        b = jax.random.uniform(k2, (fan_out,), jnp.float32, -bound, bound)
        return W, b
    return W, None


def setup_inputs(seed: int = 0) -> dict:
    key = jax.random.key(seed)
    ks = jax.random.split(key, 16)
    x = jax.random.normal(ks[0], (N, D_IN), jnp.float32)
    edge_index = jax.random.randint(ks[1], (2, E), 0, N, jnp.int64)
    # Encoder conv1: D_IN -> D_HID (GraphConv: lin_rel has bias, lin_root no bias)
    We1r, be1 = _init_lin(ks[2], D_IN, D_HID)
    We1o, _ = _init_lin(ks[3], D_IN, D_HID, bias=False)
    # Encoder conv2: D_HID -> D_LAT
    We2r, be2 = _init_lin(ks[4], D_HID, D_LAT)
    We2o, _ = _init_lin(ks[5], D_HID, D_LAT, bias=False)
    # Decoder conv1: D_LAT -> D_HID
    Wd1r, bd1 = _init_lin(ks[6], D_LAT, D_HID)
    Wd1o, _ = _init_lin(ks[7], D_LAT, D_HID, bias=False)
    # Decoder conv2: D_HID -> D_IN
    Wd2r, bd2 = _init_lin(ks[8], D_HID, D_IN)
    Wd2o, _ = _init_lin(ks[9], D_HID, D_IN, bias=False)
    return {
        "x": x, "edge_index": edge_index,
        "We1r": We1r, "be1": be1, "We1o": We1o,
        "We2r": We2r, "be2": be2, "We2o": We2o,
        "Wd1r": Wd1r, "bd1": bd1, "Wd1o": Wd1o,
        "Wd2r": Wd2r, "bd2": bd2, "Wd2o": Wd2o,
    }


def _graph_conv(x, edge_index, W_rel, b_rel, W_root):
    # PyG GraphConv with aggr='add':
    # out[i] = lin_rel(sum_{j->i} x[j]) + lin_root(x[i])
    src = edge_index[0]
    dst = edge_index[1]
    msgs = jnp.take(x, src, axis=0)
    agg = jax.ops.segment_sum(msgs, dst, num_segments=x.shape[0])
    return agg @ W_rel + b_rel + x @ W_root


def reference(x, edge_index, We1r, be1, We1o, We2r, be2, We2o,
              Wd1r, bd1, Wd1o, Wd2r, bd2, Wd2o):
    # Encoder
    h = jax.nn.relu(_graph_conv(x, edge_index, We1r, be1, We1o))
    z = _graph_conv(h, edge_index, We2r, be2, We2o)
    # Decoder
    h2 = jax.nn.relu(_graph_conv(z, edge_index, Wd1r, bd1, Wd1o))
    x_hat = _graph_conv(h2, edge_index, Wd2r, bd2, Wd2o)
    return (x_hat, z)

if __name__ == "__main__":
    import jax
    _d = setup_inputs()
    print(jax.jit(kernel)(*tuple(_d.values())))

</pallas_src>

<mosaic_0001>
#map = affine_map<(d0, d1) -> (0, 0)>
#map1 = affine_map<(d0, d1) -> (0, 0, 0)>
module attributes {stable_mosaic.version = 14 : i64} {
  func.func @_segsum_body(%arg0: i32, %arg1: i32, %arg2: memref<10000x128xf32, #tpu.memory_space<hbm>>, %arg3: memref<2528x2x128xi32, #tpu.memory_space<hbm>>, %arg4: memref<10112x128xf32, #tpu.memory_space<hbm>>, %arg5: memref<2x10000x128xf32, #tpu.memory_space<hbm>>, %arg6: memref<10112x128xf32, #tpu.memory_space<vmem_shared>>, %arg7: memref<4x2x128xi32, #tpu.memory_space<vmem>>, %arg8: memref<2x128x128xf32, #tpu.memory_space<vmem>>, %arg9: memref<4x!tpu.dma_semaphore, #tpu.memory_space<semaphore_mem>>, %arg10: memref<2x!tpu.dma_semaphore, #tpu.memory_space<semaphore_mem>>, %arg11: memref<2x!tpu.dma_semaphore, #tpu.memory_space<semaphore_mem>>) attributes {dimension_semantics = [#tpu.dimension_semantics<core_parallel>, #tpu.dimension_semantics<subcore_parallel>], iteration_bounds = array<i64: 2, 16>, scalar_prefetch = 0 : i64, scratch_operands = 6 : i64, tpu.core_type = #tpu.core_type<sc_vector_subcore>, window_params = [{transform_indices = #map}, {transform_indices = #map1}, {transform_indices = #map}, {transform_indices = #map1}]} {
    %eq3A = arith.constant 0 : i32
    %eq3A_0 = arith.cmpi eq, %arg0, %eq3A : i32
    %mul3A = arith.constant 140 : i32
    %mul3A_1 = arith.muli %arg1, %mul3A : i32
    %mul3A_2 = arith.constant 18 : i32
    %mul3A_3 = arith.muli %arg1, %mul3A_2 : i32
    %add3A = arith.constant 2240 : i32
    %add3A_4 = arith.addi %add3A, %mul3A_3 : i32
    %select_n3A = arith.select %eq3A_0, %mul3A_1, %add3A_4 : i32
    %eq3A_5 = arith.constant 0 : i32
    %eq3A_6 = arith.cmpi eq, %arg0, %eq3A_5 : i32
    %select_n3A_7 = arith.constant 18 : i32
    %select_n3A_8 = arith.constant 140 : i32
    %select_n3A_9 = arith.select %eq3A_6, %select_n3A_8, %select_n3A_7 : i32
    %add3A_10 = arith.constant 0 : i32
    %add3A_11 = arith.addi %select_n3A, %add3A_10 : i32
    %dma_start3A = arith.constant 0 : i32
    %dma_start3A_12 = arith.constant 0 : i32
    %dma_start3A_13 = arith.constant 0 : i32
    %dma_start3A_14 = arith.constant 0 : i32
    %dma_start3A_15 = tpu.memref_slice %arg7[%dma_start3A, %dma_start3A_13, %dma_start3A_14] : memref<4x2x128xi32, #tpu.memory_space<vmem>> -> memref<1x2x128xi32, #tpu.memory_space<vmem>>
    %dma_start3A_16 = tpu.memref_squeeze %dma_start3A_15 : memref<1x2x128xi32, #tpu.memory_space<vmem>> -> memref<2x128xi32, #tpu.memory_space<vmem>>
    %dma_start3A_17 = arith.constant 0 : i32
    %dma_start3A_18 = arith.constant 0 : i32
    %dma_start3A_19 = tpu.memref_slice %arg3[%add3A_11, %dma_start3A_17, %dma_start3A_18] : memref<2528x2x128xi32, #tpu.memory_space<hbm>> -> memref<1x2x128xi32, #tpu.memory_space<hbm>>
    %dma_start3A_20 = tpu.memref_squeeze %dma_start3A_19 : memref<1x2x128xi32, #tpu.memory_space<hbm>> -> memref<2x128xi32, #tpu.memory_space<hbm>>
    %dma_start3A_21 = tpu.memref_slice %arg9[%dma_start3A_12] : memref<4x!tpu.dma_semaphore, #tpu.memory_space<semaphore_mem>> -> memref<1x!tpu.dma_semaphore, #tpu.memory_space<semaphore_mem>>
    %dma_start3A_22 = tpu.memref_squeeze %dma_start3A_21 : memref<1x!tpu.dma_semaphore, #tpu.memory_space<semaphore_mem>> -> memref<!tpu.dma_semaphore, #tpu.memory_space<semaphore_mem>>
    %dma_start3A_23 = arith.constant 0 : i32
    %dma_start3A_24 = arith.constant 0 : i32
    %dma_start3A_25 = tpu.memref_slice %arg7[%dma_start3A, %dma_start3A_23, %dma_start3A_24] : memref<4x2x128xi32, #tpu.memory_space<vmem>> -> memref<1x2x128xi32, #tpu.memory_space<vmem>>
    %dma_start3A_26 = tpu.memref_squeeze %dma_start3A_25 : memref<1x2x128xi32, #tpu.memory_space<vmem>> -> memref<2x128xi32, #tpu.memory_space<vmem>>
    %dma_start3A_27 = arith.constant 0 : i32
    %dma_start3A_28 = arith.constant 0 : i32
    %dma_start3A_29 = tpu.memref_slice %arg3[%add3A_11, %dma_start3A_27, %dma_start3A_28] : memref<2528x2x128xi32, #tpu.memory_space<hbm>> -> memref<1x2x128xi32, #tpu.memory_space<hbm>>
    %dma_start3A_30 = tpu.memref_squeeze %dma_start3A_29 : memref<1x2x128xi32, #tpu.memory_space<hbm>> -> memref<2x128xi32, #tpu.memory_space<hbm>>
    tpu.enqueue_dma source(%dma_start3A_30 : memref<2x128xi32, #tpu.memory_space<hbm>>) target(%dma_start3A_26 : memref<2x128xi32, #tpu.memory_space<vmem>>) target_semaphore(%dma_start3A_22 : memref<!tpu.dma_semaphore, #tpu.memory_space<semaphore_mem>>)
    %mul3A_31 = arith.constant 632 : i32
    %mul3A_32 = arith.muli %arg1, %mul3A_31 : i32
    %mul3A_33 = arith.constant 632 : i32
    %mul3A_34 = arith.muli %arg1, %mul3A_33 : i32
    "tpu.region"() ({
      %run_scoped3A = tpu.sem_alloc : memref<!tpu.dma_semaphore, #tpu.memory_space<semaphore_mem>>
      %dma_start3A_153 = arith.constant 0 : i32
      %dma_start3A_154 = tpu.memref_slice %arg6[%mul3A_34, %dma_start3A_153] : memref<10112x128xf32, #tpu.memory_space<vmem_shared>> -> memref<632x128xf32, #tpu.memory_space<vmem_shared>>
      %dma_start3A_155 = arith.constant 0 : i32
      %dma_start3A_156 = tpu.memref_slice %arg4[%mul3A_32, %dma_start3A_155] : memref<10112x128xf32, #tpu.memory_space<hbm>> -> memref<632x128xf32, #tpu.memory_space<hbm>>
      tpu.enqueue_dma source(%dma_start3A_156 : memref<632x128xf32, #tpu.memory_space<hbm>>) target(%dma_start3A_154 : memref<632x128xf32, #tpu.memory_space<vmem_shared>>) target_semaphore(%run_scoped3A : memref<!tpu.dma_semaphore, #tpu.memory_space<semaphore_mem>>)
      %dma_wait3A_157 = arith.constant 0 : i32
      %dma_wait3A_158 = tpu.memref_slice %arg6[%mul3A_34, %dma_wait3A_157] : memref<10112x128xf32, #tpu.memory_space<vmem_shared>> -> memref<632x128xf32, #tpu.memory_space<vmem_shared>>
      %dma_wait3A_159 = arith.constant 0 : i32
      %dma_wait3A_160 = tpu.memref_slice %arg4[%mul3A_32, %dma_wait3A_159] : memref<10112x128xf32, #tpu.memory_space<hbm>> -> memref<632x128xf32, #tpu.memory_space<hbm>>
      tpu.wait_dma2 semaphore(%run_scoped3A : memref<!tpu.dma_semaphore, #tpu.memory_space<semaphore_mem>>) src(%dma_wait3A_160 : memref<632x128xf32, #tpu.memory_space<hbm>>) dst(%dma_wait3A_158 : memref<632x128xf32, #tpu.memory_space<vmem_shared>>)
      tpu.yield
    }) : () -> ()
    %add3A_35 = arith.constant 1 : i32
    %add3A_36 = arith.addi %select_n3A, %add3A_35 : i32
    %dma_start3A_37 = arith.constant 1 : i32
    %dma_start3A_38 = arith.constant 1 : i32
    %dma_start3A_39 = arith.constant 0 : i32
    %dma_start3A_40 = arith.constant 0 : i32
    %dma_start3A_41 = tpu.memref_slice %arg7[%dma_start3A_37, %dma_start3A_39, %dma_start3A_40] : memref<4x2x128xi32, #tpu.memory_space<vmem>> -> memref<1x2x128xi32, #tpu.memory_space<vmem>>
    %dma_start3A_42 = tpu.memref_squeeze %dma_start3A_41 : memref<1x2x128xi32, #tpu.memory_space<vmem>> -> memref<2x128xi32, #tpu.memory_space<vmem>>
    %dma_start3A_43 = arith.constant 0 : i32
    %dma_start3A_44 = arith.constant 0 : i32
    %dma_start3A_45 = tpu.memref_slice %arg3[%add3A_36, %dma_start3A_43, %dma_start3A_44] : memref<2528x2x128xi32, #tpu.memory_space<hbm>> -> memref<1x2x128xi32, #tpu.memory_space<hbm>>
    %dma_start3A_46 = tpu.memref_squeeze %dma_start3A_45 : memref<1x2x128xi32, #tpu.memory_space<hbm>> -> memref<2x128xi32, #tpu.memory_space<hbm>>
    %dma_start3A_47 = tpu.memref_slice %arg9[%dma_start3A_38] : memref<4x!tpu.dma_semaphore, #tpu.memory_space<semaphore_mem>> -> memref<1x!tpu.dma_semaphore, #tpu.memory_space<semaphore_mem>>
    %dma_start3A_48 = tpu.memref_squeeze %dma_start3A_47 : memref<1x!tpu.dma_semaphore, #tpu.memory_space<semaphore_mem>> -> memref<!tpu.dma_semaphore, #tpu.memory_space<semaphore_mem>>
    %dma_start3A_49 = arith.constant 0 : i32
    %dma_start3A_50 = arith.constant 0 : i32
    %dma_start3A_51 = tpu.memref_slice %arg7[%dma_start3A_37, %dma_start3A_49, %dma_start3A_50] : memref<4x2x128xi32, #tpu.memory_space<vmem>> -> memref<1x2x128xi32, #tpu.memory_space<vmem>>
    %dma_start3A_52 = tpu.memref_squeeze %dma_start3A_51 : memref<1x2x128xi32, #tpu.memory_space<vmem>> -> memref<2x128xi32, #tpu.memory_space<vmem>>
    %dma_start3A_53 = arith.constant 0 : i32
    %dma_start3A_54 = arith.constant 0 : i32
    %dma_start3A_55 = tpu.memref_slice %arg3[%add3A_36, %dma_start3A_53, %dma_start3A_54] : memref<2528x2x128xi32, #tpu.memory_space<hbm>> -> memref<1x2x128xi32, #tpu.memory_space<hbm>>
    %dma_start3A_56 = tpu.memref_squeeze %dma_start3A_55 : memref<1x2x128xi32, #tpu.memory_space<hbm>> -> memref<2x128xi32, #tpu.memory_space<hbm>>
    tpu.enqueue_dma source(%dma_start3A_56 : memref<2x128xi32, #tpu.memory_space<hbm>>) target(%dma_start3A_52 : memref<2x128xi32, #tpu.memory_space<vmem>>) target_semaphore(%dma_start3A_48 : memref<!tpu.dma_semaphore, #tpu.memory_space<semaphore_mem>>)
    %add3A_57 = arith.constant 0 : i32
    %add3A_58 = arith.addi %select_n3A, %add3A_57 : i32
    %dma_wait3A = arith.constant 0 : i32
    %dma_wait3A_59 = arith.constant 0 : i32
    %dma_wait3A_60 = arith.constant 0 : i32
    %dma_wait3A_61 = arith.constant 0 : i32
    %dma_wait3A_62 = tpu.memref_slice %arg7[%dma_wait3A, %dma_wait3A_60, %dma_wait3A_61] : memref<4x2x128xi32, #tpu.memory_space<vmem>> -> memref<1x2x128xi32, #tpu.memory_space<vmem>>
    %dma_wait3A_63 = tpu.memref_squeeze %dma_wait3A_62 : memref<1x2x128xi32, #tpu.memory_space<vmem>> -> memref<2x128xi32, #tpu.memory_space<vmem>>
    %dma_wait3A_64 = arith.constant 0 : i32
    %dma_wait3A_65 = arith.constant 0 : i32
    %dma_wait3A_66 = tpu.memref_slice %arg3[%add3A_58, %dma_wait3A_64, %dma_wait3A_65] : memref<2528x2x128xi32, #tpu.memory_space<hbm>> -> memref<1x2x128xi32, #tpu.memory_space<hbm>>
    %dma_wait3A_67 = tpu.memref_squeeze %dma_wait3A_66 : memref<1x2x128xi32, #tpu.memory_space<hbm>> -> memref<2x128xi32, #tpu.memory_space<hbm>>
    %dma_wait3A_68 = tpu.memref_slice %arg9[%dma_wait3A_59] : memref<4x!tpu.dma_semaphore, #tpu.memory_space<semaphore_mem>> -> memref<1x!tpu.dma_semaphore, #tpu.memory_space<semaphore_mem>>
    %dma_wait3A_69 = tpu.memref_squeeze %dma_wait3A_68 : memref<1x!tpu.dma_semaphore, #tpu.memory_space<semaphore_mem>> -> memref<!tpu.dma_semaphore, #tpu.memory_space<semaphore_mem>>
    %dma_wait3A_70 = arith.constant 0 : i32
    %dma_wait3A_71 = arith.constant 0 : i32
    %dma_wait3A_72 = tpu.memref_slice %arg7[%dma_wait3A, %dma_wait3A_70, %dma_wait3A_71] : memref<4x2x128xi32, #tpu.memory_space<vmem>> -> memref<1x2x128xi32, #tpu.memory_space<vmem>>
    %dma_wait3A_73 = tpu.memref_squeeze %dma_wait3A_72 : memref<1x2x128xi32, #tpu.memory_space<vmem>> -> memref<2x128xi32, #tpu.memory_space<vmem>>
    %dma_wait3A_74 = arith.constant 0 : i32
    %dma_wait3A_75 = arith.constant 0 : i32
    %dma_wait3A_76 = tpu.memref_slice %arg3[%add3A_58, %dma_wait3A_74, %dma_wait3A_75] : memref<2528x2x128xi32, #tpu.memory_space<hbm>> -> memref<1x2x128xi32, #tpu.memory_space<hbm>>
    %dma_wait3A_77 = tpu.memref_squeeze %dma_wait3A_76 : memref<1x2x128xi32, #tpu.memory_space<hbm>> -> memref<2x128xi32, #tpu.memory_space<hbm>>
    tpu.wait_dma2 semaphore(%dma_wait3A_69 : memref<!tpu.dma_semaphore, #tpu.memory_space<semaphore_mem>>) src(%dma_wait3A_77 : memref<2x128xi32, #tpu.memory_space<hbm>>) dst(%dma_wait3A_73 : memref<2x128xi32, #tpu.memory_space<vmem>>)
    %rem3A = arith.constant 0 : i32
    %rem3A_78 = arith.constant 4 : i32
    %rem3A_79 = arith.remsi %rem3A, %rem3A_78 : i32
    %dma_start3A_80 = arith.constant 0 : i32
    %dma_start3A_81 = arith.constant 0 : i32
    %dma_start3A_82 = arith.constant 0 : i32
    %dma_start3A_83 = arith.constant 0 : i32
    %dma_start3A_84 = arith.constant 0 : i32
    %dma_start3A_85 = tpu.memref_slice %arg8[%dma_start3A_81, %dma_start3A_83, %dma_start3A_84] : memref<2x128x128xf32, #tpu.memory_space<vmem>> -> memref<1x128x128xf32, #tpu.memory_space<vmem>>
    %dma_start3A_86 = tpu.memref_squeeze %dma_start3A_85 : memref<1x128x128xf32, #tpu.memory_space<vmem>> -> memref<128x128xf32, #tpu.memory_space<vmem>>
    %dma_start3A_87 = arith.constant 0 : i32
    %dma_start3A_88 = tpu.memref_slice %arg7[%rem3A_79, %dma_start3A_80, %dma_start3A_87] : memref<4x2x128xi32, #tpu.memory_space<vmem>> -> memref<1x1x128xi32, #tpu.memory_space<vmem>>
    %dma_start3A_89 = tpu.memref_squeeze %dma_start3A_88 : memref<1x1x128xi32, #tpu.memory_space<vmem>> -> memref<128xi32, #tpu.memory_space<vmem>>
    %dma_start3A_90 = arith.constant 0 : i32
    %dma_start3A_91 = arith.constant 0 : i32
    %dma_start3A_92 = tpu.memref_slice %arg2[%dma_start3A_90, %dma_start3A_91] : memref<10000x128xf32, #tpu.memory_space<hbm>> -> memref<10000x128xf32, #tpu.memory_space<hbm>>
    %dma_start3A_93 = tpu.memref_slice %arg10[%dma_start3A_82] : memref<2x!tpu.dma_semaphore, #tpu.memory_space<semaphore_mem>> -> memref<1x!tpu.dma_semaphore, #tpu.memory_space<semaphore_mem>>
    %dma_start3A_94 = tpu.memref_squeeze %dma_start3A_93 : memref<1x!tpu.dma_semaphore, #tpu.memory_space<semaphore_mem>> -> memref<!tpu.dma_semaphore, #tpu.memory_space<semaphore_mem>>
    tpu.enqueue_indirect_dma source(%dma_start3A_92 : memref<10000x128xf32, #tpu.memory_space<hbm>>) target(%dma_start3A_86 : memref<128x128xf32, #tpu.memory_space<vmem>>) offsets(%dma_start3A_89 : memref<128xi32, #tpu.memory_space<vmem>>) semaphore(%dma_start3A_94 : memref<!tpu.dma_semaphore, #tpu.memory_space<semaphore_mem>>)
    %barrier3A = arith.constant 0 : index
    tpu.barrier barrier_id(%barrier3A)
    %while3A = arith.constant 0 : i32
    %while3A_95 = arith.constant 0 : i32
    %while3A_96 = arith.subi %select_n3A_9, %while3A_95 : i32
    %while3A_97 = arith.addi %while3A_95, %while3A_96 : i32
    %while3A_98 = arith.constant 1 : i32
    %while3A_99 = arith.divsi %while3A_96, %while3A_98 : i32
    %while3A_100 = arith.muli %while3A_99, %while3A_98 : i32
    %while3A_101 = arith.addi %while3A_95, %while3A_100 : i32
    %while3A_102 = arith.constant 1 : i32
    scf.for %while3A_153 = %while3A_95 to %while3A_101 step %while3A_102  : i32 {
      %rem3A_154 = arith.constant 2 : i32
      %rem3A_155 = arith.remsi %while3A_153, %rem3A_154 : i32
      %sub3A_156 = arith.constant 1 : i32
      %sub3A_157 = arith.subi %sub3A_156, %rem3A_155 : i32
      %add3A_158 = arith.constant 1 : i32
      %add3A_159 = arith.addi %while3A_153, %add3A_158 : i32
      %lt3A_160 = arith.cmpi slt, %add3A_159, %select_n3A_9 : i32
      %convert_element_type3A_161 = arith.extui %lt3A_160 : i1 to i32
      %cond3A_162 = arith.constant 0 : i32
      %cond3A_163 = arith.cmpi ne, %convert_element_type3A_161, %cond3A_162 : i32
      scf.if %cond3A_163 {
        %add3A_200 = arith.constant 1 : i32
        %add3A_201 = arith.addi %while3A_153, %add3A_200 : i32
        %add3A_202 = arith.constant 1 : i32
        %add3A_203 = arith.addi %while3A_153, %add3A_202 : i32
        %rem3A_204 = arith.constant 4 : i32
        %rem3A_205 = arith.remsi %add3A_203, %rem3A_204 : i32
        %add3A_206 = arith.addi %select_n3A, %add3A_201 : i32
        %dma_wait3A_207 = arith.constant 0 : i32
        %dma_wait3A_208 = arith.constant 0 : i32
        %dma_wait3A_209 = tpu.memref_slice %arg7[%rem3A_205, %dma_wait3A_207, %dma_wait3A_208] : memref<4x2x128xi32, #tpu.memory_space<vmem>> -> memref<1x2x128xi32, #tpu.memory_space<vmem>>
        %dma_wait3A_210 = tpu.memref_squeeze %dma_wait3A_209 : memref<1x2x128xi32, #tpu.memory_space<vmem>> -> memref<2x128xi32, #tpu.memory_space<vmem>>
        %dma_wait3A_211 = arith.constant 0 : i32
        %dma_wait3A_212 = arith.constant 0 : i32
        %dma_wait3A_213 = tpu.memref_slice %arg3[%add3A_206, %dma_wait3A_211, %dma_wait3A_212] : memref<2528x2x128xi32, #tpu.memory_space<hbm>> -> memref<1x2x128xi32, #tpu.memory_space<hbm>>
        %dma_wait3A_214 = tpu.memref_squeeze %dma_wait3A_213 : memref<1x2x128xi32, #tpu.memory_space<hbm>> -> memref<2x128xi32, #tpu.memory_space<hbm>>
        %dma_wait3A_215 = tpu.memref_slice %arg9[%rem3A_205] : memref<4x!tpu.dma_semaphore, #tpu.memory_space<semaphore_mem>> -> memref<1x!tpu.dma_semaphore, #tpu.memory_space<semaphore_mem>>
        %dma_wait3A_216 = tpu.memref_squeeze %dma_wait3A_215 : memref<1x!tpu.dma_semaphore, #tpu.memory_space<semaphore_mem>> -> memref<!tpu.dma_semaphore, #tpu.memory_space<semaphore_mem>>
        %dma_wait3A_217 = arith.constant 0 : i32
        %dma_wait3A_218 = arith.constant 0 : i32
        %dma_wait3A_219 = tpu.memref_slice %arg7[%rem3A_205, %dma_wait3A_217, %dma_wait3A_218] : memref<4x2x128xi32, #tpu.memory_space<vmem>> -> memref<1x2x128xi32, #tpu.memory_space<vmem>>
        %dma_wait3A_220 = tpu.memref_squeeze %dma_wait3A_219 : memref<1x2x128xi32, #tpu.memory_space<vmem>> -> memref<2x128xi32, #tpu.memory_space<vmem>>
        %dma_wait3A_221 = arith.constant 0 : i32
        %dma_wait3A_222 = arith.constant 0 : i32
        %dma_wait3A_223 = tpu.memref_slice %arg3[%add3A_206, %dma_wait3A_221, %dma_wait3A_222] : memref<2528x2x128xi32, #tpu.memory_space<hbm>> -> memref<1x2x128xi32, #tpu.memory_space<hbm>>
        %dma_wait3A_224 = tpu.memref_squeeze %dma_wait3A_223 : memref<1x2x128xi32, #tpu.memory_space<hbm>> -> memref<2x128xi32, #tpu.memory_space<hbm>>
        tpu.wait_dma2 semaphore(%dma_wait3A_216 : memref<!tpu.dma_semaphore, #tpu.memory_space<semaphore_mem>>) src(%dma_wait3A_224 : memref<2x128xi32, #tpu.memory_space<hbm>>) dst(%dma_wait3A_220 : memref<2x128xi32, #tpu.memory_space<vmem>>)
        %ge3A = arith.constant 1 : i32
        %ge3A_225 = arith.cmpi sge, %while3A_153, %ge3A : i32
        %convert_element_type3A_226 = arith.extui %ge3A_225 : i1 to i32
        %cond3A_227 = arith.constant 0 : i32
        %cond3A_228 = arith.cmpi ne, %convert_element_type3A_226, %cond3A_227 : i32
        scf.if %cond3A_228 {
          %sub3A_246 = arith.constant 1 : i32
          %sub3A_247 = arith.subi %while3A_153, %sub3A_246 : i32
          %rem3A_248 = arith.constant 4 : i32
          %rem3A_249 = arith.remsi %sub3A_247, %rem3A_248 : i32
          %dma_wait3A_250 = arith.constant 1 : i32
          %dma_wait3A_251 = arith.constant 0 : i32
          %dma_wait3A_252 = arith.constant 0 : i32
          %dma_wait3A_253 = tpu.memref_slice %arg8[%sub3A_157, %dma_wait3A_251, %dma_wait3A_252] : memref<2x128x128xf32, #tpu.memory_space<vmem>> -> memref<1x128x128xf32, #tpu.memory_space<vmem>>
          %dma_wait3A_254 = tpu.memref_squeeze %dma_wait3A_253 : memref<1x128x128xf32, #tpu.memory_space<vmem>> -> memref<128x128xf32, #tpu.memory_space<vmem>>
          %dma_wait3A_255 = arith.constant 0 : i32
          %dma_wait3A_256 = tpu.memref_slice %arg7[%rem3A_249, %dma_wait3A_250, %dma_wait3A_255] : memref<4x2x128xi32, #tpu.memory_space<vmem>> -> memref<1x1x128xi32, #tpu.memory_space<vmem>>
          %dma_wait3A_257 = tpu.memref_squeeze %dma_wait3A_256 : memref<1x1x128xi32, #tpu.memory_space<vmem>> -> memref<128xi32, #tpu.memory_space<vmem>>
          %dma_wait3A_258 = arith.constant 0 : i32
          %dma_wait3A_259 = arith.constant 0 : i32
          %dma_wait3A_260 = tpu.memref_slice %arg6[%dma_wait3A_258, %dma_wait3A_259] : memref<10112x128xf32, #tpu.memory_space<vmem_shared>> -> memref<10112x128xf32, #tpu.memory_space<vmem_shared>>
          %dma_wait3A_261 = tpu.memref_slice %arg11[%sub3A_157] : memref<2x!tpu.dma_semaphore, #tpu.memory_space<semaphore_mem>> -> memref<1x!tpu.dma_semaphore, #tpu.memory_space<semaphore_mem>>
          %dma_wait3A_262 = tpu.memref_squeeze %dma_wait3A_261 : memref<1x!tpu.dma_semaphore, #tpu.memory_space<semaphore_mem>> -> memref<!tpu.dma_semaphore, #tpu.memory_space<semaphore_mem>>
          tpu.wait_indirect_dma semaphore(%dma_wait3A_262 : memref<!tpu.dma_semaphore, #tpu.memory_space<semaphore_mem>>) src(%dma_wait3A_254 : memref<128x128xf32, #tpu.memory_space<vmem>>) dst(%dma_wait3A_260 : memref<10112x128xf32, #tpu.memory_space<vmem_shared>>)
        } else {
        }
        %add3A_229 = arith.constant 1 : i32
        %add3A_230 = arith.addi %while3A_153, %add3A_229 : i32
        %rem3A_231 = arith.constant 4 : i32
        %rem3A_232 = arith.remsi %add3A_230, %rem3A_231 : i32
        %dma_start3A_233 = arith.constant 0 : i32
        %dma_start3A_234 = arith.constant 0 : i32
        %dma_start3A_235 = arith.constant 0 : i32
        %dma_start3A_236 = tpu.memref_slice %arg8[%sub3A_157, %dma_start3A_234, %dma_start3A_235] : memref<2x128x128xf32, #tpu.memory_space<vmem>> -> memref<1x128x128xf32, #tpu.memory_space<vmem>>
        %dma_start3A_237 = tpu.memref_squeeze %dma_start3A_236 : memref<1x128x128xf32, #tpu.memory_space<vmem>> -> memref<128x128xf32, #tpu.memory_space<vmem>>
        %dma_start3A_238 = arith.constant 0 : i32
        %dma_start3A_239 = tpu.memref_slice %arg7[%rem3A_232, %dma_start3A_233, %dma_start3A_238] : memref<4x2x128xi32, #tpu.memory_space<vmem>> -> memref<1x1x128xi32, #tpu.memory_space<vmem>>
        %dma_start3A_240 = tpu.memref_squeeze %dma_start3A_239 : memref<1x1x128xi32, #tpu.memory_space<vmem>> -> memref<128xi32, #tpu.memory_space<vmem>>
        %dma_start3A_241 = arith.constant 0 : i32
        %dma_start3A_242 = arith.constant 0 : i32
        %dma_start3A_243 = tpu.memref_slice %arg2[%dma_start3A_241, %dma_start3A_242] : memref<10000x128xf32, #tpu.memory_space<hbm>> -> memref<10000x128xf32, #tpu.memory_space<hbm>>
        %dma_start3A_244 = tpu.memref_slice %arg10[%sub3A_157] : memref<2x!tpu.dma_semaphore, #tpu.memory_space<semaphore_mem>> -> memref<1x!tpu.dma_semaphore, #tpu.memory_space<semaphore_mem>>
        %dma_start3A_245 = tpu.memref_squeeze %dma_start3A_244 : memref<1x!tpu.dma_semaphore, #tpu.memory_space<semaphore_mem>> -> memref<!tpu.dma_semaphore, #tpu.memory_space<semaphore_mem>>
        tpu.enqueue_indirect_dma source(%dma_start3A_243 : memref<10000x128xf32, #tpu.memory_space<hbm>>) target(%dma_start3A_237 : memref<128x128xf32, #tpu.memory_space<vmem>>) offsets(%dma_start3A_240 : memref<128xi32, #tpu.memory_space<vmem>>) semaphore(%dma_start3A_245 : memref<!tpu.dma_semaphore, #tpu.memory_space<semaphore_mem>>)
      } else {
      }
      %add3A_164 = arith.constant 2 : i32
      %add3A_165 = arith.addi %while3A_153, %add3A_164 : i32
      %lt3A_166 = arith.cmpi slt, %add3A_165, %select_n3A_9 : i32
      %convert_element_type3A_167 = arith.extui %lt3A_166 : i1 to i32
      %cond3A_168 = arith.constant 0 : i32
      %cond3A_169 = arith.cmpi ne, %convert_element_type3A_167, %cond3A_168 : i32
      scf.if %cond3A_169 {
        %add3A_200 = arith.constant 2 : i32
        %add3A_201 = arith.addi %while3A_153, %add3A_200 : i32
        %add3A_202 = arith.constant 2 : i32
        %add3A_203 = arith.addi %while3A_153, %add3A_202 : i32
        %rem3A_204 = arith.constant 4 : i32
        %rem3A_205 = arith.remsi %add3A_203, %rem3A_204 : i32
        %add3A_206 = arith.addi %select_n3A, %add3A_201 : i32
        %dma_start3A_207 = arith.constant 0 : i32
        %dma_start3A_208 = arith.constant 0 : i32
        %dma_start3A_209 = tpu.memref_slice %arg7[%rem3A_205, %dma_start3A_207, %dma_start3A_208] : memref<4x2x128xi32, #tpu.memory_space<vmem>> -> memref<1x2x128xi32, #tpu.memory_space<vmem>>
        %dma_start3A_210 = tpu.memref_squeeze %dma_start3A_209 : memref<1x2x128xi32, #tpu.memory_space<vmem>> -> memref<2x128xi32, #tpu.memory_space<vmem>>
        %dma_start3A_211 = arith.constant 0 : i32
        %dma_start3A_212 = arith.constant 0 : i32
        %dma_start3A_213 = tpu.memref_slice %arg3[%add3A_206, %dma_start3A_211, %dma_start3A_212] : memref<2528x2x128xi32, #tpu.memory_space<hbm>> -> memref<1x2x128xi32, #tpu.memory_space<hbm>>
        %dma_start3A_214 = tpu.memref_squeeze %dma_start3A_213 : memref<1x2x128xi32, #tpu.memory_space<hbm>> -> memref<2x128xi32, #tpu.memory_space<hbm>>
        %dma_start3A_215 = tpu.memref_slice %arg9[%rem3A_205] : memref<4x!tpu.dma_semaphore, #tpu.memory_space<semaphore_mem>> -> memref<1x!tpu.dma_semaphore, #tpu.memory_space<semaphore_mem>>
        %dma_start3A_216 = tpu.memref_squeeze %dma_start3A_215 : memref<1x!tpu.dma_semaphore, #tpu.memory_space<semaphore_mem>> -> memref<!tpu.dma_semaphore, #tpu.memory_space<semaphore_mem>>
        %dma_start3A_217 = arith.constant 0 : i32
        %dma_start3A_218 = arith.constant 0 : i32
        %dma_start3A_219 = tpu.memref_slice %arg7[%rem3A_205, %dma_start3A_217, %dma_start3A_218] : memref<4x2x128xi32, #tpu.memory_space<vmem>> -> memref<1x2x128xi32, #tpu.memory_space<vmem>>
        %dma_start3A_220 = tpu.memref_squeeze %dma_start3A_219 : memref<1x2x128xi32, #tpu.memory_space<vmem>> -> memref<2x128xi32, #tpu.memory_space<vmem>>
        %dma_start3A_221 = arith.constant 0 : i32
        %dma_start3A_222 = arith.constant 0 : i32
        %dma_start3A_223 = tpu.memref_slice %arg3[%add3A_206, %dma_start3A_221, %dma_start3A_222] : memref<2528x2x128xi32, #tpu.memory_space<hbm>> -> memref<1x2x128xi32, #tpu.memory_space<hbm>>
        %dma_start3A_224 = tpu.memref_squeeze %dma_start3A_223 : memref<1x2x128xi32, #tpu.memory_space<hbm>> -> memref<2x128xi32, #tpu.memory_space<hbm>>
        tpu.enqueue_dma source(%dma_start3A_224 : memref<2x128xi32, #tpu.memory_space<hbm>>) target(%dma_start3A_220 : memref<2x128xi32, #tpu.memory_space<vmem>>) target_semaphore(%dma_start3A_216 : memref<!tpu.dma_semaphore, #tpu.memory_space<semaphore_mem>>)
      } else {
      }
      %rem3A_170 = arith.constant 4 : i32
      %rem3A_171 = arith.remsi %while3A_153, %rem3A_170 : i32
      %dma_wait3A_172 = arith.constant 0 : i32
      %dma_wait3A_173 = arith.constant 0 : i32
      %dma_wait3A_174 = arith.constant 0 : i32
      %dma_wait3A_175 = tpu.memref_slice %arg8[%rem3A_155, %dma_wait3A_173, %dma_wait3A_174] : memref<2x128x128xf32, #tpu.memory_space<vmem>> -> memref<1x128x128xf32, #tpu.memory_space<vmem>>
      %dma_wait3A_176 = tpu.memref_squeeze %dma_wait3A_175 : memref<1x128x128xf32, #tpu.memory_space<vmem>> -> memref<128x128xf32, #tpu.memory_space<vmem>>
      %dma_wait3A_177 = arith.constant 0 : i32
      %dma_wait3A_178 = tpu.memref_slice %arg7[%rem3A_171, %dma_wait3A_172, %dma_wait3A_177] : memref<4x2x128xi32, #tpu.memory_space<vmem>> -> memref<1x1x128xi32, #tpu.memory_space<vmem>>
      %dma_wait3A_179 = tpu.memref_squeeze %dma_wait3A_178 : memref<1x1x128xi32, #tpu.memory_space<vmem>> -> memref<128xi32, #tpu.memory_space<vmem>>
      %dma_wait3A_180 = arith.constant 0 : i32
      %dma_wait3A_181 = arith.constant 0 : i32
      %dma_wait3A_182 = tpu.memref_slice %arg2[%dma_wait3A_180, %dma_wait3A_181] : memref<10000x128xf32, #tpu.memory_space<hbm>> -> memref<10000x128xf32, #tpu.memory_space<hbm>>
      %dma_wait3A_183 = tpu.memref_slice %arg10[%rem3A_155] : memref<2x!tpu.dma_semaphore, #tpu.memory_space<semaphore_mem>> -> memref<1x!tpu.dma_semaphore, #tpu.memory_space<semaphore_mem>>
      %dma_wait3A_184 = tpu.memref_squeeze %dma_wait3A_183 : memref<1x!tpu.dma_semaphore, #tpu.memory_space<semaphore_mem>> -> memref<!tpu.dma_semaphore, #tpu.memory_space<semaphore_mem>>
      tpu.wait_indirect_dma semaphore(%dma_wait3A_184 : memref<!tpu.dma_semaphore, #tpu.memory_space<semaphore_mem>>) src(%dma_wait3A_182 : memref<10000x128xf32, #tpu.memory_space<hbm>>) dst(%dma_wait3A_176 : memref<128x128xf32, #tpu.memory_space<vmem>>)
      %rem3A_185 = arith.constant 4 : i32
      %rem3A_186 = arith.remsi %while3A_153, %rem3A_185 : i32
      %dma_start3A_187 = arith.constant 1 : i32
      %dma_start3A_188 = arith.constant 0 : i32
      %dma_start3A_189 = arith.constant 0 : i32
      %dma_start3A_190 = tpu.memref_slice %arg8[%rem3A_155, %dma_start3A_188, %dma_start3A_189] : memref<2x128x128xf32, #tpu.memory_space<vmem>> -> memref<1x128x128xf32, #tpu.memory_space<vmem>>
      %dma_start3A_191 = tpu.memref_squeeze %dma_start3A_190 : memref<1x128x128xf32, #tpu.memory_space<vmem>> -> memref<128x128xf32, #tpu.memory_space<vmem>>
      %dma_start3A_192 = arith.constant 0 : i32
      %dma_start3A_193 = tpu.memref_slice %arg7[%rem3A_186, %dma_start3A_187, %dma_start3A_192] : memref<4x2x128xi32, #tpu.memory_space<vmem>> -> memref<1x1x128xi32, #tpu.memory_space<vmem>>
      %dma_start3A_194 = tpu.memref_squeeze %dma_start3A_193 : memref<1x1x128xi32, #tpu.memory_space<vmem>> -> memref<128xi32, #tpu.memory_space<vmem>>
      %dma_start3A_195 = arith.constant 0 : i32
      %dma_start3A_196 = arith.constant 0 : i32
      %dma_start3A_197 = tpu.memref_slice %arg6[%dma_start3A_195, %dma_start3A_196] : memref<10112x128xf32, #tpu.memory_space<vmem_shared>> -> memref<10112x128xf32, #tpu.memory_space<vmem_shared>>
      %dma_start3A_198 = tpu.memref_slice %arg11[%rem3A_155] : memref<2x!tpu.dma_semaphore, #tpu.memory_space<semaphore_mem>> -> memref<1x!tpu.dma_semaphore, #tpu.memory_space<semaphore_mem>>
      %dma_start3A_199 = tpu.memref_squeeze %dma_start3A_198 : memref<1x!tpu.dma_semaphore, #tpu.memory_space<semaphore_mem>> -> memref<!tpu.dma_semaphore, #tpu.memory_space<semaphore_mem>>
      tpu.enqueue_indirect_dma source(%dma_start3A_191 : memref<128x128xf32, #tpu.memory_space<vmem>>) target(%dma_start3A_197 : memref<10112x128xf32, #tpu.memory_space<vmem_shared>>) offsets(%dma_start3A_194 : memref<128xi32, #tpu.memory_space<vmem>>) semaphore(%dma_start3A_199 : memref<!tpu.dma_semaphore, #tpu.memory_space<semaphore_mem>>) {add = true}
    }
    %while3A_103 = arith.constant 1 : i32
    scf.for %while3A_153 = %while3A_101 to %while3A_97 step %while3A_103  : i32 {
      %rem3A_154 = arith.constant 2 : i32
      %rem3A_155 = arith.remsi %while3A_153, %rem3A_154 : i32
      %sub3A_156 = arith.constant 1 : i32
      %sub3A_157 = arith.subi %sub3A_156, %rem3A_155 : i32
      %add3A_158 = arith.constant 1 : i32
      %add3A_159 = arith.addi %while3A_153, %add3A_158 : i32
      %lt3A_160 = arith.cmpi slt, %add3A_159, %select_n3A_9 : i32
      %convert_element_type3A_161 = arith.extui %lt3A_160 : i1 to i32
      %cond3A_162 = arith.constant 0 : i32
      %cond3A_163 = arith.cmpi ne, %convert_element_type3A_161, %cond3A_162 : i32
      scf.if %cond3A_163 {
        %add3A_200 = arith.constant 1 : i32
        %add3A_201 = arith.addi %while3A_153, %add3A_200 : i32
        %add3A_202 = arith.constant 1 : i32
        %add3A_203 = arith.addi %while3A_153, %add3A_202 : i32
        %rem3A_204 = arith.constant 4 : i32
        %rem3A_205 = arith.remsi %add3A_203, %rem3A_204 : i32
        %add3A_206 = arith.addi %select_n3A, %add3A_201 : i32
        %dma_wait3A_207 = arith.constant 0 : i32
        %dma_wait3A_208 = arith.constant 0 : i32
        %dma_wait3A_209 = tpu.memref_slice %arg7[%rem3A_205, %dma_wait3A_207, %dma_wait3A_208] : memref<4x2x128xi32, #tpu.memory_space<vmem>> -> memref<1x2x128xi32, #tpu.memory_space<vmem>>
        %dma_wait3A_210 = tpu.memref_squeeze %dma_wait3A_209 : memref<1x2x128xi32, #tpu.memory_space<vmem>> -> memref<2x128xi32, #tpu.memory_space<vmem>>
        %dma_wait3A_211 = arith.constant 0 : i32
        %dma_wait3A_212 = arith.constant 0 : i32
        %dma_wait3A_213 = tpu.memref_slice %arg3[%add3A_206, %dma_wait3A_211, %dma_wait3A_212] : memref<2528x2x128xi32, #tpu.memory_space<hbm>> -> memref<1x2x128xi32, #tpu.memory_space<hbm>>
        %dma_wait3A_214 = tpu.memref_squeeze %dma_wait3A_213 : memref<1x2x128xi32, #tpu.memory_space<hbm>> -> memref<2x128xi32, #tpu.memory_space<hbm>>
        %dma_wait3A_215 = tpu.memref_slice %arg9[%rem3A_205] : memref<4x!tpu.dma_semaphore, #tpu.memory_space<semaphore_mem>> -> memref<1x!tpu.dma_semaphore, #tpu.memory_space<semaphore_mem>>
        %dma_wait3A_216 = tpu.memref_squeeze %dma_wait3A_215 : memref<1x!tpu.dma_semaphore, #tpu.memory_space<semaphore_mem>> -> memref<!tpu.dma_semaphore, #tpu.memory_space<semaphore_mem>>
        %dma_wait3A_217 = arith.constant 0 : i32
        %dma_wait3A_218 = arith.constant 0 : i32
        %dma_wait3A_219 = tpu.memref_slice %arg7[%rem3A_205, %dma_wait3A_217, %dma_wait3A_218] : memref<4x2x128xi32, #tpu.memory_space<vmem>> -> memref<1x2x128xi32, #tpu.memory_space<vmem>>
        %dma_wait3A_220 = tpu.memref_squeeze %dma_wait3A_219 : memref<1x2x128xi32, #tpu.memory_space<vmem>> -> memref<2x128xi32, #tpu.memory_space<vmem>>
        %dma_wait3A_221 = arith.constant 0 : i32
        %dma_wait3A_222 = arith.constant 0 : i32
        %dma_wait3A_223 = tpu.memref_slice %arg3[%add3A_206, %dma_wait3A_221, %dma_wait3A_222] : memref<2528x2x128xi32, #tpu.memory_space<hbm>> -> memref<1x2x128xi32, #tpu.memory_space<hbm>>
        %dma_wait3A_224 = tpu.memref_squeeze %dma_wait3A_223 : memref<1x2x128xi32, #tpu.memory_space<hbm>> -> memref<2x128xi32, #tpu.memory_space<hbm>>
        tpu.wait_dma2 semaphore(%dma_wait3A_216 : memref<!tpu.dma_semaphore, #tpu.memory_space<semaphore_mem>>) src(%dma_wait3A_224 : memref<2x128xi32, #tpu.memory_space<hbm>>) dst(%dma_wait3A_220 : memref<2x128xi32, #tpu.memory_space<vmem>>)
        %ge3A = arith.constant 1 : i32
        %ge3A_225 = arith.cmpi sge, %while3A_153, %ge3A : i32
        %convert_element_type3A_226 = arith.extui %ge3A_225 : i1 to i32
        %cond3A_227 = arith.constant 0 : i32
        %cond3A_228 = arith.cmpi ne, %convert_element_type3A_226, %cond3A_227 : i32
        scf.if %cond3A_228 {
          %sub3A_246 = arith.constant 1 : i32
          %sub3A_247 = arith.subi %while3A_153, %sub3A_246 : i32
          %rem3A_248 = arith.constant 4 : i32
          %rem3A_249 = arith.remsi %sub3A_247, %rem3A_248 : i32
          %dma_wait3A_250 = arith.constant 1 : i32
          %dma_wait3A_251 = arith.constant 0 : i32
          %dma_wait3A_252 = arith.constant 0 : i32
          %dma_wait3A_253 = tpu.memref_slice %arg8[%sub3A_157, %dma_wait3A_251, %dma_wait3A_252] : memref<2x128x128xf32, #tpu.memory_space<vmem>> -> memref<1x128x128xf32, #tpu.memory_space<vmem>>
          %dma_wait3A_254 = tpu.memref_squeeze %dma_wait3A_253 : memref<1x128x128xf32, #tpu.memory_space<vmem>> -> memref<128x128xf32, #tpu.memory_space<vmem>>
          %dma_wait3A_255 = arith.constant 0 : i32
          %dma_wait3A_256 = tpu.memref_slice %arg7[%rem3A_249, %dma_wait3A_250, %dma_wait3A_255] : memref<4x2x128xi32, #tpu.memory_space<vmem>> -> memref<1x1x128xi32, #tpu.memory_space<vmem>>
          %dma_wait3A_257 = tpu.memref_squeeze %dma_wait3A_256 : memref<1x1x128xi32, #tpu.memory_space<vmem>> -> memref<128xi32, #tpu.memory_space<vmem>>
          %dma_wait3A_258 = arith.constant 0 : i32
          %dma_wait3A_259 = arith.constant 0 : i32
          %dma_wait3A_260 = tpu.memref_slice %arg6[%dma_wait3A_258, %dma_wait3A_259] : memref<10112x128xf32, #tpu.memory_space<vmem_shared>> -> memref<10112x128xf32, #tpu.memory_space<vmem_shared>>
          %dma_wait3A_261 = tpu.memref_slice %arg11[%sub3A_157] : memref<2x!tpu.dma_semaphore, #tpu.memory_space<semaphore_mem>> -> memref<1x!tpu.dma_semaphore, #tpu.memory_space<semaphore_mem>>
          %dma_wait3A_262 = tpu.memref_squeeze %dma_wait3A_261 : memref<1x!tpu.dma_semaphore, #tpu.memory_space<semaphore_mem>> -> memref<!tpu.dma_semaphore, #tpu.memory_space<semaphore_mem>>
          tpu.wait_indirect_dma semaphore(%dma_wait3A_262 : memref<!tpu.dma_semaphore, #tpu.memory_space<semaphore_mem>>) src(%dma_wait3A_254 : memref<128x128xf32, #tpu.memory_space<vmem>>) dst(%dma_wait3A_260 : memref<10112x128xf32, #tpu.memory_space<vmem_shared>>)
        } else {
        }
        %add3A_229 = arith.constant 1 : i32
        %add3A_230 = arith.addi %while3A_153, %add3A_229 : i32
        %rem3A_231 = arith.constant 4 : i32
        %rem3A_232 = arith.remsi %add3A_230, %rem3A_231 : i32
        %dma_start3A_233 = arith.constant 0 : i32
        %dma_start3A_234 = arith.constant 0 : i32
        %dma_start3A_235 = arith.constant 0 : i32
        %dma_start3A_236 = tpu.memref_slice %arg8[%sub3A_157, %dma_start3A_234, %dma_start3A_235] : memref<2x128x128xf32, #tpu.memory_space<vmem>> -> memref<1x128x128xf32, #tpu.memory_space<vmem>>
        %dma_start3A_237 = tpu.memref_squeeze %dma_start3A_236 : memref<1x128x128xf32, #tpu.memory_space<vmem>> -> memref<128x128xf32, #tpu.memory_space<vmem>>
        %dma_start3A_238 = arith.constant 0 : i32
        %dma_start3A_239 = tpu.memref_slice %arg7[%rem3A_232, %dma_start3A_233, %dma_start3A_238] : memref<4x2x128xi32, #tpu.memory_space<vmem>> -> memref<1x1x128xi32, #tpu.memory_space<vmem>>
        %dma_start3A_240 = tpu.memref_squeeze %dma_start3A_239 : memref<1x1x128xi32, #tpu.memory_space<vmem>> -> memref<128xi32, #tpu.memory_space<vmem>>
        %dma_start3A_241 = arith.constant 0 : i32
        %dma_start3A_242 = arith.constant 0 : i32
        %dma_start3A_243 = tpu.memref_slice %arg2[%dma_start3A_241, %dma_start3A_242] : memref<10000x128xf32, #tpu.memory_space<hbm>> -> memref<10000x128xf32, #tpu.memory_space<hbm>>
        %dma_start3A_244 = tpu.memref_slice %arg10[%sub3A_157] : memref<2x!tpu.dma_semaphore, #tpu.memory_space<semaphore_mem>> -> memref<1x!tpu.dma_semaphore, #tpu.memory_space<semaphore_mem>>
        %dma_start3A_245 = tpu.memref_squeeze %dma_start3A_244 : memref<1x!tpu.dma_semaphore, #tpu.memory_space<semaphore_mem>> -> memref<!tpu.dma_semaphore, #tpu.memory_space<semaphore_mem>>
        tpu.enqueue_indirect_dma source(%dma_start3A_243 : memref<10000x128xf32, #tpu.memory_space<hbm>>) target(%dma_start3A_237 : memref<128x128xf32, #tpu.memory_space<vmem>>) offsets(%dma_start3A_240 : memref<128xi32, #tpu.memory_space<vmem>>) semaphore(%dma_start3A_245 : memref<!tpu.dma_semaphore, #tpu.memory_space<semaphore_mem>>)
      } else {
      }
      %add3A_164 = arith.constant 2 : i32
      %add3A_165 = arith.addi %while3A_153, %add3A_164 : i32
      %lt3A_166 = arith.cmpi slt, %add3A_165, %select_n3A_9 : i32
      %convert_element_type3A_167 = arith.extui %lt3A_166 : i1 to i32
      %cond3A_168 = arith.constant 0 : i32
      %cond3A_169 = arith.cmpi ne, %convert_element_type3A_167, %cond3A_168 : i32
      scf.if %cond3A_169 {
        %add3A_200 = arith.constant 2 : i32
        %add3A_201 = arith.addi %while3A_153, %add3A_200 : i32
        %add3A_202 = arith.constant 2 : i32
        %add3A_203 = arith.addi %while3A_153, %add3A_202 : i32
        %rem3A_204 = arith.constant 4 : i32
        %rem3A_205 = arith.remsi %add3A_203, %rem3A_204 : i32
        %add3A_206 = arith.addi %select_n3A, %add3A_201 : i32
        %dma_start3A_207 = arith.constant 0 : i32
        %dma_start3A_208 = arith.constant 0 : i32
        %dma_start3A_209 = tpu.memref_slice %arg7[%rem3A_205, %dma_start3A_207, %dma_start3A_208] : memref<4x2x128xi32, #tpu.memory_space<vmem>> -> memref<1x2x128xi32, #tpu.memory_space<vmem>>
        %dma_start3A_210 = tpu.memref_squeeze %dma_start3A_209 : memref<1x2x128xi32, #tpu.memory_space<vmem>> -> memref<2x128xi32, #tpu.memory_space<vmem>>
        %dma_start3A_211 = arith.constant 0 : i32
        %dma_start3A_212 = arith.constant 0 : i32
        %dma_start3A_213 = tpu.memref_slice %arg3[%add3A_206, %dma_start3A_211, %dma_start3A_212] : memref<2528x2x128xi32, #tpu.memory_space<hbm>> -> memref<1x2x128xi32, #tpu.memory_space<hbm>>
        %dma_start3A_214 = tpu.memref_squeeze %dma_start3A_213 : memref<1x2x128xi32, #tpu.memory_space<hbm>> -> memref<2x128xi32, #tpu.memory_space<hbm>>
        %dma_start3A_215 = tpu.memref_slice %arg9[%rem3A_205] : memref<4x!tpu.dma_semaphore, #tpu.memory_space<semaphore_mem>> -> memref<1x!tpu.dma_semaphore, #tpu.memory_space<semaphore_mem>>
        %dma_start3A_216 = tpu.memref_squeeze %dma_start3A_215 : memref<1x!tpu.dma_semaphore, #tpu.memory_space<semaphore_mem>> -> memref<!tpu.dma_semaphore, #tpu.memory_space<semaphore_mem>>
        %dma_start3A_217 = arith.constant 0 : i32
        %dma_start3A_218 = arith.constant 0 : i32
        %dma_start3A_219 = tpu.memref_slice %arg7[%rem3A_205, %dma_start3A_217, %dma_start3A_218] : memref<4x2x128xi32, #tpu.memory_space<vmem>> -> memref<1x2x128xi32, #tpu.memory_space<vmem>>
        %dma_start3A_220 = tpu.memref_squeeze %dma_start3A_219 : memref<1x2x128xi32, #tpu.memory_space<vmem>> -> memref<2x128xi32, #tpu.memory_space<vmem>>
        %dma_start3A_221 = arith.constant 0 : i32
        %dma_start3A_222 = arith.constant 0 : i32
        %dma_start3A_223 = tpu.memref_slice %arg3[%add3A_206, %dma_start3A_221, %dma_start3A_222] : memref<2528x2x128xi32, #tpu.memory_space<hbm>> -> memref<1x2x128xi32, #tpu.memory_space<hbm>>
        %dma_start3A_224 = tpu.memref_squeeze %dma_start3A_223 : memref<1x2x128xi32, #tpu.memory_space<hbm>> -> memref<2x128xi32, #tpu.memory_space<hbm>>
        tpu.enqueue_dma source(%dma_start3A_224 : memref<2x128xi32, #tpu.memory_space<hbm>>) target(%dma_start3A_220 : memref<2x128xi32, #tpu.memory_space<vmem>>) target_semaphore(%dma_start3A_216 : memref<!tpu.dma_semaphore, #tpu.memory_space<semaphore_mem>>)
      } else {
      }
      %rem3A_170 = arith.constant 4 : i32
      %rem3A_171 = arith.remsi %while3A_153, %rem3A_170 : i32
      %dma_wait3A_172 = arith.constant 0 : i32
      %dma_wait3A_173 = arith.constant 0 : i32
      %dma_wait3A_174 = arith.constant 0 : i32
      %dma_wait3A_175 = tpu.memref_slice %arg8[%rem3A_155, %dma_wait3A_173, %dma_wait3A_174] : memref<2x128x128xf32, #tpu.memory_space<vmem>> -> memref<1x128x128xf32, #tpu.memory_space<vmem>>
      %dma_wait3A_176 = tpu.memref_squeeze %dma_wait3A_175 : memref<1x128x128xf32, #tpu.memory_space<vmem>> -> memref<128x128xf32, #tpu.memory_space<vmem>>
      %dma_wait3A_177 = arith.constant 0 : i32
      %dma_wait3A_178 = tpu.memref_slice %arg7[%rem3A_171, %dma_wait3A_172, %dma_wait3A_177] : memref<4x2x128xi32, #tpu.memory_space<vmem>> -> memref<1x1x128xi32, #tpu.memory_space<vmem>>
      %dma_wait3A_179 = tpu.memref_squeeze %dma_wait3A_178 : memref<1x1x128xi32, #tpu.memory_space<vmem>> -> memref<128xi32, #tpu.memory_space<vmem>>
      %dma_wait3A_180 = arith.constant 0 : i32
      %dma_wait3A_181 = arith.constant 0 : i32
      %dma_wait3A_182 = tpu.memref_slice %arg2[%dma_wait3A_180, %dma_wait3A_181] : memref<10000x128xf32, #tpu.memory_space<hbm>> -> memref<10000x128xf32, #tpu.memory_space<hbm>>
      %dma_wait3A_183 = tpu.memref_slice %arg10[%rem3A_155] : memref<2x!tpu.dma_semaphore, #tpu.memory_space<semaphore_mem>> -> memref<1x!tpu.dma_semaphore, #tpu.memory_space<semaphore_mem>>
      %dma_wait3A_184 = tpu.memref_squeeze %dma_wait3A_183 : memref<1x!tpu.dma_semaphore, #tpu.memory_space<semaphore_mem>> -> memref<!tpu.dma_semaphore, #tpu.memory_space<semaphore_mem>>
      tpu.wait_indirect_dma semaphore(%dma_wait3A_184 : memref<!tpu.dma_semaphore, #tpu.memory_space<semaphore_mem>>) src(%dma_wait3A_182 : memref<10000x128xf32, #tpu.memory_space<hbm>>) dst(%dma_wait3A_176 : memref<128x128xf32, #tpu.memory_space<vmem>>)
      %rem3A_185 = arith.constant 4 : i32
      %rem3A_186 = arith.remsi %while3A_153, %rem3A_185 : i32
      %dma_start3A_187 = arith.constant 1 : i32
      %dma_start3A_188 = arith.constant 0 : i32
      %dma_start3A_189 = arith.constant 0 : i32
      %dma_start3A_190 = tpu.memref_slice %arg8[%rem3A_155, %dma_start3A_188, %dma_start3A_189] : memref<2x128x128xf32, #tpu.memory_space<vmem>> -> memref<1x128x128xf32, #tpu.memory_space<vmem>>
      %dma_start3A_191 = tpu.memref_squeeze %dma_start3A_190 : memref<1x128x128xf32, #tpu.memory_space<vmem>> -> memref<128x128xf32, #tpu.memory_space<vmem>>
      %dma_start3A_192 = arith.constant 0 : i32
      %dma_start3A_193 = tpu.memref_slice %arg7[%rem3A_186, %dma_start3A_187, %dma_start3A_192] : memref<4x2x128xi32, #tpu.memory_space<vmem>> -> memref<1x1x128xi32, #tpu.memory_space<vmem>>
      %dma_start3A_194 = tpu.memref_squeeze %dma_start3A_193 : memref<1x1x128xi32, #tpu.memory_space<vmem>> -> memref<128xi32, #tpu.memory_space<vmem>>
      %dma_start3A_195 = arith.constant 0 : i32
      %dma_start3A_196 = arith.constant 0 : i32
      %dma_start3A_197 = tpu.memref_slice %arg6[%dma_start3A_195, %dma_start3A_196] : memref<10112x128xf32, #tpu.memory_space<vmem_shared>> -> memref<10112x128xf32, #tpu.memory_space<vmem_shared>>
      %dma_start3A_198 = tpu.memref_slice %arg11[%rem3A_155] : memref<2x!tpu.dma_semaphore, #tpu.memory_space<semaphore_mem>> -> memref<1x!tpu.dma_semaphore, #tpu.memory_space<semaphore_mem>>
      %dma_start3A_199 = tpu.memref_squeeze %dma_start3A_198 : memref<1x!tpu.dma_semaphore, #tpu.memory_space<semaphore_mem>> -> memref<!tpu.dma_semaphore, #tpu.memory_space<semaphore_mem>>
      tpu.enqueue_indirect_dma source(%dma_start3A_191 : memref<128x128xf32, #tpu.memory_space<vmem>>) target(%dma_start3A_197 : memref<10112x128xf32, #tpu.memory_space<vmem_shared>>) offsets(%dma_start3A_194 : memref<128xi32, #tpu.memory_space<vmem>>) semaphore(%dma_start3A_199 : memref<!tpu.dma_semaphore, #tpu.memory_space<semaphore_mem>>) {add = true}
    }
    %sub3A = arith.constant 2 : i32
    %sub3A_104 = arith.subi %select_n3A_9, %sub3A : i32
    %sub3A_105 = arith.constant 2 : i32
    %sub3A_106 = arith.subi %select_n3A_9, %sub3A_105 : i32
    %rem3A_107 = arith.constant 2 : i32
    %rem3A_108 = arith.remsi %sub3A_106, %rem3A_107 : i32
    %rem3A_109 = arith.constant 4 : i32
    %rem3A_110 = arith.remsi %sub3A_104, %rem3A_109 : i32
    %dma_wait3A_111 = arith.constant 1 : i32
    %dma_wait3A_112 = arith.constant 0 : i32
    %dma_wait3A_113 = arith.constant 0 : i32
    %dma_wait3A_114 = tpu.memref_slice %arg8[%rem3A_108, %dma_wait3A_112, %dma_wait3A_113] : memref<2x128x128xf32, #tpu.memory_space<vmem>> -> memref<1x128x128xf32, #tpu.memory_space<vmem>>
    %dma_wait3A_115 = tpu.memref_squeeze %dma_wait3A_114 : memref<1x128x128xf32, #tpu.memory_space<vmem>> -> memref<128x128xf32, #tpu.memory_space<vmem>>
    %dma_wait3A_116 = arith.constant 0 : i32
    %dma_wait3A_117 = tpu.memref_slice %arg7[%rem3A_110, %dma_wait3A_111, %dma_wait3A_116] : memref<4x2x128xi32, #tpu.memory_space<vmem>> -> memref<1x1x128xi32, #tpu.memory_space<vmem>>
    %dma_wait3A_118 = tpu.memref_squeeze %dma_wait3A_117 : memref<1x1x128xi32, #tpu.memory_space<vmem>> -> memref<128xi32, #tpu.memory_space<vmem>>
    %dma_wait3A_119 = arith.constant 0 : i32
    %dma_wait3A_120 = arith.constant 0 : i32
    %dma_wait3A_121 = tpu.memref_slice %arg6[%dma_wait3A_119, %dma_wait3A_120] : memref<10112x128xf32, #tpu.memory_space<vmem_shared>> -> memref<10112x128xf32, #tpu.memory_space<vmem_shared>>
    %dma_wait3A_122 = tpu.memref_slice %arg11[%rem3A_108] : memref<2x!tpu.dma_semaphore, #tpu.memory_space<semaphore_mem>> -> memref<1x!tpu.dma_semaphore, #tpu.memory_space<semaphore_mem>>
    %dma_wait3A_123 = tpu.memref_squeeze %dma_wait3A_122 : memref<1x!tpu.dma_semaphore, #tpu.memory_space<semaphore_mem>> -> memref<!tpu.dma_semaphore, #tpu.memory_space<semaphore_mem>>
    tpu.wait_indirect_dma semaphore(%dma_wait3A_123 : memref<!tpu.dma_semaphore, #tpu.memory_space<semaphore_mem>>) src(%dma_wait3A_115 : memref<128x128xf32, #tpu.memory_space<vmem>>) dst(%dma_wait3A_121 : memref<10112x128xf32, #tpu.memory_space<vmem_shared>>)
    %sub3A_124 = arith.constant 1 : i32
    %sub3A_125 = arith.subi %select_n3A_9, %sub3A_124 : i32
    %sub3A_126 = arith.constant 1 : i32
    %sub3A_127 = arith.subi %select_n3A_9, %sub3A_126 : i32
    %rem3A_128 = arith.constant 2 : i32
    %rem3A_129 = arith.remsi %sub3A_127, %rem3A_128 : i32
    %rem3A_130 = arith.constant 4 : i32
    %rem3A_131 = arith.remsi %sub3A_125, %rem3A_130 : i32
    %dma_wait3A_132 = arith.constant 1 : i32
    %dma_wait3A_133 = arith.constant 0 : i32
    %dma_wait3A_134 = arith.constant 0 : i32
    %dma_wait3A_135 = tpu.memref_slice %arg8[%rem3A_129, %dma_wait3A_133, %dma_wait3A_134] : memref<2x128x128xf32, #tpu.memory_space<vmem>> -> memref<1x128x128xf32, #tpu.memory_space<vmem>>
    %dma_wait3A_136 = tpu.memref_squeeze %dma_wait3A_135 : memref<1x128x128xf32, #tpu.memory_space<vmem>> -> memref<128x128xf32, #tpu.memory_space<vmem>>
    %dma_wait3A_137 = arith.constant 0 : i32
    %dma_wait3A_138 = tpu.memref_slice %arg7[%rem3A_131, %dma_wait3A_132, %dma_wait3A_137] : memref<4x2x128xi32, #tpu.memory_space<vmem>> -> memref<1x1x128xi32, #tpu.memory_space<vmem>>
    %dma_wait3A_139 = tpu.memref_squeeze %dma_wait3A_138 : memref<1x1x128xi32, #tpu.memory_space<vmem>> -> memref<128xi32, #tpu.memory_space<vmem>>
    %dma_wait3A_140 = arith.constant 0 : i32
    %dma_wait3A_141 = arith.constant 0 : i32
    %dma_wait3A_142 = tpu.memref_slice %arg6[%dma_wait3A_140, %dma_wait3A_141] : memref<10112x128xf32, #tpu.memory_space<vmem_shared>> -> memref<10112x128xf32, #tpu.memory_space<vmem_shared>>
    %dma_wait3A_143 = tpu.memref_slice %arg11[%rem3A_129] : memref<2x!tpu.dma_semaphore, #tpu.memory_space<semaphore_mem>> -> memref<1x!tpu.dma_semaphore, #tpu.memory_space<semaphore_mem>>
    %dma_wait3A_144 = tpu.memref_squeeze %dma_wait3A_143 : memref<1x!tpu.dma_semaphore, #tpu.memory_space<semaphore_mem>> -> memref<!tpu.dma_semaphore, #tpu.memory_space<semaphore_mem>>
    tpu.wait_indirect_dma semaphore(%dma_wait3A_144 : memref<!tpu.dma_semaphore, #tpu.memory_space<semaphore_mem>>) src(%dma_wait3A_136 : memref<128x128xf32, #tpu.memory_space<vmem>>) dst(%dma_wait3A_142 : memref<10112x128xf32, #tpu.memory_space<vmem_shared>>)
    %barrier3A_145 = arith.constant 0 : index
    tpu.barrier barrier_id(%barrier3A_145)
    %lt3A = arith.constant 15 : i32
    %lt3A_146 = arith.cmpi slt, %arg1, %lt3A : i32
    %convert_element_type3A = arith.extui %lt3A_146 : i1 to i32
    %cond3A = arith.constant 0 : i32
    %cond3A_147 = arith.cmpi ne, %convert_element_type3A, %cond3A : i32
    scf.if %cond3A_147 {
      %mul3A_153 = arith.constant 632 : i32
      %mul3A_154 = arith.muli %arg1, %mul3A_153 : i32
      %mul3A_155 = arith.constant 632 : i32
      %mul3A_156 = arith.muli %arg1, %mul3A_155 : i32
      "tpu.region"() ({
        %run_scoped3A = tpu.sem_alloc : memref<!tpu.dma_semaphore, #tpu.memory_space<semaphore_mem>>
        %dma_start3A_157 = arith.constant 0 : i32
        %dma_start3A_158 = tpu.memref_slice %arg5[%arg0, %mul3A_156, %dma_start3A_157] : memref<2x10000x128xf32, #tpu.memory_space<hbm>> -> memref<1x632x128xf32, #tpu.memory_space<hbm>>
        %dma_start3A_159 = tpu.memref_squeeze %dma_start3A_158 : memref<1x632x128xf32, #tpu.memory_space<hbm>> -> memref<632x128xf32, #tpu.memory_space<hbm>>
        %dma_start3A_160 = arith.constant 0 : i32
        %dma_start3A_161 = tpu.memref_slice %arg6[%mul3A_154, %dma_start3A_160] : memref<10112x128xf32, #tpu.memory_space<vmem_shared>> -> memref<632x128xf32, #tpu.memory_space<vmem_shared>>
        tpu.enqueue_dma source(%dma_start3A_161 : memref<632x128xf32, #tpu.memory_space<vmem_shared>>) target(%dma_start3A_159 : memref<632x128xf32, #tpu.memory_space<hbm>>) target_semaphore(%run_scoped3A : memref<!tpu.dma_semaphore, #tpu.memory_space<semaphore_mem>>)
        %dma_wait3A_162 = arith.constant 0 : i32
        %dma_wait3A_163 = tpu.memref_slice %arg5[%arg0, %mul3A_156, %dma_wait3A_162] : memref<2x10000x128xf32, #tpu.memory_space<hbm>> -> memref<1x632x128xf32, #tpu.memory_space<hbm>>
        %dma_wait3A_164 = tpu.memref_squeeze %dma_wait3A_163 : memref<1x632x128xf32, #tpu.memory_space<hbm>> -> memref<632x128xf32, #tpu.memory_space<hbm>>
        %dma_wait3A_165 = arith.constant 0 : i32
        %dma_wait3A_166 = tpu.memref_slice %arg6[%mul3A_154, %dma_wait3A_165] : memref<10112x128xf32, #tpu.memory_space<vmem_shared>> -> memref<632x128xf32, #tpu.memory_space<vmem_shared>>
        tpu.wait_dma2 semaphore(%run_scoped3A : memref<!tpu.dma_semaphore, #tpu.memory_space<semaphore_mem>>) src(%dma_wait3A_166 : memref<632x128xf32, #tpu.memory_space<vmem_shared>>) dst(%dma_wait3A_164 : memref<632x128xf32, #tpu.memory_space<hbm>>)
        tpu.yield
      }) : () -> ()
    } else {
    }
    %eq3A_148 = arith.constant 15 : i32
    %eq3A_149 = arith.cmpi eq, %arg1, %eq3A_148 : i32
    %convert_element_type3A_150 = arith.extui %eq3A_149 : i1 to i32
    %cond3A_151 = arith.constant 0 : i32
    %cond3A_152 = arith.cmpi ne, %convert_element_type3A_150, %cond3A_151 : i32
    scf.if %cond3A_152 {
      "tpu.region"() ({
        %run_scoped3A = tpu.sem_alloc : memref<!tpu.dma_semaphore, #tpu.memory_space<semaphore_mem>>
        %dma_start3A_153 = arith.constant 9480 : i32
        %dma_start3A_154 = arith.constant 0 : i32
        %dma_start3A_155 = tpu.memref_slice %arg5[%arg0, %dma_start3A_153, %dma_start3A_154] : memref<2x10000x128xf32, #tpu.memory_space<hbm>> -> memref<1x520x128xf32, #tpu.memory_space<hbm>>
        %dma_start3A_156 = tpu.memref_squeeze %dma_start3A_155 : memref<1x520x128xf32, #tpu.memory_space<hbm>> -> memref<520x128xf32, #tpu.memory_space<hbm>>
        %dma_start3A_157 = arith.constant 9480 : i32
        %dma_start3A_158 = arith.constant 0 : i32
        %dma_start3A_159 = tpu.memref_slice %arg6[%dma_start3A_157, %dma_start3A_158] : memref<10112x128xf32, #tpu.memory_space<vmem_shared>> -> memref<520x128xf32, #tpu.memory_space<vmem_shared>>
        tpu.enqueue_dma source(%dma_start3A_159 : memref<520x128xf32, #tpu.memory_space<vmem_shared>>) target(%dma_start3A_156 : memref<520x128xf32, #tpu.memory_space<hbm>>) target_semaphore(%run_scoped3A : memref<!tpu.dma_semaphore, #tpu.memory_space<semaphore_mem>>)
        %dma_wait3A_160 = arith.constant 9480 : i32
        %dma_wait3A_161 = arith.constant 0 : i32
        %dma_wait3A_162 = tpu.memref_slice %arg5[%arg0, %dma_wait3A_160, %dma_wait3A_161] : memref<2x10000x128xf32, #tpu.memory_space<hbm>> -> memref<1x520x128xf32, #tpu.memory_space<hbm>>
        %dma_wait3A_163 = tpu.memref_squeeze %dma_wait3A_162 : memref<1x520x128xf32, #tpu.memory_space<hbm>> -> memref<520x128xf32, #tpu.memory_space<hbm>>
        %dma_wait3A_164 = arith.constant 9480 : i32
        %dma_wait3A_165 = arith.constant 0 : i32
        %dma_wait3A_166 = tpu.memref_slice %arg6[%dma_wait3A_164, %dma_wait3A_165] : memref<10112x128xf32, #tpu.memory_space<vmem_shared>> -> memref<520x128xf32, #tpu.memory_space<vmem_shared>>
        tpu.wait_dma2 semaphore(%run_scoped3A : memref<!tpu.dma_semaphore, #tpu.memory_space<semaphore_mem>>) src(%dma_wait3A_166 : memref<520x128xf32, #tpu.memory_space<vmem_shared>>) dst(%dma_wait3A_163 : memref<520x128xf32, #tpu.memory_space<hbm>>)
        tpu.yield
      }) : () -> ()
    } else {
    }
    return
  }
}

#map = affine_map<(d0, d1) -> (0, 0)>
#map1 = affine_map<(d0, d1) -> (0, 0, 0)>
module attributes {stable_mosaic.version = 14 : i64} {
  func.func @_segsum_body(%arg0: i32, %arg1: i32, %arg2: memref<10000x128xf32, #tpu.memory_space<hbm>>, %arg3: memref<2528x2x128xi32, #tpu.memory_space<hbm>>, %arg4: memref<10112x128xf32, #tpu.memory_space<hbm>>, %arg5: memref<2x10000x128xf32, #tpu.memory_space<hbm>>, %arg6: memref<10112x128xf32, #tpu.memory_space<vmem_shared>>, %arg7: memref<4x2x128xi32, #tpu.memory_space<vmem>>, %arg8: memref<2x128x128xf32, #tpu.memory_space<vmem>>, %arg9: memref<4x!tpu.dma_semaphore, #tpu.memory_space<semaphore_mem>>, %arg10: memref<2x!tpu.dma_semaphore, #tpu.memory_space<semaphore_mem>>, %arg11: memref<2x!tpu.dma_semaphore, #tpu.memory_space<semaphore_mem>>) attributes {dimension_semantics = [#tpu.dimension_semantics<core_parallel>, #tpu.dimension_semantics<subcore_parallel>], iteration_bounds = array<i64: 2, 16>, scalar_prefetch = 0 : i64, scratch_operands = 6 : i64, tpu.core_type = #tpu.core_type<sc_vector_subcore>, window_params = [{transform_indices = #map}, {transform_indices = #map1}, {transform_indices = #map}, {transform_indices = #map1}]} {
    %eq3A = arith.constant 0 : i32
    %eq3A_0 = arith.cmpi eq, %arg0, %eq3A : i32
    %mul3A = arith.constant 140 : i32
    %mul3A_1 = arith.muli %arg1, %mul3A : i32
    %mul3A_2 = arith.constant 18 : i32
    %mul3A_3 = arith.muli %arg1, %mul3A_2 : i32
    %add3A = arith.constant 2240 : i32
    %add3A_4 = arith.addi %add3A, %mul3A_3 : i32
    %select_n3A = arith.select %eq3A_0, %mul3A_1, %add3A_4 : i32
    %eq3A_5 = arith.constant 0 : i32
    %eq3A_6 = arith.cmpi eq, %arg0, %eq3A_5 : i32
    %select_n3A_7 = arith.constant 18 : i32
    %select_n3A_8 = arith.constant 140 : i32
    %select_n3A_9 = arith.select %eq3A_6, %select_n3A_8, %select_n3A_7 : i32
    %add3A_10 = arith.constant 0 : i32
    %add3A_11 = arith.addi %select_n3A, %add3A_10 : i32
    %dma_start3A = arith.constant 0 : i32
    %dma_start3A_12 = arith.constant 0 : i32
    %dma_start3A_13 = arith.constant 0 : i32
    %dma_start3A_14 = arith.constant 0 : i32
    %dma_start3A_15 = tpu.memref_slice %arg7[%dma_start3A, %dma_start3A_13, %dma_start3A_14] : memref<4x2x128xi32, #tpu.memory_space<vmem>> -> memref<1x2x128xi32, #tpu.memory_space<vmem>>
    %dma_start3A_16 = tpu.memref_squeeze %dma_start3A_15 : memref<1x2x128xi32, #tpu.memory_space<vmem>> -> memref<2x128xi32, #tpu.memory_space<vmem>>
    %dma_start3A_17 = arith.constant 0 : i32
    %dma_start3A_18 = arith.constant 0 : i32
    %dma_start3A_19 = tpu.memref_slice %arg3[%add3A_11, %dma_start3A_17, %dma_start3A_18] : memref<2528x2x128xi32, #tpu.memory_space<hbm>> -> memref<1x2x128xi32, #tpu.memory_space<hbm>>
    %dma_start3A_20 = tpu.memref_squeeze %dma_start3A_19 : memref<1x2x128xi32, #tpu.memory_space<hbm>> -> memref<2x128xi32, #tpu.memory_space<hbm>>
    %dma_start3A_21 = tpu.memref_slice %arg9[%dma_start3A_12] : memref<4x!tpu.dma_semaphore, #tpu.memory_space<semaphore_mem>> -> memref<1x!tpu.dma_semaphore, #tpu.memory_space<semaphore_mem>>
    %dma_start3A_22 = tpu.memref_squeeze %dma_start3A_21 : memref<1x!tpu.dma_semaphore, #tpu.memory_space<semaphore_mem>> -> memref<!tpu.dma_semaphore, #tpu.memory_space<semaphore_mem>>
    %dma_start3A_23 = arith.constant 0 : i32
    %dma_start3A_24 = arith.constant 0 : i32
    %dma_start3A_25 = tpu.memref_slice %arg7[%dma_start3A, %dma_start3A_23, %dma_start3A_24] : memref<4x2x128xi32, #tpu.memory_space<vmem>> -> memref<1x2x128xi32, #tpu.memory_space<vmem>>
    %dma_start3A_26 = tpu.memref_squeeze %dma_start3A_25 : memref<1x2x128xi32, #tpu.memory_space<vmem>> -> memref<2x128xi32, #tpu.memory_space<vmem>>
    %dma_start3A_27 = arith.constant 0 : i32
    %dma_start3A_28 = arith.constant 0 : i32
    %dma_start3A_29 = tpu.memref_slice %arg3[%add3A_11, %dma_start3A_27, %dma_start3A_28] : memref<2528x2x128xi32, #tpu.memory_space<hbm>> -> memref<1x2x128xi32, #tpu.memory_space<hbm>>
    %dma_start3A_30 = tpu.memref_squeeze %dma_start3A_29 : memref<1x2x128xi32, #tpu.memory_space<hbm>> -> memref<2x128xi32, #tpu.memory_space<hbm>>
    tpu.enqueue_dma source(%dma_start3A_30 : memref<2x128xi32, #tpu.memory_space<hbm>>) target(%dma_start3A_26 : memref<2x128xi32, #tpu.memory_space<vmem>>) target_semaphore(%dma_start3A_22 : memref<!tpu.dma_semaphore, #tpu.memory_space<semaphore_mem>>)
    %mul3A_31 = arith.constant 632 : i32
    %mul3A_32 = arith.muli %arg1, %mul3A_31 : i32
    %mul3A_33 = arith.constant 632 : i32
    %mul3A_34 = arith.muli %arg1, %mul3A_33 : i32
    "tpu.region"() ({
      %run_scoped3A = tpu.sem_alloc : memref<!tpu.dma_semaphore, #tpu.memory_space<semaphore_mem>>
      %dma_start3A_153 = arith.constant 0 : i32
      %dma_start3A_154 = tpu.memref_slice %arg6[%mul3A_34, %dma_start3A_153] : memref<10112x128xf32, #tpu.memory_space<vmem_shared>> -> memref<632x128xf32, #tpu.memory_space<vmem_shared>>
      %dma_start3A_155 = arith.constant 0 : i32
      %dma_start3A_156 = tpu.memref_slice %arg4[%mul3A_32, %dma_start3A_155] : memref<10112x128xf32, #tpu.memory_space<hbm>> -> memref<632x128xf32, #tpu.memory_space<hbm>>
      tpu.enqueue_dma source(%dma_start3A_156 : memref<632x128xf32, #tpu.memory_space<hbm>>) target(%dma_start3A_154 : memref<632x128xf32, #tpu.memory_space<vmem_shared>>) target_semaphore(%run_scoped3A : memref<!tpu.dma_semaphore, #tpu.memory_space<semaphore_mem>>)
      %dma_wait3A_157 = arith.constant 0 : i32
      %dma_wait3A_158 = tpu.memref_slice %arg6[%mul3A_34, %dma_wait3A_157] : memref<10112x128xf32, #tpu.memory_space<vmem_shared>> -> memref<632x128xf32, #tpu.memory_space<vmem_shared>>
      %dma_wait3A_159 = arith.constant 0 : i32
      %dma_wait3A_160 = tpu.memref_slice %arg4[%mul3A_32, %dma_wait3A_159] : memref<10112x128xf32, #tpu.memory_space<hbm>> -> memref<632x128xf32, #tpu.memory_space<hbm>>
      tpu.wait_dma2 semaphore(%run_scoped3A : memref<!tpu.dma_semaphore, #tpu.memory_space<semaphore_mem>>) src(%dma_wait3A_160 : memref<632x128xf32, #tpu.memory_space<hbm>>) dst(%dma_wait3A_158 : memref<632x128xf32, #tpu.memory_space<vmem_shared>>)
      tpu.yield
    }) : () -> ()
    %add3A_35 = arith.constant 1 : i32
    %add3A_36 = arith.addi %select_n3A, %add3A_35 : i32
    %dma_start3A_37 = arith.constant 1 : i32
    %dma_start3A_38 = arith.constant 1 : i32
    %dma_start3A_39 = arith.constant 0 : i32
    %dma_start3A_40 = arith.constant 0 : i32
    %dma_start3A_41 = tpu.memref_slice %arg7[%dma_start3A_37, %dma_start3A_39, %dma_start3A_40] : memref<4x2x128xi32, #tpu.memory_space<vmem>> -> memref<1x2x128xi32, #tpu.memory_space<vmem>>
    %dma_start3A_42 = tpu.memref_squeeze %dma_start3A_41 : memref<1x2x128xi32, #tpu.memory_space<vmem>> -> memref<2x128xi32, #tpu.memory_space<vmem>>
    %dma_start3A_43 = arith.constant 0 : i32
    %dma_start3A_44 = arith.constant 0 : i32
    %dma_start3A_45 = tpu.memref_slice %arg3[%add3A_36, %dma_start3A_43, %dma_start3A_44] : memref<2528x2x128xi32, #tpu.memory_space<hbm>> -> memref<1x2x128xi32, #tpu.memory_space<hbm>>
    %dma_start3A_46 = tpu.memref_squeeze %dma_start3A_45 : memref<1x2x128xi32, #tpu.memory_space<hbm>> -> memref<2x128xi32, #tpu.memory_space<hbm>>
    %dma_start3A_47 = tpu.memref_slice %arg9[%dma_start3A_38] : memref<4x!tpu.dma_semaphore, #tpu.memory_space<semaphore_mem>> -> memref<1x!tpu.dma_semaphore, #tpu.memory_space<semaphore_mem>>
    %dma_start3A_48 = tpu.memref_squeeze %dma_start3A_47 : memref<1x!tpu.dma_semaphore, #tpu.memory_space<semaphore_mem>> -> memref<!tpu.dma_semaphore, #tpu.memory_space<semaphore_mem>>
    %dma_start3A_49 = arith.constant 0 : i32
    %dma_start3A_50 = arith.constant 0 : i32
    %dma_start3A_51 = tpu.memref_slice %arg7[%dma_start3A_37, %dma_start3A_49, %dma_start3A_50] : memref<4x2x128xi32, #tpu.memory_space<vmem>> -> memref<1x2x128xi32, #tpu.memory_space<vmem>>
    %dma_start3A_52 = tpu.memref_squeeze %dma_start3A_51 : memref<1x2x128xi32, #tpu.memory_space<vmem>> -> memref<2x128xi32, #tpu.memory_space<vmem>>
    %dma_start3A_53 = arith.constant 0 : i32
    %dma_start3A_54 = arith.constant 0 : i32
    %dma_start3A_55 = tpu.memref_slice %arg3[%add3A_36, %dma_start3A_53, %dma_start3A_54] : memref<2528x2x128xi32, #tpu.memory_space<hbm>> -> memref<1x2x128xi32, #tpu.memory_space<hbm>>
    %dma_start3A_56 = tpu.memref_squeeze %dma_start3A_55 : memref<1x2x128xi32, #tpu.memory_space<hbm>> -> memref<2x128xi32, #tpu.memory_space<hbm>>
    tpu.enqueue_dma source(%dma_start3A_56 : memref<2x128xi32, #tpu.memory_space<hbm>>) target(%dma_start3A_52 : memref<2x128xi32, #tpu.memory_space<vmem>>) target_semaphore(%dma_start3A_48 : memref<!tpu.dma_semaphore, #tpu.memory_space<semaphore_mem>>)
    %add3A_57 = arith.constant 0 : i32
    %add3A_58 = arith.addi %select_n3A, %add3A_57 : i32
    %dma_wait3A = arith.constant 0 : i32
    %dma_wait3A_59 = arith.constant 0 : i32
    %dma_wait3A_60 = arith.constant 0 : i32
    %dma_wait3A_61 = arith.constant 0 : i32
    %dma_wait3A_62 = tpu.memref_slice %arg7[%dma_wait3A, %dma_wait3A_60, %dma_wait3A_61] : memref<4x2x128xi32, #tpu.memory_space<vmem>> -> memref<1x2x128xi32, #tpu.memory_space<vmem>>
    %dma_wait3A_63 = tpu.memref_squeeze %dma_wait3A_62 : memref<1x2x128xi32, #tpu.memory_space<vmem>> -> memref<2x128xi32, #tpu.memory_space<vmem>>
    %dma_wait3A_64 = arith.constant 0 : i32
    %dma_wait3A_65 = arith.constant 0 : i32
    %dma_wait3A_66 = tpu.memref_slice %arg3[%add3A_58, %dma_wait3A_64, %dma_wait3A_65] : memref<2528x2x128xi32, #tpu.memory_space<hbm>> -> memref<1x2x128xi32, #tpu.memory_space<hbm>>
    %dma_wait3A_67 = tpu.memref_squeeze %dma_wait3A_66 : memref<1x2x128xi32, #tpu.memory_space<hbm>> -> memref<2x128xi32, #tpu.memory_space<hbm>>
    %dma_wait3A_68 = tpu.memref_slice %arg9[%dma_wait3A_59] : memref<4x!tpu.dma_semaphore, #tpu.memory_space<semaphore_mem>> -> memref<1x!tpu.dma_semaphore, #tpu.memory_space<semaphore_mem>>
    %dma_wait3A_69 = tpu.memref_squeeze %dma_wait3A_68 : memref<1x!tpu.dma_semaphore, #tpu.memory_space<semaphore_mem>> -> memref<!tpu.dma_semaphore, #tpu.memory_space<semaphore_mem>>
    %dma_wait3A_70 = arith.constant 0 : i32
    %dma_wait3A_71 = arith.constant 0 : i32
    %dma_wait3A_72 = tpu.memref_slice %arg7[%dma_wait3A, %dma_wait3A_70, %dma_wait3A_71] : memref<4x2x128xi32, #tpu.memory_space<vmem>> -> memref<1x2x128xi32, #tpu.memory_space<vmem>>
    %dma_wait3A_73 = tpu.memref_squeeze %dma_wait3A_72 : memref<1x2x128xi32, #tpu.memory_space<vmem>> -> memref<2x128xi32, #tpu.memory_space<vmem>>
    %dma_wait3A_74 = arith.constant 0 : i32
    %dma_wait3A_75 = arith.constant 0 : i32
    %dma_wait3A_76 = tpu.memref_slice %arg3[%add3A_58, %dma_wait3A_74, %dma_wait3A_75] : memref<2528x2x128xi32, #tpu.memory_space<hbm>> -> memref<1x2x128xi32, #tpu.memory_space<hbm>>
    %dma_wait3A_77 = tpu.memref_squeeze %dma_wait3A_76 : memref<1x2x128xi32, #tpu.memory_space<hbm>> -> memref<2x128xi32, #tpu.memory_space<hbm>>
    tpu.wait_dma2 semaphore(%dma_wait3A_69 : memref<!tpu.dma_semaphore, #tpu.memory_space<semaphore_mem>>) src(%dma_wait3A_77 : memref<2x128xi32, #tpu.memory_space<hbm>>) dst(%dma_wait3A_73 : memref<2x128xi32, #tpu.memory_space<vmem>>)
    %rem3A = arith.constant 0 : i32
    %rem3A_78 = arith.constant 4 : i32
    %rem3A_79 = arith.remsi %rem3A, %rem3A_78 : i32
    %dma_start3A_80 = arith.constant 0 : i32
    %dma_start3A_81 = arith.constant 0 : i32
    %dma_start3A_82 = arith.constant 0 : i32
    %dma_start3A_83 = arith.constant 0 : i32
    %dma_start3A_84 = arith.constant 0 : i32
    %dma_start3A_85 = tpu.memref_slice %arg8[%dma_start3A_81, %dma_start3A_83, %dma_start3A_84] : memref<2x128x128xf32, #tpu.memory_space<vmem>> -> memref<1x128x128xf32, #tpu.memory_space<vmem>>
    %dma_start3A_86 = tpu.memref_squeeze %dma_start3A_85 : memref<1x128x128xf32, #tpu.memory_space<vmem>> -> memref<128x128xf32, #tpu.memory_space<vmem>>
    %dma_start3A_87 = arith.constant 0 : i32
    %dma_start3A_88 = tpu.memref_slice %arg7[%rem3A_79, %dma_start3A_80, %dma_start3A_87] : memref<4x2x128xi32, #tpu.memory_space<vmem>> -> memref<1x1x128xi32, #tpu.memory_space<vmem>>
    %dma_start3A_89 = tpu.memref_squeeze %dma_start3A_88 : memref<1x1x128xi32, #tpu.memory_space<vmem>> -> memref<128xi32, #tpu.memory_space<vmem>>
    %dma_start3A_90 = arith.constant 0 : i32
    %dma_start3A_91 = arith.constant 0 : i32
    %dma_start3A_92 = tpu.memref_slice %arg2[%dma_start3A_90, %dma_start3A_91] : memref<10000x128xf32, #tpu.memory_space<hbm>> -> memref<10000x128xf32, #tpu.memory_space<hbm>>
    %dma_start3A_93 = tpu.memref_slice %arg10[%dma_start3A_82] : memref<2x!tpu.dma_semaphore, #tpu.memory_space<semaphore_mem>> -> memref<1x!tpu.dma_semaphore, #tpu.memory_space<semaphore_mem>>
    %dma_start3A_94 = tpu.memref_squeeze %dma_start3A_93 : memref<1x!tpu.dma_semaphore, #tpu.memory_space<semaphore_mem>> -> memref<!tpu.dma_semaphore, #tpu.memory_space<semaphore_mem>>
    tpu.enqueue_indirect_dma source(%dma_start3A_92 : memref<10000x128xf32, #tpu.memory_space<hbm>>) target(%dma_start3A_86 : memref<128x128xf32, #tpu.memory_space<vmem>>) offsets(%dma_start3A_89 : memref<128xi32, #tpu.memory_space<vmem>>) semaphore(%dma_start3A_94 : memref<!tpu.dma_semaphore, #tpu.memory_space<semaphore_mem>>)
    %barrier3A = arith.constant 0 : index
    tpu.barrier barrier_id(%barrier3A)
    %while3A = arith.constant 0 : i32
    %while3A_95 = arith.constant 0 : i32
    %while3A_96 = arith.subi %select_n3A_9, %while3A_95 : i32
    %while3A_97 = arith.addi %while3A_95, %while3A_96 : i32
    %while3A_98 = arith.constant 1 : i32
    %while3A_99 = arith.divsi %while3A_96, %while3A_98 : i32
    %while3A_100 = arith.muli %while3A_99, %while3A_98 : i32
    %while3A_101 = arith.addi %while3A_95, %while3A_100 : i32
    %while3A_102 = arith.constant 1 : i32
    scf.for %while3A_153 = %while3A_95 to %while3A_101 step %while3A_102  : i32 {
      %rem3A_154 = arith.constant 2 : i32
      %rem3A_155 = arith.remsi %while3A_153, %rem3A_154 : i32
      %sub3A_156 = arith.constant 1 : i32
      %sub3A_157 = arith.subi %sub3A_156, %rem3A_155 : i32
      %add3A_158 = arith.constant 1 : i32
      %add3A_159 = arith.addi %while3A_153, %add3A_158 : i32
      %lt3A_160 = arith.cmpi slt, %add3A_159, %select_n3A_9 : i32
      %convert_element_type3A_161 = arith.extui %lt3A_160 : i1 to i32
      %cond3A_162 = arith.constant 0 : i32
      %cond3A_163 = arith.cmpi ne, %convert_element_type3A_161, %cond3A_162 : i32
      scf.if %cond3A_163 {
        %add3A_200 = arith.constant 1 : i32
        %add3A_201 = arith.addi %while3A_153, %add3A_200 : i32
        %add3A_202 = arith.constant 1 : i32
        %add3A_203 = arith.addi %while3A_153, %add3A_202 : i32
        %rem3A_204 = arith.constant 4 : i32
        %rem3A_205 = arith.remsi %add3A_203, %rem3A_204 : i32
        %add3A_206 = arith.addi %select_n3A, %add3A_201 : i32
        %dma_wait3A_207 = arith.constant 0 : i32
        %dma_wait3A_208 = arith.constant 0 : i32
        %dma_wait3A_209 = tpu.memref_slice %arg7[%rem3A_205, %dma_wait3A_207, %dma_wait3A_208] : memref<4x2x128xi32, #tpu.memory_space<vmem>> -> memref<1x2x128xi32, #tpu.memory_space<vmem>>
        %dma_wait3A_210 = tpu.memref_squeeze %dma_wait3A_209 : memref<1x2x128xi32, #tpu.memory_space<vmem>> -> memref<2x128xi32, #tpu.memory_space<vmem>>
        %dma_wait3A_211 = arith.constant 0 : i32
        %dma_wait3A_212 = arith.constant 0 : i32
        %dma_wait3A_213 = tpu.memref_slice %arg3[%add3A_206, %dma_wait3A_211, %dma_wait3A_212] : memref<2528x2x128xi32, #tpu.memory_space<hbm>> -> memref<1x2x128xi32, #tpu.memory_space<hbm>>
        %dma_wait3A_214 = tpu.memref_squeeze %dma_wait3A_213 : memref<1x2x128xi32, #tpu.memory_space<hbm>> -> memref<2x128xi32, #tpu.memory_space<hbm>>
        %dma_wait3A_215 = tpu.memref_slice %arg9[%rem3A_205] : memref<4x!tpu.dma_semaphore, #tpu.memory_space<semaphore_mem>> -> memref<1x!tpu.dma_semaphore, #tpu.memory_space<semaphore_mem>>
        %dma_wait3A_216 = tpu.memref_squeeze %dma_wait3A_215 : memref<1x!tpu.dma_semaphore, #tpu.memory_space<semaphore_mem>> -> memref<!tpu.dma_semaphore, #tpu.memory_space<semaphore_mem>>
        %dma_wait3A_217 = arith.constant 0 : i32
        %dma_wait3A_218 = arith.constant 0 : i32
        %dma_wait3A_219 = tpu.memref_slice %arg7[%rem3A_205, %dma_wait3A_217, %dma_wait3A_218] : memref<4x2x128xi32, #tpu.memory_space<vmem>> -> memref<1x2x128xi32, #tpu.memory_space<vmem>>
        %dma_wait3A_220 = tpu.memref_squeeze %dma_wait3A_219 : memref<1x2x128xi32, #tpu.memory_space<vmem>> -> memref<2x128xi32, #tpu.memory_space<vmem>>
        %dma_wait3A_221 = arith.constant 0 : i32
        %dma_wait3A_222 = arith.constant 0 : i32
        %dma_wait3A_223 = tpu.memref_slice %arg3[%add3A_206, %dma_wait3A_221, %dma_wait3A_222] : memref<2528x2x128xi32, #tpu.memory_space<hbm>> -> memref<1x2x128xi32, #tpu.memory_space<hbm>>
        %dma_wait3A_224 = tpu.memref_squeeze %dma_wait3A_223 : memref<1x2x128xi32, #tpu.memory_space<hbm>> -> memref<2x128xi32, #tpu.memory_space<hbm>>
        tpu.wait_dma2 semaphore(%dma_wait3A_216 : memref<!tpu.dma_semaphore, #tpu.memory_space<semaphore_mem>>) src(%dma_wait3A_224 : memref<2x128xi32, #tpu.memory_space<hbm>>) dst(%dma_wait3A_220 : memref<2x128xi32, #tpu.memory_space<vmem>>)
        %ge3A = arith.constant 1 : i32
        %ge3A_225 = arith.cmpi sge, %while3A_153, %ge3A : i32
        %convert_element_type3A_226 = arith.extui %ge3A_225 : i1 to i32
        %cond3A_227 = arith.constant 0 : i32
        %cond3A_228 = arith.cmpi ne, %convert_element_type3A_226, %cond3A_227 : i32
        scf.if %cond3A_228 {
          %sub3A_246 = arith.constant 1 : i32
          %sub3A_247 = arith.subi %while3A_153, %sub3A_246 : i32
          %rem3A_248 = arith.constant 4 : i32
          %rem3A_249 = arith.remsi %sub3A_247, %rem3A_248 : i32
          %dma_wait3A_250 = arith.constant 1 : i32
          %dma_wait3A_251 = arith.constant 0 : i32
          %dma_wait3A_252 = arith.constant 0 : i32
          %dma_wait3A_253 = tpu.memref_slice %arg8[%sub3A_157, %dma_wait3A_251, %dma_wait3A_252] : memref<2x128x128xf32, #tpu.memory_space<vmem>> -> memref<1x128x128xf32, #tpu.memory_space<vmem>>
          %dma_wait3A_254 = tpu.memref_squeeze %dma_wait3A_253 : memref<1x128x128xf32, #tpu.memory_space<vmem>> -> memref<128x128xf32, #tpu.memory_space<vmem>>
          %dma_wait3A_255 = arith.constant 0 : i32
          %dma_wait3A_256 = tpu.memref_slice %arg7[%rem3A_249, %dma_wait3A_250, %dma_wait3A_255] : memref<4x2x128xi32, #tpu.memory_space<vmem>> -> memref<1x1x128xi32, #tpu.memory_space<vmem>>
          %dma_wait3A_257 = tpu.memref_squeeze %dma_wait3A_256 : memref<1x1x128xi32, #tpu.memory_space<vmem>> -> memref<128xi32, #tpu.memory_space<vmem>>
          %dma_wait3A_258 = arith.constant 0 : i32
          %dma_wait3A_259 = arith.constant 0 : i32
          %dma_wait3A_260 = tpu.memref_slice %arg6[%dma_wait3A_258, %dma_wait3A_259] : memref<10112x128xf32, #tpu.memory_space<vmem_shared>> -> memref<10112x128xf32, #tpu.memory_space<vmem_shared>>
          %dma_wait3A_261 = tpu.memref_slice %arg11[%sub3A_157] : memref<2x!tpu.dma_semaphore, #tpu.memory_space<semaphore_mem>> -> memref<1x!tpu.dma_semaphore, #tpu.memory_space<semaphore_mem>>
          %dma_wait3A_262 = tpu.memref_squeeze %dma_wait3A_261 : memref<1x!tpu.dma_semaphore, #tpu.memory_space<semaphore_mem>> -> memref<!tpu.dma_semaphore, #tpu.memory_space<semaphore_mem>>
          tpu.wait_indirect_dma semaphore(%dma_wait3A_262 : memref<!tpu.dma_semaphore, #tpu.memory_space<semaphore_mem>>) src(%dma_wait3A_254 : memref<128x128xf32, #tpu.memory_space<vmem>>) dst(%dma_wait3A_260 : memref<10112x128xf32, #tpu.memory_space<vmem_shared>>)
        } else {
        }
        %add3A_229 = arith.constant 1 : i32
        %add3A_230 = arith.addi %while3A_153, %add3A_229 : i32
        %rem3A_231 = arith.constant 4 : i32
        %rem3A_232 = arith.remsi %add3A_230, %rem3A_231 : i32
        %dma_start3A_233 = arith.constant 0 : i32
        %dma_start3A_234 = arith.constant 0 : i32
        %dma_start3A_235 = arith.constant 0 : i32
        %dma_start3A_236 = tpu.memref_slice %arg8[%sub3A_157, %dma_start3A_234, %dma_start3A_235] : memref<2x128x128xf32, #tpu.memory_space<vmem>> -> memref<1x128x128xf32, #tpu.memory_space<vmem>>
        %dma_start3A_237 = tpu.memref_squeeze %dma_start3A_236 : memref<1x128x128xf32, #tpu.memory_space<vmem>> -> memref<128x128xf32, #tpu.memory_space<vmem>>
        %dma_start3A_238 = arith.constant 0 : i32
        %dma_start3A_239 = tpu.memref_slice %arg7[%rem3A_232, %dma_start3A_233, %dma_start3A_238] : memref<4x2x128xi32, #tpu.memory_space<vmem>> -> memref<1x1x128xi32, #tpu.memory_space<vmem>>
        %dma_start3A_240 = tpu.memref_squeeze %dma_start3A_239 : memref<1x1x128xi32, #tpu.memory_space<vmem>> -> memref<128xi32, #tpu.memory_space<vmem>>
        %dma_start3A_241 = arith.constant 0 : i32
        %dma_start3A_242 = arith.constant 0 : i32
        %dma_start3A_243 = tpu.memref_slice %arg2[%dma_start3A_241, %dma_start3A_242] : memref<10000x128xf32, #tpu.memory_space<hbm>> -> memref<10000x128xf32, #tpu.memory_space<hbm>>
        %dma_start3A_244 = tpu.memref_slice %arg10[%sub3A_157] : memref<2x!tpu.dma_semaphore, #tpu.memory_space<semaphore_mem>> -> memref<1x!tpu.dma_semaphore, #tpu.memory_space<semaphore_mem>>
        %dma_start3A_245 = tpu.memref_squeeze %dma_start3A_244 : memref<1x!tpu.dma_semaphore, #tpu.memory_space<semaphore_mem>> -> memref<!tpu.dma_semaphore, #tpu.memory_space<semaphore_mem>>
        tpu.enqueue_indirect_dma source(%dma_start3A_243 : memref<10000x128xf32, #tpu.memory_space<hbm>>) target(%dma_start3A_237 : memref<128x128xf32, #tpu.memory_space<vmem>>) offsets(%dma_start3A_240 : memref<128xi32, #tpu.memory_space<vmem>>) semaphore(%dma_start3A_245 : memref<!tpu.dma_semaphore, #tpu.memory_space<semaphore_mem>>)
      } else {
      }
      %add3A_164 = arith.constant 2 : i32
      %add3A_165 = arith.addi %while3A_153, %add3A_164 : i32
      %lt3A_166 = arith.cmpi slt, %add3A_165, %select_n3A_9 : i32
      %convert_element_type3A_167 = arith.extui %lt3A_166 : i1 to i32
      %cond3A_168 = arith.constant 0 : i32
      %cond3A_169 = arith.cmpi ne, %convert_element_type3A_167, %cond3A_168 : i32
      scf.if %cond3A_169 {
        %add3A_200 = arith.constant 2 : i32
        %add3A_201 = arith.addi %while3A_153, %add3A_200 : i32
        %add3A_202 = arith.constant 2 : i32
        %add3A_203 = arith.addi %while3A_153, %add3A_202 : i32
        %rem3A_204 = arith.constant 4 : i32
        %rem3A_205 = arith.remsi %add3A_203, %rem3A_204 : i32
        %add3A_206 = arith.addi %select_n3A, %add3A_201 : i32
        %dma_start3A_207 = arith.constant 0 : i32
        %dma_start3A_208 = arith.constant 0 : i32
        %dma_start3A_209 = tpu.memref_slice %arg7[%rem3A_205, %dma_start3A_207, %dma_start3A_208] : memref<4x2x128xi32, #tpu.memory_space<vmem>> -> memref<1x2x128xi32, #tpu.memory_space<vmem>>
        %dma_start3A_210 = tpu.memref_squeeze %dma_start3A_209 : memref<1x2x128xi32, #tpu.memory_space<vmem>> -> memref<2x128xi32, #tpu.memory_space<vmem>>
        %dma_start3A_211 = arith.constant 0 : i32
        %dma_start3A_212 = arith.constant 0 : i32
        %dma_start3A_213 = tpu.memref_slice %arg3[%add3A_206, %dma_start3A_211, %dma_start3A_212] : memref<2528x2x128xi32, #tpu.memory_space<hbm>> -> memref<1x2x128xi32, #tpu.memory_space<hbm>>
        %dma_start3A_214 = tpu.memref_squeeze %dma_start3A_213 : memref<1x2x128xi32, #tpu.memory_space<hbm>> -> memref<2x128xi32, #tpu.memory_space<hbm>>
        %dma_start3A_215 = tpu.memref_slice %arg9[%rem3A_205] : memref<4x!tpu.dma_semaphore, #tpu.memory_space<semaphore_mem>> -> memref<1x!tpu.dma_semaphore, #tpu.memory_space<semaphore_mem>>
        %dma_start3A_216 = tpu.memref_squeeze %dma_start3A_215 : memref<1x!tpu.dma_semaphore, #tpu.memory_space<semaphore_mem>> -> memref<!tpu.dma_semaphore, #tpu.memory_space<semaphore_mem>>
        %dma_start3A_217 = arith.constant 0 : i32
        %dma_start3A_218 = arith.constant 0 : i32
        %dma_start3A_219 = tpu.memref_slice %arg7[%rem3A_205, %dma_start3A_217, %dma_start3A_218] : memref<4x2x128xi32, #tpu.memory_space<vmem>> -> memref<1x2x128xi32, #tpu.memory_space<vmem>>
        %dma_start3A_220 = tpu.memref_squeeze %dma_start3A_219 : memref<1x2x128xi32, #tpu.memory_space<vmem>> -> memref<2x128xi32, #tpu.memory_space<vmem>>
        %dma_start3A_221 = arith.constant 0 : i32
        %dma_start3A_222 = arith.constant 0 : i32
        %dma_start3A_223 = tpu.memref_slice %arg3[%add3A_206, %dma_start3A_221, %dma_start3A_222] : memref<2528x2x128xi32, #tpu.memory_space<hbm>> -> memref<1x2x128xi32, #tpu.memory_space<hbm>>
        %dma_start3A_224 = tpu.memref_squeeze %dma_start3A_223 : memref<1x2x128xi32, #tpu.memory_space<hbm>> -> memref<2x128xi32, #tpu.memory_space<hbm>>
        tpu.enqueue_dma source(%dma_start3A_224 : memref<2x128xi32, #tpu.memory_space<hbm>>) target(%dma_start3A_220 : memref<2x128xi32, #tpu.memory_space<vmem>>) target_semaphore(%dma_start3A_216 : memref<!tpu.dma_semaphore, #tpu.memory_space<semaphore_mem>>)
      } else {
      }
      %rem3A_170 = arith.constant 4 : i32
      %rem3A_171 = arith.remsi %while3A_153, %rem3A_170 : i32
      %dma_wait3A_172 = arith.constant 0 : i32
      %dma_wait3A_173 = arith.constant 0 : i32
      %dma_wait3A_174 = arith.constant 0 : i32
      %dma_wait3A_175 = tpu.memref_slice %arg8[%rem3A_155, %dma_wait3A_173, %dma_wait3A_174] : memref<2x128x128xf32, #tpu.memory_space<vmem>> -> memref<1x128x128xf32, #tpu.memory_space<vmem>>
      %dma_wait3A_176 = tpu.memref_squeeze %dma_wait3A_175 : memref<1x128x128xf32, #tpu.memory_space<vmem>> -> memref<128x128xf32, #tpu.memory_space<vmem>>
      %dma_wait3A_177 = arith.constant 0 : i32
      %dma_wait3A_178 = tpu.memref_slice %arg7[%rem3A_171, %dma_wait3A_172, %dma_wait3A_177] : memref<4x2x128xi32, #tpu.memory_space<vmem>> -> memref<1x1x128xi32, #tpu.memory_space<vmem>>
      %dma_wait3A_179 = tpu.memref_squeeze %dma_wait3A_178 : memref<1x1x128xi32, #tpu.memory_space<vmem>> -> memref<128xi32, #tpu.memory_space<vmem>>
      %dma_wait3A_180 = arith.constant 0 : i32
      %dma_wait3A_181 = arith.constant 0 : i32
      %dma_wait3A_182 = tpu.memref_slice %arg2[%dma_wait3A_180, %dma_wait3A_181] : memref<10000x128xf32, #tpu.memory_space<hbm>> -> memref<10000x128xf32, #tpu.memory_space<hbm>>
      %dma_wait3A_183 = tpu.memref_slice %arg10[%rem3A_155] : memref<2x!tpu.dma_semaphore, #tpu.memory_space<semaphore_mem>> -> memref<1x!tpu.dma_semaphore, #tpu.memory_space<semaphore_mem>>
      %dma_wait3A_184 = tpu.memref_squeeze %dma_wait3A_183 : memref<1x!tpu.dma_semaphore, #tpu.memory_space<semaphore_mem>> -> memref<!tpu.dma_semaphore, #tpu.memory_space<semaphore_mem>>
      tpu.wait_indirect_dma semaphore(%dma_wait3A_184 : memref<!tpu.dma_semaphore, #tpu.memory_space<semaphore_mem>>) src(%dma_wait3A_182 : memref<10000x128xf32, #tpu.memory_space<hbm>>) dst(%dma_wait3A_176 : memref<128x128xf32, #tpu.memory_space<vmem>>)
      %rem3A_185 = arith.constant 4 : i32
      %rem3A_186 = arith.remsi %while3A_153, %rem3A_185 : i32
      %dma_start3A_187 = arith.constant 1 : i32
      %dma_start3A_188 = arith.constant 0 : i32
      %dma_start3A_189 = arith.constant 0 : i32
      %dma_start3A_190 = tpu.memref_slice %arg8[%rem3A_155, %dma_start3A_188, %dma_start3A_189] : memref<2x128x128xf32, #tpu.memory_space<vmem>> -> memref<1x128x128xf32, #tpu.memory_space<vmem>>
      %dma_start3A_191 = tpu.memref_squeeze %dma_start3A_190 : memref<1x128x128xf32, #tpu.memory_space<vmem>> -> memref<128x128xf32, #tpu.memory_space<vmem>>
      %dma_start3A_192 = arith.constant 0 : i32
      %dma_start3A_193 = tpu.memref_slice %arg7[%rem3A_186, %dma_start3A_187, %dma_start3A_192] : memref<4x2x128xi32, #tpu.memory_space<vmem>> -> memref<1x1x128xi32, #tpu.memory_space<vmem>>
      %dma_start3A_194 = tpu.memref_squeeze %dma_start3A_193 : memref<1x1x128xi32, #tpu.memory_space<vmem>> -> memref<128xi32, #tpu.memory_space<vmem>>
      %dma_start3A_195 = arith.constant 0 : i32
      %dma_start3A_196 = arith.constant 0 : i32
      %dma_start3A_197 = tpu.memref_slice %arg6[%dma_start3A_195, %dma_start3A_196] : memref<10112x128xf32, #tpu.memory_space<vmem_shared>> -> memref<10112x128xf32, #tpu.memory_space<vmem_shared>>
      %dma_start3A_198 = tpu.memref_slice %arg11[%rem3A_155] : memref<2x!tpu.dma_semaphore, #tpu.memory_space<semaphore_mem>> -> memref<1x!tpu.dma_semaphore, #tpu.memory_space<semaphore_mem>>
      %dma_start3A_199 = tpu.memref_squeeze %dma_start3A_198 : memref<1x!tpu.dma_semaphore, #tpu.memory_space<semaphore_mem>> -> memref<!tpu.dma_semaphore, #tpu.memory_space<semaphore_mem>>
      tpu.enqueue_indirect_dma source(%dma_start3A_191 : memref<128x128xf32, #tpu.memory_space<vmem>>) target(%dma_start3A_197 : memref<10112x128xf32, #tpu.memory_space<vmem_shared>>) offsets(%dma_start3A_194 : memref<128xi32, #tpu.memory_space<vmem>>) semaphore(%dma_start3A_199 : memref<!tpu.dma_semaphore, #tpu.memory_space<semaphore_mem>>) {add = true}
    }
    %while3A_103 = arith.constant 1 : i32
    scf.for %while3A_153 = %while3A_101 to %while3A_97 step %while3A_103  : i32 {
      %rem3A_154 = arith.constant 2 : i32
      %rem3A_155 = arith.remsi %while3A_153, %rem3A_154 : i32
      %sub3A_156 = arith.constant 1 : i32
      %sub3A_157 = arith.subi %sub3A_156, %rem3A_155 : i32
      %add3A_158 = arith.constant 1 : i32
      %add3A_159 = arith.addi %while3A_153, %add3A_158 : i32
      %lt3A_160 = arith.cmpi slt, %add3A_159, %select_n3A_9 : i32
      %convert_element_type3A_161 = arith.extui %lt3A_160 : i1 to i32
      %cond3A_162 = arith.constant 0 : i32
      %cond3A_163 = arith.cmpi ne, %convert_element_type3A_161, %cond3A_162 : i32
      scf.if %cond3A_163 {
        %add3A_200 = arith.constant 1 : i32
        %add3A_201 = arith.addi %while3A_153, %add3A_200 : i32
        %add3A_202 = arith.constant 1 : i32
        %add3A_203 = arith.addi %while3A_153, %add3A_202 : i32
        %rem3A_204 = arith.constant 4 : i32
        %rem3A_205 = arith.remsi %add3A_203, %rem3A_204 : i32
        %add3A_206 = arith.addi %select_n3A, %add3A_201 : i32
        %dma_wait3A_207 = arith.constant 0 : i32
        %dma_wait3A_208 = arith.constant 0 : i32
        %dma_wait3A_209 = tpu.memref_slice %arg7[%rem3A_205, %dma_wait3A_207, %dma_wait3A_208] : memref<4x2x128xi32, #tpu.memory_space<vmem>> -> memref<1x2x128xi32, #tpu.memory_space<vmem>>
        %dma_wait3A_210 = tpu.memref_squeeze %dma_wait3A_209 : memref<1x2x128xi32, #tpu.memory_space<vmem>> -> memref<2x128xi32, #tpu.memory_space<vmem>>
        %dma_wait3A_211 = arith.constant 0 : i32
        %dma_wait3A_212 = arith.constant 0 : i32
        %dma_wait3A_213 = tpu.memref_slice %arg3[%add3A_206, %dma_wait3A_211, %dma_wait3A_212] : memref<2528x2x128xi32, #tpu.memory_space<hbm>> -> memref<1x2x128xi32, #tpu.memory_space<hbm>>
        %dma_wait3A_214 = tpu.memref_squeeze %dma_wait3A_213 : memref<1x2x128xi32, #tpu.memory_space<hbm>> -> memref<2x128xi32, #tpu.memory_space<hbm>>
        %dma_wait3A_215 = tpu.memref_slice %arg9[%rem3A_205] : memref<4x!tpu.dma_semaphore, #tpu.memory_space<semaphore_mem>> -> memref<1x!tpu.dma_semaphore, #tpu.memory_space<semaphore_mem>>
        %dma_wait3A_216 = tpu.memref_squeeze %dma_wait3A_215 : memref<1x!tpu.dma_semaphore, #tpu.memory_space<semaphore_mem>> -> memref<!tpu.dma_semaphore, #tpu.memory_space<semaphore_mem>>
        %dma_wait3A_217 = arith.constant 0 : i32
        %dma_wait3A_218 = arith.constant 0 : i32
        %dma_wait3A_219 = tpu.memref_slice %arg7[%rem3A_205, %dma_wait3A_217, %dma_wait3A_218] : memref<4x2x128xi32, #tpu.memory_space<vmem>> -> memref<1x2x128xi32, #tpu.memory_space<vmem>>
        %dma_wait3A_220 = tpu.memref_squeeze %dma_wait3A_219 : memref<1x2x128xi32, #tpu.memory_space<vmem>> -> memref<2x128xi32, #tpu.memory_space<vmem>>
        %dma_wait3A_221 = arith.constant 0 : i32
        %dma_wait3A_222 = arith.constant 0 : i32
        %dma_wait3A_223 = tpu.memref_slice %arg3[%add3A_206, %dma_wait3A_221, %dma_wait3A_222] : memref<2528x2x128xi32, #tpu.memory_space<hbm>> -> memref<1x2x128xi32, #tpu.memory_space<hbm>>
        %dma_wait3A_224 = tpu.memref_squeeze %dma_wait3A_223 : memref<1x2x128xi32, #tpu.memory_space<hbm>> -> memref<2x128xi32, #tpu.memory_space<hbm>>
        tpu.wait_dma2 semaphore(%dma_wait3A_216 : memref<!tpu.dma_semaphore, #tpu.memory_space<semaphore_mem>>) src(%dma_wait3A_224 : memref<2x128xi32, #tpu.memory_space<hbm>>) dst(%dma_wait3A_220 : memref<2x128xi32, #tpu.memory_space<vmem>>)
        %ge3A = arith.constant 1 : i32
        %ge3A_225 = arith.cmpi sge, %while3A_153, %ge3A : i32
        %convert_element_type3A_226 = arith.extui %ge3A_225 : i1 to i32
        %cond3A_227 = arith.constant 0 : i32
        %cond3A_228 = arith.cmpi ne, %convert_element_type3A_226, %cond3A_227 : i32
        scf.if %cond3A_228 {
          %sub3A_246 = arith.constant 1 : i32
          %sub3A_247 = arith.subi %while3A_153, %sub3A_246 : i32
          %rem3A_248 = arith.constant 4 : i32
          %rem3A_249 = arith.remsi %sub3A_247, %rem3A_248 : i32
          %dma_wait3A_250 = arith.constant 1 : i32
          %dma_wait3A_251 = arith.constant 0 : i32
          %dma_wait3A_252 = arith.constant 0 : i32
          %dma_wait3A_253 = tpu.memref_slice %arg8[%sub3A_157, %dma_wait3A_251, %dma_wait3A_252] : memref<2x128x128xf32, #tpu.memory_space<vmem>> -> memref<1x128x128xf32, #tpu.memory_space<vmem>>
          %dma_wait3A_254 = tpu.memref_squeeze %dma_wait3A_253 : memref<1x128x128xf32, #tpu.memory_space<vmem>> -> memref<128x128xf32, #tpu.memory_space<vmem>>
          %dma_wait3A_255 = arith.constant 0 : i32
          %dma_wait3A_256 = tpu.memref_slice %arg7[%rem3A_249, %dma_wait3A_250, %dma_wait3A_255] : memref<4x2x128xi32, #tpu.memory_space<vmem>> -> memref<1x1x128xi32, #tpu.memory_space<vmem>>
          %dma_wait3A_257 = tpu.memref_squeeze %dma_wait3A_256 : memref<1x1x128xi32, #tpu.memory_space<vmem>> -> memref<128xi32, #tpu.memory_space<vmem>>
          %dma_wait3A_258 = arith.constant 0 : i32
          %dma_wait3A_259 = arith.constant 0 : i32
          %dma_wait3A_260 = tpu.memref_slice %arg6[%dma_wait3A_258, %dma_wait3A_259] : memref<10112x128xf32, #tpu.memory_space<vmem_shared>> -> memref<10112x128xf32, #tpu.memory_space<vmem_shared>>
          %dma_wait3A_261 = tpu.memref_slice %arg11[%sub3A_157] : memref<2x!tpu.dma_semaphore, #tpu.memory_space<semaphore_mem>> -> memref<1x!tpu.dma_semaphore, #tpu.memory_space<semaphore_mem>>
          %dma_wait3A_262 = tpu.memref_squeeze %dma_wait3A_261 : memref<1x!tpu.dma_semaphore, #tpu.memory_space<semaphore_mem>> -> memref<!tpu.dma_semaphore, #tpu.memory_space<semaphore_mem>>
          tpu.wait_indirect_dma semaphore(%dma_wait3A_262 : memref<!tpu.dma_semaphore, #tpu.memory_space<semaphore_mem>>) src(%dma_wait3A_254 : memref<128x128xf32, #tpu.memory_space<vmem>>) dst(%dma_wait3A_260 : memref<10112x128xf32, #tpu.memory_space<vmem_shared>>)
        } else {
        }
        %add3A_229 = arith.constant 1 : i32
        %add3A_230 = arith.addi %while3A_153, %add3A_229 : i32
        %rem3A_231 = arith.constant 4 : i32
        %rem3A_232 = arith.remsi %add3A_230, %rem3A_231 : i32
        %dma_start3A_233 = arith.constant 0 : i32
        %dma_start3A_234 = arith.constant 0 : i32
        %dma_start3A_235 = arith.constant 0 : i32
        %dma_start3A_236 = tpu.memref_slice %arg8[%sub3A_157, %dma_start3A_234, %dma_start3A_235] : memref<2x128x128xf32, #tpu.memory_space<vmem>> -> memref<1x128x128xf32, #tpu.memory_space<vmem>>
        %dma_start3A_237 = tpu.memref_squeeze %dma_start3A_236 : memref<1x128x128xf32, #tpu.memory_space<vmem>> -> memref<128x128xf32, #tpu.memory_space<vmem>>
        %dma_start3A_238 = arith.constant 0 : i32
        %dma_start3A_239 = tpu.memref_slice %arg7[%rem3A_232, %dma_start3A_233, %dma_start3A_238] : memref<4x2x128xi32, #tpu.memory_space<vmem>> -> memref<1x1x128xi32, #tpu.memory_space<vmem>>
        %dma_start3A_240 = tpu.memref_squeeze %dma_start3A_239 : memref<1x1x128xi32, #tpu.memory_space<vmem>> -> memref<128xi32, #tpu.memory_space<vmem>>
        %dma_start3A_241 = arith.constant 0 : i32
        %dma_start3A_242 = arith.constant 0 : i32
        %dma_start3A_243 = tpu.memref_slice %arg2[%dma_start3A_241, %dma_start3A_242] : memref<10000x128xf32, #tpu.memory_space<hbm>> -> memref<10000x128xf32, #tpu.memory_space<hbm>>
        %dma_start3A_244 = tpu.memref_slice %arg10[%sub3A_157] : memref<2x!tpu.dma_semaphore, #tpu.memory_space<semaphore_mem>> -> memref<1x!tpu.dma_semaphore, #tpu.memory_space<semaphore_mem>>
        %dma_start3A_245 = tpu.memref_squeeze %dma_start3A_244 : memref<1x!tpu.dma_semaphore, #tpu.memory_space<semaphore_mem>> -> memref<!tpu.dma_semaphore, #tpu.memory_space<semaphore_mem>>
        tpu.enqueue_indirect_dma source(%dma_start3A_243 : memref<10000x128xf32, #tpu.memory_space<hbm>>) target(%dma_start3A_237 : memref<128x128xf32, #tpu.memory_space<vmem>>) offsets(%dma_start3A_240 : memref<128xi32, #tpu.memory_space<vmem>>) semaphore(%dma_start3A_245 : memref<!tpu.dma_semaphore, #tpu.memory_space<semaphore_mem>>)
      } else {
      }
      %add3A_164 = arith.constant 2 : i32
      %add3A_165 = arith.addi %while3A_153, %add3A_164 : i32
      %lt3A_166 = arith.cmpi slt, %add3A_165, %select_n3A_9 : i32
      %convert_element_type3A_167 = arith.extui %lt3A_166 : i1 to i32
      %cond3A_168 = arith.constant 0 : i32
      %cond3A_169 = arith.cmpi ne, %convert_element_type3A_167, %cond3A_168 : i32
      scf.if %cond3A_169 {
        %add3A_200 = arith.constant 2 : i32
        %add3A_201 = arith.addi %while3A_153, %add3A_200 : i32
        %add3A_202 = arith.constant 2 : i32
        %add3A_203 = arith.addi %while3A_153, %add3A_202 : i32
        %rem3A_204 = arith.constant 4 : i32
        %rem3A_205 = arith.remsi %add3A_203, %rem3A_204 : i32
        %add3A_206 = arith.addi %select_n3A, %add3A_201 : i32
        %dma_start3A_207 = arith.constant 0 : i32
        %dma_start3A_208 = arith.constant 0 : i32
        %dma_start3A_209 = tpu.memref_slice %arg7[%rem3A_205, %dma_start3A_207, %dma_start3A_208] : memref<4x2x128xi32, #tpu.memory_space<vmem>> -> memref<1x2x128xi32, #tpu.memory_space<vmem>>
        %dma_start3A_210 = tpu.memref_squeeze %dma_start3A_209 : memref<1x2x128xi32, #tpu.memory_space<vmem>> -> memref<2x128xi32, #tpu.memory_space<vmem>>
        %dma_start3A_211 = arith.constant 0 : i32
        %dma_start3A_212 = arith.constant 0 : i32
        %dma_start3A_213 = tpu.memref_slice %arg3[%add3A_206, %dma_start3A_211, %dma_start3A_212] : memref<2528x2x128xi32, #tpu.memory_space<hbm>> -> memref<1x2x128xi32, #tpu.memory_space<hbm>>
        %dma_start3A_214 = tpu.memref_squeeze %dma_start3A_213 : memref<1x2x128xi32, #tpu.memory_space<hbm>> -> memref<2x128xi32, #tpu.memory_space<hbm>>
        %dma_start3A_215 = tpu.memref_slice %arg9[%rem3A_205] : memref<4x!tpu.dma_semaphore, #tpu.memory_space<semaphore_mem>> -> memref<1x!tpu.dma_semaphore, #tpu.memory_space<semaphore_mem>>
        %dma_start3A_216 = tpu.memref_squeeze %dma_start3A_215 : memref<1x!tpu.dma_semaphore, #tpu.memory_space<semaphore_mem>> -> memref<!tpu.dma_semaphore, #tpu.memory_space<semaphore_mem>>
        %dma_start3A_217 = arith.constant 0 : i32
        %dma_start3A_218 = arith.constant 0 : i32
        %dma_start3A_219 = tpu.memref_slice %arg7[%rem3A_205, %dma_start3A_217, %dma_start3A_218] : memref<4x2x128xi32, #tpu.memory_space<vmem>> -> memref<1x2x128xi32, #tpu.memory_space<vmem>>
        %dma_start3A_220 = tpu.memref_squeeze %dma_start3A_219 : memref<1x2x128xi32, #tpu.memory_space<vmem>> -> memref<2x128xi32, #tpu.memory_space<vmem>>
        %dma_start3A_221 = arith.constant 0 : i32
        %dma_start3A_222 = arith.constant 0 : i32
        %dma_start3A_223 = tpu.memref_slice %arg3[%add3A_206, %dma_start3A_221, %dma_start3A_222] : memref<2528x2x128xi32, #tpu.memory_space<hbm>> -> memref<1x2x128xi32, #tpu.memory_space<hbm>>
        %dma_start3A_224 = tpu.memref_squeeze %dma_start3A_223 : memref<1x2x128xi32, #tpu.memory_space<hbm>> -> memref<2x128xi32, #tpu.memory_space<hbm>>
        tpu.enqueue_dma source(%dma_start3A_224 : memref<2x128xi32, #tpu.memory_space<hbm>>) target(%dma_start3A_220 : memref<2x128xi32, #tpu.memory_space<vmem>>) target_semaphore(%dma_start3A_216 : memref<!tpu.dma_semaphore, #tpu.memory_space<semaphore_mem>>)
      } else {
      }
      %rem3A_170 = arith.constant 4 : i32
      %rem3A_171 = arith.remsi %while3A_153, %rem3A_170 : i32
      %dma_wait3A_172 = arith.constant 0 : i32
      %dma_wait3A_173 = arith.constant 0 : i32
      %dma_wait3A_174 = arith.constant 0 : i32
      %dma_wait3A_175 = tpu.memref_slice %arg8[%rem3A_155, %dma_wait3A_173, %dma_wait3A_174] : memref<2x128x128xf32, #tpu.memory_space<vmem>> -> memref<1x128x128xf32, #tpu.memory_space<vmem>>
      %dma_wait3A_176 = tpu.memref_squeeze %dma_wait3A_175 : memref<1x128x128xf32, #tpu.memory_space<vmem>> -> memref<128x128xf32, #tpu.memory_space<vmem>>
      %dma_wait3A_177 = arith.constant 0 : i32
      %dma_wait3A_178 = tpu.memref_slice %arg7[%rem3A_171, %dma_wait3A_172, %dma_wait3A_177] : memref<4x2x128xi32, #tpu.memory_space<vmem>> -> memref<1x1x128xi32, #tpu.memory_space<vmem>>
      %dma_wait3A_179 = tpu.memref_squeeze %dma_wait3A_178 : memref<1x1x128xi32, #tpu.memory_space<vmem>> -> memref<128xi32, #tpu.memory_space<vmem>>
      %dma_wait3A_180 = arith.constant 0 : i32
      %dma_wait3A_181 = arith.constant 0 : i32
      %dma_wait3A_182 = tpu.memref_slice %arg2[%dma_wait3A_180, %dma_wait3A_181] : memref<10000x128xf32, #tpu.memory_space<hbm>> -> memref<10000x128xf32, #tpu.memory_space<hbm>>
      %dma_wait3A_183 = tpu.memref_slice %arg10[%rem3A_155] : memref<2x!tpu.dma_semaphore, #tpu.memory_space<semaphore_mem>> -> memref<1x!tpu.dma_semaphore, #tpu.memory_space<semaphore_mem>>
      %dma_wait3A_184 = tpu.memref_squeeze %dma_wait3A_183 : memref<1x!tpu.dma_semaphore, #tpu.memory_space<semaphore_mem>> -> memref<!tpu.dma_semaphore, #tpu.memory_space<semaphore_mem>>
      tpu.wait_indirect_dma semaphore(%dma_wait3A_184 : memref<!tpu.dma_semaphore, #tpu.memory_space<semaphore_mem>>) src(%dma_wait3A_182 : memref<10000x128xf32, #tpu.memory_space<hbm>>) dst(%dma_wait3A_176 : memref<128x128xf32, #tpu.memory_space<vmem>>)
      %rem3A_185 = arith.constant 4 : i32
      %rem3A_186 = arith.remsi %while3A_153, %rem3A_185 : i32
      %dma_start3A_187 = arith.constant 1 : i32
      %dma_start3A_188 = arith.constant 0 : i32
      %dma_start3A_189 = arith.constant 0 : i32
      %dma_start3A_190 = tpu.memref_slice %arg8[%rem3A_155, %dma_start3A_188, %dma_start3A_189] : memref<2x128x128xf32, #tpu.memory_space<vmem>> -> memref<1x128x128xf32, #tpu.memory_space<vmem>>
      %dma_start3A_191 = tpu.memref_squeeze %dma_start3A_190 : memref<1x128x128xf32, #tpu.memory_space<vmem>> -> memref<128x128xf32, #tpu.memory_space<vmem>>
      %dma_start3A_192 = arith.constant 0 : i32
      %dma_start3A_193 = tpu.memref_slice %arg7[%rem3A_186, %dma_start3A_187, %dma_start3A_192] : memref<4x2x128xi32, #tpu.memory_space<vmem>> -> memref<1x1x128xi32, #tpu.memory_space<vmem>>
      %dma_start3A_194 = tpu.memref_squeeze %dma_start3A_193 : memref<1x1x128xi32, #tpu.memory_space<vmem>> -> memref<128xi32, #tpu.memory_space<vmem>>
      %dma_start3A_195 = arith.constant 0 : i32
      %dma_start3A_196 = arith.constant 0 : i32
      %dma_start3A_197 = tpu.memref_slice %arg6[%dma_start3A_195, %dma_start3A_196] : memref<10112x128xf32, #tpu.memory_space<vmem_shared>> -> memref<10112x128xf32, #tpu.memory_space<vmem_shared>>
      %dma_start3A_198 = tpu.memref_slice %arg11[%rem3A_155] : memref<2x!tpu.dma_semaphore, #tpu.memory_space<semaphore_mem>> -> memref<1x!tpu.dma_semaphore, #tpu.memory_space<semaphore_mem>>
      %dma_start3A_199 = tpu.memref_squeeze %dma_start3A_198 : memref<1x!tpu.dma_semaphore, #tpu.memory_space<semaphore_mem>> -> memref<!tpu.dma_semaphore, #tpu.memory_space<semaphore_mem>>
      tpu.enqueue_indirect_dma source(%dma_start3A_191 : memref<128x128xf32, #tpu.memory_space<vmem>>) target(%dma_start3A_197 : memref<10112x128xf32, #tpu.memory_space<vmem_shared>>) offsets(%dma_start3A_194 : memref<128xi32, #tpu.memory_space<vmem>>) semaphore(%dma_start3A_199 : memref<!tpu.dma_semaphore, #tpu.memory_space<semaphore_mem>>) {add = true}
    }
    %sub3A = arith.constant 2 : i32
    %sub3A_104 = arith.subi %select_n3A_9, %sub3A : i32
    %sub3A_105 = arith.constant 2 : i32
    %sub3A_106 = arith.subi %select_n3A_9, %sub3A_105 : i32
    %rem3A_107 = arith.constant 2 : i32
    %rem3A_108 = arith.remsi %sub3A_106, %rem3A_107 : i32
    %rem3A_109 = arith.constant 4 : i32
    %rem3A_110 = arith.remsi %sub3A_104, %rem3A_109 : i32
    %dma_wait3A_111 = arith.constant 1 : i32
    %dma_wait3A_112 = arith.constant 0 : i32
    %dma_wait3A_113 = arith.constant 0 : i32
    %dma_wait3A_114 = tpu.memref_slice %arg8[%rem3A_108, %dma_wait3A_112, %dma_wait3A_113] : memref<2x128x128xf32, #tpu.memory_space<vmem>> -> memref<1x128x128xf32, #tpu.memory_space<vmem>>
    %dma_wait3A_115 = tpu.memref_squeeze %dma_wait3A_114 : memref<1x128x128xf32, #tpu.memory_space<vmem>> -> memref<128x128xf32, #tpu.memory_space<vmem>>
    %dma_wait3A_116 = arith.constant 0 : i32
    %dma_wait3A_117 = tpu.memref_slice %arg7[%rem3A_110, %dma_wait3A_111, %dma_wait3A_116] : memref<4x2x128xi32, #tpu.memory_space<vmem>> -> memref<1x1x128xi32, #tpu.memory_space<vmem>>
    %dma_wait3A_118 = tpu.memref_squeeze %dma_wait3A_117 : memref<1x1x128xi32, #tpu.memory_space<vmem>> -> memref<128xi32, #tpu.memory_space<vmem>>
    %dma_wait3A_119 = arith.constant 0 : i32
    %dma_wait3A_120 = arith.constant 0 : i32
    %dma_wait3A_121 = tpu.memref_slice %arg6[%dma_wait3A_119, %dma_wait3A_120] : memref<10112x128xf32, #tpu.memory_space<vmem_shared>> -> memref<10112x128xf32, #tpu.memory_space<vmem_shared>>
    %dma_wait3A_122 = tpu.memref_slice %arg11[%rem3A_108] : memref<2x!tpu.dma_semaphore, #tpu.memory_space<semaphore_mem>> -> memref<1x!tpu.dma_semaphore, #tpu.memory_space<semaphore_mem>>
    %dma_wait3A_123 = tpu.memref_squeeze %dma_wait3A_122 : memref<1x!tpu.dma_semaphore, #tpu.memory_space<semaphore_mem>> -> memref<!tpu.dma_semaphore, #tpu.memory_space<semaphore_mem>>
    tpu.wait_indirect_dma semaphore(%dma_wait3A_123 : memref<!tpu.dma_semaphore, #tpu.memory_space<semaphore_mem>>) src(%dma_wait3A_115 : memref<128x128xf32, #tpu.memory_space<vmem>>) dst(%dma_wait3A_121 : memref<10112x128xf32, #tpu.memory_space<vmem_shared>>)
    %sub3A_124 = arith.constant 1 : i32
    %sub3A_125 = arith.subi %select_n3A_9, %sub3A_124 : i32
    %sub3A_126 = arith.constant 1 : i32
    %sub3A_127 = arith.subi %select_n3A_9, %sub3A_126 : i32
    %rem3A_128 = arith.constant 2 : i32
    %rem3A_129 = arith.remsi %sub3A_127, %rem3A_128 : i32
    %rem3A_130 = arith.constant 4 : i32
    %rem3A_131 = arith.remsi %sub3A_125, %rem3A_130 : i32
    %dma_wait3A_132 = arith.constant 1 : i32
    %dma_wait3A_133 = arith.constant 0 : i32
    %dma_wait3A_134 = arith.constant 0 : i32
    %dma_wait3A_135 = tpu.memref_slice %arg8[%rem3A_129, %dma_wait3A_133, %dma_wait3A_134] : memref<2x128x128xf32, #tpu.memory_space<vmem>> -> memref<1x128x128xf32, #tpu.memory_space<vmem>>
    %dma_wait3A_136 = tpu.memref_squeeze %dma_wait3A_135 : memref<1x128x128xf32, #tpu.memory_space<vmem>> -> memref<128x128xf32, #tpu.memory_space<vmem>>
    %dma_wait3A_137 = arith.constant 0 : i32
    %dma_wait3A_138 = tpu.memref_slice %arg7[%rem3A_131, %dma_wait3A_132, %dma_wait3A_137] : memref<4x2x128xi32, #tpu.memory_space<vmem>> -> memref<1x1x128xi32, #tpu.memory_space<vmem>>
    %dma_wait3A_139 = tpu.memref_squeeze %dma_wait3A_138 : memref<1x1x128xi32, #tpu.memory_space<vmem>> -> memref<128xi32, #tpu.memory_space<vmem>>
    %dma_wait3A_140 = arith.constant 0 : i32
    %dma_wait3A_141 = arith.constant 0 : i32
    %dma_wait3A_142 = tpu.memref_slice %arg6[%dma_wait3A_140, %dma_wait3A_141] : memref<10112x128xf32, #tpu.memory_space<vmem_shared>> -> memref<10112x128xf32, #tpu.memory_space<vmem_shared>>
    %dma_wait3A_143 = tpu.memref_slice %arg11[%rem3A_129] : memref<2x!tpu.dma_semaphore, #tpu.memory_space<semaphore_mem>> -> memref<1x!tpu.dma_semaphore, #tpu.memory_space<semaphore_mem>>
    %dma_wait3A_144 = tpu.memref_squeeze %dma_wait3A_143 : memref<1x!tpu.dma_semaphore, #tpu.memory_space<semaphore_mem>> -> memref<!tpu.dma_semaphore, #tpu.memory_space<semaphore_mem>>
    tpu.wait_indirect_dma semaphore(%dma_wait3A_144 : memref<!tpu.dma_semaphore, #tpu.memory_space<semaphore_mem>>) src(%dma_wait3A_136 : memref<128x128xf32, #tpu.memory_space<vmem>>) dst(%dma_wait3A_142 : memref<10112x128xf32, #tpu.memory_space<vmem_shared>>)
    %barrier3A_145 = arith.constant 0 : index
    tpu.barrier barrier_id(%barrier3A_145)
    %lt3A = arith.constant 15 : i32
    %lt3A_146 = arith.cmpi slt, %arg1, %lt3A : i32
    %convert_element_type3A = arith.extui %lt3A_146 : i1 to i32
    %cond3A = arith.constant 0 : i32
    %cond3A_147 = arith.cmpi ne, %convert_element_type3A, %cond3A : i32
    scf.if %cond3A_147 {
      %mul3A_153 = arith.constant 632 : i32
      %mul3A_154 = arith.muli %arg1, %mul3A_153 : i32
      %mul3A_155 = arith.constant 632 : i32
      %mul3A_156 = arith.muli %arg1, %mul3A_155 : i32
      "tpu.region"() ({
        %run_scoped3A = tpu.sem_alloc : memref<!tpu.dma_semaphore, #tpu.memory_space<semaphore_mem>>
        %dma_start3A_157 = arith.constant 0 : i32
        %dma_start3A_158 = tpu.memref_slice %arg5[%arg0, %mul3A_156, %dma_start3A_157] : memref<2x10000x128xf32, #tpu.memory_space<hbm>> -> memref<1x632x128xf32, #tpu.memory_space<hbm>>
        %dma_start3A_159 = tpu.memref_squeeze %dma_start3A_158 : memref<1x632x128xf32, #tpu.memory_space<hbm>> -> memref<632x128xf32, #tpu.memory_space<hbm>>
        %dma_start3A_160 = arith.constant 0 : i32
        %dma_start3A_161 = tpu.memref_slice %arg6[%mul3A_154, %dma_start3A_160] : memref<10112x128xf32, #tpu.memory_space<vmem_shared>> -> memref<632x128xf32, #tpu.memory_space<vmem_shared>>
        tpu.enqueue_dma source(%dma_start3A_161 : memref<632x128xf32, #tpu.memory_space<vmem_shared>>) target(%dma_start3A_159 : memref<632x128xf32, #tpu.memory_space<hbm>>) target_semaphore(%run_scoped3A : memref<!tpu.dma_semaphore, #tpu.memory_space<semaphore_mem>>)
        %dma_wait3A_162 = arith.constant 0 : i32
        %dma_wait3A_163 = tpu.memref_slice %arg5[%arg0, %mul3A_156, %dma_wait3A_162] : memref<2x10000x128xf32, #tpu.memory_space<hbm>> -> memref<1x632x128xf32, #tpu.memory_space<hbm>>
        %dma_wait3A_164 = tpu.memref_squeeze %dma_wait3A_163 : memref<1x632x128xf32, #tpu.memory_space<hbm>> -> memref<632x128xf32, #tpu.memory_space<hbm>>
        %dma_wait3A_165 = arith.constant 0 : i32
        %dma_wait3A_166 = tpu.memref_slice %arg6[%mul3A_154, %dma_wait3A_165] : memref<10112x128xf32, #tpu.memory_space<vmem_shared>> -> memref<632x128xf32, #tpu.memory_space<vmem_shared>>
        tpu.wait_dma2 semaphore(%run_scoped3A : memref<!tpu.dma_semaphore, #tpu.memory_space<semaphore_mem>>) src(%dma_wait3A_166 : memref<632x128xf32, #tpu.memory_space<vmem_shared>>) dst(%dma_wait3A_164 : memref<632x128xf32, #tpu.memory_space<hbm>>)
        tpu.yield
      }) : () -> ()
    } else {
    }
    %eq3A_148 = arith.constant 15 : i32
    %eq3A_149 = arith.cmpi eq, %arg1, %eq3A_148 : i32
    %convert_element_type3A_150 = arith.extui %eq3A_149 : i1 to i32
    %cond3A_151 = arith.constant 0 : i32
    %cond3A_152 = arith.cmpi ne, %convert_element_type3A_150, %cond3A_151 : i32
    scf.if %cond3A_152 {
      "tpu.region"() ({
        %run_scoped3A = tpu.sem_alloc : memref<!tpu.dma_semaphore, #tpu.memory_space<semaphore_mem>>
        %dma_start3A_153 = arith.constant 9480 : i32
        %dma_start3A_154 = arith.constant 0 : i32
        %dma_start3A_155 = tpu.memref_slice %arg5[%arg0, %dma_start3A_153, %dma_start3A_154] : memref<2x10000x128xf32, #tpu.memory_space<hbm>> -> memref<1x520x128xf32, #tpu.memory_space<hbm>>
        %dma_start3A_156 = tpu.memref_squeeze %dma_start3A_155 : memref<1x520x128xf32, #tpu.memory_space<hbm>> -> memref<520x128xf32, #tpu.memory_space<hbm>>
        %dma_start3A_157 = arith.constant 9480 : i32
        %dma_start3A_158 = arith.constant 0 : i32
        %dma_start3A_159 = tpu.memref_slice %arg6[%dma_start3A_157, %dma_start3A_158] : memref<10112x128xf32, #tpu.memory_space<vmem_shared>> -> memref<520x128xf32, #tpu.memory_space<vmem_shared>>
        tpu.enqueue_dma source(%dma_start3A_159 : memref<520x128xf32, #tpu.memory_space<vmem_shared>>) target(%dma_start3A_156 : memref<520x128xf32, #tpu.memory_space<hbm>>) target_semaphore(%run_scoped3A : memref<!tpu.dma_semaphore, #tpu.memory_space<semaphore_mem>>)
        %dma_wait3A_160 = arith.constant 9480 : i32
        %dma_wait3A_161 = arith.constant 0 : i32
        %dma_wait3A_162 = tpu.memref_slice %arg5[%arg0, %dma_wait3A_160, %dma_wait3A_161] : memref<2x10000x128xf32, #tpu.memory_space<hbm>> -> memref<1x520x128xf32, #tpu.memory_space<hbm>>
        %dma_wait3A_163 = tpu.memref_squeeze %dma_wait3A_162 : memref<1x520x128xf32, #tpu.memory_space<hbm>> -> memref<520x128xf32, #tpu.memory_space<hbm>>
        %dma_wait3A_164 = arith.constant 9480 : i32
        %dma_wait3A_165 = arith.constant 0 : i32
        %dma_wait3A_166 = tpu.memref_slice %arg6[%dma_wait3A_164, %dma_wait3A_165] : memref<10112x128xf32, #tpu.memory_space<vmem_shared>> -> memref<520x128xf32, #tpu.memory_space<vmem_shared>>
        tpu.wait_dma2 semaphore(%run_scoped3A : memref<!tpu.dma_semaphore, #tpu.memory_space<semaphore_mem>>) src(%dma_wait3A_166 : memref<520x128xf32, #tpu.memory_space<vmem_shared>>) dst(%dma_wait3A_163 : memref<520x128xf32, #tpu.memory_space<hbm>>)
        tpu.yield
      }) : () -> ()
    } else {
    }
    return
  }
}

#map = affine_map<(d0, d1) -> (0, 0)>
#map1 = affine_map<(d0, d1) -> (0, 0, 0)>
module attributes {stable_mosaic.version = 14 : i64} {
  func.func @_segsum_body(%arg0: i32, %arg1: i32, %arg2: memref<10000x128xf32, #tpu.memory_space<hbm>>, %arg3: memref<2528x2x128xi32, #tpu.memory_space<hbm>>, %arg4: memref<10112x128xf32, #tpu.memory_space<hbm>>, %arg5: memref<2x10000x128xf32, #tpu.memory_space<hbm>>, %arg6: memref<10112x128xf32, #tpu.memory_space<vmem_shared>>, %arg7: memref<4x2x128xi32, #tpu.memory_space<vmem>>, %arg8: memref<2x128x128xf32, #tpu.memory_space<vmem>>, %arg9: memref<4x!tpu.dma_semaphore, #tpu.memory_space<semaphore_mem>>, %arg10: memref<2x!tpu.dma_semaphore, #tpu.memory_space<semaphore_mem>>, %arg11: memref<2x!tpu.dma_semaphore, #tpu.memory_space<semaphore_mem>>) attributes {dimension_semantics = [#tpu.dimension_semantics<core_parallel>, #tpu.dimension_semantics<subcore_parallel>], iteration_bounds = array<i64: 2, 16>, scalar_prefetch = 0 : i64, scratch_operands = 6 : i64, tpu.core_type = #tpu.core_type<sc_vector_subcore>, window_params = [{transform_indices = #map}, {transform_indices = #map1}, {transform_indices = #map}, {transform_indices = #map1}]} {
    %eq3A = arith.constant 0 : i32
    %eq3A_0 = arith.cmpi eq, %arg0, %eq3A : i32
    %mul3A = arith.constant 140 : i32
    %mul3A_1 = arith.muli %arg1, %mul3A : i32
    %mul3A_2 = arith.constant 18 : i32
    %mul3A_3 = arith.muli %arg1, %mul3A_2 : i32
    %add3A = arith.constant 2240 : i32
    %add3A_4 = arith.addi %add3A, %mul3A_3 : i32
    %select_n3A = arith.select %eq3A_0, %mul3A_1, %add3A_4 : i32
    %eq3A_5 = arith.constant 0 : i32
    %eq3A_6 = arith.cmpi eq, %arg0, %eq3A_5 : i32
    %select_n3A_7 = arith.constant 18 : i32
    %select_n3A_8 = arith.constant 140 : i32
    %select_n3A_9 = arith.select %eq3A_6, %select_n3A_8, %select_n3A_7 : i32
    %add3A_10 = arith.constant 0 : i32
    %add3A_11 = arith.addi %select_n3A, %add3A_10 : i32
    %dma_start3A = arith.constant 0 : i32
    %dma_start3A_12 = arith.constant 0 : i32
    %dma_start3A_13 = arith.constant 0 : i32
    %dma_start3A_14 = arith.constant 0 : i32
    %dma_start3A_15 = tpu.memref_slice %arg7[%dma_start3A, %dma_start3A_13, %dma_start3A_14] : memref<4x2x128xi32, #tpu.memory_space<vmem>> -> memref<1x2x128xi32, #tpu.memory_space<vmem>>
    %dma_start3A_16 = tpu.memref_squeeze %dma_start3A_15 : memref<1x2x128xi32, #tpu.memory_space<vmem>> -> memref<2x128xi32, #tpu.memory_space<vmem>>
    %dma_start3A_17 = arith.constant 0 : i32
    %dma_start3A_18 = arith.constant 0 : i32
    %dma_start3A_19 = tpu.memref_slice %arg3[%add3A_11, %dma_start3A_17, %dma_start3A_18] : memref<2528x2x128xi32, #tpu.memory_space<hbm>> -> memref<1x2x128xi32, #tpu.memory_space<hbm>>
    %dma_start3A_20 = tpu.memref_squeeze %dma_start3A_19 : memref<1x2x128xi32, #tpu.memory_space<hbm>> -> memref<2x128xi32, #tpu.memory_space<hbm>>
    %dma_start3A_21 = tpu.memref_slice %arg9[%dma_start3A_12] : memref<4x!tpu.dma_semaphore, #tpu.memory_space<semaphore_mem>> -> memref<1x!tpu.dma_semaphore, #tpu.memory_space<semaphore_mem>>
    %dma_start3A_22 = tpu.memref_squeeze %dma_start3A_21 : memref<1x!tpu.dma_semaphore, #tpu.memory_space<semaphore_mem>> -> memref<!tpu.dma_semaphore, #tpu.memory_space<semaphore_mem>>
    %dma_start3A_23 = arith.constant 0 : i32
    %dma_start3A_24 = arith.constant 0 : i32
    %dma_start3A_25 = tpu.memref_slice %arg7[%dma_start3A, %dma_start3A_23, %dma_start3A_24] : memref<4x2x128xi32, #tpu.memory_space<vmem>> -> memref<1x2x128xi32, #tpu.memory_space<vmem>>
    %dma_start3A_26 = tpu.memref_squeeze %dma_start3A_25 : memref<1x2x128xi32, #tpu.memory_space<vmem>> -> memref<2x128xi32, #tpu.memory_space<vmem>>
    %dma_start3A_27 = arith.constant 0 : i32
    %dma_start3A_28 = arith.constant 0 : i32
    %dma_start3A_29 = tpu.memref_slice %arg3[%add3A_11, %dma_start3A_27, %dma_start3A_28] : memref<2528x2x128xi32, #tpu.memory_space<hbm>> -> memref<1x2x128xi32, #tpu.memory_space<hbm>>
    %dma_start3A_30 = tpu.memref_squeeze %dma_start3A_29 : memref<1x2x128xi32, #tpu.memory_space<hbm>> -> memref<2x128xi32, #tpu.memory_space<hbm>>
    tpu.enqueue_dma source(%dma_start3A_30 : memref<2x128xi32, #tpu.memory_space<hbm>>) target(%dma_start3A_26 : memref<2x128xi32, #tpu.memory_space<vmem>>) target_semaphore(%dma_start3A_22 : memref<!tpu.dma_semaphore, #tpu.memory_space<semaphore_mem>>)
    %mul3A_31 = arith.constant 632 : i32
    %mul3A_32 = arith.muli %arg1, %mul3A_31 : i32
    %mul3A_33 = arith.constant 632 : i32
    %mul3A_34 = arith.muli %arg1, %mul3A_33 : i32
    "tpu.region"() ({
      %run_scoped3A = tpu.sem_alloc : memref<!tpu.dma_semaphore, #tpu.memory_space<semaphore_mem>>
      %dma_start3A_153 = arith.constant 0 : i32
      %dma_start3A_154 = tpu.memref_slice %arg6[%mul3A_34, %dma_start3A_153] : memref<10112x128xf32, #tpu.memory_space<vmem_shared>> -> memref<632x128xf32, #tpu.memory_space<vmem_shared>>
      %dma_start3A_155 = arith.constant 0 : i32
      %dma_start3A_156 = tpu.memref_slice %arg4[%mul3A_32, %dma_start3A_155] : memref<10112x128xf32, #tpu.memory_space<hbm>> -> memref<632x128xf32, #tpu.memory_space<hbm>>
      tpu.enqueue_dma source(%dma_start3A_156 : memref<632x128xf32, #tpu.memory_space<hbm>>) target(%dma_start3A_154 : memref<632x128xf32, #tpu.memory_space<vmem_shared>>) target_semaphore(%run_scoped3A : memref<!tpu.dma_semaphore, #tpu.memory_space<semaphore_mem>>)
      %dma_wait3A_157 = arith.constant 0 : i32
      %dma_wait3A_158 = tpu.memref_slice %arg6[%mul3A_34, %dma_wait3A_157] : memref<10112x128xf32, #tpu.memory_space<vmem_shared>> -> memref<632x128xf32, #tpu.memory_space<vmem_shared>>
      %dma_wait3A_159 = arith.constant 0 : i32
      %dma_wait3A_160 = tpu.memref_slice %arg4[%mul3A_32, %dma_wait3A_159] : memref<10112x128xf32, #tpu.memory_space<hbm>> -> memref<632x128xf32, #tpu.memory_space<hbm>>
      tpu.wait_dma2 semaphore(%run_scoped3A : memref<!tpu.dma_semaphore, #tpu.memory_space<semaphore_mem>>) src(%dma_wait3A_160 : memref<632x128xf32, #tpu.memory_space<hbm>>) dst(%dma_wait3A_158 : memref<632x128xf32, #tpu.memory_space<vmem_shared>>)
      tpu.yield
    }) : () -> ()
    %add3A_35 = arith.constant 1 : i32
    %add3A_36 = arith.addi %select_n3A, %add3A_35 : i32
    %dma_start3A_37 = arith.constant 1 : i32
    %dma_start3A_38 = arith.constant 1 : i32
    %dma_start3A_39 = arith.constant 0 : i32
    %dma_start3A_40 = arith.constant 0 : i32
    %dma_start3A_41 = tpu.memref_slice %arg7[%dma_start3A_37, %dma_start3A_39, %dma_start3A_40] : memref<4x2x128xi32, #tpu.memory_space<vmem>> -> memref<1x2x128xi32, #tpu.memory_space<vmem>>
    %dma_start3A_42 = tpu.memref_squeeze %dma_start3A_41 : memref<1x2x128xi32, #tpu.memory_space<vmem>> -> memref<2x128xi32, #tpu.memory_space<vmem>>
    %dma_start3A_43 = arith.constant 0 : i32
    %dma_start3A_44 = arith.constant 0 : i32
    %dma_start3A_45 = tpu.memref_slice %arg3[%add3A_36, %dma_start3A_43, %dma_start3A_44] : memref<2528x2x128xi32, #tpu.memory_space<hbm>> -> memref<1x2x128xi32, #tpu.memory_space<hbm>>
    %dma_start3A_46 = tpu.memref_squeeze %dma_start3A_45 : memref<1x2x128xi32, #tpu.memory_space<hbm>> -> memref<2x128xi32, #tpu.memory_space<hbm>>
    %dma_start3A_47 = tpu.memref_slice %arg9[%dma_start3A_38] : memref<4x!tpu.dma_semaphore, #tpu.memory_space<semaphore_mem>> -> memref<1x!tpu.dma_semaphore, #tpu.memory_space<semaphore_mem>>
    %dma_start3A_48 = tpu.memref_squeeze %dma_start3A_47 : memref<1x!tpu.dma_semaphore, #tpu.memory_space<semaphore_mem>> -> memref<!tpu.dma_semaphore, #tpu.memory_space<semaphore_mem>>
    %dma_start3A_49 = arith.constant 0 : i32
    %dma_start3A_50 = arith.constant 0 : i32
    %dma_start3A_51 = tpu.memref_slice %arg7[%dma_start3A_37, %dma_start3A_49, %dma_start3A_50] : memref<4x2x128xi32, #tpu.memory_space<vmem>> -> memref<1x2x128xi32, #tpu.memory_space<vmem>>
    %dma_start3A_52 = tpu.memref_squeeze %dma_start3A_51 : memref<1x2x128xi32, #tpu.memory_space<vmem>> -> memref<2x128xi32, #tpu.memory_space<vmem>>
    %dma_start3A_53 = arith.constant 0 : i32
    %dma_start3A_54 = arith.constant 0 : i32
    %dma_start3A_55 = tpu.memref_slice %arg3[%add3A_36, %dma_start3A_53, %dma_start3A_54] : memref<2528x2x128xi32, #tpu.memory_space<hbm>> -> memref<1x2x128xi32, #tpu.memory_space<hbm>>
    %dma_start3A_56 = tpu.memref_squeeze %dma_start3A_55 : memref<1x2x128xi32, #tpu.memory_space<hbm>> -> memref<2x128xi32, #tpu.memory_space<hbm>>
    tpu.enqueue_dma source(%dma_start3A_56 : memref<2x128xi32, #tpu.memory_space<hbm>>) target(%dma_start3A_52 : memref<2x128xi32, #tpu.memory_space<vmem>>) target_semaphore(%dma_start3A_48 : memref<!tpu.dma_semaphore, #tpu.memory_space<semaphore_mem>>)
    %add3A_57 = arith.constant 0 : i32
    %add3A_58 = arith.addi %select_n3A, %add3A_57 : i32
    %dma_wait3A = arith.constant 0 : i32
    %dma_wait3A_59 = arith.constant 0 : i32
    %dma_wait3A_60 = arith.constant 0 : i32
    %dma_wait3A_61 = arith.constant 0 : i32
    %dma_wait3A_62 = tpu.memref_slice %arg7[%dma_wait3A, %dma_wait3A_60, %dma_wait3A_61] : memref<4x2x128xi32, #tpu.memory_space<vmem>> -> memref<1x2x128xi32, #tpu.memory_space<vmem>>
    %dma_wait3A_63 = tpu.memref_squeeze %dma_wait3A_62 : memref<1x2x128xi32, #tpu.memory_space<vmem>> -> memref<2x128xi32, #tpu.memory_space<vmem>>
    %dma_wait3A_64 = arith.constant 0 : i32
    %dma_wait3A_65 = arith.constant 0 : i32
    %dma_wait3A_66 = tpu.memref_slice %arg3[%add3A_58, %dma_wait3A_64, %dma_wait3A_65] : memref<2528x2x128xi32, #tpu.memory_space<hbm>> -> memref<1x2x128xi32, #tpu.memory_space<hbm>>
    %dma_wait3A_67 = tpu.memref_squeeze %dma_wait3A_66 : memref<1x2x128xi32, #tpu.memory_space<hbm>> -> memref<2x128xi32, #tpu.memory_space<hbm>>
    %dma_wait3A_68 = tpu.memref_slice %arg9[%dma_wait3A_59] : memref<4x!tpu.dma_semaphore, #tpu.memory_space<semaphore_mem>> -> memref<1x!tpu.dma_semaphore, #tpu.memory_space<semaphore_mem>>
    %dma_wait3A_69 = tpu.memref_squeeze %dma_wait3A_68 : memref<1x!tpu.dma_semaphore, #tpu.memory_space<semaphore_mem>> -> memref<!tpu.dma_semaphore, #tpu.memory_space<semaphore_mem>>
    %dma_wait3A_70 = arith.constant 0 : i32
    %dma_wait3A_71 = arith.constant 0 : i32
    %dma_wait3A_72 = tpu.memref_slice %arg7[%dma_wait3A, %dma_wait3A_70, %dma_wait3A_71] : memref<4x2x128xi32, #tpu.memory_space<vmem>> -> memref<1x2x128xi32, #tpu.memory_space<vmem>>
    %dma_wait3A_73 = tpu.memref_squeeze %dma_wait3A_72 : memref<1x2x128xi32, #tpu.memory_space<vmem>> -> memref<2x128xi32, #tpu.memory_space<vmem>>
    %dma_wait3A_74 = arith.constant 0 : i32
    %dma_wait3A_75 = arith.constant 0 : i32
    %dma_wait3A_76 = tpu.memref_slice %arg3[%add3A_58, %dma_wait3A_74, %dma_wait3A_75] : memref<2528x2x128xi32, #tpu.memory_space<hbm>> -> memref<1x2x128xi32, #tpu.memory_space<hbm>>
    %dma_wait3A_77 = tpu.memref_squeeze %dma_wait3A_76 : memref<1x2x128xi32, #tpu.memory_space<hbm>> -> memref<2x128xi32, #tpu.memory_space<hbm>>
    tpu.wait_dma2 semaphore(%dma_wait3A_69 : memref<!tpu.dma_semaphore, #tpu.memory_space<semaphore_mem>>) src(%dma_wait3A_77 : memref<2x128xi32, #tpu.memory_space<hbm>>) dst(%dma_wait3A_73 : memref<2x128xi32, #tpu.memory_space<vmem>>)
    %rem3A = arith.constant 0 : i32
    %rem3A_78 = arith.constant 4 : i32
    %rem3A_79 = arith.remsi %rem3A, %rem3A_78 : i32
    %dma_start3A_80 = arith.constant 0 : i32
    %dma_start3A_81 = arith.constant 0 : i32
    %dma_start3A_82 = arith.constant 0 : i32
    %dma_start3A_83 = arith.constant 0 : i32
    %dma_start3A_84 = arith.constant 0 : i32
    %dma_start3A_85 = tpu.memref_slice %arg8[%dma_start3A_81, %dma_start3A_83, %dma_start3A_84] : memref<2x128x128xf32, #tpu.memory_space<vmem>> -> memref<1x128x128xf32, #tpu.memory_space<vmem>>
    %dma_start3A_86 = tpu.memref_squeeze %dma_start3A_85 : memref<1x128x128xf32, #tpu.memory_space<vmem>> -> memref<128x128xf32, #tpu.memory_space<vmem>>
    %dma_start3A_87 = arith.constant 0 : i32
    %dma_start3A_88 = tpu.memref_slice %arg7[%rem3A_79, %dma_start3A_80, %dma_start3A_87] : memref<4x2x128xi32, #tpu.memory_space<vmem>> -> memref<1x1x128xi32, #tpu.memory_space<vmem>>
    %dma_start3A_89 = tpu.memref_squeeze %dma_start3A_88 : memref<1x1x128xi32, #tpu.memory_space<vmem>> -> memref<128xi32, #tpu.memory_space<vmem>>
    %dma_start3A_90 = arith.constant 0 : i32
    %dma_start3A_91 = arith.constant 0 : i32
    %dma_start3A_92 = tpu.memref_slice %arg2[%dma_start3A_90, %dma_start3A_91] : memref<10000x128xf32, #tpu.memory_space<hbm>> -> memref<10000x128xf32, #tpu.memory_space<hbm>>
    %dma_start3A_93 = tpu.memref_slice %arg10[%dma_start3A_82] : memref<2x!tpu.dma_semaphore, #tpu.memory_space<semaphore_mem>> -> memref<1x!tpu.dma_semaphore, #tpu.memory_space<semaphore_mem>>
    %dma_start3A_94 = tpu.memref_squeeze %dma_start3A_93 : memref<1x!tpu.dma_semaphore, #tpu.memory_space<semaphore_mem>> -> memref<!tpu.dma_semaphore, #tpu.memory_space<semaphore_mem>>
    tpu.enqueue_indirect_dma source(%dma_start3A_92 : memref<10000x128xf32, #tpu.memory_space<hbm>>) target(%dma_start3A_86 : memref<128x128xf32, #tpu.memory_space<vmem>>) offsets(%dma_start3A_89 : memref<128xi32, #tpu.memory_space<vmem>>) semaphore(%dma_start3A_94 : memref<!tpu.dma_semaphore, #tpu.memory_space<semaphore_mem>>)
    %barrier3A = arith.constant 0 : index
    tpu.barrier barrier_id(%barrier3A)
    %while3A = arith.constant 0 : i32
    %while3A_95 = arith.constant 0 : i32
    %while3A_96 = arith.subi %select_n3A_9, %while3A_95 : i32
    %while3A_97 = arith.addi %while3A_95, %while3A_96 : i32
    %while3A_98 = arith.constant 1 : i32
    %while3A_99 = arith.divsi %while3A_96, %while3A_98 : i32
    %while3A_100 = arith.muli %while3A_99, %while3A_98 : i32
    %while3A_101 = arith.addi %while3A_95, %while3A_100 : i32
    %while3A_102 = arith.constant 1 : i32
    scf.for %while3A_153 = %while3A_95 to %while3A_101 step %while3A_102  : i32 {
      %rem3A_154 = arith.constant 2 : i32
      %rem3A_155 = arith.remsi %while3A_153, %rem3A_154 : i32
      %sub3A_156 = arith.constant 1 : i32
      %sub3A_157 = arith.subi %sub3A_156, %rem3A_155 : i32
      %add3A_158 = arith.constant 1 : i32
      %add3A_159 = arith.addi %while3A_153, %add3A_158 : i32
      %lt3A_160 = arith.cmpi slt, %add3A_159, %select_n3A_9 : i32
      %convert_element_type3A_161 = arith.extui %lt3A_160 : i1 to i32
      %cond3A_162 = arith.constant 0 : i32
      %cond3A_163 = arith.cmpi ne, %convert_element_type3A_161, %cond3A_162 : i32
      scf.if %cond3A_163 {
        %add3A_200 = arith.constant 1 : i32
        %add3A_201 = arith.addi %while3A_153, %add3A_200 : i32
        %add3A_202 = arith.constant 1 : i32
        %add3A_203 = arith.addi %while3A_153, %add3A_202 : i32
        %rem3A_204 = arith.constant 4 : i32
        %rem3A_205 = arith.remsi %add3A_203, %rem3A_204 : i32
        %add3A_206 = arith.addi %select_n3A, %add3A_201 : i32
        %dma_wait3A_207 = arith.constant 0 : i32
        %dma_wait3A_208 = arith.constant 0 : i32
        %dma_wait3A_209 = tpu.memref_slice %arg7[%rem3A_205, %dma_wait3A_207, %dma_wait3A_208] : memref<4x2x128xi32, #tpu.memory_space<vmem>> -> memref<1x2x128xi32, #tpu.memory_space<vmem>>
        %dma_wait3A_210 = tpu.memref_squeeze %dma_wait3A_209 : memref<1x2x128xi32, #tpu.memory_space<vmem>> -> memref<2x128xi32, #tpu.memory_space<vmem>>
        %dma_wait3A_211 = arith.constant 0 : i32
        %dma_wait3A_212 = arith.constant 0 : i32
        %dma_wait3A_213 = tpu.memref_slice %arg3[%add3A_206, %dma_wait3A_211, %dma_wait3A_212] : memref<2528x2x128xi32, #tpu.memory_space<hbm>> -> memref<1x2x128xi32, #tpu.memory_space<hbm>>
        %dma_wait3A_214 = tpu.memref_squeeze %dma_wait3A_213 : memref<1x2x128xi32, #tpu.memory_space<hbm>> -> memref<2x128xi32, #tpu.memory_space<hbm>>
        %dma_wait3A_215 = tpu.memref_slice %arg9[%rem3A_205] : memref<4x!tpu.dma_semaphore, #tpu.memory_space<semaphore_mem>> -> memref<1x!tpu.dma_semaphore, #tpu.memory_space<semaphore_mem>>
        %dma_wait3A_216 = tpu.memref_squeeze %dma_wait3A_215 : memref<1x!tpu.dma_semaphore, #tpu.memory_space<semaphore_mem>> -> memref<!tpu.dma_semaphore, #tpu.memory_space<semaphore_mem>>
        %dma_wait3A_217 = arith.constant 0 : i32
        %dma_wait3A_218 = arith.constant 0 : i32
        %dma_wait3A_219 = tpu.memref_slice %arg7[%rem3A_205, %dma_wait3A_217, %dma_wait3A_218] : memref<4x2x128xi32, #tpu.memory_space<vmem>> -> memref<1x2x128xi32, #tpu.memory_space<vmem>>
        %dma_wait3A_220 = tpu.memref_squeeze %dma_wait3A_219 : memref<1x2x128xi32, #tpu.memory_space<vmem>> -> memref<2x128xi32, #tpu.memory_space<vmem>>
        %dma_wait3A_221 = arith.constant 0 : i32
        %dma_wait3A_222 = arith.constant 0 : i32
        %dma_wait3A_223 = tpu.memref_slice %arg3[%add3A_206, %dma_wait3A_221, %dma_wait3A_222] : memref<2528x2x128xi32, #tpu.memory_space<hbm>> -> memref<1x2x128xi32, #tpu.memory_space<hbm>>
        %dma_wait3A_224 = tpu.memref_squeeze %dma_wait3A_223 : memref<1x2x128xi32, #tpu.memory_space<hbm>> -> memref<2x128xi32, #tpu.memory_space<hbm>>
        tpu.wait_dma2 semaphore(%dma_wait3A_216 : memref<!tpu.dma_semaphore, #tpu.memory_space<semaphore_mem>>) src(%dma_wait3A_224 : memref<2x128xi32, #tpu.memory_space<hbm>>) dst(%dma_wait3A_220 : memref<2x128xi32, #tpu.memory_space<vmem>>)
        %ge3A = arith.constant 1 : i32
        %ge3A_225 = arith.cmpi sge, %while3A_153, %ge3A : i32
        %convert_element_type3A_226 = arith.extui %ge3A_225 : i1 to i32
        %cond3A_227 = arith.constant 0 : i32
        %cond3A_228 = arith.cmpi ne, %convert_element_type3A_226, %cond3A_227 : i32
        scf.if %cond3A_228 {
          %sub3A_246 = arith.constant 1 : i32
          %sub3A_247 = arith.subi %while3A_153, %sub3A_246 : i32
          %rem3A_248 = arith.constant 4 : i32
          %rem3A_249 = arith.remsi %sub3A_247, %rem3A_248 : i32
          %dma_wait3A_250 = arith.constant 1 : i32
          %dma_wait3A_251 = arith.constant 0 : i32
          %dma_wait3A_252 = arith.constant 0 : i32
          %dma_wait3A_253 = tpu.memref_slice %arg8[%sub3A_157, %dma_wait3A_251, %dma_wait3A_252] : memref<2x128x128xf32, #tpu.memory_space<vmem>> -> memref<1x128x128xf32, #tpu.memory_space<vmem>>
          %dma_wait3A_254 = tpu.memref_squeeze %dma_wait3A_253 : memref<1x128x128xf32, #tpu.memory_space<vmem>> -> memref<128x128xf32, #tpu.memory_space<vmem>>
          %dma_wait3A_255 = arith.constant 0 : i32
          %dma_wait3A_256 = tpu.memref_slice %arg7[%rem3A_249, %dma_wait3A_250, %dma_wait3A_255] : memref<4x2x128xi32, #tpu.memory_space<vmem>> -> memref<1x1x128xi32, #tpu.memory_space<vmem>>
          %dma_wait3A_257 = tpu.memref_squeeze %dma_wait3A_256 : memref<1x1x128xi32, #tpu.memory_space<vmem>> -> memref<128xi32, #tpu.memory_space<vmem>>
          %dma_wait3A_258 = arith.constant 0 : i32
          %dma_wait3A_259 = arith.constant 0 : i32
          %dma_wait3A_260 = tpu.memref_slice %arg6[%dma_wait3A_258, %dma_wait3A_259] : memref<10112x128xf32, #tpu.memory_space<vmem_shared>> -> memref<10112x128xf32, #tpu.memory_space<vmem_shared>>
          %dma_wait3A_261 = tpu.memref_slice %arg11[%sub3A_157] : memref<2x!tpu.dma_semaphore, #tpu.memory_space<semaphore_mem>> -> memref<1x!tpu.dma_semaphore, #tpu.memory_space<semaphore_mem>>
          %dma_wait3A_262 = tpu.memref_squeeze %dma_wait3A_261 : memref<1x!tpu.dma_semaphore, #tpu.memory_space<semaphore_mem>> -> memref<!tpu.dma_semaphore, #tpu.memory_space<semaphore_mem>>
          tpu.wait_indirect_dma semaphore(%dma_wait3A_262 : memref<!tpu.dma_semaphore, #tpu.memory_space<semaphore_mem>>) src(%dma_wait3A_254 : memref<128x128xf32, #tpu.memory_space<vmem>>) dst(%dma_wait3A_260 : memref<10112x128xf32, #tpu.memory_space<vmem_shared>>)
        } else {
        }
        %add3A_229 = arith.constant 1 : i32
        %add3A_230 = arith.addi %while3A_153, %add3A_229 : i32
        %rem3A_231 = arith.constant 4 : i32
        %rem3A_232 = arith.remsi %add3A_230, %rem3A_231 : i32
        %dma_start3A_233 = arith.constant 0 : i32
        %dma_start3A_234 = arith.constant 0 : i32
        %dma_start3A_235 = arith.constant 0 : i32
        %dma_start3A_236 = tpu.memref_slice %arg8[%sub3A_157, %dma_start3A_234, %dma_start3A_235] : memref<2x128x128xf32, #tpu.memory_space<vmem>> -> memref<1x128x128xf32, #tpu.memory_space<vmem>>
        %dma_start3A_237 = tpu.memref_squeeze %dma_start3A_236 : memref<1x128x128xf32, #tpu.memory_space<vmem>> -> memref<128x128xf32, #tpu.memory_space<vmem>>
        %dma_start3A_238 = arith.constant 0 : i32
        %dma_start3A_239 = tpu.memref_slice %arg7[%rem3A_232, %dma_start3A_233, %dma_start3A_238] : memref<4x2x128xi32, #tpu.memory_space<vmem>> -> memref<1x1x128xi32, #tpu.memory_space<vmem>>
        %dma_start3A_240 = tpu.memref_squeeze %dma_start3A_239 : memref<1x1x128xi32, #tpu.memory_space<vmem>> -> memref<128xi32, #tpu.memory_space<vmem>>
        %dma_start3A_241 = arith.constant 0 : i32
        %dma_start3A_242 = arith.constant 0 : i32
        %dma_start3A_243 = tpu.memref_slice %arg2[%dma_start3A_241, %dma_start3A_242] : memref<10000x128xf32, #tpu.memory_space<hbm>> -> memref<10000x128xf32, #tpu.memory_space<hbm>>
        %dma_start3A_244 = tpu.memref_slice %arg10[%sub3A_157] : memref<2x!tpu.dma_semaphore, #tpu.memory_space<semaphore_mem>> -> memref<1x!tpu.dma_semaphore, #tpu.memory_space<semaphore_mem>>
        %dma_start3A_245 = tpu.memref_squeeze %dma_start3A_244 : memref<1x!tpu.dma_semaphore, #tpu.memory_space<semaphore_mem>> -> memref<!tpu.dma_semaphore, #tpu.memory_space<semaphore_mem>>
        tpu.enqueue_indirect_dma source(%dma_start3A_243 : memref<10000x128xf32, #tpu.memory_space<hbm>>) target(%dma_start3A_237 : memref<128x128xf32, #tpu.memory_space<vmem>>) offsets(%dma_start3A_240 : memref<128xi32, #tpu.memory_space<vmem>>) semaphore(%dma_start3A_245 : memref<!tpu.dma_semaphore, #tpu.memory_space<semaphore_mem>>)
      } else {
      }
      %add3A_164 = arith.constant 2 : i32
      %add3A_165 = arith.addi %while3A_153, %add3A_164 : i32
      %lt3A_166 = arith.cmpi slt, %add3A_165, %select_n3A_9 : i32
      %convert_element_type3A_167 = arith.extui %lt3A_166 : i1 to i32
      %cond3A_168 = arith.constant 0 : i32
      %cond3A_169 = arith.cmpi ne, %convert_element_type3A_167, %cond3A_168 : i32
      scf.if %cond3A_169 {
        %add3A_200 = arith.constant 2 : i32
        %add3A_201 = arith.addi %while3A_153, %add3A_200 : i32
        %add3A_202 = arith.constant 2 : i32
        %add3A_203 = arith.addi %while3A_153, %add3A_202 : i32
        %rem3A_204 = arith.constant 4 : i32
        %rem3A_205 = arith.remsi %add3A_203, %rem3A_204 : i32
        %add3A_206 = arith.addi %select_n3A, %add3A_201 : i32
        %dma_start3A_207 = arith.constant 0 : i32
        %dma_start3A_208 = arith.constant 0 : i32
        %dma_start3A_209 = tpu.memref_slice %arg7[%rem3A_205, %dma_start3A_207, %dma_start3A_208] : memref<4x2x128xi32, #tpu.memory_space<vmem>> -> memref<1x2x128xi32, #tpu.memory_space<vmem>>
        %dma_start3A_210 = tpu.memref_squeeze %dma_start3A_209 : memref<1x2x128xi32, #tpu.memory_space<vmem>> -> memref<2x128xi32, #tpu.memory_space<vmem>>
        %dma_start3A_211 = arith.constant 0 : i32
        %dma_start3A_212 = arith.constant 0 : i32
        %dma_start3A_213 = tpu.memref_slice %arg3[%add3A_206, %dma_start3A_211, %dma_start3A_212] : memref<2528x2x128xi32, #tpu.memory_space<hbm>> -> memref<1x2x128xi32, #tpu.memory_space<hbm>>
        %dma_start3A_214 = tpu.memref_squeeze %dma_start3A_213 : memref<1x2x128xi32, #tpu.memory_space<hbm>> -> memref<2x128xi32, #tpu.memory_space<hbm>>
        %dma_start3A_215 = tpu.memref_slice %arg9[%rem3A_205] : memref<4x!tpu.dma_semaphore, #tpu.memory_space<semaphore_mem>> -> memref<1x!tpu.dma_semaphore, #tpu.memory_space<semaphore_mem>>
        %dma_start3A_216 = tpu.memref_squeeze %dma_start3A_215 : memref<1x!tpu.dma_semaphore, #tpu.memory_space<semaphore_mem>> -> memref<!tpu.dma_semaphore, #tpu.memory_space<semaphore_mem>>
        %dma_start3A_217 = arith.constant 0 : i32
        %dma_start3A_218 = arith.constant 0 : i32
        %dma_start3A_219 = tpu.memref_slice %arg7[%rem3A_205, %dma_start3A_217, %dma_start3A_218] : memref<4x2x128xi32, #tpu.memory_space<vmem>> -> memref<1x2x128xi32, #tpu.memory_space<vmem>>
        %dma_start3A_220 = tpu.memref_squeeze %dma_start3A_219 : memref<1x2x128xi32, #tpu.memory_space<vmem>> -> memref<2x128xi32, #tpu.memory_space<vmem>>
        %dma_start3A_221 = arith.constant 0 : i32
        %dma_start3A_222 = arith.constant 0 : i32
        %dma_start3A_223 = tpu.memref_slice %arg3[%add3A_206, %dma_start3A_221, %dma_start3A_222] : memref<2528x2x128xi32, #tpu.memory_space<hbm>> -> memref<1x2x128xi32, #tpu.memory_space<hbm>>
        %dma_start3A_224 = tpu.memref_squeeze %dma_start3A_223 : memref<1x2x128xi32, #tpu.memory_space<hbm>> -> memref<2x128xi32, #tpu.memory_space<hbm>>
        tpu.enqueue_dma source(%dma_start3A_224 : memref<2x128xi32, #tpu.memory_space<hbm>>) target(%dma_start3A_220 : memref<2x128xi32, #tpu.memory_space<vmem>>) target_semaphore(%dma_start3A_216 : memref<!tpu.dma_semaphore, #tpu.memory_space<semaphore_mem>>)
      } else {
      }
      %rem3A_170 = arith.constant 4 : i32
      %rem3A_171 = arith.remsi %while3A_153, %rem3A_170 : i32
      %dma_wait3A_172 = arith.constant 0 : i32
      %dma_wait3A_173 = arith.constant 0 : i32
      %dma_wait3A_174 = arith.constant 0 : i32
      %dma_wait3A_175 = tpu.memref_slice %arg8[%rem3A_155, %dma_wait3A_173, %dma_wait3A_174] : memref<2x128x128xf32, #tpu.memory_space<vmem>> -> memref<1x128x128xf32, #tpu.memory_space<vmem>>
      %dma_wait3A_176 = tpu.memref_squeeze %dma_wait3A_175 : memref<1x128x128xf32, #tpu.memory_space<vmem>> -> memref<128x128xf32, #tpu.memory_space<vmem>>
      %dma_wait3A_177 = arith.constant 0 : i32
      %dma_wait3A_178 = tpu.memref_slice %arg7[%rem3A_171, %dma_wait3A_172, %dma_wait3A_177] : memref<4x2x128xi32, #tpu.memory_space<vmem>> -> memref<1x1x128xi32, #tpu.memory_space<vmem>>
      %dma_wait3A_179 = tpu.memref_squeeze %dma_wait3A_178 : memref<1x1x128xi32, #tpu.memory_space<vmem>> -> memref<128xi32, #tpu.memory_space<vmem>>
      %dma_wait3A_180 = arith.constant 0 : i32
      %dma_wait3A_181 = arith.constant 0 : i32
      %dma_wait3A_182 = tpu.memref_slice %arg2[%dma_wait3A_180, %dma_wait3A_181] : memref<10000x128xf32, #tpu.memory_space<hbm>> -> memref<10000x128xf32, #tpu.memory_space<hbm>>
      %dma_wait3A_183 = tpu.memref_slice %arg10[%rem3A_155] : memref<2x!tpu.dma_semaphore, #tpu.memory_space<semaphore_mem>> -> memref<1x!tpu.dma_semaphore, #tpu.memory_space<semaphore_mem>>
      %dma_wait3A_184 = tpu.memref_squeeze %dma_wait3A_183 : memref<1x!tpu.dma_semaphore, #tpu.memory_space<semaphore_mem>> -> memref<!tpu.dma_semaphore, #tpu.memory_space<semaphore_mem>>
      tpu.wait_indirect_dma semaphore(%dma_wait3A_184 : memref<!tpu.dma_semaphore, #tpu.memory_space<semaphore_mem>>) src(%dma_wait3A_182 : memref<10000x128xf32, #tpu.memory_space<hbm>>) dst(%dma_wait3A_176 : memref<128x128xf32, #tpu.memory_space<vmem>>)
      %rem3A_185 = arith.constant 4 : i32
      %rem3A_186 = arith.remsi %while3A_153, %rem3A_185 : i32
      %dma_start3A_187 = arith.constant 1 : i32
      %dma_start3A_188 = arith.constant 0 : i32
      %dma_start3A_189 = arith.constant 0 : i32
      %dma_start3A_190 = tpu.memref_slice %arg8[%rem3A_155, %dma_start3A_188, %dma_start3A_189] : memref<2x128x128xf32, #tpu.memory_space<vmem>> -> memref<1x128x128xf32, #tpu.memory_space<vmem>>
      %dma_start3A_191 = tpu.memref_squeeze %dma_start3A_190 : memref<1x128x128xf32, #tpu.memory_space<vmem>> -> memref<128x128xf32, #tpu.memory_space<vmem>>
      %dma_start3A_192 = arith.constant 0 : i32
      %dma_start3A_193 = tpu.memref_slice %arg7[%rem3A_186, %dma_start3A_187, %dma_start3A_192] : memref<4x2x128xi32, #tpu.memory_space<vmem>> -> memref<1x1x128xi32, #tpu.memory_space<vmem>>
      %dma_start3A_194 = tpu.memref_squeeze %dma_start3A_193 : memref<1x1x128xi32, #tpu.memory_space<vmem>> -> memref<128xi32, #tpu.memory_space<vmem>>
      %dma_start3A_195 = arith.constant 0 : i32
      %dma_start3A_196 = arith.constant 0 : i32
      %dma_start3A_197 = tpu.memref_slice %arg6[%dma_start3A_195, %dma_start3A_196] : memref<10112x128xf32, #tpu.memory_space<vmem_shared>> -> memref<10112x128xf32, #tpu.memory_space<vmem_shared>>
      %dma_start3A_198 = tpu.memref_slice %arg11[%rem3A_155] : memref<2x!tpu.dma_semaphore, #tpu.memory_space<semaphore_mem>> -> memref<1x!tpu.dma_semaphore, #tpu.memory_space<semaphore_mem>>
      %dma_start3A_199 = tpu.memref_squeeze %dma_start3A_198 : memref<1x!tpu.dma_semaphore, #tpu.memory_space<semaphore_mem>> -> memref<!tpu.dma_semaphore, #tpu.memory_space<semaphore_mem>>
      tpu.enqueue_indirect_dma source(%dma_start3A_191 : memref<128x128xf32, #tpu.memory_space<vmem>>) target(%dma_start3A_197 : memref<10112x128xf32, #tpu.memory_space<vmem_shared>>) offsets(%dma_start3A_194 : memref<128xi32, #tpu.memory_space<vmem>>) semaphore(%dma_start3A_199 : memref<!tpu.dma_semaphore, #tpu.memory_space<semaphore_mem>>) {add = true}
    }
    %while3A_103 = arith.constant 1 : i32
    scf.for %while3A_153 = %while3A_101 to %while3A_97 step %while3A_103  : i32 {
      %rem3A_154 = arith.constant 2 : i32
      %rem3A_155 = arith.remsi %while3A_153, %rem3A_154 : i32
      %sub3A_156 = arith.constant 1 : i32
      %sub3A_157 = arith.subi %sub3A_156, %rem3A_155 : i32
      %add3A_158 = arith.constant 1 : i32
      %add3A_159 = arith.addi %while3A_153, %add3A_158 : i32
      %lt3A_160 = arith.cmpi slt, %add3A_159, %select_n3A_9 : i32
      %convert_element_type3A_161 = arith.extui %lt3A_160 : i1 to i32
      %cond3A_162 = arith.constant 0 : i32
      %cond3A_163 = arith.cmpi ne, %convert_element_type3A_161, %cond3A_162 : i32
      scf.if %cond3A_163 {
        %add3A_200 = arith.constant 1 : i32
        %add3A_201 = arith.addi %while3A_153, %add3A_200 : i32
        %add3A_202 = arith.constant 1 : i32
        %add3A_203 = arith.addi %while3A_153, %add3A_202 : i32
        %rem3A_204 = arith.constant 4 : i32
        %rem3A_205 = arith.remsi %add3A_203, %rem3A_204 : i32
        %add3A_206 = arith.addi %select_n3A, %add3A_201 : i32
        %dma_wait3A_207 = arith.constant 0 : i32
        %dma_wait3A_208 = arith.constant 0 : i32
        %dma_wait3A_209 = tpu.memref_slice %arg7[%rem3A_205, %dma_wait3A_207, %dma_wait3A_208] : memref<4x2x128xi32, #tpu.memory_space<vmem>> -> memref<1x2x128xi32, #tpu.memory_space<vmem>>
        %dma_wait3A_210 = tpu.memref_squeeze %dma_wait3A_209 : memref<1x2x128xi32, #tpu.memory_space<vmem>> -> memref<2x128xi32, #tpu.memory_space<vmem>>
        %dma_wait3A_211 = arith.constant 0 : i32
        %dma_wait3A_212 = arith.constant 0 : i32
        %dma_wait3A_213 = tpu.memref_slice %arg3[%add3A_206, %dma_wait3A_211, %dma_wait3A_212] : memref<2528x2x128xi32, #tpu.memory_space<hbm>> -> memref<1x2x128xi32, #tpu.memory_space<hbm>>
        %dma_wait3A_214 = tpu.memref_squeeze %dma_wait3A_213 : memref<1x2x128xi32, #tpu.memory_space<hbm>> -> memref<2x128xi32, #tpu.memory_space<hbm>>
        %dma_wait3A_215 = tpu.memref_slice %arg9[%rem3A_205] : memref<4x!tpu.dma_semaphore, #tpu.memory_space<semaphore_mem>> -> memref<1x!tpu.dma_semaphore, #tpu.memory_space<semaphore_mem>>
        %dma_wait3A_216 = tpu.memref_squeeze %dma_wait3A_215 : memref<1x!tpu.dma_semaphore, #tpu.memory_space<semaphore_mem>> -> memref<!tpu.dma_semaphore, #tpu.memory_space<semaphore_mem>>
        %dma_wait3A_217 = arith.constant 0 : i32
        %dma_wait3A_218 = arith.constant 0 : i32
        %dma_wait3A_219 = tpu.memref_slice %arg7[%rem3A_205, %dma_wait3A_217, %dma_wait3A_218] : memref<4x2x128xi32, #tpu.memory_space<vmem>> -> memref<1x2x128xi32, #tpu.memory_space<vmem>>
        %dma_wait3A_220 = tpu.memref_squeeze %dma_wait3A_219 : memref<1x2x128xi32, #tpu.memory_space<vmem>> -> memref<2x128xi32, #tpu.memory_space<vmem>>
        %dma_wait3A_221 = arith.constant 0 : i32
        %dma_wait3A_222 = arith.constant 0 : i32
        %dma_wait3A_223 = tpu.memref_slice %arg3[%add3A_206, %dma_wait3A_221, %dma_wait3A_222] : memref<2528x2x128xi32, #tpu.memory_space<hbm>> -> memref<1x2x128xi32, #tpu.memory_space<hbm>>
        %dma_wait3A_224 = tpu.memref_squeeze %dma_wait3A_223 : memref<1x2x128xi32, #tpu.memory_space<hbm>> -> memref<2x128xi32, #tpu.memory_space<hbm>>
        tpu.wait_dma2 semaphore(%dma_wait3A_216 : memref<!tpu.dma_semaphore, #tpu.memory_space<semaphore_mem>>) src(%dma_wait3A_224 : memref<2x128xi32, #tpu.memory_space<hbm>>) dst(%dma_wait3A_220 : memref<2x128xi32, #tpu.memory_space<vmem>>)
        %ge3A = arith.constant 1 : i32
        %ge3A_225 = arith.cmpi sge, %while3A_153, %ge3A : i32
        %convert_element_type3A_226 = arith.extui %ge3A_225 : i1 to i32
        %cond3A_227 = arith.constant 0 : i32
        %cond3A_228 = arith.cmpi ne, %convert_element_type3A_226, %cond3A_227 : i32
        scf.if %cond3A_228 {
          %sub3A_246 = arith.constant 1 : i32
          %sub3A_247 = arith.subi %while3A_153, %sub3A_246 : i32
          %rem3A_248 = arith.constant 4 : i32
          %rem3A_249 = arith.remsi %sub3A_247, %rem3A_248 : i32
          %dma_wait3A_250 = arith.constant 1 : i32
          %dma_wait3A_251 = arith.constant 0 : i32
          %dma_wait3A_252 = arith.constant 0 : i32
          %dma_wait3A_253 = tpu.memref_slice %arg8[%sub3A_157, %dma_wait3A_251, %dma_wait3A_252] : memref<2x128x128xf32, #tpu.memory_space<vmem>> -> memref<1x128x128xf32, #tpu.memory_space<vmem>>
          %dma_wait3A_254 = tpu.memref_squeeze %dma_wait3A_253 : memref<1x128x128xf32, #tpu.memory_space<vmem>> -> memref<128x128xf32, #tpu.memory_space<vmem>>
          %dma_wait3A_255 = arith.constant 0 : i32
          %dma_wait3A_256 = tpu.memref_slice %arg7[%rem3A_249, %dma_wait3A_250, %dma_wait3A_255] : memref<4x2x128xi32, #tpu.memory_space<vmem>> -> memref<1x1x128xi32, #tpu.memory_space<vmem>>
          %dma_wait3A_257 = tpu.memref_squeeze %dma_wait3A_256 : memref<1x1x128xi32, #tpu.memory_space<vmem>> -> memref<128xi32, #tpu.memory_space<vmem>>
          %dma_wait3A_258 = arith.constant 0 : i32
          %dma_wait3A_259 = arith.constant 0 : i32
          %dma_wait3A_260 = tpu.memref_slice %arg6[%dma_wait3A_258, %dma_wait3A_259] : memref<10112x128xf32, #tpu.memory_space<vmem_shared>> -> memref<10112x128xf32, #tpu.memory_space<vmem_shared>>
          %dma_wait3A_261 = tpu.memref_slice %arg11[%sub3A_157] : memref<2x!tpu.dma_semaphore, #tpu.memory_space<semaphore_mem>> -> memref<1x!tpu.dma_semaphore, #tpu.memory_space<semaphore_mem>>
          %dma_wait3A_262 = tpu.memref_squeeze %dma_wait3A_261 : memref<1x!tpu.dma_semaphore, #tpu.memory_space<semaphore_mem>> -> memref<!tpu.dma_semaphore, #tpu.memory_space<semaphore_mem>>
          tpu.wait_indirect_dma semaphore(%dma_wait3A_262 : memref<!tpu.dma_semaphore, #tpu.memory_space<semaphore_mem>>) src(%dma_wait3A_254 : memref<128x128xf32, #tpu.memory_space<vmem>>) dst(%dma_wait3A_260 : memref<10112x128xf32, #tpu.memory_space<vmem_shared>>)
        } else {
        }
        %add3A_229 = arith.constant 1 : i32
        %add3A_230 = arith.addi %while3A_153, %add3A_229 : i32
        %rem3A_231 = arith.constant 4 : i32
        %rem3A_232 = arith.remsi %add3A_230, %rem3A_231 : i32
        %dma_start3A_233 = arith.constant 0 : i32
        %dma_start3A_234 = arith.constant 0 : i32
        %dma_start3A_235 = arith.constant 0 : i32
        %dma_start3A_236 = tpu.memref_slice %arg8[%sub3A_157, %dma_start3A_234, %dma_start3A_235] : memref<2x128x128xf32, #tpu.memory_space<vmem>> -> memref<1x128x128xf32, #tpu.memory_space<vmem>>
        %dma_start3A_237 = tpu.memref_squeeze %dma_start3A_236 : memref<1x128x128xf32, #tpu.memory_space<vmem>> -> memref<128x128xf32, #tpu.memory_space<vmem>>
        %dma_start3A_238 = arith.constant 0 : i32
        %dma_start3A_239 = tpu.memref_slice %arg7[%rem3A_232, %dma_start3A_233, %dma_start3A_238] : memref<4x2x128xi32, #tpu.memory_space<vmem>> -> memref<1x1x128xi32, #tpu.memory_space<vmem>>
        %dma_start3A_240 = tpu.memref_squeeze %dma_start3A_239 : memref<1x1x128xi32, #tpu.memory_space<vmem>> -> memref<128xi32, #tpu.memory_space<vmem>>
        %dma_start3A_241 = arith.constant 0 : i32
        %dma_start3A_242 = arith.constant 0 : i32
        %dma_start3A_243 = tpu.memref_slice %arg2[%dma_start3A_241, %dma_start3A_242] : memref<10000x128xf32, #tpu.memory_space<hbm>> -> memref<10000x128xf32, #tpu.memory_space<hbm>>
        %dma_start3A_244 = tpu.memref_slice %arg10[%sub3A_157] : memref<2x!tpu.dma_semaphore, #tpu.memory_space<semaphore_mem>> -> memref<1x!tpu.dma_semaphore, #tpu.memory_space<semaphore_mem>>
        %dma_start3A_245 = tpu.memref_squeeze %dma_start3A_244 : memref<1x!tpu.dma_semaphore, #tpu.memory_space<semaphore_mem>> -> memref<!tpu.dma_semaphore, #tpu.memory_space<semaphore_mem>>
        tpu.enqueue_indirect_dma source(%dma_start3A_243 : memref<10000x128xf32, #tpu.memory_space<hbm>>) target(%dma_start3A_237 : memref<128x128xf32, #tpu.memory_space<vmem>>) offsets(%dma_start3A_240 : memref<128xi32, #tpu.memory_space<vmem>>) semaphore(%dma_start3A_245 : memref<!tpu.dma_semaphore, #tpu.memory_space<semaphore_mem>>)
      } else {
      }
      %add3A_164 = arith.constant 2 : i32
      %add3A_165 = arith.addi %while3A_153, %add3A_164 : i32
      %lt3A_166 = arith.cmpi slt, %add3A_165, %select_n3A_9 : i32
      %convert_element_type3A_167 = arith.extui %lt3A_166 : i1 to i32
      %cond3A_168 = arith.constant 0 : i32
      %cond3A_169 = arith.cmpi ne, %convert_element_type3A_167, %cond3A_168 : i32
      scf.if %cond3A_169 {
        %add3A_200 = arith.constant 2 : i32
        %add3A_201 = arith.addi %while3A_153, %add3A_200 : i32
        %add3A_202 = arith.constant 2 : i32
        %add3A_203 = arith.addi %while3A_153, %add3A_202 : i32
        %rem3A_204 = arith.constant 4 : i32
        %rem3A_205 = arith.remsi %add3A_203, %rem3A_204 : i32
        %add3A_206 = arith.addi %select_n3A, %add3A_201 : i32
        %dma_start3A_207 = arith.constant 0 : i32
        %dma_start3A_208 = arith.constant 0 : i32
        %dma_start3A_209 = tpu.memref_slice %arg7[%rem3A_205, %dma_start3A_207, %dma_start3A_208] : memref<4x2x128xi32, #tpu.memory_space<vmem>> -> memref<1x2x128xi32, #tpu.memory_space<vmem>>
        %dma_start3A_210 = tpu.memref_squeeze %dma_start3A_209 : memref<1x2x128xi32, #tpu.memory_space<vmem>> -> memref<2x128xi32, #tpu.memory_space<vmem>>
        %dma_start3A_211 = arith.constant 0 : i32
        %dma_start3A_212 = arith.constant 0 : i32
        %dma_start3A_213 = tpu.memref_slice %arg3[%add3A_206, %dma_start3A_211, %dma_start3A_212] : memref<2528x2x128xi32, #tpu.memory_space<hbm>> -> memref<1x2x128xi32, #tpu.memory_space<hbm>>
        %dma_start3A_214 = tpu.memref_squeeze %dma_start3A_213 : memref<1x2x128xi32, #tpu.memory_space<hbm>> -> memref<2x128xi32, #tpu.memory_space<hbm>>
        %dma_start3A_215 = tpu.memref_slice %arg9[%rem3A_205] : memref<4x!tpu.dma_semaphore, #tpu.memory_space<semaphore_mem>> -> memref<1x!tpu.dma_semaphore, #tpu.memory_space<semaphore_mem>>
        %dma_start3A_216 = tpu.memref_squeeze %dma_start3A_215 : memref<1x!tpu.dma_semaphore, #tpu.memory_space<semaphore_mem>> -> memref<!tpu.dma_semaphore, #tpu.memory_space<semaphore_mem>>
        %dma_start3A_217 = arith.constant 0 : i32
        %dma_start3A_218 = arith.constant 0 : i32
        %dma_start3A_219 = tpu.memref_slice %arg7[%rem3A_205, %dma_start3A_217, %dma_start3A_218] : memref<4x2x128xi32, #tpu.memory_space<vmem>> -> memref<1x2x128xi32, #tpu.memory_space<vmem>>
        %dma_start3A_220 = tpu.memref_squeeze %dma_start3A_219 : memref<1x2x128xi32, #tpu.memory_space<vmem>> -> memref<2x128xi32, #tpu.memory_space<vmem>>
        %dma_start3A_221 = arith.constant 0 : i32
        %dma_start3A_222 = arith.constant 0 : i32
        %dma_start3A_223 = tpu.memref_slice %arg3[%add3A_206, %dma_start3A_221, %dma_start3A_222] : memref<2528x2x128xi32, #tpu.memory_space<hbm>> -> memref<1x2x128xi32, #tpu.memory_space<hbm>>
        %dma_start3A_224 = tpu.memref_squeeze %dma_start3A_223 : memref<1x2x128xi32, #tpu.memory_space<hbm>> -> memref<2x128xi32, #tpu.memory_space<hbm>>
        tpu.enqueue_dma source(%dma_start3A_224 : memref<2x128xi32, #tpu.memory_space<hbm>>) target(%dma_start3A_220 : memref<2x128xi32, #tpu.memory_space<vmem>>) target_semaphore(%dma_start3A_216 : memref<!tpu.dma_semaphore, #tpu.memory_space<semaphore_mem>>)
      } else {
      }
      %rem3A_170 = arith.constant 4 : i32
      %rem3A_171 = arith.remsi %while3A_153, %rem3A_170 : i32
      %dma_wait3A_172 = arith.constant 0 : i32
      %dma_wait3A_173 = arith.constant 0 : i32
      %dma_wait3A_174 = arith.constant 0 : i32
      %dma_wait3A_175 = tpu.memref_slice %arg8[%rem3A_155, %dma_wait3A_173, %dma_wait3A_174] : memref<2x128x128xf32, #tpu.memory_space<vmem>> -> memref<1x128x128xf32, #tpu.memory_space<vmem>>
      %dma_wait3A_176 = tpu.memref_squeeze %dma_wait3A_175 : memref<1x128x128xf32, #tpu.memory_space<vmem>> -> memref<128x128xf32, #tpu.memory_space<vmem>>
      %dma_wait3A_177 = arith.constant 0 : i32
      %dma_wait3A_178 = tpu.memref_slice %arg7[%rem3A_171, %dma_wait3A_172, %dma_wait3A_177] : memref<4x2x128xi32, #tpu.memory_space<vmem>> -> memref<1x1x128xi32, #tpu.memory_space<vmem>>
      %dma_wait3A_179 = tpu.memref_squeeze %dma_wait3A_178 : memref<1x1x128xi32, #tpu.memory_space<vmem>> -> memref<128xi32, #tpu.memory_space<vmem>>
      %dma_wait3A_180 = arith.constant 0 : i32
      %dma_wait3A_181 = arith.constant 0 : i32
      %dma_wait3A_182 = tpu.memref_slice %arg2[%dma_wait3A_180, %dma_wait3A_181] : memref<10000x128xf32, #tpu.memory_space<hbm>> -> memref<10000x128xf32, #tpu.memory_space<hbm>>
      %dma_wait3A_183 = tpu.memref_slice %arg10[%rem3A_155] : memref<2x!tpu.dma_semaphore, #tpu.memory_space<semaphore_mem>> -> memref<1x!tpu.dma_semaphore, #tpu.memory_space<semaphore_mem>>
      %dma_wait3A_184 = tpu.memref_squeeze %dma_wait3A_183 : memref<1x!tpu.dma_semaphore, #tpu.memory_space<semaphore_mem>> -> memref<!tpu.dma_semaphore, #tpu.memory_space<semaphore_mem>>
      tpu.wait_indirect_dma semaphore(%dma_wait3A_184 : memref<!tpu.dma_semaphore, #tpu.memory_space<semaphore_mem>>) src(%dma_wait3A_182 : memref<10000x128xf32, #tpu.memory_space<hbm>>) dst(%dma_wait3A_176 : memref<128x128xf32, #tpu.memory_space<vmem>>)
      %rem3A_185 = arith.constant 4 : i32
      %rem3A_186 = arith.remsi %while3A_153, %rem3A_185 : i32
      %dma_start3A_187 = arith.constant 1 : i32
      %dma_start3A_188 = arith.constant 0 : i32
      %dma_start3A_189 = arith.constant 0 : i32
      %dma_start3A_190 = tpu.memref_slice %arg8[%rem3A_155, %dma_start3A_188, %dma_start3A_189] : memref<2x128x128xf32, #tpu.memory_space<vmem>> -> memref<1x128x128xf32, #tpu.memory_space<vmem>>
      %dma_start3A_191 = tpu.memref_squeeze %dma_start3A_190 : memref<1x128x128xf32, #tpu.memory_space<vmem>> -> memref<128x128xf32, #tpu.memory_space<vmem>>
      %dma_start3A_192 = arith.constant 0 : i32
      %dma_start3A_193 = tpu.memref_slice %arg7[%rem3A_186, %dma_start3A_187, %dma_start3A_192] : memref<4x2x128xi32, #tpu.memory_space<vmem>> -> memref<1x1x128xi32, #tpu.memory_space<vmem>>
      %dma_start3A_194 = tpu.memref_squeeze %dma_start3A_193 : memref<1x1x128xi32, #tpu.memory_space<vmem>> -> memref<128xi32, #tpu.memory_space<vmem>>
      %dma_start3A_195 = arith.constant 0 : i32
      %dma_start3A_196 = arith.constant 0 : i32
      %dma_start3A_197 = tpu.memref_slice %arg6[%dma_start3A_195, %dma_start3A_196] : memref<10112x128xf32, #tpu.memory_space<vmem_shared>> -> memref<10112x128xf32, #tpu.memory_space<vmem_shared>>
      %dma_start3A_198 = tpu.memref_slice %arg11[%rem3A_155] : memref<2x!tpu.dma_semaphore, #tpu.memory_space<semaphore_mem>> -> memref<1x!tpu.dma_semaphore, #tpu.memory_space<semaphore_mem>>
      %dma_start3A_199 = tpu.memref_squeeze %dma_start3A_198 : memref<1x!tpu.dma_semaphore, #tpu.memory_space<semaphore_mem>> -> memref<!tpu.dma_semaphore, #tpu.memory_space<semaphore_mem>>
      tpu.enqueue_indirect_dma source(%dma_start3A_191 : memref<128x128xf32, #tpu.memory_space<vmem>>) target(%dma_start3A_197 : memref<10112x128xf32, #tpu.memory_space<vmem_shared>>) offsets(%dma_start3A_194 : memref<128xi32, #tpu.memory_space<vmem>>) semaphore(%dma_start3A_199 : memref<!tpu.dma_semaphore, #tpu.memory_space<semaphore_mem>>) {add = true}
    }
    %sub3A = arith.constant 2 : i32
    %sub3A_104 = arith.subi %select_n3A_9, %sub3A : i32
    %sub3A_105 = arith.constant 2 : i32
    %sub3A_106 = arith.subi %select_n3A_9, %sub3A_105 : i32
    %rem3A_107 = arith.constant 2 : i32
    %rem3A_108 = arith.remsi %sub3A_106, %rem3A_107 : i32
    %rem3A_109 = arith.constant 4 : i32
    %rem3A_110 = arith.remsi %sub3A_104, %rem3A_109 : i32
    %dma_wait3A_111 = arith.constant 1 : i32
    %dma_wait3A_112 = arith.constant 0 : i32
    %dma_wait3A_113 = arith.constant 0 : i32
    %dma_wait3A_114 = tpu.memref_slice %arg8[%rem3A_108, %dma_wait3A_112, %dma_wait3A_113] : memref<2x128x128xf32, #tpu.memory_space<vmem>> -> memref<1x128x128xf32, #tpu.memory_space<vmem>>
    %dma_wait3A_115 = tpu.memref_squeeze %dma_wait3A_114 : memref<1x128x128xf32, #tpu.memory_space<vmem>> -> memref<128x128xf32, #tpu.memory_space<vmem>>
    %dma_wait3A_116 = arith.constant 0 : i32
    %dma_wait3A_117 = tpu.memref_slice %arg7[%rem3A_110, %dma_wait3A_111, %dma_wait3A_116] : memref<4x2x128xi32, #tpu.memory_space<vmem>> -> memref<1x1x128xi32, #tpu.memory_space<vmem>>
    %dma_wait3A_118 = tpu.memref_squeeze %dma_wait3A_117 : memref<1x1x128xi32, #tpu.memory_space<vmem>> -> memref<128xi32, #tpu.memory_space<vmem>>
    %dma_wait3A_119 = arith.constant 0 : i32
    %dma_wait3A_120 = arith.constant 0 : i32
    %dma_wait3A_121 = tpu.memref_slice %arg6[%dma_wait3A_119, %dma_wait3A_120] : memref<10112x128xf32, #tpu.memory_space<vmem_shared>> -> memref<10112x128xf32, #tpu.memory_space<vmem_shared>>
    %dma_wait3A_122 = tpu.memref_slice %arg11[%rem3A_108] : memref<2x!tpu.dma_semaphore, #tpu.memory_space<semaphore_mem>> -> memref<1x!tpu.dma_semaphore, #tpu.memory_space<semaphore_mem>>
    %dma_wait3A_123 = tpu.memref_squeeze %dma_wait3A_122 : memref<1x!tpu.dma_semaphore, #tpu.memory_space<semaphore_mem>> -> memref<!tpu.dma_semaphore, #tpu.memory_space<semaphore_mem>>
    tpu.wait_indirect_dma semaphore(%dma_wait3A_123 : memref<!tpu.dma_semaphore, #tpu.memory_space<semaphore_mem>>) src(%dma_wait3A_115 : memref<128x128xf32, #tpu.memory_space<vmem>>) dst(%dma_wait3A_121 : memref<10112x128xf32, #tpu.memory_space<vmem_shared>>)
    %sub3A_124 = arith.constant 1 : i32
    %sub3A_125 = arith.subi %select_n3A_9, %sub3A_124 : i32
    %sub3A_126 = arith.constant 1 : i32
    %sub3A_127 = arith.subi %select_n3A_9, %sub3A_126 : i32
    %rem3A_128 = arith.constant 2 : i32
    %rem3A_129 = arith.remsi %sub3A_127, %rem3A_128 : i32
    %rem3A_130 = arith.constant 4 : i32
    %rem3A_131 = arith.remsi %sub3A_125, %rem3A_130 : i32
    %dma_wait3A_132 = arith.constant 1 : i32
    %dma_wait3A_133 = arith.constant 0 : i32
    %dma_wait3A_134 = arith.constant 0 : i32
    %dma_wait3A_135 = tpu.memref_slice %arg8[%rem3A_129, %dma_wait3A_133, %dma_wait3A_134] : memref<2x128x128xf32, #tpu.memory_space<vmem>> -> memref<1x128x128xf32, #tpu.memory_space<vmem>>
    %dma_wait3A_136 = tpu.memref_squeeze %dma_wait3A_135 : memref<1x128x128xf32, #tpu.memory_space<vmem>> -> memref<128x128xf32, #tpu.memory_space<vmem>>
    %dma_wait3A_137 = arith.constant 0 : i32
    %dma_wait3A_138 = tpu.memref_slice %arg7[%rem3A_131, %dma_wait3A_132, %dma_wait3A_137] : memref<4x2x128xi32, #tpu.memory_space<vmem>> -> memref<1x1x128xi32, #tpu.memory_space<vmem>>
    %dma_wait3A_139 = tpu.memref_squeeze %dma_wait3A_138 : memref<1x1x128xi32, #tpu.memory_space<vmem>> -> memref<128xi32, #tpu.memory_space<vmem>>
    %dma_wait3A_140 = arith.constant 0 : i32
    %dma_wait3A_141 = arith.constant 0 : i32
    %dma_wait3A_142 = tpu.memref_slice %arg6[%dma_wait3A_140, %dma_wait3A_141] : memref<10112x128xf32, #tpu.memory_space<vmem_shared>> -> memref<10112x128xf32, #tpu.memory_space<vmem_shared>>
    %dma_wait3A_143 = tpu.memref_slice %arg11[%rem3A_129] : memref<2x!tpu.dma_semaphore, #tpu.memory_space<semaphore_mem>> -> memref<1x!tpu.dma_semaphore, #tpu.memory_space<semaphore_mem>>
    %dma_wait3A_144 = tpu.memref_squeeze %dma_wait3A_143 : memref<1x!tpu.dma_semaphore, #tpu.memory_space<semaphore_mem>> -> memref<!tpu.dma_semaphore, #tpu.memory_space<semaphore_mem>>
    tpu.wait_indirect_dma semaphore(%dma_wait3A_144 : memref<!tpu.dma_semaphore, #tpu.memory_space<semaphore_mem>>) src(%dma_wait3A_136 : memref<128x128xf32, #tpu.memory_space<vmem>>) dst(%dma_wait3A_142 : memref<10112x128xf32, #tpu.memory_space<vmem_shared>>)
    %barrier3A_145 = arith.constant 0 : index
    tpu.barrier barrier_id(%barrier3A_145)
    %lt3A = arith.constant 15 : i32
    %lt3A_146 = arith.cmpi slt, %arg1, %lt3A : i32
    %convert_element_type3A = arith.extui %lt3A_146 : i1 to i32
    %cond3A = arith.constant 0 : i32
    %cond3A_147 = arith.cmpi ne, %convert_element_type3A, %cond3A : i32
    scf.if %cond3A_147 {
      %mul3A_153 = arith.constant 632 : i32
      %mul3A_154 = arith.muli %arg1, %mul3A_153 : i32
      %mul3A_155 = arith.constant 632 : i32
      %mul3A_156 = arith.muli %arg1, %mul3A_155 : i32
      "tpu.region"() ({
        %run_scoped3A = tpu.sem_alloc : memref<!tpu.dma_semaphore, #tpu.memory_space<semaphore_mem>>
        %dma_start3A_157 = arith.constant 0 : i32
        %dma_start3A_158 = tpu.memref_slice %arg5[%arg0, %mul3A_156, %dma_start3A_157] : memref<2x10000x128xf32, #tpu.memory_space<hbm>> -> memref<1x632x128xf32, #tpu.memory_space<hbm>>
        %dma_start3A_159 = tpu.memref_squeeze %dma_start3A_158 : memref<1x632x128xf32, #tpu.memory_space<hbm>> -> memref<632x128xf32, #tpu.memory_space<hbm>>
        %dma_start3A_160 = arith.constant 0 : i32
        %dma_start3A_161 = tpu.memref_slice %arg6[%mul3A_154, %dma_start3A_160] : memref<10112x128xf32, #tpu.memory_space<vmem_shared>> -> memref<632x128xf32, #tpu.memory_space<vmem_shared>>
        tpu.enqueue_dma source(%dma_start3A_161 : memref<632x128xf32, #tpu.memory_space<vmem_shared>>) target(%dma_start3A_159 : memref<632x128xf32, #tpu.memory_space<hbm>>) target_semaphore(%run_scoped3A : memref<!tpu.dma_semaphore, #tpu.memory_space<semaphore_mem>>)
        %dma_wait3A_162 = arith.constant 0 : i32
        %dma_wait3A_163 = tpu.memref_slice %arg5[%arg0, %mul3A_156, %dma_wait3A_162] : memref<2x10000x128xf32, #tpu.memory_space<hbm>> -> memref<1x632x128xf32, #tpu.memory_space<hbm>>
        %dma_wait3A_164 = tpu.memref_squeeze %dma_wait3A_163 : memref<1x632x128xf32, #tpu.memory_space<hbm>> -> memref<632x128xf32, #tpu.memory_space<hbm>>
        %dma_wait3A_165 = arith.constant 0 : i32
        %dma_wait3A_166 = tpu.memref_slice %arg6[%mul3A_154, %dma_wait3A_165] : memref<10112x128xf32, #tpu.memory_space<vmem_shared>> -> memref<632x128xf32, #tpu.memory_space<vmem_shared>>
        tpu.wait_dma2 semaphore(%run_scoped3A : memref<!tpu.dma_semaphore, #tpu.memory_space<semaphore_mem>>) src(%dma_wait3A_166 : memref<632x128xf32, #tpu.memory_space<vmem_shared>>) dst(%dma_wait3A_164 : memref<632x128xf32, #tpu.memory_space<hbm>>)
        tpu.yield
      }) : () -> ()
    } else {
    }
    %eq3A_148 = arith.constant 15 : i32
    %eq3A_149 = arith.cmpi eq, %arg1, %eq3A_148 : i32
    %convert_element_type3A_150 = arith.extui %eq3A_149 : i1 to i32
    %cond3A_151 = arith.constant 0 : i32
    %cond3A_152 = arith.cmpi ne, %convert_element_type3A_150, %cond3A_151 : i32
    scf.if %cond3A_152 {
      "tpu.region"() ({
        %run_scoped3A = tpu.sem_alloc : memref<!tpu.dma_semaphore, #tpu.memory_space<semaphore_mem>>
        %dma_start3A_153 = arith.constant 9480 : i32
        %dma_start3A_154 = arith.constant 0 : i32
        %dma_start3A_155 = tpu.memref_slice %arg5[%arg0, %dma_start3A_153, %dma_start3A_154] : memref<2x10000x128xf32, #tpu.memory_space<hbm>> -> memref<1x520x128xf32, #tpu.memory_space<hbm>>
        %dma_start3A_156 = tpu.memref_squeeze %dma_start3A_155 : memref<1x520x128xf32, #tpu.memory_space<hbm>> -> memref<520x128xf32, #tpu.memory_space<hbm>>
        %dma_start3A_157 = arith.constant 9480 : i32
        %dma_start3A_158 = arith.constant 0 : i32
        %dma_start3A_159 = tpu.memref_slice %arg6[%dma_start3A_157, %dma_start3A_158] : memref<10112x128xf32, #tpu.memory_space<vmem_shared>> -> memref<520x128xf32, #tpu.memory_space<vmem_shared>>
        tpu.enqueue_dma source(%dma_start3A_159 : memref<520x128xf32, #tpu.memory_space<vmem_shared>>) target(%dma_start3A_156 : memref<520x128xf32, #tpu.memory_space<hbm>>) target_semaphore(%run_scoped3A : memref<!tpu.dma_semaphore, #tpu.memory_space<semaphore_mem>>)
        %dma_wait3A_160 = arith.constant 9480 : i32
        %dma_wait3A_161 = arith.constant 0 : i32
        %dma_wait3A_162 = tpu.memref_slice %arg5[%arg0, %dma_wait3A_160, %dma_wait3A_161] : memref<2x10000x128xf32, #tpu.memory_space<hbm>> -> memref<1x520x128xf32, #tpu.memory_space<hbm>>
        %dma_wait3A_163 = tpu.memref_squeeze %dma_wait3A_162 : memref<1x520x128xf32, #tpu.memory_space<hbm>> -> memref<520x128xf32, #tpu.memory_space<hbm>>
        %dma_wait3A_164 = arith.constant 9480 : i32
        %dma_wait3A_165 = arith.constant 0 : i32
        %dma_wait3A_166 = tpu.memref_slice %arg6[%dma_wait3A_164, %dma_wait3A_165] : memref<10112x128xf32, #tpu.memory_space<vmem_shared>> -> memref<520x128xf32, #tpu.memory_space<vmem_shared>>
        tpu.wait_dma2 semaphore(%run_scoped3A : memref<!tpu.dma_semaphore, #tpu.memory_space<semaphore_mem>>) src(%dma_wait3A_166 : memref<520x128xf32, #tpu.memory_space<vmem_shared>>) dst(%dma_wait3A_163 : memref<520x128xf32, #tpu.memory_space<hbm>>)
        tpu.yield
      }) : () -> ()
    } else {
    }
    return
  }
}

#map = affine_map<(d0, d1) -> (0, 0)>
#map1 = affine_map<(d0, d1) -> (0, 0, 0)>
module attributes {stable_mosaic.version = 14 : i64} {
  func.func @_segsum_body(%arg0: i32, %arg1: i32, %arg2: memref<10000x128xf32, #tpu.memory_space<hbm>>, %arg3: memref<2528x2x128xi32, #tpu.memory_space<hbm>>, %arg4: memref<10112x128xf32, #tpu.memory_space<hbm>>, %arg5: memref<2x10000x128xf32, #tpu.memory_space<hbm>>, %arg6: memref<10112x128xf32, #tpu.memory_space<vmem_shared>>, %arg7: memref<4x2x128xi32, #tpu.memory_space<vmem>>, %arg8: memref<2x128x128xf32, #tpu.memory_space<vmem>>, %arg9: memref<4x!tpu.dma_semaphore, #tpu.memory_space<semaphore_mem>>, %arg10: memref<2x!tpu.dma_semaphore, #tpu.memory_space<semaphore_mem>>, %arg11: memref<2x!tpu.dma_semaphore, #tpu.memory_space<semaphore_mem>>) attributes {dimension_semantics = [#tpu.dimension_semantics<core_parallel>, #tpu.dimension_semantics<subcore_parallel>], iteration_bounds = array<i64: 2, 16>, scalar_prefetch = 0 : i64, scratch_operands = 6 : i64, tpu.core_type = #tpu.core_type<sc_vector_subcore>, window_params = [{transform_indices = #map}, {transform_indices = #map1}, {transform_indices = #map}, {transform_indices = #map1}]} {
    %eq3A = arith.constant 0 : i32
    %eq3A_0 = arith.cmpi eq, %arg0, %eq3A : i32
    %mul3A = arith.constant 140 : i32
    %mul3A_1 = arith.muli %arg1, %mul3A : i32
    %mul3A_2 = arith.constant 18 : i32
    %mul3A_3 = arith.muli %arg1, %mul3A_2 : i32
    %add3A = arith.constant 2240 : i32
    %add3A_4 = arith.addi %add3A, %mul3A_3 : i32
    %select_n3A = arith.select %eq3A_0, %mul3A_1, %add3A_4 : i32
    %eq3A_5 = arith.constant 0 : i32
    %eq3A_6 = arith.cmpi eq, %arg0, %eq3A_5 : i32
    %select_n3A_7 = arith.constant 18 : i32
    %select_n3A_8 = arith.constant 140 : i32
    %select_n3A_9 = arith.select %eq3A_6, %select_n3A_8, %select_n3A_7 : i32
    %add3A_10 = arith.constant 0 : i32
    %add3A_11 = arith.addi %select_n3A, %add3A_10 : i32
    %dma_start3A = arith.constant 0 : i32
    %dma_start3A_12 = arith.constant 0 : i32
    %dma_start3A_13 = arith.constant 0 : i32
    %dma_start3A_14 = arith.constant 0 : i32
    %dma_start3A_15 = tpu.memref_slice %arg7[%dma_start3A, %dma_start3A_13, %dma_start3A_14] : memref<4x2x128xi32, #tpu.memory_space<vmem>> -> memref<1x2x128xi32, #tpu.memory_space<vmem>>
    %dma_start3A_16 = tpu.memref_squeeze %dma_start3A_15 : memref<1x2x128xi32, #tpu.memory_space<vmem>> -> memref<2x128xi32, #tpu.memory_space<vmem>>
    %dma_start3A_17 = arith.constant 0 : i32
    %dma_start3A_18 = arith.constant 0 : i32
    %dma_start3A_19 = tpu.memref_slice %arg3[%add3A_11, %dma_start3A_17, %dma_start3A_18] : memref<2528x2x128xi32, #tpu.memory_space<hbm>> -> memref<1x2x128xi32, #tpu.memory_space<hbm>>
    %dma_start3A_20 = tpu.memref_squeeze %dma_start3A_19 : memref<1x2x128xi32, #tpu.memory_space<hbm>> -> memref<2x128xi32, #tpu.memory_space<hbm>>
    %dma_start3A_21 = tpu.memref_slice %arg9[%dma_start3A_12] : memref<4x!tpu.dma_semaphore, #tpu.memory_space<semaphore_mem>> -> memref<1x!tpu.dma_semaphore, #tpu.memory_space<semaphore_mem>>
    %dma_start3A_22 = tpu.memref_squeeze %dma_start3A_21 : memref<1x!tpu.dma_semaphore, #tpu.memory_space<semaphore_mem>> -> memref<!tpu.dma_semaphore, #tpu.memory_space<semaphore_mem>>
    %dma_start3A_23 = arith.constant 0 : i32
    %dma_start3A_24 = arith.constant 0 : i32
    %dma_start3A_25 = tpu.memref_slice %arg7[%dma_start3A, %dma_start3A_23, %dma_start3A_24] : memref<4x2x128xi32, #tpu.memory_space<vmem>> -> memref<1x2x128xi32, #tpu.memory_space<vmem>>
    %dma_start3A_26 = tpu.memref_squeeze %dma_start3A_25 : memref<1x2x128xi32, #tpu.memory_space<vmem>> -> memref<2x128xi32, #tpu.memory_space<vmem>>
    %dma_start3A_27 = arith.constant 0 : i32
    %dma_start3A_28 = arith.constant 0 : i32
    %dma_start3A_29 = tpu.memref_slice %arg3[%add3A_11, %dma_start3A_27, %dma_start3A_28] : memref<2528x2x128xi32, #tpu.memory_space<hbm>> -> memref<1x2x128xi32, #tpu.memory_space<hbm>>
    %dma_start3A_30 = tpu.memref_squeeze %dma_start3A_29 : memref<1x2x128xi32, #tpu.memory_space<hbm>> -> memref<2x128xi32, #tpu.memory_space<hbm>>
    tpu.enqueue_dma source(%dma_start3A_30 : memref<2x128xi32, #tpu.memory_space<hbm>>) target(%dma_start3A_26 : memref<2x128xi32, #tpu.memory_space<vmem>>) target_semaphore(%dma_start3A_22 : memref<!tpu.dma_semaphore, #tpu.memory_space<semaphore_mem>>)
    %mul3A_31 = arith.constant 632 : i32
    %mul3A_32 = arith.muli %arg1, %mul3A_31 : i32
    %mul3A_33 = arith.constant 632 : i32
    %mul3A_34 = arith.muli %arg1, %mul3A_33 : i32
    "tpu.region"() ({
      %run_scoped3A = tpu.sem_alloc : memref<!tpu.dma_semaphore, #tpu.memory_space<semaphore_mem>>
      %dma_start3A_153 = arith.constant 0 : i32
      %dma_start3A_154 = tpu.memref_slice %arg6[%mul3A_34, %dma_start3A_153] : memref<10112x128xf32, #tpu.memory_space<vmem_shared>> -> memref<632x128xf32, #tpu.memory_space<vmem_shared>>
      %dma_start3A_155 = arith.constant 0 : i32
      %dma_start3A_156 = tpu.memref_slice %arg4[%mul3A_32, %dma_start3A_155] : memref<10112x128xf32, #tpu.memory_space<hbm>> -> memref<632x128xf32, #tpu.memory_space<hbm>>
      tpu.enqueue_dma source(%dma_start3A_156 : memref<632x128xf32, #tpu.memory_space<hbm>>) target(%dma_start3A_154 : memref<632x128xf32, #tpu.memory_space<vmem_shared>>) target_semaphore(%run_scoped3A : memref<!tpu.dma_semaphore, #tpu.memory_space<semaphore_mem>>)
      %dma_wait3A_157 = arith.constant 0 : i32
      %dma_wait3A_158 = tpu.memref_slice %arg6[%mul3A_34, %dma_wait3A_157] : memref<10112x128xf32, #tpu.memory_space<vmem_shared>> -> memref<632x128xf32, #tpu.memory_space<vmem_shared>>
      %dma_wait3A_159 = arith.constant 0 : i32
      %dma_wait3A_160 = tpu.memref_slice %arg4[%mul3A_32, %dma_wait3A_159] : memref<10112x128xf32, #tpu.memory_space<hbm>> -> memref<632x128xf32, #tpu.memory_space<hbm>>
      tpu.wait_dma2 semaphore(%run_scoped3A : memref<!tpu.dma_semaphore, #tpu.memory_space<semaphore_mem>>) src(%dma_wait3A_160 : memref<632x128xf32, #tpu.memory_space<hbm>>) dst(%dma_wait3A_158 : memref<632x128xf32, #tpu.memory_space<vmem_shared>>)
      tpu.yield
    }) : () -> ()
    %add3A_35 = arith.constant 1 : i32
    %add3A_36 = arith.addi %select_n3A, %add3A_35 : i32
    %dma_start3A_37 = arith.constant 1 : i32
    %dma_start3A_38 = arith.constant 1 : i32
    %dma_start3A_39 = arith.constant 0 : i32
    %dma_start3A_40 = arith.constant 0 : i32
    %dma_start3A_41 = tpu.memref_slice %arg7[%dma_start3A_37, %dma_start3A_39, %dma_start3A_40] : memref<4x2x128xi32, #tpu.memory_space<vmem>> -> memref<1x2x128xi32, #tpu.memory_space<vmem>>
    %dma_start3A_42 = tpu.memref_squeeze %dma_start3A_41 : memref<1x2x128xi32, #tpu.memory_space<vmem>> -> memref<2x128xi32, #tpu.memory_space<vmem>>
    %dma_start3A_43 = arith.constant 0 : i32
    %dma_start3A_44 = arith.constant 0 : i32
    %dma_start3A_45 = tpu.memref_slice %arg3[%add3A_36, %dma_start3A_43, %dma_start3A_44] : memref<2528x2x128xi32, #tpu.memory_space<hbm>> -> memref<1x2x128xi32, #tpu.memory_space<hbm>>
    %dma_start3A_46 = tpu.memref_squeeze %dma_start3A_45 : memref<1x2x128xi32, #tpu.memory_space<hbm>> -> memref<2x128xi32, #tpu.memory_space<hbm>>
    %dma_start3A_47 = tpu.memref_slice %arg9[%dma_start3A_38] : memref<4x!tpu.dma_semaphore, #tpu.memory_space<semaphore_mem>> -> memref<1x!tpu.dma_semaphore, #tpu.memory_space<semaphore_mem>>
    %dma_start3A_48 = tpu.memref_squeeze %dma_start3A_47 : memref<1x!tpu.dma_semaphore, #tpu.memory_space<semaphore_mem>> -> memref<!tpu.dma_semaphore, #tpu.memory_space<semaphore_mem>>
    %dma_start3A_49 = arith.constant 0 : i32
    %dma_start3A_50 = arith.constant 0 : i32
    %dma_start3A_51 = tpu.memref_slice %arg7[%dma_start3A_37, %dma_start3A_49, %dma_start3A_50] : memref<4x2x128xi32, #tpu.memory_space<vmem>> -> memref<1x2x128xi32, #tpu.memory_space<vmem>>
    %dma_start3A_52 = tpu.memref_squeeze %dma_start3A_51 : memref<1x2x128xi32, #tpu.memory_space<vmem>> -> memref<2x128xi32, #tpu.memory_space<vmem>>
    %dma_start3A_53 = arith.constant 0 : i32
    %dma_start3A_54 = arith.constant 0 : i32
    %dma_start3A_55 = tpu.memref_slice %arg3[%add3A_36, %dma_start3A_53, %dma_start3A_54] : memref<2528x2x128xi32, #tpu.memory_space<hbm>> -> memref<1x2x128xi32, #tpu.memory_space<hbm>>
    %dma_start3A_56 = tpu.memref_squeeze %dma_start3A_55 : memref<1x2x128xi32, #tpu.memory_space<hbm>> -> memref<2x128xi32, #tpu.memory_space<hbm>>
    tpu.enqueue_dma source(%dma_start3A_56 : memref<2x128xi32, #tpu.memory_space<hbm>>) target(%dma_start3A_52 : memref<2x128xi32, #tpu.memory_space<vmem>>) target_semaphore(%dma_start3A_48 : memref<!tpu.dma_semaphore, #tpu.memory_space<semaphore_mem>>)
    %add3A_57 = arith.constant 0 : i32
    %add3A_58 = arith.addi %select_n3A, %add3A_57 : i32
    %dma_wait3A = arith.constant 0 : i32
    %dma_wait3A_59 = arith.constant 0 : i32
    %dma_wait3A_60 = arith.constant 0 : i32
    %dma_wait3A_61 = arith.constant 0 : i32
    %dma_wait3A_62 = tpu.memref_slice %arg7[%dma_wait3A, %dma_wait3A_60, %dma_wait3A_61] : memref<4x2x128xi32, #tpu.memory_space<vmem>> -> memref<1x2x128xi32, #tpu.memory_space<vmem>>
    %dma_wait3A_63 = tpu.memref_squeeze %dma_wait3A_62 : memref<1x2x128xi32, #tpu.memory_space<vmem>> -> memref<2x128xi32, #tpu.memory_space<vmem>>
    %dma_wait3A_64 = arith.constant 0 : i32
    %dma_wait3A_65 = arith.constant 0 : i32
    %dma_wait3A_66 = tpu.memref_slice %arg3[%add3A_58, %dma_wait3A_64, %dma_wait3A_65] : memref<2528x2x128xi32, #tpu.memory_space<hbm>> -> memref<1x2x128xi32, #tpu.memory_space<hbm>>
    %dma_wait3A_67 = tpu.memref_squeeze %dma_wait3A_66 : memref<1x2x128xi32, #tpu.memory_space<hbm>> -> memref<2x128xi32, #tpu.memory_space<hbm>>
    %dma_wait3A_68 = tpu.memref_slice %arg9[%dma_wait3A_59] : memref<4x!tpu.dma_semaphore, #tpu.memory_space<semaphore_mem>> -> memref<1x!tpu.dma_semaphore, #tpu.memory_space<semaphore_mem>>
    %dma_wait3A_69 = tpu.memref_squeeze %dma_wait3A_68 : memref<1x!tpu.dma_semaphore, #tpu.memory_space<semaphore_mem>> -> memref<!tpu.dma_semaphore, #tpu.memory_space<semaphore_mem>>
    %dma_wait3A_70 = arith.constant 0 : i32
    %dma_wait3A_71 = arith.constant 0 : i32
    %dma_wait3A_72 = tpu.memref_slice %arg7[%dma_wait3A, %dma_wait3A_70, %dma_wait3A_71] : memref<4x2x128xi32, #tpu.memory_space<vmem>> -> memref<1x2x128xi32, #tpu.memory_space<vmem>>
    %dma_wait3A_73 = tpu.memref_squeeze %dma_wait3A_72 : memref<1x2x128xi32, #tpu.memory_space<vmem>> -> memref<2x128xi32, #tpu.memory_space<vmem>>
    %dma_wait3A_74 = arith.constant 0 : i32
    %dma_wait3A_75 = arith.constant 0 : i32
    %dma_wait3A_76 = tpu.memref_slice %arg3[%add3A_58, %dma_wait3A_74, %dma_wait3A_75] : memref<2528x2x128xi32, #tpu.memory_space<hbm>> -> memref<1x2x128xi32, #tpu.memory_space<hbm>>
    %dma_wait3A_77 = tpu.memref_squeeze %dma_wait3A_76 : memref<1x2x128xi32, #tpu.memory_space<hbm>> -> memref<2x128xi32, #tpu.memory_space<hbm>>
    tpu.wait_dma2 semaphore(%dma_wait3A_69 : memref<!tpu.dma_semaphore, #tpu.memory_space<semaphore_mem>>) src(%dma_wait3A_77 : memref<2x128xi32, #tpu.memory_space<hbm>>) dst(%dma_wait3A_73 : memref<2x128xi32, #tpu.memory_space<vmem>>)
    %rem3A = arith.constant 0 : i32
    %rem3A_78 = arith.constant 4 : i32
    %rem3A_79 = arith.remsi %rem3A, %rem3A_78 : i32
    %dma_start3A_80 = arith.constant 0 : i32
    %dma_start3A_81 = arith.constant 0 : i32
    %dma_start3A_82 = arith.constant 0 : i32
    %dma_start3A_83 = arith.constant 0 : i32
    %dma_start3A_84 = arith.constant 0 : i32
    %dma_start3A_85 = tpu.memref_slice %arg8[%dma_start3A_81, %dma_start3A_83, %dma_start3A_84] : memref<2x128x128xf32, #tpu.memory_space<vmem>> -> memref<1x128x128xf32, #tpu.memory_space<vmem>>
    %dma_start3A_86 = tpu.memref_squeeze %dma_start3A_85 : memref<1x128x128xf32, #tpu.memory_space<vmem>> -> memref<128x128xf32, #tpu.memory_space<vmem>>
    %dma_start3A_87 = arith.constant 0 : i32
    %dma_start3A_88 = tpu.memref_slice %arg7[%rem3A_79, %dma_start3A_80, %dma_start3A_87] : memref<4x2x128xi32, #tpu.memory_space<vmem>> -> memref<1x1x128xi32, #tpu.memory_space<vmem>>
    %dma_start3A_89 = tpu.memref_squeeze %dma_start3A_88 : memref<1x1x128xi32, #tpu.memory_space<vmem>> -> memref<128xi32, #tpu.memory_space<vmem>>
    %dma_start3A_90 = arith.constant 0 : i32
    %dma_start3A_91 = arith.constant 0 : i32
    %dma_start3A_92 = tpu.memref_slice %arg2[%dma_start3A_90, %dma_start3A_91] : memref<10000x128xf32, #tpu.memory_space<hbm>> -> memref<10000x128xf32, #tpu.memory_space<hbm>>
    %dma_start3A_93 = tpu.memref_slice %arg10[%dma_start3A_82] : memref<2x!tpu.dma_semaphore, #tpu.memory_space<semaphore_mem>> -> memref<1x!tpu.dma_semaphore, #tpu.memory_space<semaphore_mem>>
    %dma_start3A_94 = tpu.memref_squeeze %dma_start3A_93 : memref<1x!tpu.dma_semaphore, #tpu.memory_space<semaphore_mem>> -> memref<!tpu.dma_semaphore, #tpu.memory_space<semaphore_mem>>
    tpu.enqueue_indirect_dma source(%dma_start3A_92 : memref<10000x128xf32, #tpu.memory_space<hbm>>) target(%dma_start3A_86 : memref<128x128xf32, #tpu.memory_space<vmem>>) offsets(%dma_start3A_89 : memref<128xi32, #tpu.memory_space<vmem>>) semaphore(%dma_start3A_94 : memref<!tpu.dma_semaphore, #tpu.memory_space<semaphore_mem>>)
    %barrier3A = arith.constant 0 : index
    tpu.barrier barrier_id(%barrier3A)
    %while3A = arith.constant 0 : i32
    %while3A_95 = arith.constant 0 : i32
    %while3A_96 = arith.subi %select_n3A_9, %while3A_95 : i32
    %while3A_97 = arith.addi %while3A_95, %while3A_96 : i32
    %while3A_98 = arith.constant 1 : i32
    %while3A_99 = arith.divsi %while3A_96, %while3A_98 : i32
    %while3A_100 = arith.muli %while3A_99, %while3A_98 : i32
    %while3A_101 = arith.addi %while3A_95, %while3A_100 : i32
    %while3A_102 = arith.constant 1 : i32
    scf.for %while3A_153 = %while3A_95 to %while3A_101 step %while3A_102  : i32 {
      %rem3A_154 = arith.constant 2 : i32
      %rem3A_155 = arith.remsi %while3A_153, %rem3A_154 : i32
      %sub3A_156 = arith.constant 1 : i32
      %sub3A_157 = arith.subi %sub3A_156, %rem3A_155 : i32
      %add3A_158 = arith.constant 1 : i32
      %add3A_159 = arith.addi %while3A_153, %add3A_158 : i32
      %lt3A_160 = arith.cmpi slt, %add3A_159, %select_n3A_9 : i32
      %convert_element_type3A_161 = arith.extui %lt3A_160 : i1 to i32
      %cond3A_162 = arith.constant 0 : i32
      %cond3A_163 = arith.cmpi ne, %convert_element_type3A_161, %cond3A_162 : i32
      scf.if %cond3A_163 {
        %add3A_200 = arith.constant 1 : i32
        %add3A_201 = arith.addi %while3A_153, %add3A_200 : i32
        %add3A_202 = arith.constant 1 : i32
        %add3A_203 = arith.addi %while3A_153, %add3A_202 : i32
        %rem3A_204 = arith.constant 4 : i32
        %rem3A_205 = arith.remsi %add3A_203, %rem3A_204 : i32
        %add3A_206 = arith.addi %select_n3A, %add3A_201 : i32
        %dma_wait3A_207 = arith.constant 0 : i32
        %dma_wait3A_208 = arith.constant 0 : i32
        %dma_wait3A_209 = tpu.memref_slice %arg7[%rem3A_205, %dma_wait3A_207, %dma_wait3A_208] : memref<4x2x128xi32, #tpu.memory_space<vmem>> -> memref<1x2x128xi32, #tpu.memory_space<vmem>>
        %dma_wait3A_210 = tpu.memref_squeeze %dma_wait3A_209 : memref<1x2x128xi32, #tpu.memory_space<vmem>> -> memref<2x128xi32, #tpu.memory_space<vmem>>
        %dma_wait3A_211 = arith.constant 0 : i32
        %dma_wait3A_212 = arith.constant 0 : i32
        %dma_wait3A_213 = tpu.memref_slice %arg3[%add3A_206, %dma_wait3A_211, %dma_wait3A_212] : memref<2528x2x128xi32, #tpu.memory_space<hbm>> -> memref<1x2x128xi32, #tpu.memory_space<hbm>>
        %dma_wait3A_214 = tpu.memref_squeeze %dma_wait3A_213 : memref<1x2x128xi32, #tpu.memory_space<hbm>> -> memref<2x128xi32, #tpu.memory_space<hbm>>
        %dma_wait3A_215 = tpu.memref_slice %arg9[%rem3A_205] : memref<4x!tpu.dma_semaphore, #tpu.memory_space<semaphore_mem>> -> memref<1x!tpu.dma_semaphore, #tpu.memory_space<semaphore_mem>>
        %dma_wait3A_216 = tpu.memref_squeeze %dma_wait3A_215 : memref<1x!tpu.dma_semaphore, #tpu.memory_space<semaphore_mem>> -> memref<!tpu.dma_semaphore, #tpu.memory_space<semaphore_mem>>
        %dma_wait3A_217 = arith.constant 0 : i32
        %dma_wait3A_218 = arith.constant 0 : i32
        %dma_wait3A_219 = tpu.memref_slice %arg7[%rem3A_205, %dma_wait3A_217, %dma_wait3A_218] : memref<4x2x128xi32, #tpu.memory_space<vmem>> -> memref<1x2x128xi32, #tpu.memory_space<vmem>>
        %dma_wait3A_220 = tpu.memref_squeeze %dma_wait3A_219 : memref<1x2x128xi32, #tpu.memory_space<vmem>> -> memref<2x128xi32, #tpu.memory_space<vmem>>
        %dma_wait3A_221 = arith.constant 0 : i32
        %dma_wait3A_222 = arith.constant 0 : i32
        %dma_wait3A_223 = tpu.memref_slice %arg3[%add3A_206, %dma_wait3A_221, %dma_wait3A_222] : memref<2528x2x128xi32, #tpu.memory_space<hbm>> -> memref<1x2x128xi32, #tpu.memory_space<hbm>>
        %dma_wait3A_224 = tpu.memref_squeeze %dma_wait3A_223 : memref<1x2x128xi32, #tpu.memory_space<hbm>> -> memref<2x128xi32, #tpu.memory_space<hbm>>
        tpu.wait_dma2 semaphore(%dma_wait3A_216 : memref<!tpu.dma_semaphore, #tpu.memory_space<semaphore_mem>>) src(%dma_wait3A_224 : memref<2x128xi32, #tpu.memory_space<hbm>>) dst(%dma_wait3A_220 : memref<2x128xi32, #tpu.memory_space<vmem>>)
        %ge3A = arith.constant 1 : i32
        %ge3A_225 = arith.cmpi sge, %while3A_153, %ge3A : i32
        %convert_element_type3A_226 = arith.extui %ge3A_225 : i1 to i32
        %cond3A_227 = arith.constant 0 : i32
        %cond3A_228 = arith.cmpi ne, %convert_element_type3A_226, %cond3A_227 : i32
        scf.if %cond3A_228 {
          %sub3A_246 = arith.constant 1 : i32
          %sub3A_247 = arith.subi %while3A_153, %sub3A_246 : i32
          %rem3A_248 = arith.constant 4 : i32
          %rem3A_249 = arith.remsi %sub3A_247, %rem3A_248 : i32
          %dma_wait3A_250 = arith.constant 1 : i32
          %dma_wait3A_251 = arith.constant 0 : i32
          %dma_wait3A_252 = arith.constant 0 : i32
          %dma_wait3A_253 = tpu.memref_slice %arg8[%sub3A_157, %dma_wait3A_251, %dma_wait3A_252] : memref<2x128x128xf32, #tpu.memory_space<vmem>> -> memref<1x128x128xf32, #tpu.memory_space<vmem>>
          %dma_wait3A_254 = tpu.memref_squeeze %dma_wait3A_253 : memref<1x128x128xf32, #tpu.memory_space<vmem>> -> memref<128x128xf32, #tpu.memory_space<vmem>>
          %dma_wait3A_255 = arith.constant 0 : i32
          %dma_wait3A_256 = tpu.memref_slice %arg7[%rem3A_249, %dma_wait3A_250, %dma_wait3A_255] : memref<4x2x128xi32, #tpu.memory_space<vmem>> -> memref<1x1x128xi32, #tpu.memory_space<vmem>>
          %dma_wait3A_257 = tpu.memref_squeeze %dma_wait3A_256 : memref<1x1x128xi32, #tpu.memory_space<vmem>> -> memref<128xi32, #tpu.memory_space<vmem>>
          %dma_wait3A_258 = arith.constant 0 : i32
          %dma_wait3A_259 = arith.constant 0 : i32
          %dma_wait3A_260 = tpu.memref_slice %arg6[%dma_wait3A_258, %dma_wait3A_259] : memref<10112x128xf32, #tpu.memory_space<vmem_shared>> -> memref<10112x128xf32, #tpu.memory_space<vmem_shared>>
          %dma_wait3A_261 = tpu.memref_slice %arg11[%sub3A_157] : memref<2x!tpu.dma_semaphore, #tpu.memory_space<semaphore_mem>> -> memref<1x!tpu.dma_semaphore, #tpu.memory_space<semaphore_mem>>
          %dma_wait3A_262 = tpu.memref_squeeze %dma_wait3A_261 : memref<1x!tpu.dma_semaphore, #tpu.memory_space<semaphore_mem>> -> memref<!tpu.dma_semaphore, #tpu.memory_space<semaphore_mem>>
          tpu.wait_indirect_dma semaphore(%dma_wait3A_262 : memref<!tpu.dma_semaphore, #tpu.memory_space<semaphore_mem>>) src(%dma_wait3A_254 : memref<128x128xf32, #tpu.memory_space<vmem>>) dst(%dma_wait3A_260 : memref<10112x128xf32, #tpu.memory_space<vmem_shared>>)
        } else {
        }
        %add3A_229 = arith.constant 1 : i32
        %add3A_230 = arith.addi %while3A_153, %add3A_229 : i32
        %rem3A_231 = arith.constant 4 : i32
        %rem3A_232 = arith.remsi %add3A_230, %rem3A_231 : i32
        %dma_start3A_233 = arith.constant 0 : i32
        %dma_start3A_234 = arith.constant 0 : i32
        %dma_start3A_235 = arith.constant 0 : i32
        %dma_start3A_236 = tpu.memref_slice %arg8[%sub3A_157, %dma_start3A_234, %dma_start3A_235] : memref<2x128x128xf32, #tpu.memory_space<vmem>> -> memref<1x128x128xf32, #tpu.memory_space<vmem>>
        %dma_start3A_237 = tpu.memref_squeeze %dma_start3A_236 : memref<1x128x128xf32, #tpu.memory_space<vmem>> -> memref<128x128xf32, #tpu.memory_space<vmem>>
        %dma_start3A_238 = arith.constant 0 : i32
        %dma_start3A_239 = tpu.memref_slice %arg7[%rem3A_232, %dma_start3A_233, %dma_start3A_238] : memref<4x2x128xi32, #tpu.memory_space<vmem>> -> memref<1x1x128xi32, #tpu.memory_space<vmem>>
        %dma_start3A_240 = tpu.memref_squeeze %dma_start3A_239 : memref<1x1x128xi32, #tpu.memory_space<vmem>> -> memref<128xi32, #tpu.memory_space<vmem>>
        %dma_start3A_241 = arith.constant 0 : i32
        %dma_start3A_242 = arith.constant 0 : i32
        %dma_start3A_243 = tpu.memref_slice %arg2[%dma_start3A_241, %dma_start3A_242] : memref<10000x128xf32, #tpu.memory_space<hbm>> -> memref<10000x128xf32, #tpu.memory_space<hbm>>
        %dma_start3A_244 = tpu.memref_slice %arg10[%sub3A_157] : memref<2x!tpu.dma_semaphore, #tpu.memory_space<semaphore_mem>> -> memref<1x!tpu.dma_semaphore, #tpu.memory_space<semaphore_mem>>
        %dma_start3A_245 = tpu.memref_squeeze %dma_start3A_244 : memref<1x!tpu.dma_semaphore, #tpu.memory_space<semaphore_mem>> -> memref<!tpu.dma_semaphore, #tpu.memory_space<semaphore_mem>>
        tpu.enqueue_indirect_dma source(%dma_start3A_243 : memref<10000x128xf32, #tpu.memory_space<hbm>>) target(%dma_start3A_237 : memref<128x128xf32, #tpu.memory_space<vmem>>) offsets(%dma_start3A_240 : memref<128xi32, #tpu.memory_space<vmem>>) semaphore(%dma_start3A_245 : memref<!tpu.dma_semaphore, #tpu.memory_space<semaphore_mem>>)
      } else {
      }
      %add3A_164 = arith.constant 2 : i32
      %add3A_165 = arith.addi %while3A_153, %add3A_164 : i32
      %lt3A_166 = arith.cmpi slt, %add3A_165, %select_n3A_9 : i32
      %convert_element_type3A_167 = arith.extui %lt3A_166 : i1 to i32
      %cond3A_168 = arith.constant 0 : i32
      %cond3A_169 = arith.cmpi ne, %convert_element_type3A_167, %cond3A_168 : i32
      scf.if %cond3A_169 {
        %add3A_200 = arith.constant 2 : i32
        %add3A_201 = arith.addi %while3A_153, %add3A_200 : i32
        %add3A_202 = arith.constant 2 : i32
        %add3A_203 = arith.addi %while3A_153, %add3A_202 : i32
        %rem3A_204 = arith.constant 4 : i32
        %rem3A_205 = arith.remsi %add3A_203, %rem3A_204 : i32
        %add3A_206 = arith.addi %select_n3A, %add3A_201 : i32
        %dma_start3A_207 = arith.constant 0 : i32
        %dma_start3A_208 = arith.constant 0 : i32
        %dma_start3A_209 = tpu.memref_slice %arg7[%rem3A_205, %dma_start3A_207, %dma_start3A_208] : memref<4x2x128xi32, #tpu.memory_space<vmem>> -> memref<1x2x128xi32, #tpu.memory_space<vmem>>
        %dma_start3A_210 = tpu.memref_squeeze %dma_start3A_209 : memref<1x2x128xi32, #tpu.memory_space<vmem>> -> memref<2x128xi32, #tpu.memory_space<vmem>>
        %dma_start3A_211 = arith.constant 0 : i32
        %dma_start3A_212 = arith.constant 0 : i32
        %dma_start3A_213 = tpu.memref_slice %arg3[%add3A_206, %dma_start3A_211, %dma_start3A_212] : memref<2528x2x128xi32, #tpu.memory_space<hbm>> -> memref<1x2x128xi32, #tpu.memory_space<hbm>>
        %dma_start3A_214 = tpu.memref_squeeze %dma_start3A_213 : memref<1x2x128xi32, #tpu.memory_space<hbm>> -> memref<2x128xi32, #tpu.memory_space<hbm>>
        %dma_start3A_215 = tpu.memref_slice %arg9[%rem3A_205] : memref<4x!tpu.dma_semaphore, #tpu.memory_space<semaphore_mem>> -> memref<1x!tpu.dma_semaphore, #tpu.memory_space<semaphore_mem>>
        %dma_start3A_216 = tpu.memref_squeeze %dma_start3A_215 : memref<1x!tpu.dma_semaphore, #tpu.memory_space<semaphore_mem>> -> memref<!tpu.dma_semaphore, #tpu.memory_space<semaphore_mem>>
        %dma_start3A_217 = arith.constant 0 : i32
        %dma_start3A_218 = arith.constant 0 : i32
        %dma_start3A_219 = tpu.memref_slice %arg7[%rem3A_205, %dma_start3A_217, %dma_start3A_218] : memref<4x2x128xi32, #tpu.memory_space<vmem>> -> memref<1x2x128xi32, #tpu.memory_space<vmem>>
        %dma_start3A_220 = tpu.memref_squeeze %dma_start3A_219 : memref<1x2x128xi32, #tpu.memory_space<vmem>> -> memref<2x128xi32, #tpu.memory_space<vmem>>
        %dma_start3A_221 = arith.constant 0 : i32
        %dma_start3A_222 = arith.constant 0 : i32
        %dma_start3A_223 = tpu.memref_slice %arg3[%add3A_206, %dma_start3A_221, %dma_start3A_222] : memref<2528x2x128xi32, #tpu.memory_space<hbm>> -> memref<1x2x128xi32, #tpu.memory_space<hbm>>
        %dma_start3A_224 = tpu.memref_squeeze %dma_start3A_223 : memref<1x2x128xi32, #tpu.memory_space<hbm>> -> memref<2x128xi32, #tpu.memory_space<hbm>>
        tpu.enqueue_dma source(%dma_start3A_224 : memref<2x128xi32, #tpu.memory_space<hbm>>) target(%dma_start3A_220 : memref<2x128xi32, #tpu.memory_space<vmem>>) target_semaphore(%dma_start3A_216 : memref<!tpu.dma_semaphore, #tpu.memory_space<semaphore_mem>>)
      } else {
      }
      %rem3A_170 = arith.constant 4 : i32
      %rem3A_171 = arith.remsi %while3A_153, %rem3A_170 : i32
      %dma_wait3A_172 = arith.constant 0 : i32
      %dma_wait3A_173 = arith.constant 0 : i32
      %dma_wait3A_174 = arith.constant 0 : i32
      %dma_wait3A_175 = tpu.memref_slice %arg8[%rem3A_155, %dma_wait3A_173, %dma_wait3A_174] : memref<2x128x128xf32, #tpu.memory_space<vmem>> -> memref<1x128x128xf32, #tpu.memory_space<vmem>>
      %dma_wait3A_176 = tpu.memref_squeeze %dma_wait3A_175 : memref<1x128x128xf32, #tpu.memory_space<vmem>> -> memref<128x128xf32, #tpu.memory_space<vmem>>
      %dma_wait3A_177 = arith.constant 0 : i32
      %dma_wait3A_178 = tpu.memref_slice %arg7[%rem3A_171, %dma_wait3A_172, %dma_wait3A_177] : memref<4x2x128xi32, #tpu.memory_space<vmem>> -> memref<1x1x128xi32, #tpu.memory_space<vmem>>
      %dma_wait3A_179 = tpu.memref_squeeze %dma_wait3A_178 : memref<1x1x128xi32, #tpu.memory_space<vmem>> -> memref<128xi32, #tpu.memory_space<vmem>>
      %dma_wait3A_180 = arith.constant 0 : i32
      %dma_wait3A_181 = arith.constant 0 : i32
      %dma_wait3A_182 = tpu.memref_slice %arg2[%dma_wait3A_180, %dma_wait3A_181] : memref<10000x128xf32, #tpu.memory_space<hbm>> -> memref<10000x128xf32, #tpu.memory_space<hbm>>
      %dma_wait3A_183 = tpu.memref_slice %arg10[%rem3A_155] : memref<2x!tpu.dma_semaphore, #tpu.memory_space<semaphore_mem>> -> memref<1x!tpu.dma_semaphore, #tpu.memory_space<semaphore_mem>>
      %dma_wait3A_184 = tpu.memref_squeeze %dma_wait3A_183 : memref<1x!tpu.dma_semaphore, #tpu.memory_space<semaphore_mem>> -> memref<!tpu.dma_semaphore, #tpu.memory_space<semaphore_mem>>
      tpu.wait_indirect_dma semaphore(%dma_wait3A_184 : memref<!tpu.dma_semaphore, #tpu.memory_space<semaphore_mem>>) src(%dma_wait3A_182 : memref<10000x128xf32, #tpu.memory_space<hbm>>) dst(%dma_wait3A_176 : memref<128x128xf32, #tpu.memory_space<vmem>>)
      %rem3A_185 = arith.constant 4 : i32
      %rem3A_186 = arith.remsi %while3A_153, %rem3A_185 : i32
      %dma_start3A_187 = arith.constant 1 : i32
      %dma_start3A_188 = arith.constant 0 : i32
      %dma_start3A_189 = arith.constant 0 : i32
      %dma_start3A_190 = tpu.memref_slice %arg8[%rem3A_155, %dma_start3A_188, %dma_start3A_189] : memref<2x128x128xf32, #tpu.memory_space<vmem>> -> memref<1x128x128xf32, #tpu.memory_space<vmem>>
      %dma_start3A_191 = tpu.memref_squeeze %dma_start3A_190 : memref<1x128x128xf32, #tpu.memory_space<vmem>> -> memref<128x128xf32, #tpu.memory_space<vmem>>
      %dma_start3A_192 = arith.constant 0 : i32
      %dma_start3A_193 = tpu.memref_slice %arg7[%rem3A_186, %dma_start3A_187, %dma_start3A_192] : memref<4x2x128xi32, #tpu.memory_space<vmem>> -> memref<1x1x128xi32, #tpu.memory_space<vmem>>
      %dma_start3A_194 = tpu.memref_squeeze %dma_start3A_193 : memref<1x1x128xi32, #tpu.memory_space<vmem>> -> memref<128xi32, #tpu.memory_space<vmem>>
      %dma_start3A_195 = arith.constant 0 : i32
      %dma_start3A_196 = arith.constant 0 : i32
      %dma_start3A_197 = tpu.memref_slice %arg6[%dma_start3A_195, %dma_start3A_196] : memref<10112x128xf32, #tpu.memory_space<vmem_shared>> -> memref<10112x128xf32, #tpu.memory_space<vmem_shared>>
      %dma_start3A_198 = tpu.memref_slice %arg11[%rem3A_155] : memref<2x!tpu.dma_semaphore, #tpu.memory_space<semaphore_mem>> -> memref<1x!tpu.dma_semaphore, #tpu.memory_space<semaphore_mem>>
      %dma_start3A_199 = tpu.memref_squeeze %dma_start3A_198 : memref<1x!tpu.dma_semaphore, #tpu.memory_space<semaphore_mem>> -> memref<!tpu.dma_semaphore, #tpu.memory_space<semaphore_mem>>
      tpu.enqueue_indirect_dma source(%dma_start3A_191 : memref<128x128xf32, #tpu.memory_space<vmem>>) target(%dma_start3A_197 : memref<10112x128xf32, #tpu.memory_space<vmem_shared>>) offsets(%dma_start3A_194 : memref<128xi32, #tpu.memory_space<vmem>>) semaphore(%dma_start3A_199 : memref<!tpu.dma_semaphore, #tpu.memory_space<semaphore_mem>>) {add = true}
    }
    %while3A_103 = arith.constant 1 : i32
    scf.for %while3A_153 = %while3A_101 to %while3A_97 step %while3A_103  : i32 {
      %rem3A_154 = arith.constant 2 : i32
      %rem3A_155 = arith.remsi %while3A_153, %rem3A_154 : i32
      %sub3A_156 = arith.constant 1 : i32
      %sub3A_157 = arith.subi %sub3A_156, %rem3A_155 : i32
      %add3A_158 = arith.constant 1 : i32
      %add3A_159 = arith.addi %while3A_153, %add3A_158 : i32
      %lt3A_160 = arith.cmpi slt, %add3A_159, %select_n3A_9 : i32
      %convert_element_type3A_161 = arith.extui %lt3A_160 : i1 to i32
      %cond3A_162 = arith.constant 0 : i32
      %cond3A_163 = arith.cmpi ne, %convert_element_type3A_161, %cond3A_162 : i32
      scf.if %cond3A_163 {
        %add3A_200 = arith.constant 1 : i32
        %add3A_201 = arith.addi %while3A_153, %add3A_200 : i32
        %add3A_202 = arith.constant 1 : i32
        %add3A_203 = arith.addi %while3A_153, %add3A_202 : i32
        %rem3A_204 = arith.constant 4 : i32
        %rem3A_205 = arith.remsi %add3A_203, %rem3A_204 : i32
        %add3A_206 = arith.addi %select_n3A, %add3A_201 : i32
        %dma_wait3A_207 = arith.constant 0 : i32
        %dma_wait3A_208 = arith.constant 0 : i32
        %dma_wait3A_209 = tpu.memref_slice %arg7[%rem3A_205, %dma_wait3A_207, %dma_wait3A_208] : memref<4x2x128xi32, #tpu.memory_space<vmem>> -> memref<1x2x128xi32, #tpu.memory_space<vmem>>
        %dma_wait3A_210 = tpu.memref_squeeze %dma_wait3A_209 : memref<1x2x128xi32, #tpu.memory_space<vmem>> -> memref<2x128xi32, #tpu.memory_space<vmem>>
        %dma_wait3A_211 = arith.constant 0 : i32
        %dma_wait3A_212 = arith.constant 0 : i32
        %dma_wait3A_213 = tpu.memref_slice %arg3[%add3A_206, %dma_wait3A_211, %dma_wait3A_212] : memref<2528x2x128xi32, #tpu.memory_space<hbm>> -> memref<1x2x128xi32, #tpu.memory_space<hbm>>
        %dma_wait3A_214 = tpu.memref_squeeze %dma_wait3A_213 : memref<1x2x128xi32, #tpu.memory_space<hbm>> -> memref<2x128xi32, #tpu.memory_space<hbm>>
        %dma_wait3A_215 = tpu.memref_slice %arg9[%rem3A_205] : memref<4x!tpu.dma_semaphore, #tpu.memory_space<semaphore_mem>> -> memref<1x!tpu.dma_semaphore, #tpu.memory_space<semaphore_mem>>
        %dma_wait3A_216 = tpu.memref_squeeze %dma_wait3A_215 : memref<1x!tpu.dma_semaphore, #tpu.memory_space<semaphore_mem>> -> memref<!tpu.dma_semaphore, #tpu.memory_space<semaphore_mem>>
        %dma_wait3A_217 = arith.constant 0 : i32
        %dma_wait3A_218 = arith.constant 0 : i32
        %dma_wait3A_219 = tpu.memref_slice %arg7[%rem3A_205, %dma_wait3A_217, %dma_wait3A_218] : memref<4x2x128xi32, #tpu.memory_space<vmem>> -> memref<1x2x128xi32, #tpu.memory_space<vmem>>
        %dma_wait3A_220 = tpu.memref_squeeze %dma_wait3A_219 : memref<1x2x128xi32, #tpu.memory_space<vmem>> -> memref<2x128xi32, #tpu.memory_space<vmem>>
        %dma_wait3A_221 = arith.constant 0 : i32
        %dma_wait3A_222 = arith.constant 0 : i32
        %dma_wait3A_223 = tpu.memref_slice %arg3[%add3A_206, %dma_wait3A_221, %dma_wait3A_222] : memref<2528x2x128xi32, #tpu.memory_space<hbm>> -> memref<1x2x128xi32, #tpu.memory_space<hbm>>
        %dma_wait3A_224 = tpu.memref_squeeze %dma_wait3A_223 : memref<1x2x128xi32, #tpu.memory_space<hbm>> -> memref<2x128xi32, #tpu.memory_space<hbm>>
        tpu.wait_dma2 semaphore(%dma_wait3A_216 : memref<!tpu.dma_semaphore, #tpu.memory_space<semaphore_mem>>) src(%dma_wait3A_224 : memref<2x128xi32, #tpu.memory_space<hbm>>) dst(%dma_wait3A_220 : memref<2x128xi32, #tpu.memory_space<vmem>>)
        %ge3A = arith.constant 1 : i32
        %ge3A_225 = arith.cmpi sge, %while3A_153, %ge3A : i32
        %convert_element_type3A_226 = arith.extui %ge3A_225 : i1 to i32
        %cond3A_227 = arith.constant 0 : i32
        %cond3A_228 = arith.cmpi ne, %convert_element_type3A_226, %cond3A_227 : i32
        scf.if %cond3A_228 {
          %sub3A_246 = arith.constant 1 : i32
          %sub3A_247 = arith.subi %while3A_153, %sub3A_246 : i32
          %rem3A_248 = arith.constant 4 : i32
          %rem3A_249 = arith.remsi %sub3A_247, %rem3A_248 : i32
          %dma_wait3A_250 = arith.constant 1 : i32
          %dma_wait3A_251 = arith.constant 0 : i32
          %dma_wait3A_252 = arith.constant 0 : i32
          %dma_wait3A_253 = tpu.memref_slice %arg8[%sub3A_157, %dma_wait3A_251, %dma_wait3A_252] : memref<2x128x128xf32, #tpu.memory_space<vmem>> -> memref<1x128x128xf32, #tpu.memory_space<vmem>>
          %dma_wait3A_254 = tpu.memref_squeeze %dma_wait3A_253 : memref<1x128x128xf32, #tpu.memory_space<vmem>> -> memref<128x128xf32, #tpu.memory_space<vmem>>
          %dma_wait3A_255 = arith.constant 0 : i32
          %dma_wait3A_256 = tpu.memref_slice %arg7[%rem3A_249, %dma_wait3A_250, %dma_wait3A_255] : memref<4x2x128xi32, #tpu.memory_space<vmem>> -> memref<1x1x128xi32, #tpu.memory_space<vmem>>
          %dma_wait3A_257 = tpu.memref_squeeze %dma_wait3A_256 : memref<1x1x128xi32, #tpu.memory_space<vmem>> -> memref<128xi32, #tpu.memory_space<vmem>>
          %dma_wait3A_258 = arith.constant 0 : i32
          %dma_wait3A_259 = arith.constant 0 : i32
          %dma_wait3A_260 = tpu.memref_slice %arg6[%dma_wait3A_258, %dma_wait3A_259] : memref<10112x128xf32, #tpu.memory_space<vmem_shared>> -> memref<10112x128xf32, #tpu.memory_space<vmem_shared>>
          %dma_wait3A_261 = tpu.memref_slice %arg11[%sub3A_157] : memref<2x!tpu.dma_semaphore, #tpu.memory_space<semaphore_mem>> -> memref<1x!tpu.dma_semaphore, #tpu.memory_space<semaphore_mem>>
          %dma_wait3A_262 = tpu.memref_squeeze %dma_wait3A_261 : memref<1x!tpu.dma_semaphore, #tpu.memory_space<semaphore_mem>> -> memref<!tpu.dma_semaphore, #tpu.memory_space<semaphore_mem>>
          tpu.wait_indirect_dma semaphore(%dma_wait3A_262 : memref<!tpu.dma_semaphore, #tpu.memory_space<semaphore_mem>>) src(%dma_wait3A_254 : memref<128x128xf32, #tpu.memory_space<vmem>>) dst(%dma_wait3A_260 : memref<10112x128xf32, #tpu.memory_space<vmem_shared>>)
        } else {
        }
        %add3A_229 = arith.constant 1 : i32
        %add3A_230 = arith.addi %while3A_153, %add3A_229 : i32
        %rem3A_231 = arith.constant 4 : i32
        %rem3A_232 = arith.remsi %add3A_230, %rem3A_231 : i32
        %dma_start3A_233 = arith.constant 0 : i32
        %dma_start3A_234 = arith.constant 0 : i32
        %dma_start3A_235 = arith.constant 0 : i32
        %dma_start3A_236 = tpu.memref_slice %arg8[%sub3A_157, %dma_start3A_234, %dma_start3A_235] : memref<2x128x128xf32, #tpu.memory_space<vmem>> -> memref<1x128x128xf32, #tpu.memory_space<vmem>>
        %dma_start3A_237 = tpu.memref_squeeze %dma_start3A_236 : memref<1x128x128xf32, #tpu.memory_space<vmem>> -> memref<128x128xf32, #tpu.memory_space<vmem>>
        %dma_start3A_238 = arith.constant 0 : i32
        %dma_start3A_239 = tpu.memref_slice %arg7[%rem3A_232, %dma_start3A_233, %dma_start3A_238] : memref<4x2x128xi32, #tpu.memory_space<vmem>> -> memref<1x1x128xi32, #tpu.memory_space<vmem>>
        %dma_start3A_240 = tpu.memref_squeeze %dma_start3A_239 : memref<1x1x128xi32, #tpu.memory_space<vmem>> -> memref<128xi32, #tpu.memory_space<vmem>>
        %dma_start3A_241 = arith.constant 0 : i32
        %dma_start3A_242 = arith.constant 0 : i32
        %dma_start3A_243 = tpu.memref_slice %arg2[%dma_start3A_241, %dma_start3A_242] : memref<10000x128xf32, #tpu.memory_space<hbm>> -> memref<10000x128xf32, #tpu.memory_space<hbm>>
        %dma_start3A_244 = tpu.memref_slice %arg10[%sub3A_157] : memref<2x!tpu.dma_semaphore, #tpu.memory_space<semaphore_mem>> -> memref<1x!tpu.dma_semaphore, #tpu.memory_space<semaphore_mem>>
        %dma_start3A_245 = tpu.memref_squeeze %dma_start3A_244 : memref<1x!tpu.dma_semaphore, #tpu.memory_space<semaphore_mem>> -> memref<!tpu.dma_semaphore, #tpu.memory_space<semaphore_mem>>
        tpu.enqueue_indirect_dma source(%dma_start3A_243 : memref<10000x128xf32, #tpu.memory_space<hbm>>) target(%dma_start3A_237 : memref<128x128xf32, #tpu.memory_space<vmem>>) offsets(%dma_start3A_240 : memref<128xi32, #tpu.memory_space<vmem>>) semaphore(%dma_start3A_245 : memref<!tpu.dma_semaphore, #tpu.memory_space<semaphore_mem>>)
      } else {
      }
      %add3A_164 = arith.constant 2 : i32
      %add3A_165 = arith.addi %while3A_153, %add3A_164 : i32
      %lt3A_166 = arith.cmpi slt, %add3A_165, %select_n3A_9 : i32
      %convert_element_type3A_167 = arith.extui %lt3A_166 : i1 to i32
      %cond3A_168 = arith.constant 0 : i32
      %cond3A_169 = arith.cmpi ne, %convert_element_type3A_167, %cond3A_168 : i32
      scf.if %cond3A_169 {
        %add3A_200 = arith.constant 2 : i32
        %add3A_201 = arith.addi %while3A_153, %add3A_200 : i32
        %add3A_202 = arith.constant 2 : i32
        %add3A_203 = arith.addi %while3A_153, %add3A_202 : i32
        %rem3A_204 = arith.constant 4 : i32
        %rem3A_205 = arith.remsi %add3A_203, %rem3A_204 : i32
        %add3A_206 = arith.addi %select_n3A, %add3A_201 : i32
        %dma_start3A_207 = arith.constant 0 : i32
        %dma_start3A_208 = arith.constant 0 : i32
        %dma_start3A_209 = tpu.memref_slice %arg7[%rem3A_205, %dma_start3A_207, %dma_start3A_208] : memref<4x2x128xi32, #tpu.memory_space<vmem>> -> memref<1x2x128xi32, #tpu.memory_space<vmem>>
        %dma_start3A_210 = tpu.memref_squeeze %dma_start3A_209 : memref<1x2x128xi32, #tpu.memory_space<vmem>> -> memref<2x128xi32, #tpu.memory_space<vmem>>
        %dma_start3A_211 = arith.constant 0 : i32
        %dma_start3A_212 = arith.constant 0 : i32
        %dma_start3A_213 = tpu.memref_slice %arg3[%add3A_206, %dma_start3A_211, %dma_start3A_212] : memref<2528x2x128xi32, #tpu.memory_space<hbm>> -> memref<1x2x128xi32, #tpu.memory_space<hbm>>
        %dma_start3A_214 = tpu.memref_squeeze %dma_start3A_213 : memref<1x2x128xi32, #tpu.memory_space<hbm>> -> memref<2x128xi32, #tpu.memory_space<hbm>>
        %dma_start3A_215 = tpu.memref_slice %arg9[%rem3A_205] : memref<4x!tpu.dma_semaphore, #tpu.memory_space<semaphore_mem>> -> memref<1x!tpu.dma_semaphore, #tpu.memory_space<semaphore_mem>>
        %dma_start3A_216 = tpu.memref_squeeze %dma_start3A_215 : memref<1x!tpu.dma_semaphore, #tpu.memory_space<semaphore_mem>> -> memref<!tpu.dma_semaphore, #tpu.memory_space<semaphore_mem>>
        %dma_start3A_217 = arith.constant 0 : i32
        %dma_start3A_218 = arith.constant 0 : i32
        %dma_start3A_219 = tpu.memref_slice %arg7[%rem3A_205, %dma_start3A_217, %dma_start3A_218] : memref<4x2x128xi32, #tpu.memory_space<vmem>> -> memref<1x2x128xi32, #tpu.memory_space<vmem>>
        %dma_start3A_220 = tpu.memref_squeeze %dma_start3A_219 : memref<1x2x128xi32, #tpu.memory_space<vmem>> -> memref<2x128xi32, #tpu.memory_space<vmem>>
        %dma_start3A_221 = arith.constant 0 : i32
        %dma_start3A_222 = arith.constant 0 : i32
        %dma_start3A_223 = tpu.memref_slice %arg3[%add3A_206, %dma_start3A_221, %dma_start3A_222] : memref<2528x2x128xi32, #tpu.memory_space<hbm>> -> memref<1x2x128xi32, #tpu.memory_space<hbm>>
        %dma_start3A_224 = tpu.memref_squeeze %dma_start3A_223 : memref<1x2x128xi32, #tpu.memory_space<hbm>> -> memref<2x128xi32, #tpu.memory_space<hbm>>
        tpu.enqueue_dma source(%dma_start3A_224 : memref<2x128xi32, #tpu.memory_space<hbm>>) target(%dma_start3A_220 : memref<2x128xi32, #tpu.memory_space<vmem>>) target_semaphore(%dma_start3A_216 : memref<!tpu.dma_semaphore, #tpu.memory_space<semaphore_mem>>)
      } else {
      }
      %rem3A_170 = arith.constant 4 : i32
      %rem3A_171 = arith.remsi %while3A_153, %rem3A_170 : i32
      %dma_wait3A_172 = arith.constant 0 : i32
      %dma_wait3A_173 = arith.constant 0 : i32
      %dma_wait3A_174 = arith.constant 0 : i32
      %dma_wait3A_175 = tpu.memref_slice %arg8[%rem3A_155, %dma_wait3A_173, %dma_wait3A_174] : memref<2x128x128xf32, #tpu.memory_space<vmem>> -> memref<1x128x128xf32, #tpu.memory_space<vmem>>
      %dma_wait3A_176 = tpu.memref_squeeze %dma_wait3A_175 : memref<1x128x128xf32, #tpu.memory_space<vmem>> -> memref<128x128xf32, #tpu.memory_space<vmem>>
      %dma_wait3A_177 = arith.constant 0 : i32
      %dma_wait3A_178 = tpu.memref_slice %arg7[%rem3A_171, %dma_wait3A_172, %dma_wait3A_177] : memref<4x2x128xi32, #tpu.memory_space<vmem>> -> memref<1x1x128xi32, #tpu.memory_space<vmem>>
      %dma_wait3A_179 = tpu.memref_squeeze %dma_wait3A_178 : memref<1x1x128xi32, #tpu.memory_space<vmem>> -> memref<128xi32, #tpu.memory_space<vmem>>
      %dma_wait3A_180 = arith.constant 0 : i32
      %dma_wait3A_181 = arith.constant 0 : i32
      %dma_wait3A_182 = tpu.memref_slice %arg2[%dma_wait3A_180, %dma_wait3A_181] : memref<10000x128xf32, #tpu.memory_space<hbm>> -> memref<10000x128xf32, #tpu.memory_space<hbm>>
      %dma_wait3A_183 = tpu.memref_slice %arg10[%rem3A_155] : memref<2x!tpu.dma_semaphore, #tpu.memory_space<semaphore_mem>> -> memref<1x!tpu.dma_semaphore, #tpu.memory_space<semaphore_mem>>
      %dma_wait3A_184 = tpu.memref_squeeze %dma_wait3A_183 : memref<1x!tpu.dma_semaphore, #tpu.memory_space<semaphore_mem>> -> memref<!tpu.dma_semaphore, #tpu.memory_space<semaphore_mem>>
      tpu.wait_indirect_dma semaphore(%dma_wait3A_184 : memref<!tpu.dma_semaphore, #tpu.memory_space<semaphore_mem>>) src(%dma_wait3A_182 : memref<10000x128xf32, #tpu.memory_space<hbm>>) dst(%dma_wait3A_176 : memref<128x128xf32, #tpu.memory_space<vmem>>)
      %rem3A_185 = arith.constant 4 : i32
      %rem3A_186 = arith.remsi %while3A_153, %rem3A_185 : i32
      %dma_start3A_187 = arith.constant 1 : i32
      %dma_start3A_188 = arith.constant 0 : i32
      %dma_start3A_189 = arith.constant 0 : i32
      %dma_start3A_190 = tpu.memref_slice %arg8[%rem3A_155, %dma_start3A_188, %dma_start3A_189] : memref<2x128x128xf32, #tpu.memory_space<vmem>> -> memref<1x128x128xf32, #tpu.memory_space<vmem>>
      %dma_start3A_191 = tpu.memref_squeeze %dma_start3A_190 : memref<1x128x128xf32, #tpu.memory_space<vmem>> -> memref<128x128xf32, #tpu.memory_space<vmem>>
      %dma_start3A_192 = arith.constant 0 : i32
      %dma_start3A_193 = tpu.memref_slice %arg7[%rem3A_186, %dma_start3A_187, %dma_start3A_192] : memref<4x2x128xi32, #tpu.memory_space<vmem>> -> memref<1x1x128xi32, #tpu.memory_space<vmem>>
      %dma_start3A_194 = tpu.memref_squeeze %dma_start3A_193 : memref<1x1x128xi32, #tpu.memory_space<vmem>> -> memref<128xi32, #tpu.memory_space<vmem>>
      %dma_start3A_195 = arith.constant 0 : i32
      %dma_start3A_196 = arith.constant 0 : i32
      %dma_start3A_197 = tpu.memref_slice %arg6[%dma_start3A_195, %dma_start3A_196] : memref<10112x128xf32, #tpu.memory_space<vmem_shared>> -> memref<10112x128xf32, #tpu.memory_space<vmem_shared>>
      %dma_start3A_198 = tpu.memref_slice %arg11[%rem3A_155] : memref<2x!tpu.dma_semaphore, #tpu.memory_space<semaphore_mem>> -> memref<1x!tpu.dma_semaphore, #tpu.memory_space<semaphore_mem>>
      %dma_start3A_199 = tpu.memref_squeeze %dma_start3A_198 : memref<1x!tpu.dma_semaphore, #tpu.memory_space<semaphore_mem>> -> memref<!tpu.dma_semaphore, #tpu.memory_space<semaphore_mem>>
      tpu.enqueue_indirect_dma source(%dma_start3A_191 : memref<128x128xf32, #tpu.memory_space<vmem>>) target(%dma_start3A_197 : memref<10112x128xf32, #tpu.memory_space<vmem_shared>>) offsets(%dma_start3A_194 : memref<128xi32, #tpu.memory_space<vmem>>) semaphore(%dma_start3A_199 : memref<!tpu.dma_semaphore, #tpu.memory_space<semaphore_mem>>) {add = true}
    }
    %sub3A = arith.constant 2 : i32
    %sub3A_104 = arith.subi %select_n3A_9, %sub3A : i32
    %sub3A_105 = arith.constant 2 : i32
    %sub3A_106 = arith.subi %select_n3A_9, %sub3A_105 : i32
    %rem3A_107 = arith.constant 2 : i32
    %rem3A_108 = arith.remsi %sub3A_106, %rem3A_107 : i32
    %rem3A_109 = arith.constant 4 : i32
    %rem3A_110 = arith.remsi %sub3A_104, %rem3A_109 : i32
    %dma_wait3A_111 = arith.constant 1 : i32
    %dma_wait3A_112 = arith.constant 0 : i32
    %dma_wait3A_113 = arith.constant 0 : i32
    %dma_wait3A_114 = tpu.memref_slice %arg8[%rem3A_108, %dma_wait3A_112, %dma_wait3A_113] : memref<2x128x128xf32, #tpu.memory_space<vmem>> -> memref<1x128x128xf32, #tpu.memory_space<vmem>>
    %dma_wait3A_115 = tpu.memref_squeeze %dma_wait3A_114 : memref<1x128x128xf32, #tpu.memory_space<vmem>> -> memref<128x128xf32, #tpu.memory_space<vmem>>
    %dma_wait3A_116 = arith.constant 0 : i32
    %dma_wait3A_117 = tpu.memref_slice %arg7[%rem3A_110, %dma_wait3A_111, %dma_wait3A_116] : memref<4x2x128xi32, #tpu.memory_space<vmem>> -> memref<1x1x128xi32, #tpu.memory_space<vmem>>
    %dma_wait3A_118 = tpu.memref_squeeze %dma_wait3A_117 : memref<1x1x128xi32, #tpu.memory_space<vmem>> -> memref<128xi32, #tpu.memory_space<vmem>>
    %dma_wait3A_119 = arith.constant 0 : i32
    %dma_wait3A_120 = arith.constant 0 : i32
    %dma_wait3A_121 = tpu.memref_slice %arg6[%dma_wait3A_119, %dma_wait3A_120] : memref<10112x128xf32, #tpu.memory_space<vmem_shared>> -> memref<10112x128xf32, #tpu.memory_space<vmem_shared>>
    %dma_wait3A_122 = tpu.memref_slice %arg11[%rem3A_108] : memref<2x!tpu.dma_semaphore, #tpu.memory_space<semaphore_mem>> -> memref<1x!tpu.dma_semaphore, #tpu.memory_space<semaphore_mem>>
    %dma_wait3A_123 = tpu.memref_squeeze %dma_wait3A_122 : memref<1x!tpu.dma_semaphore, #tpu.memory_space<semaphore_mem>> -> memref<!tpu.dma_semaphore, #tpu.memory_space<semaphore_mem>>
    tpu.wait_indirect_dma semaphore(%dma_wait3A_123 : memref<!tpu.dma_semaphore, #tpu.memory_space<semaphore_mem>>) src(%dma_wait3A_115 : memref<128x128xf32, #tpu.memory_space<vmem>>) dst(%dma_wait3A_121 : memref<10112x128xf32, #tpu.memory_space<vmem_shared>>)
    %sub3A_124 = arith.constant 1 : i32
    %sub3A_125 = arith.subi %select_n3A_9, %sub3A_124 : i32
    %sub3A_126 = arith.constant 1 : i32
    %sub3A_127 = arith.subi %select_n3A_9, %sub3A_126 : i32
    %rem3A_128 = arith.constant 2 : i32
    %rem3A_129 = arith.remsi %sub3A_127, %rem3A_128 : i32
    %rem3A_130 = arith.constant 4 : i32
    %rem3A_131 = arith.remsi %sub3A_125, %rem3A_130 : i32
    %dma_wait3A_132 = arith.constant 1 : i32
    %dma_wait3A_133 = arith.constant 0 : i32
    %dma_wait3A_134 = arith.constant 0 : i32
    %dma_wait3A_135 = tpu.memref_slice %arg8[%rem3A_129, %dma_wait3A_133, %dma_wait3A_134] : memref<2x128x128xf32, #tpu.memory_space<vmem>> -> memref<1x128x128xf32, #tpu.memory_space<vmem>>
    %dma_wait3A_136 = tpu.memref_squeeze %dma_wait3A_135 : memref<1x128x128xf32, #tpu.memory_space<vmem>> -> memref<128x128xf32, #tpu.memory_space<vmem>>
    %dma_wait3A_137 = arith.constant 0 : i32
    %dma_wait3A_138 = tpu.memref_slice %arg7[%rem3A_131, %dma_wait3A_132, %dma_wait3A_137] : memref<4x2x128xi32, #tpu.memory_space<vmem>> -> memref<1x1x128xi32, #tpu.memory_space<vmem>>
    %dma_wait3A_139 = tpu.memref_squeeze %dma_wait3A_138 : memref<1x1x128xi32, #tpu.memory_space<vmem>> -> memref<128xi32, #tpu.memory_space<vmem>>
    %dma_wait3A_140 = arith.constant 0 : i32
    %dma_wait3A_141 = arith.constant 0 : i32
    %dma_wait3A_142 = tpu.memref_slice %arg6[%dma_wait3A_140, %dma_wait3A_141] : memref<10112x128xf32, #tpu.memory_space<vmem_shared>> -> memref<10112x128xf32, #tpu.memory_space<vmem_shared>>
    %dma_wait3A_143 = tpu.memref_slice %arg11[%rem3A_129] : memref<2x!tpu.dma_semaphore, #tpu.memory_space<semaphore_mem>> -> memref<1x!tpu.dma_semaphore, #tpu.memory_space<semaphore_mem>>
    %dma_wait3A_144 = tpu.memref_squeeze %dma_wait3A_143 : memref<1x!tpu.dma_semaphore, #tpu.memory_space<semaphore_mem>> -> memref<!tpu.dma_semaphore, #tpu.memory_space<semaphore_mem>>
    tpu.wait_indirect_dma semaphore(%dma_wait3A_144 : memref<!tpu.dma_semaphore, #tpu.memory_space<semaphore_mem>>) src(%dma_wait3A_136 : memref<128x128xf32, #tpu.memory_space<vmem>>) dst(%dma_wait3A_142 : memref<10112x128xf32, #tpu.memory_space<vmem_shared>>)
    %barrier3A_145 = arith.constant 0 : index
    tpu.barrier barrier_id(%barrier3A_145)
    %lt3A = arith.constant 15 : i32
    %lt3A_146 = arith.cmpi slt, %arg1, %lt3A : i32
    %convert_element_type3A = arith.extui %lt3A_146 : i1 to i32
    %cond3A = arith.constant 0 : i32
    %cond3A_147 = arith.cmpi ne, %convert_element_type3A, %cond3A : i32
    scf.if %cond3A_147 {
      %mul3A_153 = arith.constant 632 : i32
      %mul3A_154 = arith.muli %arg1, %mul3A_153 : i32
      %mul3A_155 = arith.constant 632 : i32
      %mul3A_156 = arith.muli %arg1, %mul3A_155 : i32
      "tpu.region"() ({
        %run_scoped3A = tpu.sem_alloc : memref<!tpu.dma_semaphore, #tpu.memory_space<semaphore_mem>>
        %dma_start3A_157 = arith.constant 0 : i32
        %dma_start3A_158 = tpu.memref_slice %arg5[%arg0, %mul3A_156, %dma_start3A_157] : memref<2x10000x128xf32, #tpu.memory_space<hbm>> -> memref<1x632x128xf32, #tpu.memory_space<hbm>>
        %dma_start3A_159 = tpu.memref_squeeze %dma_start3A_158 : memref<1x632x128xf32, #tpu.memory_space<hbm>> -> memref<632x128xf32, #tpu.memory_space<hbm>>
        %dma_start3A_160 = arith.constant 0 : i32
        %dma_start3A_161 = tpu.memref_slice %arg6[%mul3A_154, %dma_start3A_160] : memref<10112x128xf32, #tpu.memory_space<vmem_shared>> -> memref<632x128xf32, #tpu.memory_space<vmem_shared>>
        tpu.enqueue_dma source(%dma_start3A_161 : memref<632x128xf32, #tpu.memory_space<vmem_shared>>) target(%dma_start3A_159 : memref<632x128xf32, #tpu.memory_space<hbm>>) target_semaphore(%run_scoped3A : memref<!tpu.dma_semaphore, #tpu.memory_space<semaphore_mem>>)
        %dma_wait3A_162 = arith.constant 0 : i32
        %dma_wait3A_163 = tpu.memref_slice %arg5[%arg0, %mul3A_156, %dma_wait3A_162] : memref<2x10000x128xf32, #tpu.memory_space<hbm>> -> memref<1x632x128xf32, #tpu.memory_space<hbm>>
        %dma_wait3A_164 = tpu.memref_squeeze %dma_wait3A_163 : memref<1x632x128xf32, #tpu.memory_space<hbm>> -> memref<632x128xf32, #tpu.memory_space<hbm>>
        %dma_wait3A_165 = arith.constant 0 : i32
        %dma_wait3A_166 = tpu.memref_slice %arg6[%mul3A_154, %dma_wait3A_165] : memref<10112x128xf32, #tpu.memory_space<vmem_shared>> -> memref<632x128xf32, #tpu.memory_space<vmem_shared>>
        tpu.wait_dma2 semaphore(%run_scoped3A : memref<!tpu.dma_semaphore, #tpu.memory_space<semaphore_mem>>) src(%dma_wait3A_166 : memref<632x128xf32, #tpu.memory_space<vmem_shared>>) dst(%dma_wait3A_164 : memref<632x128xf32, #tpu.memory_space<hbm>>)
        tpu.yield
      }) : () -> ()
    } else {
    }
    %eq3A_148 = arith.constant 15 : i32
    %eq3A_149 = arith.cmpi eq, %arg1, %eq3A_148 : i32
    %convert_element_type3A_150 = arith.extui %eq3A_149 : i1 to i32
    %cond3A_151 = arith.constant 0 : i32
    %cond3A_152 = arith.cmpi ne, %convert_element_type3A_150, %cond3A_151 : i32
    scf.if %cond3A_152 {
      "tpu.region"() ({
        %run_scoped3A = tpu.sem_alloc : memref<!tpu.dma_semaphore, #tpu.memory_space<semaphore_mem>>
        %dma_start3A_153 = arith.constant 9480 : i32
        %dma_start3A_154 = arith.constant 0 : i32
        %dma_start3A_155 = tpu.memref_slice %arg5[%arg0, %dma_start3A_153, %dma_start3A_154] : memref<2x10000x128xf32, #tpu.memory_space<hbm>> -> memref<1x520x128xf32, #tpu.memory_space<hbm>>
        %dma_start3A_156 = tpu.memref_squeeze %dma_start3A_155 : memref<1x520x128xf32, #tpu.memory_space<hbm>> -> memref<520x128xf32, #tpu.memory_space<hbm>>
        %dma_start3A_157 = arith.constant 9480 : i32
        %dma_start3A_158 = arith.constant 0 : i32
        %dma_start3A_159 = tpu.memref_slice %arg6[%dma_start3A_157, %dma_start3A_158] : memref<10112x128xf32, #tpu.memory_space<vmem_shared>> -> memref<520x128xf32, #tpu.memory_space<vmem_shared>>
        tpu.enqueue_dma source(%dma_start3A_159 : memref<520x128xf32, #tpu.memory_space<vmem_shared>>) target(%dma_start3A_156 : memref<520x128xf32, #tpu.memory_space<hbm>>) target_semaphore(%run_scoped3A : memref<!tpu.dma_semaphore, #tpu.memory_space<semaphore_mem>>)
        %dma_wait3A_160 = arith.constant 9480 : i32
        %dma_wait3A_161 = arith.constant 0 : i32
        %dma_wait3A_162 = tpu.memref_slice %arg5[%arg0, %dma_wait3A_160, %dma_wait3A_161] : memref<2x10000x128xf32, #tpu.memory_space<hbm>> -> memref<1x520x128xf32, #tpu.memory_space<hbm>>
        %dma_wait3A_163 = tpu.memref_squeeze %dma_wait3A_162 : memref<1x520x128xf32, #tpu.memory_space<hbm>> -> memref<520x128xf32, #tpu.memory_space<hbm>>
        %dma_wait3A_164 = arith.constant 9480 : i32
        %dma_wait3A_165 = arith.constant 0 : i32
        %dma_wait3A_166 = tpu.memref_slice %arg6[%dma_wait3A_164, %dma_wait3A_165] : memref<10112x128xf32, #tpu.memory_space<vmem_shared>> -> memref<520x128xf32, #tpu.memory_space<vmem_shared>>
        tpu.wait_dma2 semaphore(%run_scoped3A : memref<!tpu.dma_semaphore, #tpu.memory_space<semaphore_mem>>) src(%dma_wait3A_166 : memref<520x128xf32, #tpu.memory_space<vmem_shared>>) dst(%dma_wait3A_163 : memref<520x128xf32, #tpu.memory_space<hbm>>)
        tpu.yield
      }) : () -> ()
    } else {
    }
    return
  }
}

module attributes {stable_mosaic.version = 14 : i64} {
  func.func @_enc_body(%arg0: i32, %arg1: memref<1000x128xf32, #tpu.memory_space<vmem>>, %arg2: memref<1000x128xf32, #tpu.memory_space<vmem>>, %arg3: memref<1000x128xf32, #tpu.memory_space<vmem>>, %arg4: memref<128x256xf32, #tpu.memory_space<vmem>>, %arg5: memref<1x256xf32, #tpu.memory_space<vmem>>, %arg6: memref<128x256xf32, #tpu.memory_space<vmem>>, %arg7: memref<256x128xf32, #tpu.memory_space<vmem>>, %arg8: memref<1000x256xf32, #tpu.memory_space<vmem>>, %arg9: memref<1000x128xf32, #tpu.memory_space<vmem>>) attributes {dimension_semantics = [#tpu.dimension_semantics<arbitrary>], iteration_bounds = array<i64: 10>, scalar_prefetch = 0 : i64, scratch_operands = 0 : i64, tpu.core_type = #tpu.core_type<tc>, window_params = [{transform_indices = @transform_0, window_bounds = array<i64: 1000, 128>}, {transform_indices = @transform_1, window_bounds = array<i64: 1000, 128>}, {transform_indices = @transform_2, window_bounds = array<i64: 1000, 128>}, {pipeline_mode = #tpu.pipeline_mode<synchronous>, transform_indices = @transform_3, window_bounds = array<i64: 128, 256>}, {pipeline_mode = #tpu.pipeline_mode<synchronous>, transform_indices = @transform_4, window_bounds = array<i64: 1, 256>}, {pipeline_mode = #tpu.pipeline_mode<synchronous>, transform_indices = @transform_5, window_bounds = array<i64: 128, 256>}, {pipeline_mode = #tpu.pipeline_mode<synchronous>, transform_indices = @transform_6, window_bounds = array<i64: 256, 128>}, {transform_indices = @transform_7, window_bounds = array<i64: 1000, 256>}, {transform_indices = @transform_8, window_bounds = array<i64: 1000, 128>}]} {
    %get3A = arith.constant 0 : index
    %get3A_0 = arith.constant 0 : index
    %get3A_1 = vector.load %arg1[%get3A, %get3A_0] : memref<1000x128xf32, #tpu.memory_space<vmem>>, vector<1000x128xf32>
    %get3A_2 = arith.constant 0 : index
    %get3A_3 = arith.constant 0 : index
    %get3A_4 = vector.load %arg2[%get3A_2, %get3A_3] : memref<1000x128xf32, #tpu.memory_space<vmem>>, vector<1000x128xf32>
    %add3A = arith.addf %get3A_1, %get3A_4 : vector<1000x128xf32>
    %get3A_5 = arith.constant 0 : index
    %get3A_6 = arith.constant 0 : index
    %get3A_7 = vector.load %arg4[%get3A_5, %get3A_6] : memref<128x256xf32, #tpu.memory_space<vmem>>, vector<128x256xf32>
    %dot_general3A = arith.constant dense<0.000000e+00> : vector<1000x256xf32>
    %dot_general3A_8 = tpu.matmul %add3A, %get3A_7, %dot_general3A {dimension_numbers = #tpu.dot_dimension_numbers<[1], [0], [0], [1], [0, 0, 1, 1], [], []>, transpose_lhs_hint = false} : vector<1000x128xf32>, vector<128x256xf32>, vector<1000x256xf32> -> vector<1000x256xf32>
    %get3A_9 = arith.constant 0 : index
    %get3A_10 = arith.constant 0 : index
    %get3A_11 = vector.load %arg3[%get3A_9, %get3A_10] : memref<1000x128xf32, #tpu.memory_space<vmem>>, vector<1000x128xf32>
    %get3A_12 = arith.constant 0 : index
    %get3A_13 = arith.constant 0 : index
    %get3A_14 = vector.load %arg6[%get3A_12, %get3A_13] : memref<128x256xf32, #tpu.memory_space<vmem>>, vector<128x256xf32>
    %dot_general3A_15 = arith.constant dense<0.000000e+00> : vector<1000x256xf32>
    %dot_general3A_16 = tpu.matmul %get3A_11, %get3A_14, %dot_general3A_15 {dimension_numbers = #tpu.dot_dimension_numbers<[1], [0], [0], [1], [0, 0, 1, 1], [], []>, transpose_lhs_hint = false} : vector<1000x128xf32>, vector<128x256xf32>, vector<1000x256xf32> -> vector<1000x256xf32>
    %add3A_17 = arith.addf %dot_general3A_8, %dot_general3A_16 : vector<1000x256xf32>
    %get3A_18 = arith.constant 0 : index
    %get3A_19 = arith.constant 0 : index
    %get3A_20 = vector.load %arg5[%get3A_18, %get3A_19] : memref<1x256xf32, #tpu.memory_space<vmem>>, vector<1x256xf32>
    %add3A_21 = vector.broadcast %get3A_20 : vector<1x256xf32> to vector<1000x256xf32>
    %add3A_22 = arith.addf %add3A_17, %add3A_21 : vector<1000x256xf32>
    %max3A = arith.constant 0.000000e+00 : f32
    %max3A_23 = vector.broadcast %max3A : f32 to vector<1000x256xf32>
    %max3A_24 = arith.maximumf %add3A_22, %max3A_23 : vector<1000x256xf32>
    %swap3A = arith.constant 0 : index
    %swap3A_25 = arith.constant 0 : index
    %swap3A_26 = vector.load %arg8[%swap3A, %swap3A_25] : memref<1000x256xf32, #tpu.memory_space<vmem>>, vector<1000x256xf32>
    tpu.vector_store %arg8[%swap3A, %swap3A_25], %max3A_24 {strides = array<i32>} : memref<1000x256xf32, #tpu.memory_space<vmem>>, vector<1000x256xf32>,
    %get3A_27 = arith.constant 0 : index
    %get3A_28 = arith.constant 0 : index
    %get3A_29 = vector.load %arg7[%get3A_27, %get3A_28] : memref<256x128xf32, #tpu.memory_space<vmem>>, vector<256x128xf32>
    %dot_general3A_30 = arith.constant dense<0.000000e+00> : vector<1000x128xf32>
    %dot_general3A_31 = tpu.matmul %max3A_24, %get3A_29, %dot_general3A_30 {dimension_numbers = #tpu.dot_dimension_numbers<[1], [0], [0], [1], [0, 0, 1, 1], [], []>, transpose_lhs_hint = false} : vector<1000x256xf32>, vector<256x128xf32>, vector<1000x128xf32> -> vector<1000x128xf32>
    %swap3A_32 = arith.constant 0 : index
    %swap3A_33 = arith.constant 0 : index
    %swap3A_34 = vector.load %arg9[%swap3A_32, %swap3A_33] : memref<1000x128xf32, #tpu.memory_space<vmem>>, vector<1000x128xf32>
    tpu.vector_store %arg9[%swap3A_32, %swap3A_33], %dot_general3A_31 {strides = array<i32>} : memref<1000x128xf32, #tpu.memory_space<vmem>>, vector<1000x128xf32>,
    return
  }
  func.func @transform_0(%arg0: i32) -> (i32, i32) {
    %c0_i32 = arith.constant 0 : i32
    %c0_i32_0 = arith.constant 0 : i32
    return %arg0, %c0_i32 : i32, i32
  }
  func.func @transform_1(%arg0: i32) -> (i32, i32) {
    %c0_i32 = arith.constant 0 : i32
    %c0_i32_0 = arith.constant 0 : i32
    return %arg0, %c0_i32 : i32, i32
  }
  func.func @transform_2(%arg0: i32) -> (i32, i32) {
    %c0_i32 = arith.constant 0 : i32
    %c0_i32_0 = arith.constant 0 : i32
    return %arg0, %c0_i32 : i32, i32
  }
  func.func @transform_3(%arg0: i32) -> (i32, i32) {
    %c0_i32 = arith.constant 0 : i32
    %c0_i32_0 = arith.constant 0 : i32
    %c0_i32_1 = arith.constant 0 : i32
    return %c0_i32, %c0_i32_0 : i32, i32
  }
  func.func @transform_4(%arg0: i32) -> (i32, i32) {
    %c0_i32 = arith.constant 0 : i32
    %c0_i32_0 = arith.constant 0 : i32
    %c0_i32_1 = arith.constant 0 : i32
    return %c0_i32, %c0_i32_0 : i32, i32
  }
  func.func @transform_5(%arg0: i32) -> (i32, i32) {
    %c0_i32 = arith.constant 0 : i32
    %c0_i32_0 = arith.constant 0 : i32
    %c0_i32_1 = arith.constant 0 : i32
    return %c0_i32, %c0_i32_0 : i32, i32
  }
  func.func @transform_6(%arg0: i32) -> (i32, i32) {
    %c0_i32 = arith.constant 0 : i32
    %c0_i32_0 = arith.constant 0 : i32
    %c0_i32_1 = arith.constant 0 : i32
    return %c0_i32, %c0_i32_0 : i32, i32
  }
  func.func @transform_7(%arg0: i32) -> (i32, i32) {
    %c0_i32 = arith.constant 0 : i32
    %c0_i32_0 = arith.constant 0 : i32
    return %arg0, %c0_i32 : i32, i32
  }
  func.func @transform_8(%arg0: i32) -> (i32, i32) {
    %c0_i32 = arith.constant 0 : i32
    %c0_i32_0 = arith.constant 0 : i32
    return %arg0, %c0_i32 : i32, i32
  }
}

module attributes {stable_mosaic.version = 14 : i64} {
  func.func @_post_body(%arg0: i32, %arg1: memref<1000x128xf32, #tpu.memory_space<vmem>>, %arg2: memref<1000x128xf32, #tpu.memory_space<vmem>>, %arg3: memref<1000x256xf32, #tpu.memory_space<vmem>>, %arg4: memref<256x128xf32, #tpu.memory_space<vmem>>, %arg5: memref<1x128xf32, #tpu.memory_space<vmem>>, %arg6: memref<1000x128xf32, #tpu.memory_space<vmem>>) attributes {dimension_semantics = [#tpu.dimension_semantics<arbitrary>], iteration_bounds = array<i64: 10>, scalar_prefetch = 0 : i64, scratch_operands = 0 : i64, tpu.core_type = #tpu.core_type<tc>, window_params = [{transform_indices = @transform_0, window_bounds = array<i64: 1000, 128>}, {transform_indices = @transform_1, window_bounds = array<i64: 1000, 128>}, {transform_indices = @transform_2, window_bounds = array<i64: 1000, 256>}, {pipeline_mode = #tpu.pipeline_mode<synchronous>, transform_indices = @transform_3, window_bounds = array<i64: 256, 128>}, {pipeline_mode = #tpu.pipeline_mode<synchronous>, transform_indices = @transform_4, window_bounds = array<i64: 1, 128>}, {transform_indices = @transform_5, window_bounds = array<i64: 1000, 128>}]} {
    %get3A = arith.constant 0 : index
    %get3A_0 = arith.constant 0 : index
    %get3A_1 = vector.load %arg1[%get3A, %get3A_0] : memref<1000x128xf32, #tpu.memory_space<vmem>>, vector<1000x128xf32>
    %get3A_2 = arith.constant 0 : index
    %get3A_3 = arith.constant 0 : index
    %get3A_4 = vector.load %arg2[%get3A_2, %get3A_3] : memref<1000x128xf32, #tpu.memory_space<vmem>>, vector<1000x128xf32>
    %add3A = arith.addf %get3A_1, %get3A_4 : vector<1000x128xf32>
    %get3A_5 = arith.constant 0 : index
    %get3A_6 = arith.constant 0 : index
    %get3A_7 = vector.load %arg5[%get3A_5, %get3A_6] : memref<1x128xf32, #tpu.memory_space<vmem>>, vector<1x128xf32>
    %add3A_8 = vector.broadcast %get3A_7 : vector<1x128xf32> to vector<1000x128xf32>
    %add3A_9 = arith.addf %add3A, %add3A_8 : vector<1000x128xf32>
    %get3A_10 = arith.constant 0 : index
    %get3A_11 = arith.constant 0 : index
    %get3A_12 = vector.load %arg3[%get3A_10, %get3A_11] : memref<1000x256xf32, #tpu.memory_space<vmem>>, vector<1000x256xf32>
    %get3A_13 = arith.constant 0 : index
    %get3A_14 = arith.constant 0 : index
    %get3A_15 = vector.load %arg4[%get3A_13, %get3A_14] : memref<256x128xf32, #tpu.memory_space<vmem>>, vector<256x128xf32>
    %dot_general3A = arith.constant dense<0.000000e+00> : vector<1000x128xf32>
    %dot_general3A_16 = tpu.matmul %get3A_12, %get3A_15, %dot_general3A {dimension_numbers = #tpu.dot_dimension_numbers<[1], [0], [0], [1], [0, 0, 1, 1], [], []>, transpose_lhs_hint = false} : vector<1000x256xf32>, vector<256x128xf32>, vector<1000x128xf32> -> vector<1000x128xf32>
    %add3A_17 = arith.addf %add3A_9, %dot_general3A_16 : vector<1000x128xf32>
    %swap3A = arith.constant 0 : index
    %swap3A_18 = arith.constant 0 : index
    %swap3A_19 = vector.load %arg6[%swap3A, %swap3A_18] : memref<1000x128xf32, #tpu.memory_space<vmem>>, vector<1000x128xf32>
    tpu.vector_store %arg6[%swap3A, %swap3A_18], %add3A_17 {strides = array<i32>} : memref<1000x128xf32, #tpu.memory_space<vmem>>, vector<1000x128xf32>,
    return
  }
  func.func @transform_0(%arg0: i32) -> (i32, i32) {
    %c0_i32 = arith.constant 0 : i32
    %c0_i32_0 = arith.constant 0 : i32
    return %arg0, %c0_i32 : i32, i32
  }
  func.func @transform_1(%arg0: i32) -> (i32, i32) {
    %c0_i32 = arith.constant 0 : i32
    %c0_i32_0 = arith.constant 0 : i32
    return %arg0, %c0_i32 : i32, i32
  }
  func.func @transform_2(%arg0: i32) -> (i32, i32) {
    %c0_i32 = arith.constant 0 : i32
    %c0_i32_0 = arith.constant 0 : i32
    return %arg0, %c0_i32 : i32, i32
  }
  func.func @transform_3(%arg0: i32) -> (i32, i32) {
    %c0_i32 = arith.constant 0 : i32
    %c0_i32_0 = arith.constant 0 : i32
    %c0_i32_1 = arith.constant 0 : i32
    return %c0_i32, %c0_i32_0 : i32, i32
  }
  func.func @transform_4(%arg0: i32) -> (i32, i32) {
    %c0_i32 = arith.constant 0 : i32
    %c0_i32_0 = arith.constant 0 : i32
    %c0_i32_1 = arith.constant 0 : i32
    return %c0_i32, %c0_i32_0 : i32, i32
  }
  func.func @transform_5(%arg0: i32) -> (i32, i32) {
    %c0_i32 = arith.constant 0 : i32
    %c0_i32_0 = arith.constant 0 : i32
    return %arg0, %c0_i32 : i32, i32
  }
}

</mosaic_0001>

<sc_bundles>
// kernel: kernel.10.cloned.1.call-start
scs
__scs_entry_jumppad:
0x0: {  	(pc) =	sbr.rel $0x88, $3  }
0x1: {  	(tag) =	ssettag $0x0;
	lr =	simm.s32 $0x1  }
0x2: {  	[smem:$0x3F93] =	sst lr;
	_ =	strace $0xD0000000  }
0x3: {  	_ = 	snop  }
0x4: {  	_ = 	snop  }
0x5: {  	_ = 	snop  }
0x6: {  	_ = 	snop  }
0x7: {  	_ = 	snop  }
__scs_overlays_trampoline_lowered:
0x8: {  	[smem:$0x3FA2] =	sst s0  }
0x9: {  	[smem:$0x3FA3] =	sst s1  }
0xa: {  	[smem:$0x3FA4] =	sst s2  }
0xb: {  	[smem:$0x3FA5] =	sst s3  }
0xc: {  	[smem:$0x3FA6] =	sst s4  }
0xd: {  	[smem:$0x3FA7] =	sst s5  }
0xe: {  	[smem:$0x3FA8] =	sst s6  }
0xf: {  	[smem:$0x3FA9] =	sst s7  }
0x10: {  	[smem:$0x3FAA] =	sst s8  }
0x11: {  	[smem:$0x3FAB] =	sst s9;
	s0 =	simm.s32 @!p0 $0x0  }
0x12: {  	s1 =	sld [smem:$0x3F91];
	s0 =	simm.s32 @p0 $0x1  }
0x13: {  	[smem:$0x3FAC] =	sst s0;
	s0 =	simm.s32 @!p1 $0x0  }
0x14: {  	s2 =	sld [smem:$0x3F90];
	s0 =	simm.s32 @p1 $0x1  }
0x15: {  	[smem:$0x3FAD] =	sst s0;
	s0 =	simm.s32 @!p2 $0x0  }
0x16: {  	s3 =	sld [smem:$0x3FDB];
	s0 =	simm.s32 @p2 $0x1  }
0x17: {  	s4 =	simm.s32 $0x1BF5;
	[smem:$0x3FAF] =	sst s0  }
0x18: {  	s0 =	sld [smem:$0x3F92];
	_ =	swait.ge [sflag:s4], $0x0  }
0x19: {  	s7 =	sld [smem:$0x3F93]  }
0x1a: {  	s8 =	sadd.s32 $0xFFFFE003, lr  }
0x1b: {  	s9 =	sadd.s32 $0xFFFFFEF7, lr;
	s5 =	simm.s32 $0xFFFFFFFF;
	p2 =	slt.u32 s8, $0xFFFFF086  }
0x1c: {  	p1 =	slt.u32 s9, $0xF7A;
	s5 =	simm.s32 @!p2 $0x0  }
0x1d: {  	s5 =	simm.s32 @p1 $0x1;
	p0 =	seq.s32 s7, s2  }
0x1e: {  	s7 =	smul.u32 @!p0 $0xF7A, s2;
	p2 =	seq.s32 @!p0 s5, $0x0  }
0x1f: {  	s9 =	smul.u32 $0xF7A, s1;
	s8 =	simm.s32 @!p0 $0x1BF5;
	p2 =	por !p2, p0  }
0x20: {  	[sflag:s8] =	ssyncset.s32 @!p0 $0xFFFFF086;
	s6 =	sadd.s32 @!p0 s3, s7;
	s7 =	simm.s32 @!p0 $0x108  }
0x21: {  	s3 =	sadd.s32 s3, s9;
	s6 =	sadd.s32 @!p0 $0x88, s6;
	s7 =	simm.s32 @p2 $0x1082  }
0x22: {  	[simem:s7], [sflag:s8] =	dma.local @!p0 [hbm:s6], $0xF7A  }
0x23: {  	s9 =	sor.u32 $0xD0000000, s2;
	s6 =	simm.s32 $0x108;
	_ =	swait.ge @!p0 [sflag:s8], $0x0  }
0x24: {  	s3 =	sadd.s32 $0x88, s3;
	s6 =	simm.s32 @!p1 $0x1082;
	[sflag:s4] =	ssyncset.s32 $0xFFFFF086  }
0x25: {  	[simem:s6], [sflag:s4] =	dma.local [hbm:s3], $0xF7A  }
0x26: {  	[smem:$0x3F93] =	sst s1;
	(tag) =	ssettag s2;
	_ =	strace s9  }
0x27: {  	s1 =	sld [smem:$0x3FA3]  }
0x28: {  	s2 =	sld [smem:$0x3FA4]  }
0x29: {  	s4 =	sld [smem:$0x3FA6]  }
0x2a: {  	p0 =	seq.s32 s5, $0x0;
	s5 =	sld [smem:$0x3FA7]  }
0x2b: {  	s6 =	sld [smem:$0x3FA8]  }
0x2c: {  	s7 =	sld [smem:$0x3FA9]  }
0x2d: {  	s3 =	simm.s32 $0x108;
	s8 =	sld [smem:$0x3FAA]  }
0x2e: {  	s3 =	simm.s32 @!p0 $0x1082;
	s9 =	sld [smem:$0x3FAB]  }
0x2f: {  	lr =	sadd.s32 s0, s3;
	s0 =	sld [smem:$0x3FA2]  }
0x30: {  	s3 =	sld [smem:$0x3FA5]  }
0x31: {  	[smem:$0x3FAE] =	sst s10  }
0x32: {  	s10 =	sld [smem:$0x3FAC];
	_ =	sdelay $0x3  }
0x33: {  	p0 =	seq.s32 s10, $0x1;
	s10 =	sld [smem:$0x3FAE];
	_ =	sdelay $0x3  }
0x34: {  	[smem:$0x3FAE] =	sst s10  }
0x35: {  	s10 =	sld [smem:$0x3FAD];
	_ =	sdelay $0x3  }
0x36: {  	p1 =	seq.s32 s10, $0x1;
	s10 =	sld [smem:$0x3FAE];
	_ =	sdelay $0x3  }
0x37: {  	[smem:$0x3FAE] =	sst s10  }
0x38: {  	s10 =	sld [smem:$0x3FAF]  }
0x39: {  	_ = 	snop;
	(pc) =	sbr.ind lr, $3  }
0x3a: {  	_ = 	snop  }
0x3b: {  	_ = 	snop  }
0x3c: {  	p2 =	seq.s32 s10, $0x1;
	s10 =	sld [smem:$0x3FAE]  }
0x3d: {  	_ =	shalt  }
0x3e: {  	_ =	shalt  }
0x3f: {  	_ =	shalt  }
0x40: {  	_ =	shalt  }
0x41: {  	_ =	shalt  }
0x42: {  	_ =	shalt  }
0x43: {  	_ =	shalt  }
0x44: {  	_ =	shalt  }
0x45: {  	_ =	shalt  }
0x46: {  	_ =	shalt  }
0x47: {  	_ =	shalt  }
0x48: {  	_ =	shalt  }
0x49: {  	_ =	shalt  }
0x4a: {  	_ =	shalt  }
0x4b: {  	_ =	shalt  }
0x4c: {  	_ =	shalt  }
0x4d: {  	_ =	shalt  }
0x4e: {  	_ =	shalt  }
0x4f: {  	_ =	shalt  }
0x50: {  	_ =	shalt  }
0x51: {  	_ =	shalt  }
0x52: {  	_ =	shalt  }
0x53: {  	_ =	shalt  }
0x54: {  	_ =	shalt  }
0x55: {  	_ =	shalt  }
0x56: {  	_ =	shalt  }
0x57: {  	_ =	shalt  }
0x58: {  	_ =	shalt  }
0x59: {  	_ =	shalt  }
0x5a: {  	_ =	shalt  }
0x5b: {  	_ =	shalt  }
0x5c: {  	_ =	shalt  }
0x5d: {  	_ =	shalt  }
0x5e: {  	_ =	shalt  }
0x5f: {  	_ =	shalt  }
0x60: {  	_ =	shalt  }
0x61: {  	_ =	shalt  }
0x62: {  	_ =	shalt  }
0x63: {  	_ =	shalt  }
0x64: {  	_ =	shalt  }
0x65: {  	_ =	shalt  }
0x66: {  	_ =	shalt  }
0x67: {  	_ =	shalt  }
0x68: {  	_ =	shalt  }
0x69: {  	_ =	shalt  }
0x6a: {  	_ =	shalt  }
0x6b: {  	_ =	shalt  }
0x6c: {  	_ =	shalt  }
0x6d: {  	_ =	shalt  }
0x6e: {  	_ =	shalt  }
0x6f: {  	_ =	shalt  }
0x70: {  	_ =	shalt  }
0x71: {  	_ =	shalt  }
0x72: {  	_ =	shalt  }
0x73: {  	_ =	shalt  }
0x74: {  	_ =	shalt  }
0x75: {  	_ =	shalt  }
0x76: {  	_ =	shalt  }
0x77: {  	_ =	shalt  }
0x78: {  	_ =	shalt  }
0x79: {  	_ =	shalt  }
0x7a: {  	_ =	shalt  }
0x7b: {  	_ =	shalt  }
0x7c: {  	_ =	shalt  }
0x7d: {  	_ =	shalt  }
0x7e: {  	_ =	shalt  }
0x7f: {  	_ =	shalt  }
0x80: {  	_ =	shalt  }
0x81: {  	_ =	shalt  }
0x82: {  	_ =	shalt  }
0x83: {  	_ =	shalt  }
0x84: {  	_ =	shalt  }
0x85: {  	_ =	shalt  }
0x86: {  	_ =	shalt  }
0x87: {  	_ =	shalt  }
.Lfunc_end0:
.L_simem_size_0:
called_computation_lowered:
.L_overlay_start_0:
0x88: {  	s2 =	sld [smem:$0x3FD9]  }
0x89: {  	s3 =	sld [smem:$0x3FFE];
	_ =	sdelay $0x1  }
0x8a: {  	s1 =	srdreg.scid  }
0x8b: {  	s0 =	sand.u32 $0x1, s1  }
0x8c: {  	s17 =	sshll.u32 s0, $0xA;
	s2 =	sadd.s32 s3, s2  }
0x8d: {  	s2 =	sadd.s32 s2, s17  }
0x8e: {  	[smem:$0x3FBA] =	sst s2  }
0x8f: {  	_ = 	snop  }
0x90: {  	s2 =	sld [smem:$0x3FC9];
	(tm) =	ssettm $0x1  }
0x91: {  	s18 =	sld [smem:$0x3FFB];
	_ =	sdelay $0x3  }
0x92: {  	_ =	strace s18  }
0x93: {  	s3 =	sld [smem:$0x3FFC];
	_ =	sdelay $0x3  }
0x94: {  	_ =	strace s3  }
0x95: {  	s3 =	sld [smem:$0x3FFD];
	_ =	sdelay $0x3  }
0x96: {  	_ =	strace s3  }
0x97: {  	_ =	strace $0x8FFFFFFF  }
0x98: {  	s19 =	sld [smem:$0x3FDB];
	_ =	sdelay $0x1  }
0x99: {  	s4 =	simm.s32 $_scs_section_size  }
0x9a: {  	s5 =	simm.s32 $_size__tile_overlayer_lowered;
	s6 =	simm.s32 $_tile_overlayer_lowered  }
0x9b: {  	s22 =	simm.s32 $0x1BFF;
	s21 =	sshll.u32 s6, $0x1;
	s3 =	sadd.s32 s4, s19  }
0x9c: {  	s7 =	simm.s32 $0x0;
	s20 =	sshll.u32 s5, $0x1;
	s5 =	sadd.s32 s21, s3  }
0x9d: {  	[timem:s7], [sflag:s22] =	dma.local [hbm:s5], s20  }
0x9e: {  	_ =	swait.ge [sflag:s22], s20  }
0x9f: {  	s4 =	ssub.s32 $0x0, s20;
	[sflag:s22] =	ssyncset.done $0x0  }
0xa0: {  	[sflag:s22] =	ssyncadd.s32 s4;
	_ =	sdelay $0x1  }
0xa1: {  	s23 =	simm.s32 $0x1B8B  }
0xa2: {  	_ =	swait.ge [sflag:s23], $0x1  }
0xa3: {  	[sflag:s23] =	ssyncset.done $0x0  }
0xa4: {  	s25 =	simm.s32 $0x1B8E;
	s24 =	sld [smem:$0x3FFE];
	[sflag:s23] =	ssyncadd.s32 $0xFFFFFFFF  }
0xa5: {  	s26 =	simm.s32 $execute0_lowered;
	[smem:$0x3FD2] =	sst s25  }
0xa6: {  	s5 =	sshll.u32 s26, $0x1;
	_ =	strace $0x80000046;
	[dreg:$0x1] =	wrdreg $0xFFFFFFFF  }
0xa7: {  	s28 =	simm.s32 $_size_execute0_lowered;
	s3 =	sadd.s32 s3, s5;
	[dreg:$0x0] =	wrdreg $0x0  }
0xa8: {  	s5 =	sshll.u32 s28, $0x1;
	[dreg:$0x2] =	wrdreg s3  }
0xa9: {  	[dreg:$0x3] =	wrdreg s5  }
0xaa: {  	[dreg:$0x4] =	wrdreg $0xC0  }
0xab: {  	_ =	task [dreg:s7], $0x5FFFF  }
0xac: {  	[dreg:$0x1] =	wrdreg $0xFFFFFFFF  }
0xad: {  	[dreg:$0x0] =	wrdreg $0x60  }
0xae: {  	[dreg:$0x2] =	wrdreg s2  }
0xaf: {  	[dreg:$0x3] =	wrdreg s24  }
0xb0: {  	[dreg:$0x4] =	wrdreg $0x0  }
0xb1: {  	[dreg:$0x5] =	wrdreg $0x9  }
0xb2: {  	_ =	task.clear_ibuf [dreg:s7], $0x6FFFF;
	_ =	strace $0x90000046  }
0xb3: {  	s29 =	simm.s32 $0x9;
	_ =	strace $0x80000048  }
0xb4: {  	_ =	swait.ge [sflag:s29], $0x1  }
0xb5: {  	[sflag:s29] =	ssyncadd.s32 $0xFFFFFFFF  }
0xb6: {  	_ =	strace $0x90000048  }
0xb7: {  	_ =	sfence  }
0xb8: {  	s30 =	sld [smem:$0x0];
	_ =	sdelay $0x2  }
0xb9: {  	s31 =	sshll.u32 s1, $0xD;
	s1 =	sshrl.u32 s1, $0x2  }
0xba: {  	s3 =	sand.u32 $0x4000, s31;
	s1 =	sadd.s32 s1, s30  }
0xbb: {  	s0 =	sor.u32 s3, s0;
	s1 =	sshll.u32 s1, $0x11  }
0xbc: {  	s0 =	sor.u32 s1, s0  }
0xbd: {  	s0 =	sadd.s32 $0x8F2B, s0  }
0xbe: {  	[sflag:s0] =	ssyncadd.remote.s32 $0x1  }
0xbf: {  	_ =	sfence.sel $0xFFFF  }
0xc0: {  	[dreg:$0x0] =	wrdreg $0xFFFFFFFF;
	(pc) =	sbr.abs _section_cstart, $3  }
0xc1: {  	[dreg:$0x1] =	wrdreg $0xFFFFFFFF  }
0xc2: {  	_ =	task.clear_ibuf [dreg:s7], $0x2FFFF;
	_ =	strace $0x9FFFFFFF  }
0xc3: {  	(tm) =	ssettm $0x7FFFFFFF  }
tec
execute0_lowered:
.L_overlay_start_1:
0x0: {  	(tag) =	ssettag $0x1  }
0x1: {  	s1 =	rddreg [dreg:$0x0];
	s11 =	stileid.u32  }
0x2: {  	s0 =	srdreg.scid;
	s5 =	rddreg [dreg:$0x1]  }
0x3: {  	s3 =	rddreg [dreg:$0x2];
	s4 =	simm.s32 $0x0;
	s18 =	simm.s32 $0x9  }
0x4: {  	s19 =	simm.s32 $0x13D00;
	s20 =	simm.s32 $0x80;
	s2 =	smul.u32 $0x12, s11  }
0x5: {  	s29 =	simm.s32 $0x7;
	s30 =	simm.s32 $0x8;
	s6 =	smul.u32 $0x8C, s11  }
0x6: {  	s31 =	simm.s32 $0x0;
	s0 =	sand.u32 $0x1, s0;
	s21 =	smul.u32 $0x13C00, s11  }
0x7: {  	[smem:$0x7FF] =	sst s4;
	s10 =	smul.u32 $0x4F000, s11;
	s12 =	sadd.s32 $0x40C00, s5  }
0x8: {  	s24 =	sshll.u32 s11, $0x6;
	p0 =	seq.s32 s0, $0x0;
	_ =	strace $0x80000047  }
0x9: {  	s7 =	ssub.s32 $0x2, s0;
	s0 =	smul.u32 $0x138800, s0;
	s2 =	sadd.s32 $0x8C0, s2  }
0xa: {  	s8 =	sshrl.u32 s21, $0x3;
	s9 =	sshrl.u32 s7, $0x1;
	s22 =	sshrl.u32 s10, $0x2  }
0xb: {  	s2 =	smov.u32 @p0 s6;
	s8 =	sadd.s32 s8, s5;
	s13 =	ssub.s32 s7, s9  }
0xc: {  	s7 =	sadd.s32 s22, s3;
	s6 =	sadd.s32 s21, s0;
	s9 =	sor.u32 $0x1C09, s24  }
0xd: {  	s0 =	sshrl.u32 s0, $0x3;
	s21 =	simm.s32 $0x14000;
	s22 =	simm.s32 $0x2  }
0xe: {  	s2 =	sshll.u32 s2, $0x5;
	s8 =	sadd.s32 $0x19400, s8;
	s6 =	sshrl.u32 s6, $0x3  }
0xf: {  	s0 =	sadd.s32 s12, s0;
	s26 =	smax.u32 s13, $0x1;
	s14 =	smov.u32 s7  }
0x10: {  	s17 =	sshrl.u32 s7, $0x3;
	s2 =	sadd.s32 s2, s5;
	[dreg:$0x5] =	wrdreg s8  }
0x11: {  	s5 =	simm.s32 $0x8C;
	s6 =	sadd.s32 s12, s6;
	[dreg:$0x9] =	wrdreg s26  }
0x12: {  	s0 =	sadd.s32 $0x25080, s0;
	s26 =	simm.s32 $0x5;
	[dreg:$0x7] =	wrdreg s6  }
0x13: {  	s5 =	simm.s32 @!p0 $0x12;
	s23 =	sadd.s32 $0x5800, s2;
	[dreg:$0x8] =	wrdreg s0  }
0x14: {  	s25 =	sadd.s32 $0x5820, s2;
	s0 =	sadd.s32 $0x128400, s3;
	[dreg:$0x4] =	wrdreg s23  }
0x15: {  	s28 =	sadd.s32 $0x5840, s2;
	p0 =	seq.s32 s11, $0xF;
	[dreg:$0x6] =	wrdreg s25  }
0x16: {  	[dreg:$0xa] =	wrdreg s28;
	s23 =	sadd.s32 $0x5860, s2;
	s25 =	sshrl.u32 @p0 s0, $0x3  }
.LBB2_1:
0x17: {  	s0 =	rddreg [dreg:$0x4]  }
0x18: {  	s2 =	simm.s32 $0x13C00;
	s24 =	rddreg [dreg:$0x5]  }
0x19: {  	[tilespmem:s2], [sflag:$0x1] =	stream.linear.gather [hbm4b:s0+s4], $0x100, $0x38;
	[tilespmem:$0x1C000] =	vst v63  }
0x1a: {  	[spmem:s17], [sflag:s9] =	dma.local [hbm:s24], $0x2780  }
0x1b: {  	_ =	swait.ge [sflag:s18], $0x2780  }
0x1c: {  	[sflag:s18] =	ssyncset.done $0x0  }
0x1d: {  	s7 =	simm.s32 $0x1;
	s6 =	rddreg [dreg:$0x6];
	[sflag:s18] =	ssyncadd.s32 $0xFFFFD880  }
0x1e: {  	[tilespmem:s19], [sflag:$0x2] =	stream.linear.gather [hbm4b:s6+s4], $0x100, $0x38;
	[tilespmem:$0x1C000] =	vst v63  }
0x1f: {  	_ =	swait.ge [sflag:s7], $0x100  }
0x20: {  	[sflag:s7] =	ssyncset.done $0x0  }
0x21: {  	[sflag:s7] =	ssyncadd.s32 $0xFFFFFF00  }
0x22: {  	[tilespmem:s21], [sflag:$0x5] =	stream.indirect.gather [hbm4b:s1+s20], $0x80, s2, s20, $0xb8;
	[tilespmem:$0x1C000] =	vst v63  }
0x23: {  	[bflag:$0x0] =	sbarrier.arrive $0xFFFF  }
0x24: {  	_ =	swait.ge [sflag:s22], $0x100  }
0x25: {  	[sflag:s22] =	ssyncset.done $0x0  }
0x26: {  	s8 =	simm.s32 $0x18000;
	[sflag:s22] =	ssyncadd.s32 $0xFFFFFF00  }
0x27: {  	[tilespmem:s8], [sflag:$0x6] =	stream.indirect.gather [hbm4b:s1+s20], $0x80, s19, s20, $0xb8;
	[tilespmem:$0x1C000] =	vst v63  }
0x28: {  	s6 =	simm.s32 $0x13E00;
	s10 =	rddreg [dreg:$0xa]  }
0x29: {  	[tilespmem:s6], [sflag:$0x3] =	stream.linear.gather [hbm4b:s10+s4], $0x100, $0x38;
	[tilespmem:$0x1C000] =	vst v63  }
0x2a: {  	p1 =	sle.u32 s5, $0x2;
	s2 =	simm.s32 $0x2;
	_ =	swait.ge [sflag:s26], $0x4000  }
0x2b: {  	s6 =	sand.u32 @!p1 $0x3, s2;
	[sflag:s26] =	ssyncset.done $0x0  }
0x2c: {  	s11 =	simm.s32 $0x13C80;
	s8 =	sadd.s32 @!p1 $0x1, s6;
	[sflag:s26] =	ssyncadd.s32 $0xFFFFC000  }
0x2d: {  	[spmem:s3] =	stream.indirect.scatter.add.f32 [tilespmem:s21], [sflag:$0x7], $0x80, s11, s20, $0xb8;
	[tilespmem:$0x1C000] =	vst v63  }
0x2e: {  	s28 =	simm.s32 $0x3;
	s0 =	sand.u32 $0x1, s7;
	_ =	swait.ge @!p1 [sflag:s8], $0x100  }
0x2f: {  	p2 =	sle.u32 s5, $0x3;
	s15 =	sxor.u32 @!p1 $0x1, s0;
	[sflag:s8] =	ssyncset.done @!p1 $0x0  }
0x30: {  	s12 =	simm.s32 $0x400;
	[sflag:s8] =	ssyncadd.s32 @!p1 $0xFFFFFF00;
	s8 =	sadd.s32 @!p1 $0x7, s15  }
0x31: {  	s24 =	sshll.u32 @!p1 s15, $0xE;
	s6 =	sshll.u32 @!p1 s6, $0x8;
	_ =	swait.ge @!p1 [sflag:s8], $0x4000  }
0x32: {  	s24 =	sadd.s32 @!p1 $0x14000, s24;
	s6 =	sor.u32 @!p1 $0x13C00, s6;
	[sflag:s8] =	ssyncset.done @!p1 $0x0  }
0x33: {  	s15 =	sadd.s32 @!p1 $0x5, s15;
	[sflag:s8] =	ssyncadd.s32 @!p1 $0xFFFFC000;
	s8 =	simm.s32 @!p1 $0x80  }
0x34: {  	[tilespmem:s24], [sflag:s15] =	stream.indirect.gather @!p1 [hbm4b:s1+s8], $0x80, s6, s8, $0xb8;
	[tilespmem:$0x1C000] =	vst v63  }
0x35: {  	s13 =	sshll.u32 s0, $0xE;
	s8 =	sand.u32 @!p2 $0x3, s28;
	p1 =	sne.s32 s5, $0x2  }
0x36: {  	s28 =	simm.s32 @!p2 $0x0;
	s6 =	sand.u32 $0xC00, s12;
	s24 =	sshll.u32 @!p2 s8, $0x8  }
.Ltmp0:
0x37: {  	s8 =	sadd.s32 @!p2 $0x1, s8;
	s24 =	sor.u32 @!p2 $0x13C00, s24;
	(pc) =	sbr.rel @!p1 .LBB2_3-.Ltmp0, $4  }
0x38: {  	[tilespmem:s24], [sflag:s8] =	stream.linear.gather @!p2 [hbm4b:s23+s28], $0x100, $0x38;
	[tilespmem:$0x1C000] =	vst v63  }
0x39: {  	s15 =	smov.u32 s23;
	s16 =	sshrl.u32 s6, $0x2;
	s28 =	sadd.s32 $0x5, s0  }
0x3a: {  	s6 =	sadd.s32 $0x14000, s13;
	s24 =	sadd.s32 $0x7, s0;
	_ =	swait.ge [sflag:s28], $0x4000  }
0x3b: {  	s0 =	simm.s32 $0x800;
	s8 =	sor.u32 $0x13C80, s16;
	[sflag:s28] =	ssyncset.done $0x0  }
.LBB2_2:
0x3c: {  	[sflag:s28] =	ssyncadd.s32 $0xFFFFC000  }
0x3d: {  	s15 =	sadd.s32 $0x20, s15;
	s28 =	smov.u32 s2;
	s2 =	sadd.s32 $0x1, s2  }
0x3e: {  	[spmem:s3] =	stream.indirect.scatter.add.f32 [tilespmem:s6], [sflag:s24], $0x80, s8, s20, $0xb8;
	[tilespmem:$0x1C000] =	vst v63  }
0x3f: {  	s6 =	sand.u32 $0x1, s28;
	p2 =	sge.u32 s2, s5;
	p1 =	sne.s32 s5, s2  }
0x40: {  	s8 =	sxor.u32 @!p2 $0x1, s6;
	s24 =	sand.u32 @!p2 $0x3, s2;
	s7 =	sshll.u32 s6, $0xE  }
0x41: {  	s10 =	sadd.s32 @!p2 $0x1, s24;
	s11 =	sshll.u32 @!p2 s8, $0xE;
	s24 =	sshll.u32 @!p2 s24, $0x8  }
0x42: {  	s11 =	sadd.s32 @!p2 $0x14000, s11;
	s12 =	sor.u32 @!p2 $0x13C00, s24;
	_ =	swait.ge @!p2 [sflag:s10], $0x100  }
0x43: {  	s13 =	sadd.s32 @!p2 $0x5, s8;
	s24 =	sadd.s32 $0x7, s6;
	[sflag:s10] =	ssyncset.done @!p2 $0x0  }
0x44: {  	s8 =	sadd.s32 @!p2 $0x7, s8;
	[sflag:s10] =	ssyncadd.s32 @!p2 $0xFFFFFF00  }
0x45: {  	s10 =	sadd.s32 $0x2, s28;
	_ =	swait.ge @!p2 [sflag:s8], $0x4000  }
0x46: {  	s16 =	sand.u32 $0xC00, s0;
	p3 =	sge.u32 s10, s5;
	[sflag:s8] =	ssyncset.done @!p2 $0x0  }
0x47: {  	s10 =	sand.u32 @!p3 $0x3, s10;
	[sflag:s8] =	ssyncadd.s32 @!p2 $0xFFFFC000;
	s8 =	simm.s32 @!p2 $0x80  }
0x48: {  	[tilespmem:s11], [sflag:s13] =	stream.indirect.gather @!p2 [hbm4b:s1+s8], $0x80, s12, s8, $0xb8;
	[tilespmem:$0x1C000] =	vst v63  }
.Ltmp1:
0x49: {  	s8 =	sshll.u32 @!p3 s10, $0x8;
	s10 =	sadd.s32 @!p3 $0x1, s10;
	(pc) =	sbr.rel @p1 .LBB2_2-.Ltmp1, $4  }
0x4a: {  	s28 =	sadd.s32 $0x5, s6;
	s11 =	simm.s32 @!p3 $0x0;
	s8 =	sor.u32 @!p3 $0x13C00, s8  }
0x4b: {  	[tilespmem:s8], [sflag:s10] =	stream.linear.gather @!p3 [hbm4b:s15+s11], $0x100, $0x38;
	[tilespmem:$0x1C000] =	vst v63  }
0x4c: {  	s0 =	sadd.s32 $0x400, s0;
	s8 =	sshrl.u32 s16, $0x2;
	_ =	swait.ge [sflag:s28], $0x4000  }
0x4d: {  	s6 =	sadd.s32 $0x14000, s7;
	s8 =	sor.u32 $0x13C80, s8;
	[sflag:s28] =	ssyncset.done $0x0  }
.LBB2_3:
0x4e: {  	[sflag:s28] =	ssyncadd.s32 $0xFFFFC000  }
0x4f: {  	[spmem:s3] =	stream.indirect.scatter.add.f32 [tilespmem:s6], [sflag:s24], $0x80, s8, s20, $0xb8;
	[tilespmem:$0x1C000] =	vst v63  }
0x50: {  	_ =	swait.ge [sflag:s29], $0x4000  }
0x51: {  	[sflag:s29] =	ssyncset.done $0x0  }
0x52: {  	[sflag:s29] =	ssyncadd.s32 $0xFFFFC000  }
0x53: {  	_ =	swait.ge [sflag:s30], $0x4000  }
0x54: {  	[sflag:s30] =	ssyncset.done $0x0  }
0x55: {  	[sflag:s30] =	ssyncadd.s32 $0xFFFFC000  }
0x56: {  	[bflag:$0x0] =	sbarrier.arrive $0xFFFF  }
0x57: {  	s0 =	rddreg [dreg:$0x8]  }
0x58: {  	[hbm:s0], [sflag:s9] =	dma.local @p0 [spmem:s25], $0x2080  }
0x59: {  	s0 =	simm.s32 @p0 $0x9  }
0x5a: {  	_ =	swait.ge @p0 [sflag:s0], $0x2080  }
0x5b: {  	[sflag:s0] =	ssyncset.done @p0 $0x0  }
0x5c: {  	s2 =	rddreg [dreg:$0x7];
	[sflag:s0] =	ssyncadd.s32 @p0 $0xFFFFDF80;
	s0 =	sshrl.u32 @!p0 s14, $0x3  }
0x5d: {  	[hbm:s2], [sflag:s9] =	dma.local @!p0 [spmem:s0], $0x2780  }
0x5e: {  	s0 =	simm.s32 @!p0 $0x9  }
0x5f: {  	_ =	swait.ge @!p0 [sflag:s0], $0x2780  }
0x60: {  	s31 =	sadd.s32 $0x1, s31;
	s28 =	rddreg [dreg:$0x9]  }
0x61: {  	p1 =	sne.s32 s31, s28  }
.Ltmp2:
0x62: {  	_ = 	snop;
	(pc) =	sbr.rel @p1 .LBB2_1-.Ltmp2, $3  }
0x63: {  	_ =	sdelay $0x1  }
0x64: {  	[sflag:s0] =	ssyncset.done @!p0 $0x0  }
0x65: {  	[sflag:s0] =	ssyncadd.s32 @!p0 $0xFFFFD880  }
0x66: {  	_ =	sfence.sel $0x180000  }
0x67: {  	[bflag:$0x0] =	sbarrier.arrive $0xFFFF  }
0x68: {  	_ =	strace $0x90000047  }
0x69: {  	s0 =	stileid.u32;
	[bflag:$0x2] =	sbarrier.arrive $0xFFFF  }
0x6a: {  	p0 =	sne.s32 s0, $0x0;
	s0 =	rddreg [dreg:$0x3]  }
0x6b: {  	s0 =	sadd.s32 @!p0 $0x100000, s0  }
0x6c: {  	[sflag:s0] =	ssyncadd.tile.s32 @!p0 $0x1;
	_ =	shalt  }
.Lfunc_end2:
_tile_overlayer_lowered:
.L_overlay_start_2:
0x6d: {  	(tag) =	ssettag $0x2  }
0x6e: {  	s0 =	rddreg [dreg:$0x0];
	s2 =	stileid.u32  }
0x6f: {  	s1 =	rddreg [dreg:$0x1];
	p0 =	sne.s32 s2, $0x0  }
0x70: {  	s3 =	rddreg [dreg:$0x2];
	[bflag:$0x3] =	sbarrier.arrive $0xFFFF;
	s2 =	simm.s32 @!p0 $0x1C09  }
0x71: {  	[timem:s3], [sflag:s2] =	dma.local @!p0 [hbm:s0], s1  }
0x72: {  	s0 =	simm.s32 @!p0 $0x9  }
0x73: {  	_ =	swait.ge @!p0 [sflag:s0], s1  }
0x74: {  	s1 =	ssub.s32 @!p0 $0x0, s1;
	[sflag:s0] =	ssyncset.done @!p0 $0x0  }
0x75: {  	[sflag:s0] =	ssyncadd.s32 @!p0 s1  }
0x76: {  	[bflag:$0x3] =	sbarrier.arrive $0xFFFF  }
0x77: {  	_ =	shalt  }

// kernel: kernel.13.cloned.1.call-start
scs
__scs_entry_jumppad:
0x0: {  	(pc) =	sbr.rel $0x88, $3  }
0x1: {  	(tag) =	ssettag $0x0;
	lr =	simm.s32 $0x1  }
0x2: {  	[smem:$0x3F93] =	sst lr;
	_ =	strace $0xD0000000  }
0x3: {  	_ = 	snop  }
0x4: {  	_ = 	snop  }
0x5: {  	_ = 	snop  }
0x6: {  	_ = 	snop  }
0x7: {  	_ = 	snop  }
__scs_overlays_trampoline_lowered:
0x8: {  	[smem:$0x3FA2] =	sst s0  }
0x9: {  	[smem:$0x3FA3] =	sst s1  }
0xa: {  	[smem:$0x3FA4] =	sst s2  }
0xb: {  	[smem:$0x3FA5] =	sst s3  }
0xc: {  	[smem:$0x3FA6] =	sst s4  }
0xd: {  	[smem:$0x3FA7] =	sst s5  }
0xe: {  	[smem:$0x3FA8] =	sst s6  }
0xf: {  	[smem:$0x3FA9] =	sst s7  }
0x10: {  	[smem:$0x3FAA] =	sst s8  }
0x11: {  	[smem:$0x3FAB] =	sst s9;
	s0 =	simm.s32 @!p0 $0x0  }
0x12: {  	s1 =	sld [smem:$0x3F91];
	s0 =	simm.s32 @p0 $0x1  }
0x13: {  	[smem:$0x3FAC] =	sst s0;
	s0 =	simm.s32 @!p1 $0x0  }
0x14: {  	s2 =	sld [smem:$0x3F90];
	s0 =	simm.s32 @p1 $0x1  }
0x15: {  	[smem:$0x3FAD] =	sst s0;
	s0 =	simm.s32 @!p2 $0x0  }
0x16: {  	s3 =	sld [smem:$0x3FDB];
	s0 =	simm.s32 @p2 $0x1  }
0x17: {  	s4 =	simm.s32 $0x1BF5;
	[smem:$0x3FAF] =	sst s0  }
0x18: {  	s0 =	sld [smem:$0x3F92];
	_ =	swait.ge [sflag:s4], $0x0  }
0x19: {  	s7 =	sld [smem:$0x3F93]  }
0x1a: {  	s8 =	sadd.s32 $0xFFFFE003, lr  }
0x1b: {  	s9 =	sadd.s32 $0xFFFFFEF7, lr;
	s5 =	simm.s32 $0xFFFFFFFF;
	p2 =	slt.u32 s8, $0xFFFFF086  }
0x1c: {  	p1 =	slt.u32 s9, $0xF7A;
	s5 =	simm.s32 @!p2 $0x0  }
0x1d: {  	s5 =	simm.s32 @p1 $0x1;
	p0 =	seq.s32 s7, s2  }
0x1e: {  	s7 =	smul.u32 @!p0 $0xF7A, s2;
	p2 =	seq.s32 @!p0 s5, $0x0  }
0x1f: {  	s9 =	smul.u32 $0xF7A, s1;
	s8 =	simm.s32 @!p0 $0x1BF5;
	p2 =	por !p2, p0  }
0x20: {  	[sflag:s8] =	ssyncset.s32 @!p0 $0xFFFFF086;
	s6 =	sadd.s32 @!p0 s3, s7;
	s7 =	simm.s32 @!p0 $0x108  }
0x21: {  	s3 =	sadd.s32 s3, s9;
	s6 =	sadd.s32 @!p0 $0x88, s6;
	s7 =	simm.s32 @p2 $0x1082  }
0x22: {  	[simem:s7], [sflag:s8] =	dma.local @!p0 [hbm:s6], $0xF7A  }
0x23: {  	s9 =	sor.u32 $0xD0000000, s2;
	s6 =	simm.s32 $0x108;
	_ =	swait.ge @!p0 [sflag:s8], $0x0  }
0x24: {  	s3 =	sadd.s32 $0x88, s3;
	s6 =	simm.s32 @!p1 $0x1082;
	[sflag:s4] =	ssyncset.s32 $0xFFFFF086  }
0x25: {  	[simem:s6], [sflag:s4] =	dma.local [hbm:s3], $0xF7A  }
0x26: {  	[smem:$0x3F93] =	sst s1;
	(tag) =	ssettag s2;
	_ =	strace s9  }
0x27: {  	s1 =	sld [smem:$0x3FA3]  }
0x28: {  	s2 =	sld [smem:$0x3FA4]  }
0x29: {  	s4 =	sld [smem:$0x3FA6]  }
0x2a: {  	p0 =	seq.s32 s5, $0x0;
	s5 =	sld [smem:$0x3FA7]  }
0x2b: {  	s6 =	sld [smem:$0x3FA8]  }
0x2c: {  	s7 =	sld [smem:$0x3FA9]  }
0x2d: {  	s3 =	simm.s32 $0x108;
	s8 =	sld [smem:$0x3FAA]  }
0x2e: {  	s3 =	simm.s32 @!p0 $0x1082;
	s9 =	sld [smem:$0x3FAB]  }
0x2f: {  	lr =	sadd.s32 s0, s3;
	s0 =	sld [smem:$0x3FA2]  }
0x30: {  	s3 =	sld [smem:$0x3FA5]  }
0x31: {  	[smem:$0x3FAE] =	sst s10  }
0x32: {  	s10 =	sld [smem:$0x3FAC];
	_ =	sdelay $0x3  }
0x33: {  	p0 =	seq.s32 s10, $0x1;
	s10 =	sld [smem:$0x3FAE];
	_ =	sdelay $0x3  }
0x34: {  	[smem:$0x3FAE] =	sst s10  }
0x35: {  	s10 =	sld [smem:$0x3FAD];
	_ =	sdelay $0x3  }
0x36: {  	p1 =	seq.s32 s10, $0x1;
	s10 =	sld [smem:$0x3FAE];
	_ =	sdelay $0x3  }
0x37: {  	[smem:$0x3FAE] =	sst s10  }
0x38: {  	s10 =	sld [smem:$0x3FAF]  }
0x39: {  	_ = 	snop;
	(pc) =	sbr.ind lr, $3  }
0x3a: {  	_ = 	snop  }
0x3b: {  	_ = 	snop  }
0x3c: {  	p2 =	seq.s32 s10, $0x1;
	s10 =	sld [smem:$0x3FAE]  }
0x3d: {  	_ =	shalt  }
0x3e: {  	_ =	shalt  }
0x3f: {  	_ =	shalt  }
0x40: {  	_ =	shalt  }
0x41: {  	_ =	shalt  }
0x42: {  	_ =	shalt  }
0x43: {  	_ =	shalt  }
0x44: {  	_ =	shalt  }
0x45: {  	_ =	shalt  }
0x46: {  	_ =	shalt  }
0x47: {  	_ =	shalt  }
0x48: {  	_ =	shalt  }
0x49: {  	_ =	shalt  }
0x4a: {  	_ =	shalt  }
0x4b: {  	_ =	shalt  }
0x4c: {  	_ =	shalt  }
0x4d: {  	_ =	shalt  }
0x4e: {  	_ =	shalt  }
0x4f: {  	_ =	shalt  }
0x50: {  	_ =	shalt  }
0x51: {  	_ =	shalt  }
0x52: {  	_ =	shalt  }
0x53: {  	_ =	shalt  }
0x54: {  	_ =	shalt  }
0x55: {  	_ =	shalt  }
0x56: {  	_ =	shalt  }
0x57: {  	_ =	shalt  }
0x58: {  	_ =	shalt  }
0x59: {  	_ =	shalt  }
0x5a: {  	_ =	shalt  }
0x5b: {  	_ =	shalt  }
0x5c: {  	_ =	shalt  }
0x5d: {  	_ =	shalt  }
0x5e: {  	_ =	shalt  }
0x5f: {  	_ =	shalt  }
0x60: {  	_ =	shalt  }
0x61: {  	_ =	shalt  }
0x62: {  	_ =	shalt  }
0x63: {  	_ =	shalt  }
0x64: {  	_ =	shalt  }
0x65: {  	_ =	shalt  }
0x66: {  	_ =	shalt  }
0x67: {  	_ =	shalt  }
0x68: {  	_ =	shalt  }
0x69: {  	_ =	shalt  }
0x6a: {  	_ =	shalt  }
0x6b: {  	_ =	shalt  }
0x6c: {  	_ =	shalt  }
0x6d: {  	_ =	shalt  }
0x6e: {  	_ =	shalt  }
0x6f: {  	_ =	shalt  }
0x70: {  	_ =	shalt  }
0x71: {  	_ =	shalt  }
0x72: {  	_ =	shalt  }
0x73: {  	_ =	shalt  }
0x74: {  	_ =	shalt  }
0x75: {  	_ =	shalt  }
0x76: {  	_ =	shalt  }
0x77: {  	_ =	shalt  }
0x78: {  	_ =	shalt  }
0x79: {  	_ =	shalt  }
0x7a: {  	_ =	shalt  }
0x7b: {  	_ =	shalt  }
0x7c: {  	_ =	shalt  }
0x7d: {  	_ =	shalt  }
0x7e: {  	_ =	shalt  }
0x7f: {  	_ =	shalt  }
0x80: {  	_ =	shalt  }
0x81: {  	_ =	shalt  }
0x82: {  	_ =	shalt  }
0x83: {  	_ =	shalt  }
0x84: {  	_ =	shalt  }
0x85: {  	_ =	shalt  }
0x86: {  	_ =	shalt  }
0x87: {  	_ =	shalt  }
.Lfunc_end0:
.L_simem_size_0:
called_computation.1_lowered:
.L_overlay_start_0:
0x88: {  	s2 =	sld [smem:$0x3FD9]  }
0x89: {  	s3 =	sld [smem:$0x3FFE];
	_ =	sdelay $0x1  }
0x8a: {  	s1 =	srdreg.scid  }
0x8b: {  	s0 =	sand.u32 $0x1, s1  }
0x8c: {  	s14 =	sshll.u32 s0, $0xA;
	s2 =	sadd.s32 s3, s2  }
0x8d: {  	s2 =	sadd.s32 s2, s14  }
0x8e: {  	[smem:$0x3FBA] =	sst s2  }
0x8f: {  	_ = 	snop  }
0x90: {  	s2 =	sld [smem:$0x3FD0];
	_ =	sdelay $0x2  }
0x91: {  	s15 =	simm.s32 $0xA;
	s4 =	simm.s32 $0x10  }
0x92: {  	[smem:s4], [sflag:s15] =	dma.local [hbm:s2], $0x1  }
0x93: {  	_ =	swait.eq [sflag:s15], $0x1  }
0x94: {  	[sflag:s15] =	ssyncset.done $0x0  }
0x95: {  	[sflag:s15] =	ssyncadd.s32 $0xFFFFFFFF  }
0x96: {  	s16 =	sld [smem:$0x10];
	(tm) =	ssettm $0x1  }
0x97: {  	s17 =	sld [smem:$0x3FFB];
	_ =	sdelay $0x3  }
0x98: {  	_ =	strace s17  }
0x99: {  	s3 =	sld [smem:$0x3FFC];
	_ =	sdelay $0x3  }
0x9a: {  	_ =	strace s3  }
0x9b: {  	s3 =	sld [smem:$0x3FFD];
	_ =	sdelay $0x3  }
0x9c: {  	_ =	strace s3  }
0x9d: {  	_ =	strace $0x8FFFFFFF  }
0x9e: {  	s18 =	sld [smem:$0x3FDB];
	_ =	sdelay $0x1  }
0x9f: {  	s19 =	simm.s32 $_scs_section_size  }
0xa0: {  	s5 =	simm.s32 $_size__tile_overlayer_lowered;
	s6 =	simm.s32 $_tile_overlayer_lowered  }
0xa1: {  	s22 =	simm.s32 $0x1BFF;
	s21 =	sshll.u32 s6, $0x1;
	s3 =	sadd.s32 s19, s18  }
0xa2: {  	s7 =	simm.s32 $0x0;
	s20 =	sshll.u32 s5, $0x1;
	s5 =	sadd.s32 s21, s3  }
0xa3: {  	[timem:s7], [sflag:s22] =	dma.local [hbm:s5], s20  }
0xa4: {  	_ =	swait.ge [sflag:s22], s20  }
0xa5: {  	s4 =	ssub.s32 $0x0, s20;
	[sflag:s22] =	ssyncset.done $0x0  }
0xa6: {  	[sflag:s22] =	ssyncadd.s32 s4;
	_ =	sdelay $0x1  }
0xa7: {  	s23 =	simm.s32 $0x1B8B  }
0xa8: {  	_ =	swait.ge [sflag:s23], $0x1  }
0xa9: {  	[sflag:s23] =	ssyncset.done $0x0  }
0xaa: {  	s25 =	simm.s32 $0x1B8E;
	s24 =	sld [smem:$0x3FFE];
	[sflag:s23] =	ssyncadd.s32 $0xFFFFFFFF  }
0xab: {  	s26 =	simm.s32 $execute0_lowered;
	[smem:$0x3FD2] =	sst s25  }
0xac: {  	s5 =	sshll.u32 s26, $0x1;
	_ =	strace $0x80000049;
	[dreg:$0x1] =	wrdreg $0xFFFFFFFF  }
0xad: {  	s28 =	simm.s32 $_size_execute0_lowered;
	s3 =	sadd.s32 s3, s5;
	[dreg:$0x0] =	wrdreg $0x0  }
0xae: {  	s5 =	sshll.u32 s28, $0x1;
	[dreg:$0x2] =	wrdreg s3  }
0xaf: {  	[dreg:$0x3] =	wrdreg s5  }
0xb0: {  	[dreg:$0x4] =	wrdreg $0xC0  }
0xb1: {  	_ =	task [dreg:s7], $0x5FFFF  }
0xb2: {  	[dreg:$0x1] =	wrdreg $0xFFFFFFFF  }
0xb3: {  	[dreg:$0x0] =	wrdreg $0x60  }
0xb4: {  	[dreg:$0x2] =	wrdreg s16  }
0xb5: {  	[dreg:$0x3] =	wrdreg s24  }
0xb6: {  	[dreg:$0x4] =	wrdreg $0x0  }
0xb7: {  	[dreg:$0x5] =	wrdreg $0x9  }
0xb8: {  	_ =	task.clear_ibuf [dreg:s7], $0x6FFFF;
	_ =	strace $0x90000049  }
0xb9: {  	s29 =	simm.s32 $0x9;
	_ =	strace $0x8000004B  }
0xba: {  	_ =	swait.ge [sflag:s29], $0x1  }
0xbb: {  	[sflag:s29] =	ssyncadd.s32 $0xFFFFFFFF  }
0xbc: {  	_ =	strace $0x9000004B  }
0xbd: {  	_ =	sfence  }
0xbe: {  	s30 =	sld [smem:$0x0];
	_ =	sdelay $0x2  }
0xbf: {  	s31 =	sshll.u32 s1, $0xD;
	s1 =	sshrl.u32 s1, $0x2  }
0xc0: {  	s3 =	sand.u32 $0x4000, s31;
	s1 =	sadd.s32 s1, s30  }
0xc1: {  	s0 =	sor.u32 s3, s0;
	s1 =	sshll.u32 s1, $0x11  }
0xc2: {  	s0 =	sor.u32 s1, s0  }
0xc3: {  	s0 =	sadd.s32 $0x8F2B, s0  }
0xc4: {  	[sflag:s0] =	ssyncadd.remote.s32 $0x1  }
0xc5: {  	_ =	sfence.sel $0xFFFF  }
0xc6: {  	[dreg:$0x0] =	wrdreg $0xFFFFFFFF;
	(pc) =	sbr.abs _section_cstart, $3  }
0xc7: {  	[dreg:$0x1] =	wrdreg $0xFFFFFFFF  }
0xc8: {  	_ =	task.clear_ibuf [dreg:s7], $0x2FFFF;
	_ =	strace $0x9FFFFFFF  }
0xc9: {  	(tm) =	ssettm $0x7FFFFFFF  }
tec
execute0_lowered:
.L_overlay_start_1:
0x0: {  	(tag) =	ssettag $0x1  }
0x1: {  	s1 =	rddreg [dreg:$0x0];
	s11 =	stileid.u32  }
0x2: {  	s0 =	srdreg.scid;
	s5 =	rddreg [dreg:$0x1]  }
0x3: {  	s3 =	rddreg [dreg:$0x2];
	s4 =	simm.s32 $0x0;
	s18 =	simm.s32 $0x9  }
0x4: {  	s19 =	simm.s32 $0x13D00;
	s20 =	simm.s32 $0x80;
	s2 =	smul.u32 $0x12, s11  }
0x5: {  	s29 =	simm.s32 $0x7;
	s30 =	simm.s32 $0x8;
	s6 =	smul.u32 $0x8C, s11  }
0x6: {  	s31 =	simm.s32 $0x0;
	s0 =	sand.u32 $0x1, s0;
	s21 =	smul.u32 $0x13C00, s11  }
0x7: {  	[smem:$0x7FF] =	sst s4;
	s10 =	smul.u32 $0x4F000, s11;
	s12 =	sadd.s32 $0x8EE00, s5  }
0x8: {  	s24 =	sshll.u32 s11, $0x6;
	p0 =	seq.s32 s0, $0x0;
	_ =	strace $0x8000004A  }
0x9: {  	s7 =	ssub.s32 $0x2, s0;
	s0 =	smul.u32 $0x138800, s0;
	s2 =	sadd.s32 $0x8C0, s2  }
0xa: {  	s8 =	sshrl.u32 s21, $0x3;
	s9 =	sshrl.u32 s7, $0x1;
	s22 =	sshrl.u32 s10, $0x2  }
0xb: {  	s2 =	smov.u32 @p0 s6;
	s8 =	sadd.s32 s8, s5;
	s13 =	ssub.s32 s7, s9  }
0xc: {  	s7 =	sadd.s32 s22, s3;
	s6 =	sadd.s32 s21, s0;
	s9 =	sor.u32 $0x1C09, s24  }
0xd: {  	s0 =	sshrl.u32 s0, $0x3;
	s21 =	simm.s32 $0x14000;
	s22 =	simm.s32 $0x2  }
0xe: {  	s2 =	sshll.u32 s2, $0x5;
	s8 =	sadd.s32 $0x19400, s8;
	s6 =	sshrl.u32 s6, $0x3  }
0xf: {  	s0 =	sadd.s32 s12, s0;
	s26 =	smax.u32 s13, $0x1;
	s14 =	smov.u32 s7  }
0x10: {  	s17 =	sshrl.u32 s7, $0x3;
	s2 =	sadd.s32 s2, s5;
	[dreg:$0x5] =	wrdreg s8  }
0x11: {  	s5 =	simm.s32 $0x8C;
	s6 =	sadd.s32 s12, s6;
	[dreg:$0x9] =	wrdreg s26  }
0x12: {  	s0 =	sadd.s32 $0x25080, s0;
	s26 =	simm.s32 $0x5;
	[dreg:$0x7] =	wrdreg s6  }
0x13: {  	s5 =	simm.s32 @!p0 $0x12;
	s23 =	sadd.s32 $0x5800, s2;
	[dreg:$0x8] =	wrdreg s0  }
0x14: {  	s25 =	sadd.s32 $0x5820, s2;
	s0 =	sadd.s32 $0x128400, s3;
	[dreg:$0x4] =	wrdreg s23  }
0x15: {  	s28 =	sadd.s32 $0x5840, s2;
	p0 =	seq.s32 s11, $0xF;
	[dreg:$0x6] =	wrdreg s25  }
0x16: {  	[dreg:$0xa] =	wrdreg s28;
	s23 =	sadd.s32 $0x5860, s2;
	s25 =	sshrl.u32 @p0 s0, $0x3  }
.LBB2_1:
0x17: {  	s0 =	rddreg [dreg:$0x4]  }
0x18: {  	s2 =	simm.s32 $0x13C00;
	s24 =	rddreg [dreg:$0x5]  }
0x19: {  	[tilespmem:s2], [sflag:$0x1] =	stream.linear.gather [hbm4b:s0+s4], $0x100, $0x38;
	[tilespmem:$0x1C000] =	vst v63  }
0x1a: {  	[spmem:s17], [sflag:s9] =	dma.local [hbm:s24], $0x2780  }
0x1b: {  	_ =	swait.ge [sflag:s18], $0x2780  }
0x1c: {  	[sflag:s18] =	ssyncset.done $0x0  }
0x1d: {  	s7 =	simm.s32 $0x1;
	s6 =	rddreg [dreg:$0x6];
	[sflag:s18] =	ssyncadd.s32 $0xFFFFD880  }
0x1e: {  	[tilespmem:s19], [sflag:$0x2] =	stream.linear.gather [hbm4b:s6+s4], $0x100, $0x38;
	[tilespmem:$0x1C000] =	vst v63  }
0x1f: {  	_ =	swait.ge [sflag:s7], $0x100  }
0x20: {  	[sflag:s7] =	ssyncset.done $0x0  }
0x21: {  	[sflag:s7] =	ssyncadd.s32 $0xFFFFFF00  }
0x22: {  	[tilespmem:s21], [sflag:$0x5] =	stream.indirect.gather [hbm4b:s1+s20], $0x80, s2, s20, $0xb8;
	[tilespmem:$0x1C000] =	vst v63  }
0x23: {  	[bflag:$0x0] =	sbarrier.arrive $0xFFFF  }
0x24: {  	_ =	swait.ge [sflag:s22], $0x100  }
0x25: {  	[sflag:s22] =	ssyncset.done $0x0  }
0x26: {  	s8 =	simm.s32 $0x18000;
	[sflag:s22] =	ssyncadd.s32 $0xFFFFFF00  }
0x27: {  	[tilespmem:s8], [sflag:$0x6] =	stream.indirect.gather [hbm4b:s1+s20], $0x80, s19, s20, $0xb8;
	[tilespmem:$0x1C000] =	vst v63  }
0x28: {  	s6 =	simm.s32 $0x13E00;
	s10 =	rddreg [dreg:$0xa]  }
0x29: {  	[tilespmem:s6], [sflag:$0x3] =	stream.linear.gather [hbm4b:s10+s4], $0x100, $0x38;
	[tilespmem:$0x1C000] =	vst v63  }
0x2a: {  	p1 =	sle.u32 s5, $0x2;
	s2 =	simm.s32 $0x2;
	_ =	swait.ge [sflag:s26], $0x4000  }
0x2b: {  	s6 =	sand.u32 @!p1 $0x3, s2;
	[sflag:s26] =	ssyncset.done $0x0  }
0x2c: {  	s11 =	simm.s32 $0x13C80;
	s8 =	sadd.s32 @!p1 $0x1, s6;
	[sflag:s26] =	ssyncadd.s32 $0xFFFFC000  }
0x2d: {  	[spmem:s3] =	stream.indirect.scatter.add.f32 [tilespmem:s21], [sflag:$0x7], $0x80, s11, s20, $0xb8;
	[tilespmem:$0x1C000] =	vst v63  }
0x2e: {  	s28 =	simm.s32 $0x3;
	s0 =	sand.u32 $0x1, s7;
	_ =	swait.ge @!p1 [sflag:s8], $0x100  }
0x2f: {  	p2 =	sle.u32 s5, $0x3;
	s15 =	sxor.u32 @!p1 $0x1, s0;
	[sflag:s8] =	ssyncset.done @!p1 $0x0  }
0x30: {  	s12 =	simm.s32 $0x400;
	[sflag:s8] =	ssyncadd.s32 @!p1 $0xFFFFFF00;
	s8 =	sadd.s32 @!p1 $0x7, s15  }
0x31: {  	s24 =	sshll.u32 @!p1 s15, $0xE;
	s6 =	sshll.u32 @!p1 s6, $0x8;
	_ =	swait.ge @!p1 [sflag:s8], $0x4000  }
0x32: {  	s24 =	sadd.s32 @!p1 $0x14000, s24;
	s6 =	sor.u32 @!p1 $0x13C00, s6;
	[sflag:s8] =	ssyncset.done @!p1 $0x0  }
0x33: {  	s15 =	sadd.s32 @!p1 $0x5, s15;
	[sflag:s8] =	ssyncadd.s32 @!p1 $0xFFFFC000;
	s8 =	simm.s32 @!p1 $0x80  }
0x34: {  	[tilespmem:s24], [sflag:s15] =	stream.indirect.gather @!p1 [hbm4b:s1+s8], $0x80, s6, s8, $0xb8;
	[tilespmem:$0x1C000] =	vst v63  }
0x35: {  	s13 =	sshll.u32 s0, $0xE;
	s8 =	sand.u32 @!p2 $0x3, s28;
	p1 =	sne.s32 s5, $0x2  }
0x36: {  	s28 =	simm.s32 @!p2 $0x0;
	s6 =	sand.u32 $0xC00, s12;
	s24 =	sshll.u32 @!p2 s8, $0x8  }
.Ltmp0:
0x37: {  	s8 =	sadd.s32 @!p2 $0x1, s8;
	s24 =	sor.u32 @!p2 $0x13C00, s24;
	(pc) =	sbr.rel @!p1 .LBB2_3-.Ltmp0, $4  }
0x38: {  	[tilespmem:s24], [sflag:s8] =	stream.linear.gather @!p2 [hbm4b:s23+s28], $0x100, $0x38;
	[tilespmem:$0x1C000] =	vst v63  }
0x39: {  	s15 =	smov.u32 s23;
	s16 =	sshrl.u32 s6, $0x2;
	s28 =	sadd.s32 $0x5, s0  }
0x3a: {  	s6 =	sadd.s32 $0x14000, s13;
	s24 =	sadd.s32 $0x7, s0;
	_ =	swait.ge [sflag:s28], $0x4000  }
0x3b: {  	s0 =	simm.s32 $0x800;
	s8 =	sor.u32 $0x13C80, s16;
	[sflag:s28] =	ssyncset.done $0x0  }
.LBB2_2:
0x3c: {  	[sflag:s28] =	ssyncadd.s32 $0xFFFFC000  }
0x3d: {  	s15 =	sadd.s32 $0x20, s15;
	s28 =	smov.u32 s2;
	s2 =	sadd.s32 $0x1, s2  }
0x3e: {  	[spmem:s3] =	stream.indirect.scatter.add.f32 [tilespmem:s6], [sflag:s24], $0x80, s8, s20, $0xb8;
	[tilespmem:$0x1C000] =	vst v63  }
0x3f: {  	s6 =	sand.u32 $0x1, s28;
	p2 =	sge.u32 s2, s5;
	p1 =	sne.s32 s5, s2  }
0x40: {  	s8 =	sxor.u32 @!p2 $0x1, s6;
	s24 =	sand.u32 @!p2 $0x3, s2;
	s7 =	sshll.u32 s6, $0xE  }
0x41: {  	s10 =	sadd.s32 @!p2 $0x1, s24;
	s11 =	sshll.u32 @!p2 s8, $0xE;
	s24 =	sshll.u32 @!p2 s24, $0x8  }
0x42: {  	s11 =	sadd.s32 @!p2 $0x14000, s11;
	s12 =	sor.u32 @!p2 $0x13C00, s24;
	_ =	swait.ge @!p2 [sflag:s10], $0x100  }
0x43: {  	s13 =	sadd.s32 @!p2 $0x5, s8;
	s24 =	sadd.s32 $0x7, s6;
	[sflag:s10] =	ssyncset.done @!p2 $0x0  }
0x44: {  	s8 =	sadd.s32 @!p2 $0x7, s8;
	[sflag:s10] =	ssyncadd.s32 @!p2 $0xFFFFFF00  }
0x45: {  	s10 =	sadd.s32 $0x2, s28;
	_ =	swait.ge @!p2 [sflag:s8], $0x4000  }
0x46: {  	s16 =	sand.u32 $0xC00, s0;
	p3 =	sge.u32 s10, s5;
	[sflag:s8] =	ssyncset.done @!p2 $0x0  }
0x47: {  	s10 =	sand.u32 @!p3 $0x3, s10;
	[sflag:s8] =	ssyncadd.s32 @!p2 $0xFFFFC000;
	s8 =	simm.s32 @!p2 $0x80  }
0x48: {  	[tilespmem:s11], [sflag:s13] =	stream.indirect.gather @!p2 [hbm4b:s1+s8], $0x80, s12, s8, $0xb8;
	[tilespmem:$0x1C000] =	vst v63  }
.Ltmp1:
0x49: {  	s8 =	sshll.u32 @!p3 s10, $0x8;
	s10 =	sadd.s32 @!p3 $0x1, s10;
	(pc) =	sbr.rel @p1 .LBB2_2-.Ltmp1, $4  }
0x4a: {  	s28 =	sadd.s32 $0x5, s6;
	s11 =	simm.s32 @!p3 $0x0;
	s8 =	sor.u32 @!p3 $0x13C00, s8  }
0x4b: {  	[tilespmem:s8], [sflag:s10] =	stream.linear.gather @!p3 [hbm4b:s15+s11], $0x100, $0x38;
	[tilespmem:$0x1C000] =	vst v63  }
0x4c: {  	s0 =	sadd.s32 $0x400, s0;
	s8 =	sshrl.u32 s16, $0x2;
	_ =	swait.ge [sflag:s28], $0x4000  }
0x4d: {  	s6 =	sadd.s32 $0x14000, s7;
	s8 =	sor.u32 $0x13C80, s8;
	[sflag:s28] =	ssyncset.done $0x0  }
.LBB2_3:
0x4e: {  	[sflag:s28] =	ssyncadd.s32 $0xFFFFC000  }
0x4f: {  	[spmem:s3] =	stream.indirect.scatter.add.f32 [tilespmem:s6], [sflag:s24], $0x80, s8, s20, $0xb8;
	[tilespmem:$0x1C000] =	vst v63  }
0x50: {  	_ =	swait.ge [sflag:s29], $0x4000  }
0x51: {  	[sflag:s29] =	ssyncset.done $0x0  }
0x52: {  	[sflag:s29] =	ssyncadd.s32 $0xFFFFC000  }
0x53: {  	_ =	swait.ge [sflag:s30], $0x4000  }
0x54: {  	[sflag:s30] =	ssyncset.done $0x0  }
0x55: {  	[sflag:s30] =	ssyncadd.s32 $0xFFFFC000  }
0x56: {  	[bflag:$0x0] =	sbarrier.arrive $0xFFFF  }
0x57: {  	s0 =	rddreg [dreg:$0x8]  }
0x58: {  	[hbm:s0], [sflag:s9] =	dma.local @p0 [spmem:s25], $0x2080  }
0x59: {  	s0 =	simm.s32 @p0 $0x9  }
0x5a: {  	_ =	swait.ge @p0 [sflag:s0], $0x2080  }
0x5b: {  	[sflag:s0] =	ssyncset.done @p0 $0x0  }
0x5c: {  	s2 =	rddreg [dreg:$0x7];
	[sflag:s0] =	ssyncadd.s32 @p0 $0xFFFFDF80;
	s0 =	sshrl.u32 @!p0 s14, $0x3  }
0x5d: {  	[hbm:s2], [sflag:s9] =	dma.local @!p0 [spmem:s0], $0x2780  }
0x5e: {  	s0 =	simm.s32 @!p0 $0x9  }
0x5f: {  	_ =	swait.ge @!p0 [sflag:s0], $0x2780  }
0x60: {  	s31 =	sadd.s32 $0x1, s31;
	s28 =	rddreg [dreg:$0x9]  }
0x61: {  	p1 =	sne.s32 s31, s28  }
.Ltmp2:
0x62: {  	_ = 	snop;
	(pc) =	sbr.rel @p1 .LBB2_1-.Ltmp2, $3  }
0x63: {  	_ =	sdelay $0x1  }
0x64: {  	[sflag:s0] =	ssyncset.done @!p0 $0x0  }
0x65: {  	[sflag:s0] =	ssyncadd.s32 @!p0 $0xFFFFD880  }
0x66: {  	_ =	sfence.sel $0x180000  }
0x67: {  	[bflag:$0x0] =	sbarrier.arrive $0xFFFF  }
0x68: {  	_ =	strace $0x9000004A  }
0x69: {  	s0 =	stileid.u32;
	[bflag:$0x2] =	sbarrier.arrive $0xFFFF  }
0x6a: {  	p0 =	sne.s32 s0, $0x0;
	s0 =	rddreg [dreg:$0x3]  }
0x6b: {  	s0 =	sadd.s32 @!p0 $0x100000, s0  }
0x6c: {  	[sflag:s0] =	ssyncadd.tile.s32 @!p0 $0x1;
	_ =	shalt  }
.Lfunc_end2:
_tile_overlayer_lowered:
.L_overlay_start_2:
0x6d: {  	(tag) =	ssettag $0x2  }
0x6e: {  	s0 =	rddreg [dreg:$0x0];
	s2 =	stileid.u32  }
0x6f: {  	s1 =	rddreg [dreg:$0x1];
	p0 =	sne.s32 s2, $0x0  }
0x70: {  	s3 =	rddreg [dreg:$0x2];
	[bflag:$0x3] =	sbarrier.arrive $0xFFFF;
	s2 =	simm.s32 @!p0 $0x1C09  }
0x71: {  	[timem:s3], [sflag:s2] =	dma.local @!p0 [hbm:s0], s1  }
0x72: {  	s0 =	simm.s32 @!p0 $0x9  }
0x73: {  	_ =	swait.ge @!p0 [sflag:s0], s1  }
0x74: {  	s1 =	ssub.s32 @!p0 $0x0, s1;
	[sflag:s0] =	ssyncset.done @!p0 $0x0  }
0x75: {  	[sflag:s0] =	ssyncadd.s32 @!p0 s1  }
0x76: {  	[bflag:$0x3] =	sbarrier.arrive $0xFFFF  }
0x77: {  	_ =	shalt  }

// kernel: kernel.16.cloned.1.call-start
scs
__scs_entry_jumppad:
0x0: {  	(pc) =	sbr.rel $0x88, $3  }
0x1: {  	(tag) =	ssettag $0x0;
	lr =	simm.s32 $0x1  }
0x2: {  	[smem:$0x3F93] =	sst lr;
	_ =	strace $0xD0000000  }
0x3: {  	_ = 	snop  }
0x4: {  	_ = 	snop  }
0x5: {  	_ = 	snop  }
0x6: {  	_ = 	snop  }
0x7: {  	_ = 	snop  }
__scs_overlays_trampoline_lowered:
0x8: {  	[smem:$0x3FA2] =	sst s0  }
0x9: {  	[smem:$0x3FA3] =	sst s1  }
0xa: {  	[smem:$0x3FA4] =	sst s2  }
0xb: {  	[smem:$0x3FA5] =	sst s3  }
0xc: {  	[smem:$0x3FA6] =	sst s4  }
0xd: {  	[smem:$0x3FA7] =	sst s5  }
0xe: {  	[smem:$0x3FA8] =	sst s6  }
0xf: {  	[smem:$0x3FA9] =	sst s7  }
0x10: {  	[smem:$0x3FAA] =	sst s8  }
0x11: {  	[smem:$0x3FAB] =	sst s9;
	s0 =	simm.s32 @!p0 $0x0  }
0x12: {  	s1 =	sld [smem:$0x3F91];
	s0 =	simm.s32 @p0 $0x1  }
0x13: {  	[smem:$0x3FAC] =	sst s0;
	s0 =	simm.s32 @!p1 $0x0  }
0x14: {  	s2 =	sld [smem:$0x3F90];
	s0 =	simm.s32 @p1 $0x1  }
0x15: {  	[smem:$0x3FAD] =	sst s0;
	s0 =	simm.s32 @!p2 $0x0  }
0x16: {  	s3 =	sld [smem:$0x3FDB];
	s0 =	simm.s32 @p2 $0x1  }
0x17: {  	s4 =	simm.s32 $0x1BF5;
	[smem:$0x3FAF] =	sst s0  }
0x18: {  	s0 =	sld [smem:$0x3F92];
	_ =	swait.ge [sflag:s4], $0x0  }
0x19: {  	s7 =	sld [smem:$0x3F93]  }
0x1a: {  	s8 =	sadd.s32 $0xFFFFE003, lr  }
0x1b: {  	s9 =	sadd.s32 $0xFFFFFEF7, lr;
	s5 =	simm.s32 $0xFFFFFFFF;
	p2 =	slt.u32 s8, $0xFFFFF086  }
0x1c: {  	p1 =	slt.u32 s9, $0xF7A;
	s5 =	simm.s32 @!p2 $0x0  }
0x1d: {  	s5 =	simm.s32 @p1 $0x1;
	p0 =	seq.s32 s7, s2  }
0x1e: {  	s7 =	smul.u32 @!p0 $0xF7A, s2;
	p2 =	seq.s32 @!p0 s5, $0x0  }
0x1f: {  	s9 =	smul.u32 $0xF7A, s1;
	s8 =	simm.s32 @!p0 $0x1BF5;
	p2 =	por !p2, p0  }
0x20: {  	[sflag:s8] =	ssyncset.s32 @!p0 $0xFFFFF086;
	s6 =	sadd.s32 @!p0 s3, s7;
	s7 =	simm.s32 @!p0 $0x108  }
0x21: {  	s3 =	sadd.s32 s3, s9;
	s6 =	sadd.s32 @!p0 $0x88, s6;
	s7 =	simm.s32 @p2 $0x1082  }
0x22: {  	[simem:s7], [sflag:s8] =	dma.local @!p0 [hbm:s6], $0xF7A  }
0x23: {  	s9 =	sor.u32 $0xD0000000, s2;
	s6 =	simm.s32 $0x108;
	_ =	swait.ge @!p0 [sflag:s8], $0x0  }
0x24: {  	s3 =	sadd.s32 $0x88, s3;
	s6 =	simm.s32 @!p1 $0x1082;
	[sflag:s4] =	ssyncset.s32 $0xFFFFF086  }
0x25: {  	[simem:s6], [sflag:s4] =	dma.local [hbm:s3], $0xF7A  }
0x26: {  	[smem:$0x3F93] =	sst s1;
	(tag) =	ssettag s2;
	_ =	strace s9  }
0x27: {  	s1 =	sld [smem:$0x3FA3]  }
0x28: {  	s2 =	sld [smem:$0x3FA4]  }
0x29: {  	s4 =	sld [smem:$0x3FA6]  }
0x2a: {  	p0 =	seq.s32 s5, $0x0;
	s5 =	sld [smem:$0x3FA7]  }
0x2b: {  	s6 =	sld [smem:$0x3FA8]  }
0x2c: {  	s7 =	sld [smem:$0x3FA9]  }
0x2d: {  	s3 =	simm.s32 $0x108;
	s8 =	sld [smem:$0x3FAA]  }
0x2e: {  	s3 =	simm.s32 @!p0 $0x1082;
	s9 =	sld [smem:$0x3FAB]  }
0x2f: {  	lr =	sadd.s32 s0, s3;
	s0 =	sld [smem:$0x3FA2]  }
0x30: {  	s3 =	sld [smem:$0x3FA5]  }
0x31: {  	[smem:$0x3FAE] =	sst s10  }
0x32: {  	s10 =	sld [smem:$0x3FAC];
	_ =	sdelay $0x3  }
0x33: {  	p0 =	seq.s32 s10, $0x1;
	s10 =	sld [smem:$0x3FAE];
	_ =	sdelay $0x3  }
0x34: {  	[smem:$0x3FAE] =	sst s10  }
0x35: {  	s10 =	sld [smem:$0x3FAD];
	_ =	sdelay $0x3  }
0x36: {  	p1 =	seq.s32 s10, $0x1;
	s10 =	sld [smem:$0x3FAE];
	_ =	sdelay $0x3  }
0x37: {  	[smem:$0x3FAE] =	sst s10  }
0x38: {  	s10 =	sld [smem:$0x3FAF]  }
0x39: {  	_ = 	snop;
	(pc) =	sbr.ind lr, $3  }
0x3a: {  	_ = 	snop  }
0x3b: {  	_ = 	snop  }
0x3c: {  	p2 =	seq.s32 s10, $0x1;
	s10 =	sld [smem:$0x3FAE]  }
0x3d: {  	_ =	shalt  }
0x3e: {  	_ =	shalt  }
0x3f: {  	_ =	shalt  }
0x40: {  	_ =	shalt  }
0x41: {  	_ =	shalt  }
0x42: {  	_ =	shalt  }
0x43: {  	_ =	shalt  }
0x44: {  	_ =	shalt  }
0x45: {  	_ =	shalt  }
0x46: {  	_ =	shalt  }
0x47: {  	_ =	shalt  }
0x48: {  	_ =	shalt  }
0x49: {  	_ =	shalt  }
0x4a: {  	_ =	shalt  }
0x4b: {  	_ =	shalt  }
0x4c: {  	_ =	shalt  }
0x4d: {  	_ =	shalt  }
0x4e: {  	_ =	shalt  }
0x4f: {  	_ =	shalt  }
0x50: {  	_ =	shalt  }
0x51: {  	_ =	shalt  }
0x52: {  	_ =	shalt  }
0x53: {  	_ =	shalt  }
0x54: {  	_ =	shalt  }
0x55: {  	_ =	shalt  }
0x56: {  	_ =	shalt  }
0x57: {  	_ =	shalt  }
0x58: {  	_ =	shalt  }
0x59: {  	_ =	shalt  }
0x5a: {  	_ =	shalt  }
0x5b: {  	_ =	shalt  }
0x5c: {  	_ =	shalt  }
0x5d: {  	_ =	shalt  }
0x5e: {  	_ =	shalt  }
0x5f: {  	_ =	shalt  }
0x60: {  	_ =	shalt  }
0x61: {  	_ =	shalt  }
0x62: {  	_ =	shalt  }
0x63: {  	_ =	shalt  }
0x64: {  	_ =	shalt  }
0x65: {  	_ =	shalt  }
0x66: {  	_ =	shalt  }
0x67: {  	_ =	shalt  }
0x68: {  	_ =	shalt  }
0x69: {  	_ =	shalt  }
0x6a: {  	_ =	shalt  }
0x6b: {  	_ =	shalt  }
0x6c: {  	_ =	shalt  }
0x6d: {  	_ =	shalt  }
0x6e: {  	_ =	shalt  }
0x6f: {  	_ =	shalt  }
0x70: {  	_ =	shalt  }
0x71: {  	_ =	shalt  }
0x72: {  	_ =	shalt  }
0x73: {  	_ =	shalt  }
0x74: {  	_ =	shalt  }
0x75: {  	_ =	shalt  }
0x76: {  	_ =	shalt  }
0x77: {  	_ =	shalt  }
0x78: {  	_ =	shalt  }
0x79: {  	_ =	shalt  }
0x7a: {  	_ =	shalt  }
0x7b: {  	_ =	shalt  }
0x7c: {  	_ =	shalt  }
0x7d: {  	_ =	shalt  }
0x7e: {  	_ =	shalt  }
0x7f: {  	_ =	shalt  }
0x80: {  	_ =	shalt  }
0x81: {  	_ =	shalt  }
0x82: {  	_ =	shalt  }
0x83: {  	_ =	shalt  }
0x84: {  	_ =	shalt  }
0x85: {  	_ =	shalt  }
0x86: {  	_ =	shalt  }
0x87: {  	_ =	shalt  }
.Lfunc_end0:
.L_simem_size_0:
called_computation.2_lowered:
.L_overlay_start_0:
0x88: {  	s2 =	sld [smem:$0x3FD9]  }
0x89: {  	s3 =	sld [smem:$0x3FFE];
	_ =	sdelay $0x1  }
0x8a: {  	s1 =	srdreg.scid  }
0x8b: {  	s0 =	sand.u32 $0x1, s1  }
0x8c: {  	s14 =	sshll.u32 s0, $0xA;
	s2 =	sadd.s32 s3, s2  }
0x8d: {  	s2 =	sadd.s32 s2, s14  }
0x8e: {  	[smem:$0x3FBA] =	sst s2  }
0x8f: {  	_ = 	snop  }
0x90: {  	s2 =	sld [smem:$0x3FD0];
	_ =	sdelay $0x2  }
0x91: {  	s15 =	simm.s32 $0xA;
	s4 =	simm.s32 $0x10  }
0x92: {  	[smem:s4], [sflag:s15] =	dma.local [hbm:s2], $0x1  }
0x93: {  	_ =	swait.eq [sflag:s15], $0x1  }
0x94: {  	[sflag:s15] =	ssyncset.done $0x0  }
0x95: {  	[sflag:s15] =	ssyncadd.s32 $0xFFFFFFFF  }
0x96: {  	s16 =	sld [smem:$0x11];
	(tm) =	ssettm $0x1  }
0x97: {  	s17 =	sld [smem:$0x3FFB];
	_ =	sdelay $0x3  }
0x98: {  	_ =	strace s17  }
0x99: {  	s3 =	sld [smem:$0x3FFC];
	_ =	sdelay $0x3  }
0x9a: {  	_ =	strace s3  }
0x9b: {  	s3 =	sld [smem:$0x3FFD];
	_ =	sdelay $0x3  }
0x9c: {  	_ =	strace s3  }
0x9d: {  	_ =	strace $0x8FFFFFFF  }
0x9e: {  	s18 =	sld [smem:$0x3FDB];
	_ =	sdelay $0x1  }
0x9f: {  	s19 =	simm.s32 $_scs_section_size  }
0xa0: {  	s5 =	simm.s32 $_size__tile_overlayer_lowered;
	s6 =	simm.s32 $_tile_overlayer_lowered  }
0xa1: {  	s22 =	simm.s32 $0x1BFF;
	s21 =	sshll.u32 s6, $0x1;
	s3 =	sadd.s32 s19, s18  }
0xa2: {  	s7 =	simm.s32 $0x0;
	s20 =	sshll.u32 s5, $0x1;
	s5 =	sadd.s32 s21, s3  }
0xa3: {  	[timem:s7], [sflag:s22] =	dma.local [hbm:s5], s20  }
0xa4: {  	_ =	swait.ge [sflag:s22], s20  }
0xa5: {  	s4 =	ssub.s32 $0x0, s20;
	[sflag:s22] =	ssyncset.done $0x0  }
0xa6: {  	[sflag:s22] =	ssyncadd.s32 s4;
	_ =	sdelay $0x1  }
0xa7: {  	s23 =	simm.s32 $0x1B8B  }
0xa8: {  	_ =	swait.ge [sflag:s23], $0x1  }
0xa9: {  	[sflag:s23] =	ssyncset.done $0x0  }
0xaa: {  	s25 =	simm.s32 $0x1B8E;
	s24 =	sld [smem:$0x3FFE];
	[sflag:s23] =	ssyncadd.s32 $0xFFFFFFFF  }
0xab: {  	s26 =	simm.s32 $execute0_lowered;
	[smem:$0x3FD2] =	sst s25  }
0xac: {  	s5 =	sshll.u32 s26, $0x1;
	_ =	strace $0x8000004C;
	[dreg:$0x1] =	wrdreg $0xFFFFFFFF  }
0xad: {  	s28 =	simm.s32 $_size_execute0_lowered;
	s3 =	sadd.s32 s3, s5;
	[dreg:$0x0] =	wrdreg $0x0  }
0xae: {  	s5 =	sshll.u32 s28, $0x1;
	[dreg:$0x2] =	wrdreg s3  }
0xaf: {  	[dreg:$0x3] =	wrdreg s5  }
0xb0: {  	[dreg:$0x4] =	wrdreg $0xC0  }
0xb1: {  	_ =	task [dreg:s7], $0x5FFFF  }
0xb2: {  	[dreg:$0x1] =	wrdreg $0xFFFFFFFF  }
0xb3: {  	[dreg:$0x0] =	wrdreg $0x60  }
0xb4: {  	[dreg:$0x2] =	wrdreg s16  }
0xb5: {  	[dreg:$0x3] =	wrdreg s24  }
0xb6: {  	[dreg:$0x4] =	wrdreg $0x0  }
0xb7: {  	[dreg:$0x5] =	wrdreg $0x9  }
0xb8: {  	_ =	task.clear_ibuf [dreg:s7], $0x6FFFF;
	_ =	strace $0x9000004C  }
0xb9: {  	s29 =	simm.s32 $0x9;
	_ =	strace $0x8000004E  }
0xba: {  	_ =	swait.ge [sflag:s29], $0x1  }
0xbb: {  	[sflag:s29] =	ssyncadd.s32 $0xFFFFFFFF  }
0xbc: {  	_ =	strace $0x9000004E  }
0xbd: {  	_ =	sfence  }
0xbe: {  	s30 =	sld [smem:$0x0];
	_ =	sdelay $0x2  }
0xbf: {  	s31 =	sshll.u32 s1, $0xD;
	s1 =	sshrl.u32 s1, $0x2  }
0xc0: {  	s3 =	sand.u32 $0x4000, s31;
	s1 =	sadd.s32 s1, s30  }
0xc1: {  	s0 =	sor.u32 s3, s0;
	s1 =	sshll.u32 s1, $0x11  }
0xc2: {  	s0 =	sor.u32 s1, s0  }
0xc3: {  	s0 =	sadd.s32 $0x8F2B, s0  }
0xc4: {  	[sflag:s0] =	ssyncadd.remote.s32 $0x1  }
0xc5: {  	_ =	sfence.sel $0xFFFF  }
0xc6: {  	[dreg:$0x0] =	wrdreg $0xFFFFFFFF;
	(pc) =	sbr.abs _section_cstart, $3  }
0xc7: {  	[dreg:$0x1] =	wrdreg $0xFFFFFFFF  }
0xc8: {  	_ =	task.clear_ibuf [dreg:s7], $0x2FFFF;
	_ =	strace $0x9FFFFFFF  }
0xc9: {  	(tm) =	ssettm $0x7FFFFFFF  }
tec
execute0_lowered:
.L_overlay_start_1:
0x0: {  	(tag) =	ssettag $0x1  }
0x1: {  	s1 =	rddreg [dreg:$0x0];
	s11 =	stileid.u32  }
0x2: {  	s0 =	srdreg.scid;
	s5 =	rddreg [dreg:$0x1]  }
0x3: {  	s3 =	rddreg [dreg:$0x2];
	s4 =	simm.s32 $0x0;
	s18 =	simm.s32 $0x9  }
0x4: {  	s19 =	simm.s32 $0x13D00;
	s20 =	simm.s32 $0x80;
	s2 =	smul.u32 $0x12, s11  }
0x5: {  	s29 =	simm.s32 $0x7;
	s30 =	simm.s32 $0x8;
	s6 =	smul.u32 $0x8C, s11  }
0x6: {  	s31 =	simm.s32 $0x0;
	s0 =	sand.u32 $0x1, s0;
	s21 =	smul.u32 $0x13C00, s11  }
0x7: {  	[smem:$0x7FF] =	sst s4;
	s10 =	smul.u32 $0x4F000, s11;
	s12 =	sadd.s32 $0x40C00, s5  }
0x8: {  	s24 =	sshll.u32 s11, $0x6;
	p0 =	seq.s32 s0, $0x0;
	_ =	strace $0x8000004D  }
0x9: {  	s7 =	ssub.s32 $0x2, s0;
	s0 =	smul.u32 $0x138800, s0;
	s2 =	sadd.s32 $0x8C0, s2  }
0xa: {  	s8 =	sshrl.u32 s21, $0x3;
	s9 =	sshrl.u32 s7, $0x1;
	s22 =	sshrl.u32 s10, $0x2  }
0xb: {  	s2 =	smov.u32 @p0 s6;
	s8 =	sadd.s32 s8, s5;
	s13 =	ssub.s32 s7, s9  }
0xc: {  	s7 =	sadd.s32 s22, s3;
	s6 =	sadd.s32 s21, s0;
	s9 =	sor.u32 $0x1C09, s24  }
0xd: {  	s0 =	sshrl.u32 s0, $0x3;
	s21 =	simm.s32 $0x14000;
	s22 =	simm.s32 $0x2  }
0xe: {  	s2 =	sshll.u32 s2, $0x5;
	s8 =	sadd.s32 $0x19400, s8;
	s6 =	sshrl.u32 s6, $0x3  }
0xf: {  	s0 =	sadd.s32 s12, s0;
	s26 =	smax.u32 s13, $0x1;
	s14 =	smov.u32 s7  }
0x10: {  	s17 =	sshrl.u32 s7, $0x3;
	s2 =	sadd.s32 s2, s5;
	[dreg:$0x5] =	wrdreg s8  }
0x11: {  	s5 =	simm.s32 $0x8C;
	s6 =	sadd.s32 s12, s6;
	[dreg:$0x9] =	wrdreg s26  }
0x12: {  	s0 =	sadd.s32 $0x25080, s0;
	s26 =	simm.s32 $0x5;
	[dreg:$0x7] =	wrdreg s6  }
0x13: {  	s5 =	simm.s32 @!p0 $0x12;
	s23 =	sadd.s32 $0x5800, s2;
	[dreg:$0x8] =	wrdreg s0  }
0x14: {  	s25 =	sadd.s32 $0x5820, s2;
	s0 =	sadd.s32 $0x128400, s3;
	[dreg:$0x4] =	wrdreg s23  }
0x15: {  	s28 =	sadd.s32 $0x5840, s2;
	p0 =	seq.s32 s11, $0xF;
	[dreg:$0x6] =	wrdreg s25  }
0x16: {  	[dreg:$0xa] =	wrdreg s28;
	s23 =	sadd.s32 $0x5860, s2;
	s25 =	sshrl.u32 @p0 s0, $0x3  }
.LBB2_1:
0x17: {  	s0 =	rddreg [dreg:$0x4]  }
0x18: {  	s2 =	simm.s32 $0x13C00;
	s24 =	rddreg [dreg:$0x5]  }
0x19: {  	[tilespmem:s2], [sflag:$0x1] =	stream.linear.gather [hbm4b:s0+s4], $0x100, $0x38;
	[tilespmem:$0x1C000] =	vst v63  }
0x1a: {  	[spmem:s17], [sflag:s9] =	dma.local [hbm:s24], $0x2780  }
0x1b: {  	_ =	swait.ge [sflag:s18], $0x2780  }
0x1c: {  	[sflag:s18] =	ssyncset.done $0x0  }
0x1d: {  	s7 =	simm.s32 $0x1;
	s6 =	rddreg [dreg:$0x6];
	[sflag:s18] =	ssyncadd.s32 $0xFFFFD880  }
0x1e: {  	[tilespmem:s19], [sflag:$0x2] =	stream.linear.gather [hbm4b:s6+s4], $0x100, $0x38;
	[tilespmem:$0x1C000] =	vst v63  }
0x1f: {  	_ =	swait.ge [sflag:s7], $0x100  }
0x20: {  	[sflag:s7] =	ssyncset.done $0x0  }
0x21: {  	[sflag:s7] =	ssyncadd.s32 $0xFFFFFF00  }
0x22: {  	[tilespmem:s21], [sflag:$0x5] =	stream.indirect.gather [hbm4b:s1+s20], $0x80, s2, s20, $0xb8;
	[tilespmem:$0x1C000] =	vst v63  }
0x23: {  	[bflag:$0x0] =	sbarrier.arrive $0xFFFF  }
0x24: {  	_ =	swait.ge [sflag:s22], $0x100  }
0x25: {  	[sflag:s22] =	ssyncset.done $0x0  }
0x26: {  	s8 =	simm.s32 $0x18000;
	[sflag:s22] =	ssyncadd.s32 $0xFFFFFF00  }
0x27: {  	[tilespmem:s8], [sflag:$0x6] =	stream.indirect.gather [hbm4b:s1+s20], $0x80, s19, s20, $0xb8;
	[tilespmem:$0x1C000] =	vst v63  }
0x28: {  	s6 =	simm.s32 $0x13E00;
	s10 =	rddreg [dreg:$0xa]  }
0x29: {  	[tilespmem:s6], [sflag:$0x3] =	stream.linear.gather [hbm4b:s10+s4], $0x100, $0x38;
	[tilespmem:$0x1C000] =	vst v63  }
0x2a: {  	p1 =	sle.u32 s5, $0x2;
	s2 =	simm.s32 $0x2;
	_ =	swait.ge [sflag:s26], $0x4000  }
0x2b: {  	s6 =	sand.u32 @!p1 $0x3, s2;
	[sflag:s26] =	ssyncset.done $0x0  }
0x2c: {  	s11 =	simm.s32 $0x13C80;
	s8 =	sadd.s32 @!p1 $0x1, s6;
	[sflag:s26] =	ssyncadd.s32 $0xFFFFC000  }
0x2d: {  	[spmem:s3] =	stream.indirect.scatter.add.f32 [tilespmem:s21], [sflag:$0x7], $0x80, s11, s20, $0xb8;
	[tilespmem:$0x1C000] =	vst v63  }
0x2e: {  	s28 =	simm.s32 $0x3;
	s0 =	sand.u32 $0x1, s7;
	_ =	swait.ge @!p1 [sflag:s8], $0x100  }
0x2f: {  	p2 =	sle.u32 s5, $0x3;
	s15 =	sxor.u32 @!p1 $0x1, s0;
	[sflag:s8] =	ssyncset.done @!p1 $0x0  }
0x30: {  	s12 =	simm.s32 $0x400;
	[sflag:s8] =	ssyncadd.s32 @!p1 $0xFFFFFF00;
	s8 =	sadd.s32 @!p1 $0x7, s15  }
0x31: {  	s24 =	sshll.u32 @!p1 s15, $0xE;
	s6 =	sshll.u32 @!p1 s6, $0x8;
	_ =	swait.ge @!p1 [sflag:s8], $0x4000  }
0x32: {  	s24 =	sadd.s32 @!p1 $0x14000, s24;
	s6 =	sor.u32 @!p1 $0x13C00, s6;
	[sflag:s8] =	ssyncset.done @!p1 $0x0  }
0x33: {  	s15 =	sadd.s32 @!p1 $0x5, s15;
	[sflag:s8] =	ssyncadd.s32 @!p1 $0xFFFFC000;
	s8 =	simm.s32 @!p1 $0x80  }
0x34: {  	[tilespmem:s24], [sflag:s15] =	stream.indirect.gather @!p1 [hbm4b:s1+s8], $0x80, s6, s8, $0xb8;
	[tilespmem:$0x1C000] =	vst v63  }
0x35: {  	s13 =	sshll.u32 s0, $0xE;
	s8 =	sand.u32 @!p2 $0x3, s28;
	p1 =	sne.s32 s5, $0x2  }
0x36: {  	s28 =	simm.s32 @!p2 $0x0;
	s6 =	sand.u32 $0xC00, s12;
	s24 =	sshll.u32 @!p2 s8, $0x8  }
.Ltmp0:
0x37: {  	s8 =	sadd.s32 @!p2 $0x1, s8;
	s24 =	sor.u32 @!p2 $0x13C00, s24;
	(pc) =	sbr.rel @!p1 .LBB2_3-.Ltmp0, $4  }
0x38: {  	[tilespmem:s24], [sflag:s8] =	stream.linear.gather @!p2 [hbm4b:s23+s28], $0x100, $0x38;
	[tilespmem:$0x1C000] =	vst v63  }
0x39: {  	s15 =	smov.u32 s23;
	s16 =	sshrl.u32 s6, $0x2;
	s28 =	sadd.s32 $0x5, s0  }
0x3a: {  	s6 =	sadd.s32 $0x14000, s13;
	s24 =	sadd.s32 $0x7, s0;
	_ =	swait.ge [sflag:s28], $0x4000  }
0x3b: {  	s0 =	simm.s32 $0x800;
	s8 =	sor.u32 $0x13C80, s16;
	[sflag:s28] =	ssyncset.done $0x0  }
.LBB2_2:
0x3c: {  	[sflag:s28] =	ssyncadd.s32 $0xFFFFC000  }
0x3d: {  	s15 =	sadd.s32 $0x20, s15;
	s28 =	smov.u32 s2;
	s2 =	sadd.s32 $0x1, s2  }
0x3e: {  	[spmem:s3] =	stream.indirect.scatter.add.f32 [tilespmem:s6], [sflag:s24], $0x80, s8, s20, $0xb8;
	[tilespmem:$0x1C000] =	vst v63  }
0x3f: {  	s6 =	sand.u32 $0x1, s28;
	p2 =	sge.u32 s2, s5;
	p1 =	sne.s32 s5, s2  }
0x40: {  	s8 =	sxor.u32 @!p2 $0x1, s6;
	s24 =	sand.u32 @!p2 $0x3, s2;
	s7 =	sshll.u32 s6, $0xE  }
0x41: {  	s10 =	sadd.s32 @!p2 $0x1, s24;
	s11 =	sshll.u32 @!p2 s8, $0xE;
	s24 =	sshll.u32 @!p2 s24, $0x8  }
0x42: {  	s11 =	sadd.s32 @!p2 $0x14000, s11;
	s12 =	sor.u32 @!p2 $0x13C00, s24;
	_ =	swait.ge @!p2 [sflag:s10], $0x100  }
0x43: {  	s13 =	sadd.s32 @!p2 $0x5, s8;
	s24 =	sadd.s32 $0x7, s6;
	[sflag:s10] =	ssyncset.done @!p2 $0x0  }
0x44: {  	s8 =	sadd.s32 @!p2 $0x7, s8;
	[sflag:s10] =	ssyncadd.s32 @!p2 $0xFFFFFF00  }
0x45: {  	s10 =	sadd.s32 $0x2, s28;
	_ =	swait.ge @!p2 [sflag:s8], $0x4000  }
0x46: {  	s16 =	sand.u32 $0xC00, s0;
	p3 =	sge.u32 s10, s5;
	[sflag:s8] =	ssyncset.done @!p2 $0x0  }
0x47: {  	s10 =	sand.u32 @!p3 $0x3, s10;
	[sflag:s8] =	ssyncadd.s32 @!p2 $0xFFFFC000;
	s8 =	simm.s32 @!p2 $0x80  }
0x48: {  	[tilespmem:s11], [sflag:s13] =	stream.indirect.gather @!p2 [hbm4b:s1+s8], $0x80, s12, s8, $0xb8;
	[tilespmem:$0x1C000] =	vst v63  }
.Ltmp1:
0x49: {  	s8 =	sshll.u32 @!p3 s10, $0x8;
	s10 =	sadd.s32 @!p3 $0x1, s10;
	(pc) =	sbr.rel @p1 .LBB2_2-.Ltmp1, $4  }
0x4a: {  	s28 =	sadd.s32 $0x5, s6;
	s11 =	simm.s32 @!p3 $0x0;
	s8 =	sor.u32 @!p3 $0x13C00, s8  }
0x4b: {  	[tilespmem:s8], [sflag:s10] =	stream.linear.gather @!p3 [hbm4b:s15+s11], $0x100, $0x38;
	[tilespmem:$0x1C000] =	vst v63  }
0x4c: {  	s0 =	sadd.s32 $0x400, s0;
	s8 =	sshrl.u32 s16, $0x2;
	_ =	swait.ge [sflag:s28], $0x4000  }
0x4d: {  	s6 =	sadd.s32 $0x14000, s7;
	s8 =	sor.u32 $0x13C80, s8;
	[sflag:s28] =	ssyncset.done $0x0  }
.LBB2_3:
0x4e: {  	[sflag:s28] =	ssyncadd.s32 $0xFFFFC000  }
0x4f: {  	[spmem:s3] =	stream.indirect.scatter.add.f32 [tilespmem:s6], [sflag:s24], $0x80, s8, s20, $0xb8;
	[tilespmem:$0x1C000] =	vst v63  }
0x50: {  	_ =	swait.ge [sflag:s29], $0x4000  }
0x51: {  	[sflag:s29] =	ssyncset.done $0x0  }
0x52: {  	[sflag:s29] =	ssyncadd.s32 $0xFFFFC000  }
0x53: {  	_ =	swait.ge [sflag:s30], $0x4000  }
0x54: {  	[sflag:s30] =	ssyncset.done $0x0  }
0x55: {  	[sflag:s30] =	ssyncadd.s32 $0xFFFFC000  }
0x56: {  	[bflag:$0x0] =	sbarrier.arrive $0xFFFF  }
0x57: {  	s0 =	rddreg [dreg:$0x8]  }
0x58: {  	[hbm:s0], [sflag:s9] =	dma.local @p0 [spmem:s25], $0x2080  }
0x59: {  	s0 =	simm.s32 @p0 $0x9  }
0x5a: {  	_ =	swait.ge @p0 [sflag:s0], $0x2080  }
0x5b: {  	[sflag:s0] =	ssyncset.done @p0 $0x0  }
0x5c: {  	s2 =	rddreg [dreg:$0x7];
	[sflag:s0] =	ssyncadd.s32 @p0 $0xFFFFDF80;
	s0 =	sshrl.u32 @!p0 s14, $0x3  }
0x5d: {  	[hbm:s2], [sflag:s9] =	dma.local @!p0 [spmem:s0], $0x2780  }
0x5e: {  	s0 =	simm.s32 @!p0 $0x9  }
0x5f: {  	_ =	swait.ge @!p0 [sflag:s0], $0x2780  }
0x60: {  	s31 =	sadd.s32 $0x1, s31;
	s28 =	rddreg [dreg:$0x9]  }
0x61: {  	p1 =	sne.s32 s31, s28  }
.Ltmp2:
0x62: {  	_ = 	snop;
	(pc) =	sbr.rel @p1 .LBB2_1-.Ltmp2, $3  }
0x63: {  	_ =	sdelay $0x1  }
0x64: {  	[sflag:s0] =	ssyncset.done @!p0 $0x0  }
0x65: {  	[sflag:s0] =	ssyncadd.s32 @!p0 $0xFFFFD880  }
0x66: {  	_ =	sfence.sel $0x180000  }
0x67: {  	[bflag:$0x0] =	sbarrier.arrive $0xFFFF  }
0x68: {  	_ =	strace $0x9000004D  }
0x69: {  	s0 =	stileid.u32;
	[bflag:$0x2] =	sbarrier.arrive $0xFFFF  }
0x6a: {  	p0 =	sne.s32 s0, $0x0;
	s0 =	rddreg [dreg:$0x3]  }
0x6b: {  	s0 =	sadd.s32 @!p0 $0x100000, s0  }
0x6c: {  	[sflag:s0] =	ssyncadd.tile.s32 @!p0 $0x1;
	_ =	shalt  }
.Lfunc_end2:
_tile_overlayer_lowered:
.L_overlay_start_2:
0x6d: {  	(tag) =	ssettag $0x2  }
0x6e: {  	s0 =	rddreg [dreg:$0x0];
	s2 =	stileid.u32  }
0x6f: {  	s1 =	rddreg [dreg:$0x1];
	p0 =	sne.s32 s2, $0x0  }
0x70: {  	s3 =	rddreg [dreg:$0x2];
	[bflag:$0x3] =	sbarrier.arrive $0xFFFF;
	s2 =	simm.s32 @!p0 $0x1C09  }
0x71: {  	[timem:s3], [sflag:s2] =	dma.local @!p0 [hbm:s0], s1  }
0x72: {  	s0 =	simm.s32 @!p0 $0x9  }
0x73: {  	_ =	swait.ge @!p0 [sflag:s0], s1  }
0x74: {  	s1 =	ssub.s32 @!p0 $0x0, s1;
	[sflag:s0] =	ssyncset.done @!p0 $0x0  }
0x75: {  	[sflag:s0] =	ssyncadd.s32 @!p0 s1  }
0x76: {  	[bflag:$0x3] =	sbarrier.arrive $0xFFFF  }
0x77: {  	_ =	shalt  }

// kernel: kernel.19.cloned.1.call-start
scs
__scs_entry_jumppad:
0x0: {  	(pc) =	sbr.rel $0x88, $3  }
0x1: {  	(tag) =	ssettag $0x0;
	lr =	simm.s32 $0x1  }
0x2: {  	[smem:$0x3F93] =	sst lr;
	_ =	strace $0xD0000000  }
0x3: {  	_ = 	snop  }
0x4: {  	_ = 	snop  }
0x5: {  	_ = 	snop  }
0x6: {  	_ = 	snop  }
0x7: {  	_ = 	snop  }
__scs_overlays_trampoline_lowered:
0x8: {  	[smem:$0x3FA2] =	sst s0  }
0x9: {  	[smem:$0x3FA3] =	sst s1  }
0xa: {  	[smem:$0x3FA4] =	sst s2  }
0xb: {  	[smem:$0x3FA5] =	sst s3  }
0xc: {  	[smem:$0x3FA6] =	sst s4  }
0xd: {  	[smem:$0x3FA7] =	sst s5  }
0xe: {  	[smem:$0x3FA8] =	sst s6  }
0xf: {  	[smem:$0x3FA9] =	sst s7  }
0x10: {  	[smem:$0x3FAA] =	sst s8  }
0x11: {  	[smem:$0x3FAB] =	sst s9;
	s0 =	simm.s32 @!p0 $0x0  }
0x12: {  	s1 =	sld [smem:$0x3F91];
	s0 =	simm.s32 @p0 $0x1  }
0x13: {  	[smem:$0x3FAC] =	sst s0;
	s0 =	simm.s32 @!p1 $0x0  }
0x14: {  	s2 =	sld [smem:$0x3F90];
	s0 =	simm.s32 @p1 $0x1  }
0x15: {  	[smem:$0x3FAD] =	sst s0;
	s0 =	simm.s32 @!p2 $0x0  }
0x16: {  	s3 =	sld [smem:$0x3FDB];
	s0 =	simm.s32 @p2 $0x1  }
0x17: {  	s4 =	simm.s32 $0x1BF5;
	[smem:$0x3FAF] =	sst s0  }
0x18: {  	s0 =	sld [smem:$0x3F92];
	_ =	swait.ge [sflag:s4], $0x0  }
0x19: {  	s7 =	sld [smem:$0x3F93]  }
0x1a: {  	s8 =	sadd.s32 $0xFFFFE003, lr  }
0x1b: {  	s9 =	sadd.s32 $0xFFFFFEF7, lr;
	s5 =	simm.s32 $0xFFFFFFFF;
	p2 =	slt.u32 s8, $0xFFFFF086  }
0x1c: {  	p1 =	slt.u32 s9, $0xF7A;
	s5 =	simm.s32 @!p2 $0x0  }
0x1d: {  	s5 =	simm.s32 @p1 $0x1;
	p0 =	seq.s32 s7, s2  }
0x1e: {  	s7 =	smul.u32 @!p0 $0xF7A, s2;
	p2 =	seq.s32 @!p0 s5, $0x0  }
0x1f: {  	s9 =	smul.u32 $0xF7A, s1;
	s8 =	simm.s32 @!p0 $0x1BF5;
	p2 =	por !p2, p0  }
0x20: {  	[sflag:s8] =	ssyncset.s32 @!p0 $0xFFFFF086;
	s6 =	sadd.s32 @!p0 s3, s7;
	s7 =	simm.s32 @!p0 $0x108  }
0x21: {  	s3 =	sadd.s32 s3, s9;
	s6 =	sadd.s32 @!p0 $0x88, s6;
	s7 =	simm.s32 @p2 $0x1082  }
0x22: {  	[simem:s7], [sflag:s8] =	dma.local @!p0 [hbm:s6], $0xF7A  }
0x23: {  	s9 =	sor.u32 $0xD0000000, s2;
	s6 =	simm.s32 $0x108;
	_ =	swait.ge @!p0 [sflag:s8], $0x0  }
0x24: {  	s3 =	sadd.s32 $0x88, s3;
	s6 =	simm.s32 @!p1 $0x1082;
	[sflag:s4] =	ssyncset.s32 $0xFFFFF086  }
0x25: {  	[simem:s6], [sflag:s4] =	dma.local [hbm:s3], $0xF7A  }
0x26: {  	[smem:$0x3F93] =	sst s1;
	(tag) =	ssettag s2;
	_ =	strace s9  }
0x27: {  	s1 =	sld [smem:$0x3FA3]  }
0x28: {  	s2 =	sld [smem:$0x3FA4]  }
0x29: {  	s4 =	sld [smem:$0x3FA6]  }
0x2a: {  	p0 =	seq.s32 s5, $0x0;
	s5 =	sld [smem:$0x3FA7]  }
0x2b: {  	s6 =	sld [smem:$0x3FA8]  }
0x2c: {  	s7 =	sld [smem:$0x3FA9]  }
0x2d: {  	s3 =	simm.s32 $0x108;
	s8 =	sld [smem:$0x3FAA]  }
0x2e: {  	s3 =	simm.s32 @!p0 $0x1082;
	s9 =	sld [smem:$0x3FAB]  }
0x2f: {  	lr =	sadd.s32 s0, s3;
	s0 =	sld [smem:$0x3FA2]  }
0x30: {  	s3 =	sld [smem:$0x3FA5]  }
0x31: {  	[smem:$0x3FAE] =	sst s10  }
0x32: {  	s10 =	sld [smem:$0x3FAC];
	_ =	sdelay $0x3  }
0x33: {  	p0 =	seq.s32 s10, $0x1;
	s10 =	sld [smem:$0x3FAE];
	_ =	sdelay $0x3  }
0x34: {  	[smem:$0x3FAE] =	sst s10  }
0x35: {  	s10 =	sld [smem:$0x3FAD];
	_ =	sdelay $0x3  }
0x36: {  	p1 =	seq.s32 s10, $0x1;
	s10 =	sld [smem:$0x3FAE];
	_ =	sdelay $0x3  }
0x37: {  	[smem:$0x3FAE] =	sst s10  }
0x38: {  	s10 =	sld [smem:$0x3FAF]  }
0x39: {  	_ = 	snop;
	(pc) =	sbr.ind lr, $3  }
0x3a: {  	_ = 	snop  }
0x3b: {  	_ = 	snop  }
0x3c: {  	p2 =	seq.s32 s10, $0x1;
	s10 =	sld [smem:$0x3FAE]  }
0x3d: {  	_ =	shalt  }
0x3e: {  	_ =	shalt  }
0x3f: {  	_ =	shalt  }
0x40: {  	_ =	shalt  }
0x41: {  	_ =	shalt  }
0x42: {  	_ =	shalt  }
0x43: {  	_ =	shalt  }
0x44: {  	_ =	shalt  }
0x45: {  	_ =	shalt  }
0x46: {  	_ =	shalt  }
0x47: {  	_ =	shalt  }
0x48: {  	_ =	shalt  }
0x49: {  	_ =	shalt  }
0x4a: {  	_ =	shalt  }
0x4b: {  	_ =	shalt  }
0x4c: {  	_ =	shalt  }
0x4d: {  	_ =	shalt  }
0x4e: {  	_ =	shalt  }
0x4f: {  	_ =	shalt  }
0x50: {  	_ =	shalt  }
0x51: {  	_ =	shalt  }
0x52: {  	_ =	shalt  }
0x53: {  	_ =	shalt  }
0x54: {  	_ =	shalt  }
0x55: {  	_ =	shalt  }
0x56: {  	_ =	shalt  }
0x57: {  	_ =	shalt  }
0x58: {  	_ =	shalt  }
0x59: {  	_ =	shalt  }
0x5a: {  	_ =	shalt  }
0x5b: {  	_ =	shalt  }
0x5c: {  	_ =	shalt  }
0x5d: {  	_ =	shalt  }
0x5e: {  	_ =	shalt  }
0x5f: {  	_ =	shalt  }
0x60: {  	_ =	shalt  }
0x61: {  	_ =	shalt  }
0x62: {  	_ =	shalt  }
0x63: {  	_ =	shalt  }
0x64: {  	_ =	shalt  }
0x65: {  	_ =	shalt  }
0x66: {  	_ =	shalt  }
0x67: {  	_ =	shalt  }
0x68: {  	_ =	shalt  }
0x69: {  	_ =	shalt  }
0x6a: {  	_ =	shalt  }
0x6b: {  	_ =	shalt  }
0x6c: {  	_ =	shalt  }
0x6d: {  	_ =	shalt  }
0x6e: {  	_ =	shalt  }
0x6f: {  	_ =	shalt  }
0x70: {  	_ =	shalt  }
0x71: {  	_ =	shalt  }
0x72: {  	_ =	shalt  }
0x73: {  	_ =	shalt  }
0x74: {  	_ =	shalt  }
0x75: {  	_ =	shalt  }
0x76: {  	_ =	shalt  }
0x77: {  	_ =	shalt  }
0x78: {  	_ =	shalt  }
0x79: {  	_ =	shalt  }
0x7a: {  	_ =	shalt  }
0x7b: {  	_ =	shalt  }
0x7c: {  	_ =	shalt  }
0x7d: {  	_ =	shalt  }
0x7e: {  	_ =	shalt  }
0x7f: {  	_ =	shalt  }
0x80: {  	_ =	shalt  }
0x81: {  	_ =	shalt  }
0x82: {  	_ =	shalt  }
0x83: {  	_ =	shalt  }
0x84: {  	_ =	shalt  }
0x85: {  	_ =	shalt  }
0x86: {  	_ =	shalt  }
0x87: {  	_ =	shalt  }
.Lfunc_end0:
.L_simem_size_0:
called_computation.3_lowered:
.L_overlay_start_0:
0x88: {  	s2 =	sld [smem:$0x3FD9]  }
0x89: {  	s3 =	sld [smem:$0x3FFE];
	_ =	sdelay $0x1  }
0x8a: {  	s1 =	srdreg.scid  }
0x8b: {  	s0 =	sand.u32 $0x1, s1  }
0x8c: {  	s14 =	sshll.u32 s0, $0xA;
	s2 =	sadd.s32 s3, s2  }
0x8d: {  	s2 =	sadd.s32 s2, s14  }
0x8e: {  	[smem:$0x3FBA] =	sst s2  }
0x8f: {  	_ = 	snop  }
0x90: {  	s2 =	sld [smem:$0x3FD0];
	_ =	sdelay $0x2  }
0x91: {  	s15 =	simm.s32 $0xA;
	s4 =	simm.s32 $0x10  }
0x92: {  	[smem:s4], [sflag:s15] =	dma.local [hbm:s2], $0x1  }
0x93: {  	_ =	swait.eq [sflag:s15], $0x1  }
0x94: {  	[sflag:s15] =	ssyncset.done $0x0  }
0x95: {  	[sflag:s15] =	ssyncadd.s32 $0xFFFFFFFF  }
0x96: {  	s16 =	sld [smem:$0x10];
	(tm) =	ssettm $0x1  }
0x97: {  	s17 =	sld [smem:$0x3FFB];
	_ =	sdelay $0x3  }
0x98: {  	_ =	strace s17  }
0x99: {  	s3 =	sld [smem:$0x3FFC];
	_ =	sdelay $0x3  }
0x9a: {  	_ =	strace s3  }
0x9b: {  	s3 =	sld [smem:$0x3FFD];
	_ =	sdelay $0x3  }
0x9c: {  	_ =	strace s3  }
0x9d: {  	_ =	strace $0x8FFFFFFF  }
0x9e: {  	s18 =	sld [smem:$0x3FDB];
	_ =	sdelay $0x1  }
0x9f: {  	s19 =	simm.s32 $_scs_section_size  }
0xa0: {  	s5 =	simm.s32 $_size__tile_overlayer_lowered;
	s6 =	simm.s32 $_tile_overlayer_lowered  }
0xa1: {  	s22 =	simm.s32 $0x1BFF;
	s21 =	sshll.u32 s6, $0x1;
	s3 =	sadd.s32 s19, s18  }
0xa2: {  	s7 =	simm.s32 $0x0;
	s20 =	sshll.u32 s5, $0x1;
	s5 =	sadd.s32 s21, s3  }
0xa3: {  	[timem:s7], [sflag:s22] =	dma.local [hbm:s5], s20  }
0xa4: {  	_ =	swait.ge [sflag:s22], s20  }
0xa5: {  	s4 =	ssub.s32 $0x0, s20;
	[sflag:s22] =	ssyncset.done $0x0  }
0xa6: {  	[sflag:s22] =	ssyncadd.s32 s4;
	_ =	sdelay $0x1  }
0xa7: {  	s23 =	simm.s32 $0x1B8B  }
0xa8: {  	_ =	swait.ge [sflag:s23], $0x1  }
0xa9: {  	[sflag:s23] =	ssyncset.done $0x0  }
0xaa: {  	s25 =	simm.s32 $0x1B8E;
	s24 =	sld [smem:$0x3FFE];
	[sflag:s23] =	ssyncadd.s32 $0xFFFFFFFF  }
0xab: {  	s26 =	simm.s32 $execute0_lowered;
	[smem:$0x3FD2] =	sst s25  }
0xac: {  	s5 =	sshll.u32 s26, $0x1;
	_ =	strace $0x8000004F;
	[dreg:$0x1] =	wrdreg $0xFFFFFFFF  }
0xad: {  	s28 =	simm.s32 $_size_execute0_lowered;
	s3 =	sadd.s32 s3, s5;
	[dreg:$0x0] =	wrdreg $0x0  }
0xae: {  	s5 =	sshll.u32 s28, $0x1;
	[dreg:$0x2] =	wrdreg s3  }
0xaf: {  	[dreg:$0x3] =	wrdreg s5  }
0xb0: {  	[dreg:$0x4] =	wrdreg $0xC0  }
0xb1: {  	_ =	task [dreg:s7], $0x5FFFF  }
0xb2: {  	[dreg:$0x1] =	wrdreg $0xFFFFFFFF  }
0xb3: {  	[dreg:$0x0] =	wrdreg $0x60  }
0xb4: {  	[dreg:$0x2] =	wrdreg s16  }
0xb5: {  	[dreg:$0x3] =	wrdreg s24  }
0xb6: {  	[dreg:$0x4] =	wrdreg $0x0  }
0xb7: {  	[dreg:$0x5] =	wrdreg $0x9  }
0xb8: {  	_ =	task.clear_ibuf [dreg:s7], $0x6FFFF;
	_ =	strace $0x9000004F  }
0xb9: {  	s29 =	simm.s32 $0x9;
	_ =	strace $0x80000051  }
0xba: {  	_ =	swait.ge [sflag:s29], $0x1  }
0xbb: {  	[sflag:s29] =	ssyncadd.s32 $0xFFFFFFFF  }
0xbc: {  	_ =	strace $0x90000051  }
0xbd: {  	_ =	sfence  }
0xbe: {  	s30 =	sld [smem:$0x0];
	_ =	sdelay $0x2  }
0xbf: {  	s31 =	sshll.u32 s1, $0xD;
	s1 =	sshrl.u32 s1, $0x2  }
0xc0: {  	s3 =	sand.u32 $0x4000, s31;
	s1 =	sadd.s32 s1, s30  }
0xc1: {  	s0 =	sor.u32 s3, s0;
	s1 =	sshll.u32 s1, $0x11  }
0xc2: {  	s0 =	sor.u32 s1, s0  }
0xc3: {  	s0 =	sadd.s32 $0x8F2B, s0  }
0xc4: {  	[sflag:s0] =	ssyncadd.remote.s32 $0x1  }
0xc5: {  	_ =	sfence.sel $0xFFFF  }
0xc6: {  	[dreg:$0x0] =	wrdreg $0xFFFFFFFF;
	(pc) =	sbr.abs _section_cstart, $3  }
0xc7: {  	[dreg:$0x1] =	wrdreg $0xFFFFFFFF  }
0xc8: {  	_ =	task.clear_ibuf [dreg:s7], $0x2FFFF;
	_ =	strace $0x9FFFFFFF  }
0xc9: {  	(tm) =	ssettm $0x7FFFFFFF  }
tec
execute0_lowered:
.L_overlay_start_1:
0x0: {  	(tag) =	ssettag $0x1  }
0x1: {  	s1 =	rddreg [dreg:$0x0];
	s11 =	stileid.u32  }
0x2: {  	s0 =	srdreg.scid;
	s5 =	rddreg [dreg:$0x1]  }
0x3: {  	s3 =	rddreg [dreg:$0x2];
	s4 =	simm.s32 $0x0;
	s18 =	simm.s32 $0x9  }
0x4: {  	s19 =	simm.s32 $0x13D00;
	s20 =	simm.s32 $0x80;
	s2 =	smul.u32 $0x12, s11  }
0x5: {  	s29 =	simm.s32 $0x7;
	s30 =	simm.s32 $0x8;
	s6 =	smul.u32 $0x8C, s11  }
0x6: {  	s31 =	simm.s32 $0x0;
	s0 =	sand.u32 $0x1, s0;
	s21 =	smul.u32 $0x13C00, s11  }
0x7: {  	[smem:$0x7FF] =	sst s4;
	s10 =	smul.u32 $0x4F000, s11;
	s12 =	sadd.s32 $0x8EE00, s5  }
0x8: {  	s24 =	sshll.u32 s11, $0x6;
	p0 =	seq.s32 s0, $0x0;
	_ =	strace $0x80000050  }
0x9: {  	s7 =	ssub.s32 $0x2, s0;
	s0 =	smul.u32 $0x138800, s0;
	s2 =	sadd.s32 $0x8C0, s2  }
0xa: {  	s8 =	sshrl.u32 s21, $0x3;
	s9 =	sshrl.u32 s7, $0x1;
	s22 =	sshrl.u32 s10, $0x2  }
0xb: {  	s2 =	smov.u32 @p0 s6;
	s8 =	sadd.s32 s8, s5;
	s13 =	ssub.s32 s7, s9  }
0xc: {  	s7 =	sadd.s32 s22, s3;
	s6 =	sadd.s32 s21, s0;
	s9 =	sor.u32 $0x1C09, s24  }
0xd: {  	s0 =	sshrl.u32 s0, $0x3;
	s21 =	simm.s32 $0x14000;
	s22 =	simm.s32 $0x2  }
0xe: {  	s2 =	sshll.u32 s2, $0x5;
	s8 =	sadd.s32 $0x19400, s8;
	s6 =	sshrl.u32 s6, $0x3  }
0xf: {  	s0 =	sadd.s32 s12, s0;
	s26 =	smax.u32 s13, $0x1;
	s14 =	smov.u32 s7  }
0x10: {  	s17 =	sshrl.u32 s7, $0x3;
	s2 =	sadd.s32 s2, s5;
	[dreg:$0x5] =	wrdreg s8  }
0x11: {  	s5 =	simm.s32 $0x8C;
	s6 =	sadd.s32 s12, s6;
	[dreg:$0x9] =	wrdreg s26  }
0x12: {  	s0 =	sadd.s32 $0x25080, s0;
	s26 =	simm.s32 $0x5;
	[dreg:$0x7] =	wrdreg s6  }
0x13: {  	s5 =	simm.s32 @!p0 $0x12;
	s23 =	sadd.s32 $0x5800, s2;
	[dreg:$0x8] =	wrdreg s0  }
0x14: {  	s25 =	sadd.s32 $0x5820, s2;
	s0 =	sadd.s32 $0x128400, s3;
	[dreg:$0x4] =	wrdreg s23  }
0x15: {  	s28 =	sadd.s32 $0x5840, s2;
	p0 =	seq.s32 s11, $0xF;
	[dreg:$0x6] =	wrdreg s25  }
0x16: {  	[dreg:$0xa] =	wrdreg s28;
	s23 =	sadd.s32 $0x5860, s2;
	s25 =	sshrl.u32 @p0 s0, $0x3  }
.LBB2_1:
0x17: {  	s0 =	rddreg [dreg:$0x4]  }
0x18: {  	s2 =	simm.s32 $0x13C00;
	s24 =	rddreg [dreg:$0x5]  }
0x19: {  	[tilespmem:s2], [sflag:$0x1] =	stream.linear.gather [hbm4b:s0+s4], $0x100, $0x38;
	[tilespmem:$0x1C000] =	vst v63  }
0x1a: {  	[spmem:s17], [sflag:s9] =	dma.local [hbm:s24], $0x2780  }
0x1b: {  	_ =	swait.ge [sflag:s18], $0x2780  }
0x1c: {  	[sflag:s18] =	ssyncset.done $0x0  }
0x1d: {  	s7 =	simm.s32 $0x1;
	s6 =	rddreg [dreg:$0x6];
	[sflag:s18] =	ssyncadd.s32 $0xFFFFD880  }
0x1e: {  	[tilespmem:s19], [sflag:$0x2] =	stream.linear.gather [hbm4b:s6+s4], $0x100, $0x38;
	[tilespmem:$0x1C000] =	vst v63  }
0x1f: {  	_ =	swait.ge [sflag:s7], $0x100  }
0x20: {  	[sflag:s7] =	ssyncset.done $0x0  }
0x21: {  	[sflag:s7] =	ssyncadd.s32 $0xFFFFFF00  }
0x22: {  	[tilespmem:s21], [sflag:$0x5] =	stream.indirect.gather [hbm4b:s1+s20], $0x80, s2, s20, $0xb8;
	[tilespmem:$0x1C000] =	vst v63  }
0x23: {  	[bflag:$0x0] =	sbarrier.arrive $0xFFFF  }
0x24: {  	_ =	swait.ge [sflag:s22], $0x100  }
0x25: {  	[sflag:s22] =	ssyncset.done $0x0  }
0x26: {  	s8 =	simm.s32 $0x18000;
	[sflag:s22] =	ssyncadd.s32 $0xFFFFFF00  }
0x27: {  	[tilespmem:s8], [sflag:$0x6] =	stream.indirect.gather [hbm4b:s1+s20], $0x80, s19, s20, $0xb8;
	[tilespmem:$0x1C000] =	vst v63  }
0x28: {  	s6 =	simm.s32 $0x13E00;
	s10 =	rddreg [dreg:$0xa]  }
0x29: {  	[tilespmem:s6], [sflag:$0x3] =	stream.linear.gather [hbm4b:s10+s4], $0x100, $0x38;
	[tilespmem:$0x1C000] =	vst v63  }
0x2a: {  	p1 =	sle.u32 s5, $0x2;
	s2 =	simm.s32 $0x2;
	_ =	swait.ge [sflag:s26], $0x4000  }
0x2b: {  	s6 =	sand.u32 @!p1 $0x3, s2;
	[sflag:s26] =	ssyncset.done $0x0  }
0x2c: {  	s11 =	simm.s32 $0x13C80;
	s8 =	sadd.s32 @!p1 $0x1, s6;
	[sflag:s26] =	ssyncadd.s32 $0xFFFFC000  }
0x2d: {  	[spmem:s3] =	stream.indirect.scatter.add.f32 [tilespmem:s21], [sflag:$0x7], $0x80, s11, s20, $0xb8;
	[tilespmem:$0x1C000] =	vst v63  }
0x2e: {  	s28 =	simm.s32 $0x3;
	s0 =	sand.u32 $0x1, s7;
	_ =	swait.ge @!p1 [sflag:s8], $0x100  }
0x2f: {  	p2 =	sle.u32 s5, $0x3;
	s15 =	sxor.u32 @!p1 $0x1, s0;
	[sflag:s8] =	ssyncset.done @!p1 $0x0  }
0x30: {  	s12 =	simm.s32 $0x400;
	[sflag:s8] =	ssyncadd.s32 @!p1 $0xFFFFFF00;
	s8 =	sadd.s32 @!p1 $0x7, s15  }
0x31: {  	s24 =	sshll.u32 @!p1 s15, $0xE;
	s6 =	sshll.u32 @!p1 s6, $0x8;
	_ =	swait.ge @!p1 [sflag:s8], $0x4000  }
0x32: {  	s24 =	sadd.s32 @!p1 $0x14000, s24;
	s6 =	sor.u32 @!p1 $0x13C00, s6;
	[sflag:s8] =	ssyncset.done @!p1 $0x0  }
0x33: {  	s15 =	sadd.s32 @!p1 $0x5, s15;
	[sflag:s8] =	ssyncadd.s32 @!p1 $0xFFFFC000;
	s8 =	simm.s32 @!p1 $0x80  }
0x34: {  	[tilespmem:s24], [sflag:s15] =	stream.indirect.gather @!p1 [hbm4b:s1+s8], $0x80, s6, s8, $0xb8;
	[tilespmem:$0x1C000] =	vst v63  }
0x35: {  	s13 =	sshll.u32 s0, $0xE;
	s8 =	sand.u32 @!p2 $0x3, s28;
	p1 =	sne.s32 s5, $0x2  }
0x36: {  	s28 =	simm.s32 @!p2 $0x0;
	s6 =	sand.u32 $0xC00, s12;
	s24 =	sshll.u32 @!p2 s8, $0x8  }
.Ltmp0:
0x37: {  	s8 =	sadd.s32 @!p2 $0x1, s8;
	s24 =	sor.u32 @!p2 $0x13C00, s24;
	(pc) =	sbr.rel @!p1 .LBB2_3-.Ltmp0, $4  }
0x38: {  	[tilespmem:s24], [sflag:s8] =	stream.linear.gather @!p2 [hbm4b:s23+s28], $0x100, $0x38;
	[tilespmem:$0x1C000] =	vst v63  }
0x39: {  	s15 =	smov.u32 s23;
	s16 =	sshrl.u32 s6, $0x2;
	s28 =	sadd.s32 $0x5, s0  }
0x3a: {  	s6 =	sadd.s32 $0x14000, s13;
	s24 =	sadd.s32 $0x7, s0;
	_ =	swait.ge [sflag:s28], $0x4000  }
0x3b: {  	s0 =	simm.s32 $0x800;
	s8 =	sor.u32 $0x13C80, s16;
	[sflag:s28] =	ssyncset.done $0x0  }
.LBB2_2:
0x3c: {  	[sflag:s28] =	ssyncadd.s32 $0xFFFFC000  }
0x3d: {  	s15 =	sadd.s32 $0x20, s15;
	s28 =	smov.u32 s2;
	s2 =	sadd.s32 $0x1, s2  }
0x3e: {  	[spmem:s3] =	stream.indirect.scatter.add.f32 [tilespmem:s6], [sflag:s24], $0x80, s8, s20, $0xb8;
	[tilespmem:$0x1C000] =	vst v63  }
0x3f: {  	s6 =	sand.u32 $0x1, s28;
	p2 =	sge.u32 s2, s5;
	p1 =	sne.s32 s5, s2  }
0x40: {  	s8 =	sxor.u32 @!p2 $0x1, s6;
	s24 =	sand.u32 @!p2 $0x3, s2;
	s7 =	sshll.u32 s6, $0xE  }
0x41: {  	s10 =	sadd.s32 @!p2 $0x1, s24;
	s11 =	sshll.u32 @!p2 s8, $0xE;
	s24 =	sshll.u32 @!p2 s24, $0x8  }
0x42: {  	s11 =	sadd.s32 @!p2 $0x14000, s11;
	s12 =	sor.u32 @!p2 $0x13C00, s24;
	_ =	swait.ge @!p2 [sflag:s10], $0x100  }
0x43: {  	s13 =	sadd.s32 @!p2 $0x5, s8;
	s24 =	sadd.s32 $0x7, s6;
	[sflag:s10] =	ssyncset.done @!p2 $0x0  }
0x44: {  	s8 =	sadd.s32 @!p2 $0x7, s8;
	[sflag:s10] =	ssyncadd.s32 @!p2 $0xFFFFFF00  }
0x45: {  	s10 =	sadd.s32 $0x2, s28;
	_ =	swait.ge @!p2 [sflag:s8], $0x4000  }
0x46: {  	s16 =	sand.u32 $0xC00, s0;
	p3 =	sge.u32 s10, s5;
	[sflag:s8] =	ssyncset.done @!p2 $0x0  }
0x47: {  	s10 =	sand.u32 @!p3 $0x3, s10;
	[sflag:s8] =	ssyncadd.s32 @!p2 $0xFFFFC000;
	s8 =	simm.s32 @!p2 $0x80  }
0x48: {  	[tilespmem:s11], [sflag:s13] =	stream.indirect.gather @!p2 [hbm4b:s1+s8], $0x80, s12, s8, $0xb8;
	[tilespmem:$0x1C000] =	vst v63  }
.Ltmp1:
0x49: {  	s8 =	sshll.u32 @!p3 s10, $0x8;
	s10 =	sadd.s32 @!p3 $0x1, s10;
	(pc) =	sbr.rel @p1 .LBB2_2-.Ltmp1, $4  }
0x4a: {  	s28 =	sadd.s32 $0x5, s6;
	s11 =	simm.s32 @!p3 $0x0;
	s8 =	sor.u32 @!p3 $0x13C00, s8  }
0x4b: {  	[tilespmem:s8], [sflag:s10] =	stream.linear.gather @!p3 [hbm4b:s15+s11], $0x100, $0x38;
	[tilespmem:$0x1C000] =	vst v63  }
0x4c: {  	s0 =	sadd.s32 $0x400, s0;
	s8 =	sshrl.u32 s16, $0x2;
	_ =	swait.ge [sflag:s28], $0x4000  }
0x4d: {  	s6 =	sadd.s32 $0x14000, s7;
	s8 =	sor.u32 $0x13C80, s8;
	[sflag:s28] =	ssyncset.done $0x0  }
.LBB2_3:
0x4e: {  	[sflag:s28] =	ssyncadd.s32 $0xFFFFC000  }
0x4f: {  	[spmem:s3] =	stream.indirect.scatter.add.f32 [tilespmem:s6], [sflag:s24], $0x80, s8, s20, $0xb8;
	[tilespmem:$0x1C000] =	vst v63  }
0x50: {  	_ =	swait.ge [sflag:s29], $0x4000  }
0x51: {  	[sflag:s29] =	ssyncset.done $0x0  }
0x52: {  	[sflag:s29] =	ssyncadd.s32 $0xFFFFC000  }
0x53: {  	_ =	swait.ge [sflag:s30], $0x4000  }
0x54: {  	[sflag:s30] =	ssyncset.done $0x0  }
0x55: {  	[sflag:s30] =	ssyncadd.s32 $0xFFFFC000  }
0x56: {  	[bflag:$0x0] =	sbarrier.arrive $0xFFFF  }
0x57: {  	s0 =	rddreg [dreg:$0x8]  }
0x58: {  	[hbm:s0], [sflag:s9] =	dma.local @p0 [spmem:s25], $0x2080  }
0x59: {  	s0 =	simm.s32 @p0 $0x9  }
0x5a: {  	_ =	swait.ge @p0 [sflag:s0], $0x2080  }
0x5b: {  	[sflag:s0] =	ssyncset.done @p0 $0x0  }
0x5c: {  	s2 =	rddreg [dreg:$0x7];
	[sflag:s0] =	ssyncadd.s32 @p0 $0xFFFFDF80;
	s0 =	sshrl.u32 @!p0 s14, $0x3  }
0x5d: {  	[hbm:s2], [sflag:s9] =	dma.local @!p0 [spmem:s0], $0x2780  }
0x5e: {  	s0 =	simm.s32 @!p0 $0x9  }
0x5f: {  	_ =	swait.ge @!p0 [sflag:s0], $0x2780  }
0x60: {  	s31 =	sadd.s32 $0x1, s31;
	s28 =	rddreg [dreg:$0x9]  }
0x61: {  	p1 =	sne.s32 s31, s28  }
.Ltmp2:
0x62: {  	_ = 	snop;
	(pc) =	sbr.rel @p1 .LBB2_1-.Ltmp2, $3  }
0x63: {  	_ =	sdelay $0x1  }
0x64: {  	[sflag:s0] =	ssyncset.done @!p0 $0x0  }
0x65: {  	[sflag:s0] =	ssyncadd.s32 @!p0 $0xFFFFD880  }
0x66: {  	_ =	sfence.sel $0x180000  }
0x67: {  	[bflag:$0x0] =	sbarrier.arrive $0xFFFF  }
0x68: {  	_ =	strace $0x90000050  }
0x69: {  	s0 =	stileid.u32;
	[bflag:$0x2] =	sbarrier.arrive $0xFFFF  }
0x6a: {  	p0 =	sne.s32 s0, $0x0;
	s0 =	rddreg [dreg:$0x3]  }
0x6b: {  	s0 =	sadd.s32 @!p0 $0x100000, s0  }
0x6c: {  	[sflag:s0] =	ssyncadd.tile.s32 @!p0 $0x1;
	_ =	shalt  }
.Lfunc_end2:
_tile_overlayer_lowered:
.L_overlay_start_2:
0x6d: {  	(tag) =	ssettag $0x2  }
0x6e: {  	s0 =	rddreg [dreg:$0x0];
	s2 =	stileid.u32  }
0x6f: {  	s1 =	rddreg [dreg:$0x1];
	p0 =	sne.s32 s2, $0x0  }
0x70: {  	s3 =	rddreg [dreg:$0x2];
	[bflag:$0x3] =	sbarrier.arrive $0xFFFF;
	s2 =	simm.s32 @!p0 $0x1C09  }
0x71: {  	[timem:s3], [sflag:s2] =	dma.local @!p0 [hbm:s0], s1  }
0x72: {  	s0 =	simm.s32 @!p0 $0x9  }
0x73: {  	_ =	swait.ge @!p0 [sflag:s0], s1  }
0x74: {  	s1 =	ssub.s32 @!p0 $0x0, s1;
	[sflag:s0] =	ssyncset.done @!p0 $0x0  }
0x75: {  	[sflag:s0] =	ssyncadd.s32 @!p0 s1  }
0x76: {  	[bflag:$0x3] =	sbarrier.arrive $0xFFFF  }
0x77: {  	_ =	shalt  }

</sc_bundles>
